<compile_context>
chip_gen: v7x
topology: tpu7x:2x2x1
jax: 0.10.2.dev20260603
libtpu: 0.0.44.dev20260713+nightly
codegen_flags: <defaults>
</compile_context>

<pallas_src>
import functools

import jax
import jax.numpy as jnp
from jax import lax
from jax.experimental import pallas as pl
from jax.experimental.pallas import tpu as pltpu
from jax.experimental.pallas import tpu_sc as plsc

MARGIN = 0.3
K_POS = 8
K_NEG = 64
EPS = 1e-8

LANES = 128
BLOCK = 8192
N_ROWS = 65553
SC_WORKERS = 32
SC_ROWS_PER_W = 256
SC_ROWS = SC_WORKERS * SC_ROWS_PER_W
TC_START_BLK = SC_ROWS // BLOCK
CHUNK = 64


def _tc_cos_kernel(img_ref, anchor_ref, cos_ref):
    x = img_ref[...]
    a = anchor_ref[0:1, :]
    xb = x.astype(jnp.bfloat16)
    ab = jnp.transpose(a.astype(jnp.bfloat16))
    dot = jax.lax.dot_general(
        xb, ab, (((1,), (0,)), ((), ())),
        preferred_element_type=jnp.float32)
    ones = jnp.ones((a.shape[1], 1), jnp.bfloat16)
    sq = jax.lax.dot_general(
        xb * xb, ones, (((1,), (0,)), ((), ())),
        preferred_element_type=jnp.float32)
    na = jnp.sqrt(jnp.sum(a * a))
    rows = BLOCK // LANES
    dot_r = dot.reshape(rows, LANES)
    sq_r = sq.reshape(rows, LANES)
    denom = jnp.maximum(na * jnp.sqrt(sq_r), EPS)
    cos_ref[...] = dot_r / denom


def _sc_matvec_kernel(img_hbm, dot_hbm, sq_hbm, a_buf, bufs, acc_d, acc_s,
                      sem0, sem1):
    w = lax.axis_index("s") * 2 + lax.axis_index("c")
    base_row = w * SC_ROWS_PER_W

    pltpu.sync_copy(img_hbm.at[pl.ds(0, 1), :], a_buf)
    arow = a_buf.at[0]

    nchunks = SC_ROWS_PER_W // CHUNK
    sems = [sem0, sem1]

    def start(c):
        return pltpu.async_copy(
            img_hbm.at[pl.ds(base_row + c * CHUNK, CHUNK), :],
            bufs.at[c % 2], sems[c % 2])

    pending = {0: start(0)}
    for c in range(nchunks):
        slot = c % 2
        if c + 1 < nchunks:
            pending[c + 1] = start(c + 1)
        pending.pop(c).wait()
        buf_slot = bufs.at[slot]

        def rowbody(r, _, buf_slot=buf_slot, c=c):
            d0 = jnp.zeros((16,), jnp.float32)
            d1 = jnp.zeros((16,), jnp.float32)
            s0 = jnp.zeros((16,), jnp.float32)
            s1 = jnp.zeros((16,), jnp.float32)
            for k in range(0, 16, 2):
                xv0 = buf_slot[r, pl.ds(k * 16, 16)]
                av0 = arow[pl.ds(k * 16, 16)]
                xv1 = buf_slot[r, pl.ds((k + 1) * 16, 16)]
                av1 = arow[pl.ds((k + 1) * 16, 16)]
                d0 = d0 + xv0 * av0
                d1 = d1 + xv1 * av1
                s0 = s0 + xv0 * xv0
                s1 = s1 + xv1 * xv1
            off = (c * CHUNK + r) * 16
            acc_d[pl.ds(off, 16)] = d0 + d1
            acc_s[pl.ds(off, 16)] = s0 + s1
            return 0

        lax.fori_loop(0, CHUNK, rowbody, 0)

    np_w = SC_ROWS_PER_W * 16
    pltpu.sync_copy(acc_d, dot_hbm.at[pl.ds(w * np_w, np_w)])
    pltpu.sync_copy(acc_s, sq_hbm.at[pl.ds(w * np_w, np_w)])


def _sc_matvec(img):
    mesh = plsc.VectorSubcoreMesh(core_axis_name="c", subcore_axis_name="s")
    f = pl.kernel(
        _sc_matvec_kernel,
        mesh=mesh,
        out_type=[
            jax.ShapeDtypeStruct((SC_ROWS * 16,), jnp.float32),
            jax.ShapeDtypeStruct((SC_ROWS * 16,), jnp.float32),
        ],
        scratch_types=[
            pltpu.VMEM((1, 256), jnp.float32),
            pltpu.VMEM((2, CHUNK, 256), jnp.float32),
            pltpu.VMEM((SC_ROWS_PER_W * 16,), jnp.float32),
            pltpu.VMEM((SC_ROWS_PER_W * 16,), jnp.float32),
            pltpu.SemaphoreType.DMA,
            pltpu.SemaphoreType.DMA,
        ],
    )
    return f(img)


def _float_keys(vals, valid):
    bits = jax.lax.bitcast_convert_type(vals, jnp.uint32)
    neg = bits >= jnp.uint32(0x80000000)
    key = jnp.where(neg, ~bits, bits | jnp.uint32(0x80000000))
    return jnp.where(valid, key, jnp.uint32(0))


def _key_to_float(key):
    neg = key < jnp.uint32(0x80000000)
    bits = jnp.where(neg, ~key, key ^ jnp.uint32(0x80000000))
    return jax.lax.bitcast_convert_type(bits, jnp.float32)


def _kth_largest_2(keys_a, keys_b, k):
    prefix = jnp.uint32(0)
    for b in range(30, -1, -2):
        c3 = prefix | jnp.uint32(3 << b)
        c2 = prefix | jnp.uint32(2 << b)
        c1 = prefix | jnp.uint32(1 << b)
        n3 = (jnp.sum((keys_a >= c3).astype(jnp.int32))
              + jnp.sum((keys_b >= c3).astype(jnp.int32)))
        n2 = (jnp.sum((keys_a >= c2).astype(jnp.int32))
              + jnp.sum((keys_b >= c2).astype(jnp.int32)))
        n1 = (jnp.sum((keys_a >= c1).astype(jnp.int32))
              + jnp.sum((keys_b >= c1).astype(jnp.int32)))
        prefix = jnp.where(
            n3 >= k, c3, jnp.where(n2 >= k, c2, jnp.where(n1 >= k, c1, prefix)))
    return _key_to_float(prefix)


def _sel_kernel(cos_tc_ref, dot_sc_ref, sq_sc_ref, anchor_ref, out_ref):
    cos_tc = cos_tc_ref[...]
    a = anchor_ref[0:1, :]
    na = jnp.sqrt(jnp.sum(a * a))

    dp = dot_sc_ref[...]
    sp = sq_sc_ref[...]
    jj = jax.lax.broadcasted_iota(jnp.int32, (LANES, LANES), 0)
    gg = jax.lax.broadcasted_iota(jnp.int32, (LANES, LANES), 1)
    gmat = (jj // 16 == gg // 16).astype(jnp.float32)
    dot_b = jax.lax.dot_general(
        dp, gmat, (((1,), (0,)), ((), ())),
        preferred_element_type=jnp.float32)
    sq_b = jax.lax.dot_general(
        sp, gmat, (((1,), (0,)), ((), ())),
        preferred_element_type=jnp.float32)
    cos_b = dot_b / jnp.maximum(na * jnp.sqrt(sq_b), EPS)

    rb = jax.lax.broadcasted_iota(jnp.int32, cos_b.shape, 0)
    cb = jax.lax.broadcasted_iota(jnp.int32, cos_b.shape, 1)
    gpos = rb * 8 + cb // 16
    once = cb % 16 == 0
    valid2 = once & (gpos >= 17)

    r1 = jax.lax.broadcasted_iota(jnp.int32, cos_tc.shape, 0)
    c1 = jax.lax.broadcasted_iota(jnp.int32, cos_tc.shape, 1)
    pos1 = SC_ROWS + r1 * LANES + c1
    valid1 = pos1 < N_ROWS

    pcos = cos_b[0:8, :]
    pg = gpos[0:8, :]
    validp = (once[0:8, :]) & (pg >= 1) & (pg <= 16)
    d_p = 1.0 - pcos
    keys_p = _float_keys(d_p, validp)
    zerok = jnp.zeros((8, LANES), jnp.uint32)
    t8 = _kth_largest_2(keys_p, zerok, K_POS)
    gt8 = validp & (d_p > t8)
    g8 = jnp.sum(gt8.astype(jnp.int32))
    s8 = jnp.sum(jnp.where(gt8, d_p, 0.0))
    mean_p = (s8 + (K_POS - g8).astype(jnp.float32) * t8) / K_POS

    keys1 = _float_keys(cos_tc, valid1)
    keys2 = _float_keys(cos_b, valid2)
    t64 = _kth_largest_2(keys1, keys2, K_NEG)
    c = mean_p + MARGIN
    h1 = jnp.maximum(c - (1.0 - cos_tc), 0.0)
    h2 = jnp.maximum(c - (1.0 - cos_b), 0.0)
    gt1 = valid1 & (cos_tc > t64)
    gt2 = valid2 & (cos_b > t64)
    gn = jnp.sum(gt1.astype(jnp.int32)) + jnp.sum(gt2.astype(jnp.int32))
    sh = jnp.sum(jnp.where(gt1, h1, 0.0)) + jnp.sum(jnp.where(gt2, h2, 0.0))
    ht = jnp.maximum(c - (1.0 - t64), 0.0)
    loss = (sh + (K_NEG - gn).astype(jnp.float32) * ht) / K_NEG
    out_ref[...] = jnp.reshape(loss, (1, 1))


def kernel(img):
    n, d = img.shape
    nblocks = pl.cdiv(n - SC_ROWS, BLOCK)
    tc_rows = nblocks * BLOCK // LANES

    cos_tc = pl.pallas_call(
        _tc_cos_kernel,
        grid=(nblocks,),
        in_specs=[
            pl.BlockSpec((BLOCK, d), lambda i: (i + TC_START_BLK, 0)),
            pl.BlockSpec((8, d), lambda i: (0, 0)),
        ],
        out_specs=pl.BlockSpec((BLOCK // LANES, LANES), lambda i: (i, 0)),
        out_shape=jax.ShapeDtypeStruct((tc_rows, LANES), jnp.float32),
    )(img, img)

    dot_sc, sq_sc = _sc_matvec(img)

    out = pl.pallas_call(
        _sel_kernel,
        grid=(1,),
        in_specs=[
            pl.BlockSpec((tc_rows, LANES), lambda i: (0, 0)),
            pl.BlockSpec((SC_ROWS * 16 // LANES, LANES), lambda i: (0, 0)),
            pl.BlockSpec((SC_ROWS * 16 // LANES, LANES), lambda i: (0, 0)),
            pl.BlockSpec((8, d), lambda i: (0, 0)),
        ],
        out_specs=pl.BlockSpec((1, 1), lambda i: (0, 0)),
        out_shape=jax.ShapeDtypeStruct((1, 1), jnp.float32),
    )(cos_tc, dot_sc.reshape(SC_ROWS * 16 // LANES, LANES),
      sq_sc.reshape(SC_ROWS * 16 // LANES, LANES), img)
    return out[0, 0]

# --- scband reference (transcript-rebuilt; emitter-appended) ---
"""Pipeline reference for scband-hard-tripletloss-73564199846203 (READ-ONLY COPY).

The authoritative reference and input builder live on the scoring server;
editing this copy changes nothing except your own understanding.
"""

import jax, jax.numpy as jnp
import numpy as np

MARGIN = 0.3
NUM_TOPK_POS = 8
NUM_TOPK_NEG = 64


def _cosine_sim(a, b, eps=1e-8):
    # a: [d], b: [M, d]; matches torch.cosine_similarity(dim=-1) with eps clamp
    dot = b @ a
    na = jnp.sqrt(jnp.sum(a * a))
    nb = jnp.sqrt(jnp.sum(b * b, axis=-1))
    denom = jnp.maximum(na * nb, eps)
    return dot / denom


def setup_inputs(seed: int = 0) -> dict:
    key = jax.random.key(seed)
    img = jax.random.normal(key, (65553, 256), dtype=jnp.float32)
    return {"img": img}


def reference(img):
    anchor = img[0]
    D_p = 1.0 - _cosine_sim(anchor, img[1:17])
    D_n = 1.0 - _cosine_sim(anchor, img[17:])
    top_p, _ = jax.lax.top_k(D_p, NUM_TOPK_POS)              # largest positives distances
    neg_vals, _ = jax.lax.top_k(-D_n, NUM_TOPK_NEG)          # smallest negative distances
    top_n = -neg_vals
    mean_p = jnp.mean(top_p)
    # original loop: top_n[k] = 0 if mean_p - top_n[k] + m <= 0 else mean_p - top_n[k] + m
    hinged = jnp.maximum(mean_p - top_n + MARGIN, 0.0)
    loss = jnp.mean(hinged)
    return loss

if __name__ == "__main__":
    import jax
    _d = setup_inputs()
    print(jax.jit(kernel)(*tuple(_d.values())))

</pallas_src>

<mosaic_0001>
#map = affine_map<(d0, d1) -> (0, 0)>
#map1 = affine_map<(d0, d1) -> (0)>
module attributes {stable_mosaic.version = 14 : i64} {
  func.func @_sc_matvec_kernel(%arg0: i32, %arg1: i32, %arg2: memref<65553x256xf32, #tpu.memory_space<hbm>>, %arg3: memref<131072xf32, #tpu.memory_space<hbm>>, %arg4: memref<131072xf32, #tpu.memory_space<hbm>>, %arg5: memref<1x256xf32, #tpu.memory_space<vmem>>, %arg6: memref<2x64x256xf32, #tpu.memory_space<vmem>>, %arg7: memref<4096xf32, #tpu.memory_space<vmem>>, %arg8: memref<4096xf32, #tpu.memory_space<vmem>>, %arg9: memref<!tpu.dma_semaphore, #tpu.memory_space<semaphore_mem>>, %arg10: memref<!tpu.dma_semaphore, #tpu.memory_space<semaphore_mem>>) attributes {dimension_semantics = [#tpu.dimension_semantics<core_parallel>, #tpu.dimension_semantics<subcore_parallel>], iteration_bounds = array<i64: 2, 16>, scalar_prefetch = 0 : i64, scratch_operands = 6 : i64, tpu.core_type = #tpu.core_type<sc_vector_subcore>, window_params = [{transform_indices = #map}, {transform_indices = #map1}, {transform_indices = #map1}]} {
    %mul3A = arith.constant 2 : i32
    %mul3A_0 = arith.muli %arg1, %mul3A : i32
    %add3A = arith.addi %mul3A_0, %arg0 : i32
    %mul3A_1 = arith.constant 256 : i32
    %mul3A_2 = arith.muli %add3A, %mul3A_1 : i32
    "tpu.region"() ({
      %run_scoped3A = tpu.sem_alloc : memref<!tpu.dma_semaphore, #tpu.memory_space<semaphore_mem>>
      %dma_start3A_152 = arith.constant 0 : i32
      %dma_start3A_153 = arith.constant 0 : i32
      %dma_start3A_154 = tpu.memref_slice %arg2[%dma_start3A_152, %dma_start3A_153] : memref<65553x256xf32, #tpu.memory_space<hbm>> -> memref<1x256xf32, #tpu.memory_space<hbm>>
      %dma_start3A_155 = arith.constant 0 : i32
      %dma_start3A_156 = arith.constant 0 : i32
      %dma_start3A_157 = tpu.memref_slice %arg2[%dma_start3A_155, %dma_start3A_156] : memref<65553x256xf32, #tpu.memory_space<hbm>> -> memref<1x256xf32, #tpu.memory_space<hbm>>
      tpu.enqueue_dma source(%dma_start3A_157 : memref<1x256xf32, #tpu.memory_space<hbm>>) target(%arg5 : memref<1x256xf32, #tpu.memory_space<vmem>>) target_semaphore(%run_scoped3A : memref<!tpu.dma_semaphore, #tpu.memory_space<semaphore_mem>>)
      %dma_wait3A_158 = arith.constant 0 : i32
      %dma_wait3A_159 = arith.constant 0 : i32
      %dma_wait3A_160 = tpu.memref_slice %arg2[%dma_wait3A_158, %dma_wait3A_159] : memref<65553x256xf32, #tpu.memory_space<hbm>> -> memref<1x256xf32, #tpu.memory_space<hbm>>
      %dma_wait3A_161 = arith.constant 0 : i32
      %dma_wait3A_162 = arith.constant 0 : i32
      %dma_wait3A_163 = tpu.memref_slice %arg2[%dma_wait3A_161, %dma_wait3A_162] : memref<65553x256xf32, #tpu.memory_space<hbm>> -> memref<1x256xf32, #tpu.memory_space<hbm>>
      tpu.wait_dma2 semaphore(%run_scoped3A : memref<!tpu.dma_semaphore, #tpu.memory_space<semaphore_mem>>) src(%dma_wait3A_163 : memref<1x256xf32, #tpu.memory_space<hbm>>) dst(%arg5 : memref<1x256xf32, #tpu.memory_space<vmem>>)
      tpu.yield
    }) : () -> ()
    %add3A_3 = arith.constant 0 : i32
    %add3A_4 = arith.addi %mul3A_2, %add3A_3 : i32
    %dma_start3A = arith.constant 0 : i32
    %dma_start3A_5 = arith.constant 0 : i32
    %dma_start3A_6 = arith.constant 0 : i32
    %dma_start3A_7 = tpu.memref_slice %arg6[%dma_start3A, %dma_start3A_5, %dma_start3A_6] : memref<2x64x256xf32, #tpu.memory_space<vmem>> -> memref<1x64x256xf32, #tpu.memory_space<vmem>>
    %dma_start3A_8 = tpu.memref_squeeze %dma_start3A_7 : memref<1x64x256xf32, #tpu.memory_space<vmem>> -> memref<64x256xf32, #tpu.memory_space<vmem>>
    %dma_start3A_9 = arith.constant 0 : i32
    %dma_start3A_10 = tpu.memref_slice %arg2[%add3A_4, %dma_start3A_9] : memref<65553x256xf32, #tpu.memory_space<hbm>> -> memref<64x256xf32, #tpu.memory_space<hbm>>
    %dma_start3A_11 = arith.constant 0 : i32
    %dma_start3A_12 = arith.constant 0 : i32
    %dma_start3A_13 = tpu.memref_slice %arg6[%dma_start3A, %dma_start3A_11, %dma_start3A_12] : memref<2x64x256xf32, #tpu.memory_space<vmem>> -> memref<1x64x256xf32, #tpu.memory_space<vmem>>
    %dma_start3A_14 = tpu.memref_squeeze %dma_start3A_13 : memref<1x64x256xf32, #tpu.memory_space<vmem>> -> memref<64x256xf32, #tpu.memory_space<vmem>>
    %dma_start3A_15 = arith.constant 0 : i32
    %dma_start3A_16 = tpu.memref_slice %arg2[%add3A_4, %dma_start3A_15] : memref<65553x256xf32, #tpu.memory_space<hbm>> -> memref<64x256xf32, #tpu.memory_space<hbm>>
    tpu.enqueue_dma source(%dma_start3A_16 : memref<64x256xf32, #tpu.memory_space<hbm>>) target(%dma_start3A_14 : memref<64x256xf32, #tpu.memory_space<vmem>>) target_semaphore(%arg9 : memref<!tpu.dma_semaphore, #tpu.memory_space<semaphore_mem>>)
    %add3A_17 = arith.constant 64 : i32
    %add3A_18 = arith.addi %mul3A_2, %add3A_17 : i32
    %dma_start3A_19 = arith.constant 1 : i32
    %dma_start3A_20 = arith.constant 0 : i32
    %dma_start3A_21 = arith.constant 0 : i32
    %dma_start3A_22 = tpu.memref_slice %arg6[%dma_start3A_19, %dma_start3A_20, %dma_start3A_21] : memref<2x64x256xf32, #tpu.memory_space<vmem>> -> memref<1x64x256xf32, #tpu.memory_space<vmem>>
    %dma_start3A_23 = tpu.memref_squeeze %dma_start3A_22 : memref<1x64x256xf32, #tpu.memory_space<vmem>> -> memref<64x256xf32, #tpu.memory_space<vmem>>
    %dma_start3A_24 = arith.constant 0 : i32
    %dma_start3A_25 = tpu.memref_slice %arg2[%add3A_18, %dma_start3A_24] : memref<65553x256xf32, #tpu.memory_space<hbm>> -> memref<64x256xf32, #tpu.memory_space<hbm>>
    %dma_start3A_26 = arith.constant 0 : i32
    %dma_start3A_27 = arith.constant 0 : i32
    %dma_start3A_28 = tpu.memref_slice %arg6[%dma_start3A_19, %dma_start3A_26, %dma_start3A_27] : memref<2x64x256xf32, #tpu.memory_space<vmem>> -> memref<1x64x256xf32, #tpu.memory_space<vmem>>
    %dma_start3A_29 = tpu.memref_squeeze %dma_start3A_28 : memref<1x64x256xf32, #tpu.memory_space<vmem>> -> memref<64x256xf32, #tpu.memory_space<vmem>>
    %dma_start3A_30 = arith.constant 0 : i32
    %dma_start3A_31 = tpu.memref_slice %arg2[%add3A_18, %dma_start3A_30] : memref<65553x256xf32, #tpu.memory_space<hbm>> -> memref<64x256xf32, #tpu.memory_space<hbm>>
    tpu.enqueue_dma source(%dma_start3A_31 : memref<64x256xf32, #tpu.memory_space<hbm>>) target(%dma_start3A_29 : memref<64x256xf32, #tpu.memory_space<vmem>>) target_semaphore(%arg10 : memref<!tpu.dma_semaphore, #tpu.memory_space<semaphore_mem>>)
    %dma_wait3A = arith.constant 0 : i32
    %dma_wait3A_32 = arith.constant 0 : i32
    %dma_wait3A_33 = arith.constant 0 : i32
    %dma_wait3A_34 = tpu.memref_slice %arg6[%dma_wait3A, %dma_wait3A_32, %dma_wait3A_33] : memref<2x64x256xf32, #tpu.memory_space<vmem>> -> memref<1x64x256xf32, #tpu.memory_space<vmem>>
    %dma_wait3A_35 = tpu.memref_squeeze %dma_wait3A_34 : memref<1x64x256xf32, #tpu.memory_space<vmem>> -> memref<64x256xf32, #tpu.memory_space<vmem>>
    %dma_wait3A_36 = arith.constant 0 : i32
    %dma_wait3A_37 = tpu.memref_slice %arg2[%add3A_4, %dma_wait3A_36] : memref<65553x256xf32, #tpu.memory_space<hbm>> -> memref<64x256xf32, #tpu.memory_space<hbm>>
    %dma_wait3A_38 = arith.constant 0 : i32
    %dma_wait3A_39 = arith.constant 0 : i32
    %dma_wait3A_40 = tpu.memref_slice %arg6[%dma_wait3A, %dma_wait3A_38, %dma_wait3A_39] : memref<2x64x256xf32, #tpu.memory_space<vmem>> -> memref<1x64x256xf32, #tpu.memory_space<vmem>>
    %dma_wait3A_41 = tpu.memref_squeeze %dma_wait3A_40 : memref<1x64x256xf32, #tpu.memory_space<vmem>> -> memref<64x256xf32, #tpu.memory_space<vmem>>
    %dma_wait3A_42 = arith.constant 0 : i32
    %dma_wait3A_43 = tpu.memref_slice %arg2[%add3A_4, %dma_wait3A_42] : memref<65553x256xf32, #tpu.memory_space<hbm>> -> memref<64x256xf32, #tpu.memory_space<hbm>>
    tpu.wait_dma2 semaphore(%arg9 : memref<!tpu.dma_semaphore, #tpu.memory_space<semaphore_mem>>) src(%dma_wait3A_43 : memref<64x256xf32, #tpu.memory_space<hbm>>) dst(%dma_wait3A_41 : memref<64x256xf32, #tpu.memory_space<vmem>>)
    %scan3A = arith.constant 0 : i32
    %scan3A_44 = arith.constant 0 : i32
    %scan3A_45 = arith.constant 0 : i32
    %scan3A_46 = arith.constant 0 : i32
    %scan3A_47 = arith.constant 64 : i32
    %scan3A_48 = arith.addi %scan3A_46, %scan3A_47 : i32
    %scan3A_49 = arith.constant 1 : i32
    %scan3A_50 = scf.for %scan3A_152 = %scan3A_46 to %scan3A_48 step %scan3A_49 iter_args(%scan3A_153 = %scan3A_45) -> (i32)  : i32 {
      %broadcast_in_dim3A = arith.constant 0.000000e+00 : f32
      %broadcast_in_dim3A_154 = vector.broadcast %broadcast_in_dim3A : f32 to vector<16xf32>
      %broadcast_in_dim3A_155 = arith.constant 0.000000e+00 : f32
      %broadcast_in_dim3A_156 = vector.broadcast %broadcast_in_dim3A_155 : f32 to vector<16xf32>
      %broadcast_in_dim3A_157 = arith.constant 0.000000e+00 : f32
      %broadcast_in_dim3A_158 = vector.broadcast %broadcast_in_dim3A_157 : f32 to vector<16xf32>
      %broadcast_in_dim3A_159 = arith.constant 0.000000e+00 : f32
      %broadcast_in_dim3A_160 = vector.broadcast %broadcast_in_dim3A_159 : f32 to vector<16xf32>
      %get3A = arith.constant 0 : i32
      %get3A_161 = arith.constant 0 : i32
      %get3A_162 = tpu.memref_slice %arg6[%scan3A, %get3A, %get3A_161] : memref<2x64x256xf32, #tpu.memory_space<vmem>> -> memref<1x64x256xf32, #tpu.memory_space<vmem>>
      %get3A_163 = tpu.memref_squeeze %get3A_162 : memref<1x64x256xf32, #tpu.memory_space<vmem>> -> memref<64x256xf32, #tpu.memory_space<vmem>>
      %get3A_164 = arith.index_cast %scan3A_152 : i32 to index
      %get3A_165 = arith.constant 0 : index
      %get3A_166 = tpu.vector_load %get3A_163[%get3A_164, %get3A_165] {strides = array<i32>} : memref<64x256xf32, #tpu.memory_space<vmem>>, vector<1x16xf32>,
      %get3A_167 = vector.shape_cast %get3A_166 : vector<1x16xf32> to vector<16xf32>
      %get3A_168 = arith.constant 0 : i32
      %get3A_169 = tpu.memref_slice %arg5[%scan3A_44, %get3A_168] : memref<1x256xf32, #tpu.memory_space<vmem>> -> memref<1x256xf32, #tpu.memory_space<vmem>>
      %get3A_170 = tpu.memref_squeeze %get3A_169 : memref<1x256xf32, #tpu.memory_space<vmem>> -> memref<256xf32, #tpu.memory_space<vmem>>
      %get3A_171 = arith.constant 0 : index
      %get3A_172 = tpu.vector_load %get3A_170[%get3A_171] {strides = array<i32>} : memref<256xf32, #tpu.memory_space<vmem>>, vector<16xf32>,
      %get3A_173 = vector.shape_cast %get3A_172 : vector<16xf32> to vector<16xf32>
      %get3A_174 = arith.constant 0 : i32
      %get3A_175 = arith.constant 0 : i32
      %get3A_176 = tpu.memref_slice %arg6[%scan3A, %get3A_174, %get3A_175] : memref<2x64x256xf32, #tpu.memory_space<vmem>> -> memref<1x64x256xf32, #tpu.memory_space<vmem>>
      %get3A_177 = tpu.memref_squeeze %get3A_176 : memref<1x64x256xf32, #tpu.memory_space<vmem>> -> memref<64x256xf32, #tpu.memory_space<vmem>>
      %get3A_178 = arith.index_cast %scan3A_152 : i32 to index
      %get3A_179 = arith.constant 16 : index
      %get3A_180 = tpu.vector_load %get3A_177[%get3A_178, %get3A_179] {strides = array<i32>} : memref<64x256xf32, #tpu.memory_space<vmem>>, vector<1x16xf32>,
      %get3A_181 = vector.shape_cast %get3A_180 : vector<1x16xf32> to vector<16xf32>
      %get3A_182 = arith.constant 0 : i32
      %get3A_183 = tpu.memref_slice %arg5[%scan3A_44, %get3A_182] : memref<1x256xf32, #tpu.memory_space<vmem>> -> memref<1x256xf32, #tpu.memory_space<vmem>>
      %get3A_184 = tpu.memref_squeeze %get3A_183 : memref<1x256xf32, #tpu.memory_space<vmem>> -> memref<256xf32, #tpu.memory_space<vmem>>
      %get3A_185 = arith.constant 16 : index
      %get3A_186 = tpu.vector_load %get3A_184[%get3A_185] {strides = array<i32>} : memref<256xf32, #tpu.memory_space<vmem>>, vector<16xf32>,
      %get3A_187 = vector.shape_cast %get3A_186 : vector<16xf32> to vector<16xf32>
      %mul3A_188 = arith.mulf %get3A_167, %get3A_173 : vector<16xf32>
      %add3A_189 = arith.addf %broadcast_in_dim3A_154, %mul3A_188 : vector<16xf32>
      %mul3A_190 = arith.mulf %get3A_181, %get3A_187 : vector<16xf32>
      %add3A_191 = arith.addf %broadcast_in_dim3A_156, %mul3A_190 : vector<16xf32>
      %mul3A_192 = arith.mulf %get3A_167, %get3A_167 : vector<16xf32>
      %add3A_193 = arith.addf %broadcast_in_dim3A_158, %mul3A_192 : vector<16xf32>
      %mul3A_194 = arith.mulf %get3A_181, %get3A_181 : vector<16xf32>
      %add3A_195 = arith.addf %broadcast_in_dim3A_160, %mul3A_194 : vector<16xf32>
      %get3A_196 = arith.constant 0 : i32
      %get3A_197 = arith.constant 0 : i32
      %get3A_198 = tpu.memref_slice %arg6[%scan3A, %get3A_196, %get3A_197] : memref<2x64x256xf32, #tpu.memory_space<vmem>> -> memref<1x64x256xf32, #tpu.memory_space<vmem>>
      %get3A_199 = tpu.memref_squeeze %get3A_198 : memref<1x64x256xf32, #tpu.memory_space<vmem>> -> memref<64x256xf32, #tpu.memory_space<vmem>>
      %get3A_200 = arith.index_cast %scan3A_152 : i32 to index
      %get3A_201 = arith.constant 32 : index
      %get3A_202 = tpu.vector_load %get3A_199[%get3A_200, %get3A_201] {strides = array<i32>} : memref<64x256xf32, #tpu.memory_space<vmem>>, vector<1x16xf32>,
      %get3A_203 = vector.shape_cast %get3A_202 : vector<1x16xf32> to vector<16xf32>
      %get3A_204 = arith.constant 0 : i32
      %get3A_205 = tpu.memref_slice %arg5[%scan3A_44, %get3A_204] : memref<1x256xf32, #tpu.memory_space<vmem>> -> memref<1x256xf32, #tpu.memory_space<vmem>>
      %get3A_206 = tpu.memref_squeeze %get3A_205 : memref<1x256xf32, #tpu.memory_space<vmem>> -> memref<256xf32, #tpu.memory_space<vmem>>
      %get3A_207 = arith.constant 32 : index
      %get3A_208 = tpu.vector_load %get3A_206[%get3A_207] {strides = array<i32>} : memref<256xf32, #tpu.memory_space<vmem>>, vector<16xf32>,
      %get3A_209 = vector.shape_cast %get3A_208 : vector<16xf32> to vector<16xf32>
      %get3A_210 = arith.constant 0 : i32
      %get3A_211 = arith.constant 0 : i32
      %get3A_212 = tpu.memref_slice %arg6[%scan3A, %get3A_210, %get3A_211] : memref<2x64x256xf32, #tpu.memory_space<vmem>> -> memref<1x64x256xf32, #tpu.memory_space<vmem>>
      %get3A_213 = tpu.memref_squeeze %get3A_212 : memref<1x64x256xf32, #tpu.memory_space<vmem>> -> memref<64x256xf32, #tpu.memory_space<vmem>>
      %get3A_214 = arith.index_cast %scan3A_152 : i32 to index
      %get3A_215 = arith.constant 48 : index
      %get3A_216 = tpu.vector_load %get3A_213[%get3A_214, %get3A_215] {strides = array<i32>} : memref<64x256xf32, #tpu.memory_space<vmem>>, vector<1x16xf32>,
      %get3A_217 = vector.shape_cast %get3A_216 : vector<1x16xf32> to vector<16xf32>
      %get3A_218 = arith.constant 0 : i32
      %get3A_219 = tpu.memref_slice %arg5[%scan3A_44, %get3A_218] : memref<1x256xf32, #tpu.memory_space<vmem>> -> memref<1x256xf32, #tpu.memory_space<vmem>>
      %get3A_220 = tpu.memref_squeeze %get3A_219 : memref<1x256xf32, #tpu.memory_space<vmem>> -> memref<256xf32, #tpu.memory_space<vmem>>
      %get3A_221 = arith.constant 48 : index
      %get3A_222 = tpu.vector_load %get3A_220[%get3A_221] {strides = array<i32>} : memref<256xf32, #tpu.memory_space<vmem>>, vector<16xf32>,
      %get3A_223 = vector.shape_cast %get3A_222 : vector<16xf32> to vector<16xf32>
      %mul3A_224 = arith.mulf %get3A_203, %get3A_209 : vector<16xf32>
      %add3A_225 = arith.addf %add3A_189, %mul3A_224 : vector<16xf32>
      %mul3A_226 = arith.mulf %get3A_217, %get3A_223 : vector<16xf32>
      %add3A_227 = arith.addf %add3A_191, %mul3A_226 : vector<16xf32>
      %mul3A_228 = arith.mulf %get3A_203, %get3A_203 : vector<16xf32>
      %add3A_229 = arith.addf %add3A_193, %mul3A_228 : vector<16xf32>
      %mul3A_230 = arith.mulf %get3A_217, %get3A_217 : vector<16xf32>
      %add3A_231 = arith.addf %add3A_195, %mul3A_230 : vector<16xf32>
      %get3A_232 = arith.constant 0 : i32
      %get3A_233 = arith.constant 0 : i32
      %get3A_234 = tpu.memref_slice %arg6[%scan3A, %get3A_232, %get3A_233] : memref<2x64x256xf32, #tpu.memory_space<vmem>> -> memref<1x64x256xf32, #tpu.memory_space<vmem>>
      %get3A_235 = tpu.memref_squeeze %get3A_234 : memref<1x64x256xf32, #tpu.memory_space<vmem>> -> memref<64x256xf32, #tpu.memory_space<vmem>>
      %get3A_236 = arith.index_cast %scan3A_152 : i32 to index
      %get3A_237 = arith.constant 64 : index
      %get3A_238 = tpu.vector_load %get3A_235[%get3A_236, %get3A_237] {strides = array<i32>} : memref<64x256xf32, #tpu.memory_space<vmem>>, vector<1x16xf32>,
      %get3A_239 = vector.shape_cast %get3A_238 : vector<1x16xf32> to vector<16xf32>
      %get3A_240 = arith.constant 0 : i32
      %get3A_241 = tpu.memref_slice %arg5[%scan3A_44, %get3A_240] : memref<1x256xf32, #tpu.memory_space<vmem>> -> memref<1x256xf32, #tpu.memory_space<vmem>>
      %get3A_242 = tpu.memref_squeeze %get3A_241 : memref<1x256xf32, #tpu.memory_space<vmem>> -> memref<256xf32, #tpu.memory_space<vmem>>
      %get3A_243 = arith.constant 64 : index
      %get3A_244 = tpu.vector_load %get3A_242[%get3A_243] {strides = array<i32>} : memref<256xf32, #tpu.memory_space<vmem>>, vector<16xf32>,
      %get3A_245 = vector.shape_cast %get3A_244 : vector<16xf32> to vector<16xf32>
      %get3A_246 = arith.constant 0 : i32
      %get3A_247 = arith.constant 0 : i32
      %get3A_248 = tpu.memref_slice %arg6[%scan3A, %get3A_246, %get3A_247] : memref<2x64x256xf32, #tpu.memory_space<vmem>> -> memref<1x64x256xf32, #tpu.memory_space<vmem>>
      %get3A_249 = tpu.memref_squeeze %get3A_248 : memref<1x64x256xf32, #tpu.memory_space<vmem>> -> memref<64x256xf32, #tpu.memory_space<vmem>>
      %get3A_250 = arith.index_cast %scan3A_152 : i32 to index
      %get3A_251 = arith.constant 80 : index
      %get3A_252 = tpu.vector_load %get3A_249[%get3A_250, %get3A_251] {strides = array<i32>} : memref<64x256xf32, #tpu.memory_space<vmem>>, vector<1x16xf32>,
      %get3A_253 = vector.shape_cast %get3A_252 : vector<1x16xf32> to vector<16xf32>
      %get3A_254 = arith.constant 0 : i32
      %get3A_255 = tpu.memref_slice %arg5[%scan3A_44, %get3A_254] : memref<1x256xf32, #tpu.memory_space<vmem>> -> memref<1x256xf32, #tpu.memory_space<vmem>>
      %get3A_256 = tpu.memref_squeeze %get3A_255 : memref<1x256xf32, #tpu.memory_space<vmem>> -> memref<256xf32, #tpu.memory_space<vmem>>
      %get3A_257 = arith.constant 80 : index
      %get3A_258 = tpu.vector_load %get3A_256[%get3A_257] {strides = array<i32>} : memref<256xf32, #tpu.memory_space<vmem>>, vector<16xf32>,
      %get3A_259 = vector.shape_cast %get3A_258 : vector<16xf32> to vector<16xf32>
      %mul3A_260 = arith.mulf %get3A_239, %get3A_245 : vector<16xf32>
      %add3A_261 = arith.addf %add3A_225, %mul3A_260 : vector<16xf32>
      %mul3A_262 = arith.mulf %get3A_253, %get3A_259 : vector<16xf32>
      %add3A_263 = arith.addf %add3A_227, %mul3A_262 : vector<16xf32>
      %mul3A_264 = arith.mulf %get3A_239, %get3A_239 : vector<16xf32>
      %add3A_265 = arith.addf %add3A_229, %mul3A_264 : vector<16xf32>
      %mul3A_266 = arith.mulf %get3A_253, %get3A_253 : vector<16xf32>
      %add3A_267 = arith.addf %add3A_231, %mul3A_266 : vector<16xf32>
      %get3A_268 = arith.constant 0 : i32
      %get3A_269 = arith.constant 0 : i32
      %get3A_270 = tpu.memref_slice %arg6[%scan3A, %get3A_268, %get3A_269] : memref<2x64x256xf32, #tpu.memory_space<vmem>> -> memref<1x64x256xf32, #tpu.memory_space<vmem>>
      %get3A_271 = tpu.memref_squeeze %get3A_270 : memref<1x64x256xf32, #tpu.memory_space<vmem>> -> memref<64x256xf32, #tpu.memory_space<vmem>>
      %get3A_272 = arith.index_cast %scan3A_152 : i32 to index
      %get3A_273 = arith.constant 96 : index
      %get3A_274 = tpu.vector_load %get3A_271[%get3A_272, %get3A_273] {strides = array<i32>} : memref<64x256xf32, #tpu.memory_space<vmem>>, vector<1x16xf32>,
      %get3A_275 = vector.shape_cast %get3A_274 : vector<1x16xf32> to vector<16xf32>
      %get3A_276 = arith.constant 0 : i32
      %get3A_277 = tpu.memref_slice %arg5[%scan3A_44, %get3A_276] : memref<1x256xf32, #tpu.memory_space<vmem>> -> memref<1x256xf32, #tpu.memory_space<vmem>>
      %get3A_278 = tpu.memref_squeeze %get3A_277 : memref<1x256xf32, #tpu.memory_space<vmem>> -> memref<256xf32, #tpu.memory_space<vmem>>
      %get3A_279 = arith.constant 96 : index
      %get3A_280 = tpu.vector_load %get3A_278[%get3A_279] {strides = array<i32>} : memref<256xf32, #tpu.memory_space<vmem>>, vector<16xf32>,
      %get3A_281 = vector.shape_cast %get3A_280 : vector<16xf32> to vector<16xf32>
      %get3A_282 = arith.constant 0 : i32
      %get3A_283 = arith.constant 0 : i32
      %get3A_284 = tpu.memref_slice %arg6[%scan3A, %get3A_282, %get3A_283] : memref<2x64x256xf32, #tpu.memory_space<vmem>> -> memref<1x64x256xf32, #tpu.memory_space<vmem>>
      %get3A_285 = tpu.memref_squeeze %get3A_284 : memref<1x64x256xf32, #tpu.memory_space<vmem>> -> memref<64x256xf32, #tpu.memory_space<vmem>>
      %get3A_286 = arith.index_cast %scan3A_152 : i32 to index
      %get3A_287 = arith.constant 112 : index
      %get3A_288 = tpu.vector_load %get3A_285[%get3A_286, %get3A_287] {strides = array<i32>} : memref<64x256xf32, #tpu.memory_space<vmem>>, vector<1x16xf32>,
      %get3A_289 = vector.shape_cast %get3A_288 : vector<1x16xf32> to vector<16xf32>
      %get3A_290 = arith.constant 0 : i32
      %get3A_291 = tpu.memref_slice %arg5[%scan3A_44, %get3A_290] : memref<1x256xf32, #tpu.memory_space<vmem>> -> memref<1x256xf32, #tpu.memory_space<vmem>>
      %get3A_292 = tpu.memref_squeeze %get3A_291 : memref<1x256xf32, #tpu.memory_space<vmem>> -> memref<256xf32, #tpu.memory_space<vmem>>
      %get3A_293 = arith.constant 112 : index
      %get3A_294 = tpu.vector_load %get3A_292[%get3A_293] {strides = array<i32>} : memref<256xf32, #tpu.memory_space<vmem>>, vector<16xf32>,
      %get3A_295 = vector.shape_cast %get3A_294 : vector<16xf32> to vector<16xf32>
      %mul3A_296 = arith.mulf %get3A_275, %get3A_281 : vector<16xf32>
      %add3A_297 = arith.addf %add3A_261, %mul3A_296 : vector<16xf32>
      %mul3A_298 = arith.mulf %get3A_289, %get3A_295 : vector<16xf32>
      %add3A_299 = arith.addf %add3A_263, %mul3A_298 : vector<16xf32>
      %mul3A_300 = arith.mulf %get3A_275, %get3A_275 : vector<16xf32>
      %add3A_301 = arith.addf %add3A_265, %mul3A_300 : vector<16xf32>
      %mul3A_302 = arith.mulf %get3A_289, %get3A_289 : vector<16xf32>
      %add3A_303 = arith.addf %add3A_267, %mul3A_302 : vector<16xf32>
      %get3A_304 = arith.constant 0 : i32
      %get3A_305 = arith.constant 0 : i32
      %get3A_306 = tpu.memref_slice %arg6[%scan3A, %get3A_304, %get3A_305] : memref<2x64x256xf32, #tpu.memory_space<vmem>> -> memref<1x64x256xf32, #tpu.memory_space<vmem>>
      %get3A_307 = tpu.memref_squeeze %get3A_306 : memref<1x64x256xf32, #tpu.memory_space<vmem>> -> memref<64x256xf32, #tpu.memory_space<vmem>>
      %get3A_308 = arith.index_cast %scan3A_152 : i32 to index
      %get3A_309 = arith.constant 128 : index
      %get3A_310 = tpu.vector_load %get3A_307[%get3A_308, %get3A_309] {strides = array<i32>} : memref<64x256xf32, #tpu.memory_space<vmem>>, vector<1x16xf32>,
      %get3A_311 = vector.shape_cast %get3A_310 : vector<1x16xf32> to vector<16xf32>
      %get3A_312 = arith.constant 0 : i32
      %get3A_313 = tpu.memref_slice %arg5[%scan3A_44, %get3A_312] : memref<1x256xf32, #tpu.memory_space<vmem>> -> memref<1x256xf32, #tpu.memory_space<vmem>>
      %get3A_314 = tpu.memref_squeeze %get3A_313 : memref<1x256xf32, #tpu.memory_space<vmem>> -> memref<256xf32, #tpu.memory_space<vmem>>
      %get3A_315 = arith.constant 128 : index
      %get3A_316 = tpu.vector_load %get3A_314[%get3A_315] {strides = array<i32>} : memref<256xf32, #tpu.memory_space<vmem>>, vector<16xf32>,
      %get3A_317 = vector.shape_cast %get3A_316 : vector<16xf32> to vector<16xf32>
      %get3A_318 = arith.constant 0 : i32
      %get3A_319 = arith.constant 0 : i32
      %get3A_320 = tpu.memref_slice %arg6[%scan3A, %get3A_318, %get3A_319] : memref<2x64x256xf32, #tpu.memory_space<vmem>> -> memref<1x64x256xf32, #tpu.memory_space<vmem>>
      %get3A_321 = tpu.memref_squeeze %get3A_320 : memref<1x64x256xf32, #tpu.memory_space<vmem>> -> memref<64x256xf32, #tpu.memory_space<vmem>>
      %get3A_322 = arith.index_cast %scan3A_152 : i32 to index
      %get3A_323 = arith.constant 144 : index
      %get3A_324 = tpu.vector_load %get3A_321[%get3A_322, %get3A_323] {strides = array<i32>} : memref<64x256xf32, #tpu.memory_space<vmem>>, vector<1x16xf32>,
      %get3A_325 = vector.shape_cast %get3A_324 : vector<1x16xf32> to vector<16xf32>
      %get3A_326 = arith.constant 0 : i32
      %get3A_327 = tpu.memref_slice %arg5[%scan3A_44, %get3A_326] : memref<1x256xf32, #tpu.memory_space<vmem>> -> memref<1x256xf32, #tpu.memory_space<vmem>>
      %get3A_328 = tpu.memref_squeeze %get3A_327 : memref<1x256xf32, #tpu.memory_space<vmem>> -> memref<256xf32, #tpu.memory_space<vmem>>
      %get3A_329 = arith.constant 144 : index
      %get3A_330 = tpu.vector_load %get3A_328[%get3A_329] {strides = array<i32>} : memref<256xf32, #tpu.memory_space<vmem>>, vector<16xf32>,
      %get3A_331 = vector.shape_cast %get3A_330 : vector<16xf32> to vector<16xf32>
      %mul3A_332 = arith.mulf %get3A_311, %get3A_317 : vector<16xf32>
      %add3A_333 = arith.addf %add3A_297, %mul3A_332 : vector<16xf32>
      %mul3A_334 = arith.mulf %get3A_325, %get3A_331 : vector<16xf32>
      %add3A_335 = arith.addf %add3A_299, %mul3A_334 : vector<16xf32>
      %mul3A_336 = arith.mulf %get3A_311, %get3A_311 : vector<16xf32>
      %add3A_337 = arith.addf %add3A_301, %mul3A_336 : vector<16xf32>
      %mul3A_338 = arith.mulf %get3A_325, %get3A_325 : vector<16xf32>
      %add3A_339 = arith.addf %add3A_303, %mul3A_338 : vector<16xf32>
      %get3A_340 = arith.constant 0 : i32
      %get3A_341 = arith.constant 0 : i32
      %get3A_342 = tpu.memref_slice %arg6[%scan3A, %get3A_340, %get3A_341] : memref<2x64x256xf32, #tpu.memory_space<vmem>> -> memref<1x64x256xf32, #tpu.memory_space<vmem>>
      %get3A_343 = tpu.memref_squeeze %get3A_342 : memref<1x64x256xf32, #tpu.memory_space<vmem>> -> memref<64x256xf32, #tpu.memory_space<vmem>>
      %get3A_344 = arith.index_cast %scan3A_152 : i32 to index
      %get3A_345 = arith.constant 160 : index
      %get3A_346 = tpu.vector_load %get3A_343[%get3A_344, %get3A_345] {strides = array<i32>} : memref<64x256xf32, #tpu.memory_space<vmem>>, vector<1x16xf32>,
      %get3A_347 = vector.shape_cast %get3A_346 : vector<1x16xf32> to vector<16xf32>
      %get3A_348 = arith.constant 0 : i32
      %get3A_349 = tpu.memref_slice %arg5[%scan3A_44, %get3A_348] : memref<1x256xf32, #tpu.memory_space<vmem>> -> memref<1x256xf32, #tpu.memory_space<vmem>>
      %get3A_350 = tpu.memref_squeeze %get3A_349 : memref<1x256xf32, #tpu.memory_space<vmem>> -> memref<256xf32, #tpu.memory_space<vmem>>
      %get3A_351 = arith.constant 160 : index
      %get3A_352 = tpu.vector_load %get3A_350[%get3A_351] {strides = array<i32>} : memref<256xf32, #tpu.memory_space<vmem>>, vector<16xf32>,
      %get3A_353 = vector.shape_cast %get3A_352 : vector<16xf32> to vector<16xf32>
      %get3A_354 = arith.constant 0 : i32
      %get3A_355 = arith.constant 0 : i32
      %get3A_356 = tpu.memref_slice %arg6[%scan3A, %get3A_354, %get3A_355] : memref<2x64x256xf32, #tpu.memory_space<vmem>> -> memref<1x64x256xf32, #tpu.memory_space<vmem>>
      %get3A_357 = tpu.memref_squeeze %get3A_356 : memref<1x64x256xf32, #tpu.memory_space<vmem>> -> memref<64x256xf32, #tpu.memory_space<vmem>>
      %get3A_358 = arith.index_cast %scan3A_152 : i32 to index
      %get3A_359 = arith.constant 176 : index
      %get3A_360 = tpu.vector_load %get3A_357[%get3A_358, %get3A_359] {strides = array<i32>} : memref<64x256xf32, #tpu.memory_space<vmem>>, vector<1x16xf32>,
      %get3A_361 = vector.shape_cast %get3A_360 : vector<1x16xf32> to vector<16xf32>
      %get3A_362 = arith.constant 0 : i32
      %get3A_363 = tpu.memref_slice %arg5[%scan3A_44, %get3A_362] : memref<1x256xf32, #tpu.memory_space<vmem>> -> memref<1x256xf32, #tpu.memory_space<vmem>>
      %get3A_364 = tpu.memref_squeeze %get3A_363 : memref<1x256xf32, #tpu.memory_space<vmem>> -> memref<256xf32, #tpu.memory_space<vmem>>
      %get3A_365 = arith.constant 176 : index
      %get3A_366 = tpu.vector_load %get3A_364[%get3A_365] {strides = array<i32>} : memref<256xf32, #tpu.memory_space<vmem>>, vector<16xf32>,
      %get3A_367 = vector.shape_cast %get3A_366 : vector<16xf32> to vector<16xf32>
      %mul3A_368 = arith.mulf %get3A_347, %get3A_353 : vector<16xf32>
      %add3A_369 = arith.addf %add3A_333, %mul3A_368 : vector<16xf32>
      %mul3A_370 = arith.mulf %get3A_361, %get3A_367 : vector<16xf32>
      %add3A_371 = arith.addf %add3A_335, %mul3A_370 : vector<16xf32>
      %mul3A_372 = arith.mulf %get3A_347, %get3A_347 : vector<16xf32>
      %add3A_373 = arith.addf %add3A_337, %mul3A_372 : vector<16xf32>
      %mul3A_374 = arith.mulf %get3A_361, %get3A_361 : vector<16xf32>
      %add3A_375 = arith.addf %add3A_339, %mul3A_374 : vector<16xf32>
      %get3A_376 = arith.constant 0 : i32
      %get3A_377 = arith.constant 0 : i32
      %get3A_378 = tpu.memref_slice %arg6[%scan3A, %get3A_376, %get3A_377] : memref<2x64x256xf32, #tpu.memory_space<vmem>> -> memref<1x64x256xf32, #tpu.memory_space<vmem>>
      %get3A_379 = tpu.memref_squeeze %get3A_378 : memref<1x64x256xf32, #tpu.memory_space<vmem>> -> memref<64x256xf32, #tpu.memory_space<vmem>>
      %get3A_380 = arith.index_cast %scan3A_152 : i32 to index
      %get3A_381 = arith.constant 192 : index
      %get3A_382 = tpu.vector_load %get3A_379[%get3A_380, %get3A_381] {strides = array<i32>} : memref<64x256xf32, #tpu.memory_space<vmem>>, vector<1x16xf32>,
      %get3A_383 = vector.shape_cast %get3A_382 : vector<1x16xf32> to vector<16xf32>
      %get3A_384 = arith.constant 0 : i32
      %get3A_385 = tpu.memref_slice %arg5[%scan3A_44, %get3A_384] : memref<1x256xf32, #tpu.memory_space<vmem>> -> memref<1x256xf32, #tpu.memory_space<vmem>>
      %get3A_386 = tpu.memref_squeeze %get3A_385 : memref<1x256xf32, #tpu.memory_space<vmem>> -> memref<256xf32, #tpu.memory_space<vmem>>
      %get3A_387 = arith.constant 192 : index
      %get3A_388 = tpu.vector_load %get3A_386[%get3A_387] {strides = array<i32>} : memref<256xf32, #tpu.memory_space<vmem>>, vector<16xf32>,
      %get3A_389 = vector.shape_cast %get3A_388 : vector<16xf32> to vector<16xf32>
      %get3A_390 = arith.constant 0 : i32
      %get3A_391 = arith.constant 0 : i32
      %get3A_392 = tpu.memref_slice %arg6[%scan3A, %get3A_390, %get3A_391] : memref<2x64x256xf32, #tpu.memory_space<vmem>> -> memref<1x64x256xf32, #tpu.memory_space<vmem>>
      %get3A_393 = tpu.memref_squeeze %get3A_392 : memref<1x64x256xf32, #tpu.memory_space<vmem>> -> memref<64x256xf32, #tpu.memory_space<vmem>>
      %get3A_394 = arith.index_cast %scan3A_152 : i32 to index
      %get3A_395 = arith.constant 208 : index
      %get3A_396 = tpu.vector_load %get3A_393[%get3A_394, %get3A_395] {strides = array<i32>} : memref<64x256xf32, #tpu.memory_space<vmem>>, vector<1x16xf32>,
      %get3A_397 = vector.shape_cast %get3A_396 : vector<1x16xf32> to vector<16xf32>
      %get3A_398 = arith.constant 0 : i32
      %get3A_399 = tpu.memref_slice %arg5[%scan3A_44, %get3A_398] : memref<1x256xf32, #tpu.memory_space<vmem>> -> memref<1x256xf32, #tpu.memory_space<vmem>>
      %get3A_400 = tpu.memref_squeeze %get3A_399 : memref<1x256xf32, #tpu.memory_space<vmem>> -> memref<256xf32, #tpu.memory_space<vmem>>
      %get3A_401 = arith.constant 208 : index
      %get3A_402 = tpu.vector_load %get3A_400[%get3A_401] {strides = array<i32>} : memref<256xf32, #tpu.memory_space<vmem>>, vector<16xf32>,
      %get3A_403 = vector.shape_cast %get3A_402 : vector<16xf32> to vector<16xf32>
      %mul3A_404 = arith.mulf %get3A_383, %get3A_389 : vector<16xf32>
      %add3A_405 = arith.addf %add3A_369, %mul3A_404 : vector<16xf32>
      %mul3A_406 = arith.mulf %get3A_397, %get3A_403 : vector<16xf32>
      %add3A_407 = arith.addf %add3A_371, %mul3A_406 : vector<16xf32>
      %mul3A_408 = arith.mulf %get3A_383, %get3A_383 : vector<16xf32>
      %add3A_409 = arith.addf %add3A_373, %mul3A_408 : vector<16xf32>
      %mul3A_410 = arith.mulf %get3A_397, %get3A_397 : vector<16xf32>
      %add3A_411 = arith.addf %add3A_375, %mul3A_410 : vector<16xf32>
      %get3A_412 = arith.constant 0 : i32
      %get3A_413 = arith.constant 0 : i32
      %get3A_414 = tpu.memref_slice %arg6[%scan3A, %get3A_412, %get3A_413] : memref<2x64x256xf32, #tpu.memory_space<vmem>> -> memref<1x64x256xf32, #tpu.memory_space<vmem>>
      %get3A_415 = tpu.memref_squeeze %get3A_414 : memref<1x64x256xf32, #tpu.memory_space<vmem>> -> memref<64x256xf32, #tpu.memory_space<vmem>>
      %get3A_416 = arith.index_cast %scan3A_152 : i32 to index
      %get3A_417 = arith.constant 224 : index
      %get3A_418 = tpu.vector_load %get3A_415[%get3A_416, %get3A_417] {strides = array<i32>} : memref<64x256xf32, #tpu.memory_space<vmem>>, vector<1x16xf32>,
      %get3A_419 = vector.shape_cast %get3A_418 : vector<1x16xf32> to vector<16xf32>
      %get3A_420 = arith.constant 0 : i32
      %get3A_421 = tpu.memref_slice %arg5[%scan3A_44, %get3A_420] : memref<1x256xf32, #tpu.memory_space<vmem>> -> memref<1x256xf32, #tpu.memory_space<vmem>>
      %get3A_422 = tpu.memref_squeeze %get3A_421 : memref<1x256xf32, #tpu.memory_space<vmem>> -> memref<256xf32, #tpu.memory_space<vmem>>
      %get3A_423 = arith.constant 224 : index
      %get3A_424 = tpu.vector_load %get3A_422[%get3A_423] {strides = array<i32>} : memref<256xf32, #tpu.memory_space<vmem>>, vector<16xf32>,
      %get3A_425 = vector.shape_cast %get3A_424 : vector<16xf32> to vector<16xf32>
      %get3A_426 = arith.constant 0 : i32
      %get3A_427 = arith.constant 0 : i32
      %get3A_428 = tpu.memref_slice %arg6[%scan3A, %get3A_426, %get3A_427] : memref<2x64x256xf32, #tpu.memory_space<vmem>> -> memref<1x64x256xf32, #tpu.memory_space<vmem>>
      %get3A_429 = tpu.memref_squeeze %get3A_428 : memref<1x64x256xf32, #tpu.memory_space<vmem>> -> memref<64x256xf32, #tpu.memory_space<vmem>>
      %get3A_430 = arith.index_cast %scan3A_152 : i32 to index
      %get3A_431 = arith.constant 240 : index
      %get3A_432 = tpu.vector_load %get3A_429[%get3A_430, %get3A_431] {strides = array<i32>} : memref<64x256xf32, #tpu.memory_space<vmem>>, vector<1x16xf32>,
      %get3A_433 = vector.shape_cast %get3A_432 : vector<1x16xf32> to vector<16xf32>
      %get3A_434 = arith.constant 0 : i32
      %get3A_435 = tpu.memref_slice %arg5[%scan3A_44, %get3A_434] : memref<1x256xf32, #tpu.memory_space<vmem>> -> memref<1x256xf32, #tpu.memory_space<vmem>>
      %get3A_436 = tpu.memref_squeeze %get3A_435 : memref<1x256xf32, #tpu.memory_space<vmem>> -> memref<256xf32, #tpu.memory_space<vmem>>
      %get3A_437 = arith.constant 240 : index
      %get3A_438 = tpu.vector_load %get3A_436[%get3A_437] {strides = array<i32>} : memref<256xf32, #tpu.memory_space<vmem>>, vector<16xf32>,
      %get3A_439 = vector.shape_cast %get3A_438 : vector<16xf32> to vector<16xf32>
      %mul3A_440 = arith.mulf %get3A_419, %get3A_425 : vector<16xf32>
      %add3A_441 = arith.addf %add3A_405, %mul3A_440 : vector<16xf32>
      %mul3A_442 = arith.mulf %get3A_433, %get3A_439 : vector<16xf32>
      %add3A_443 = arith.addf %add3A_407, %mul3A_442 : vector<16xf32>
      %mul3A_444 = arith.mulf %get3A_419, %get3A_419 : vector<16xf32>
      %add3A_445 = arith.addf %add3A_409, %mul3A_444 : vector<16xf32>
      %mul3A_446 = arith.mulf %get3A_433, %get3A_433 : vector<16xf32>
      %add3A_447 = arith.addf %add3A_411, %mul3A_446 : vector<16xf32>
      %add3A_448 = arith.constant 0 : i32
      %add3A_449 = arith.addi %add3A_448, %scan3A_152 : i32
      %mul3A_450 = arith.constant 16 : i32
      %mul3A_451 = arith.muli %add3A_449, %mul3A_450 : i32
      %add3A_452 = arith.addf %add3A_441, %add3A_443 : vector<16xf32>
      %swap3A = arith.index_cast %mul3A_451 : i32 to index
      %swap3A_453 = tpu.vector_load %arg7[%swap3A] {strides = array<i32>} : memref<4096xf32, #tpu.memory_space<vmem>>, vector<16xf32>,
      %swap3A_454 = vector.shape_cast %swap3A_453 : vector<16xf32> to vector<16xf32>
      %swap3A_455 = vector.shape_cast %add3A_452 : vector<16xf32> to vector<16xf32>
      tpu.vector_store %arg7[%swap3A], %swap3A_455 {strides = array<i32>} : memref<4096xf32, #tpu.memory_space<vmem>>, vector<16xf32>,
      %add3A_456 = arith.addf %add3A_445, %add3A_447 : vector<16xf32>
      %swap3A_457 = arith.index_cast %mul3A_451 : i32 to index
      %swap3A_458 = tpu.vector_load %arg8[%swap3A_457] {strides = array<i32>} : memref<4096xf32, #tpu.memory_space<vmem>>, vector<16xf32>,
      %swap3A_459 = vector.shape_cast %swap3A_458 : vector<16xf32> to vector<16xf32>
      %swap3A_460 = vector.shape_cast %add3A_456 : vector<16xf32> to vector<16xf32>
      tpu.vector_store %arg8[%swap3A_457], %swap3A_460 {strides = array<i32>} : memref<4096xf32, #tpu.memory_space<vmem>>, vector<16xf32>,
      %scan3A_461 = arith.constant 0 : i32
      scf.yield %scan3A_461 : i32
    }
    %scan3A_51 = arith.constant 64 : i32
    %add3A_52 = arith.constant 128 : i32
    %add3A_53 = arith.addi %mul3A_2, %add3A_52 : i32
    %dma_start3A_54 = arith.constant 0 : i32
    %dma_start3A_55 = arith.constant 0 : i32
    %dma_start3A_56 = arith.constant 0 : i32
    %dma_start3A_57 = tpu.memref_slice %arg6[%dma_start3A_54, %dma_start3A_55, %dma_start3A_56] : memref<2x64x256xf32, #tpu.memory_space<vmem>> -> memref<1x64x256xf32, #tpu.memory_space<vmem>>
    %dma_start3A_58 = tpu.memref_squeeze %dma_start3A_57 : memref<1x64x256xf32, #tpu.memory_space<vmem>> -> memref<64x256xf32, #tpu.memory_space<vmem>>
    %dma_start3A_59 = arith.constant 0 : i32
    %dma_start3A_60 = tpu.memref_slice %arg2[%add3A_53, %dma_start3A_59] : memref<65553x256xf32, #tpu.memory_space<hbm>> -> memref<64x256xf32, #tpu.memory_space<hbm>>
    %dma_start3A_61 = arith.constant 0 : i32
    %dma_start3A_62 = arith.constant 0 : i32
    %dma_start3A_63 = tpu.memref_slice %arg6[%dma_start3A_54, %dma_start3A_61, %dma_start3A_62] : memref<2x64x256xf32, #tpu.memory_space<vmem>> -> memref<1x64x256xf32, #tpu.memory_space<vmem>>
    %dma_start3A_64 = tpu.memref_squeeze %dma_start3A_63 : memref<1x64x256xf32, #tpu.memory_space<vmem>> -> memref<64x256xf32, #tpu.memory_space<vmem>>
    %dma_start3A_65 = arith.constant 0 : i32
    %dma_start3A_66 = tpu.memref_slice %arg2[%add3A_53, %dma_start3A_65] : memref<65553x256xf32, #tpu.memory_space<hbm>> -> memref<64x256xf32, #tpu.memory_space<hbm>>
    tpu.enqueue_dma source(%dma_start3A_66 : memref<64x256xf32, #tpu.memory_space<hbm>>) target(%dma_start3A_64 : memref<64x256xf32, #tpu.memory_space<vmem>>) target_semaphore(%arg9 : memref<!tpu.dma_semaphore, #tpu.memory_space<semaphore_mem>>)
    %dma_wait3A_67 = arith.constant 1 : i32
    %dma_wait3A_68 = arith.constant 0 : i32
    %dma_wait3A_69 = arith.constant 0 : i32
    %dma_wait3A_70 = tpu.memref_slice %arg6[%dma_wait3A_67, %dma_wait3A_68, %dma_wait3A_69] : memref<2x64x256xf32, #tpu.memory_space<vmem>> -> memref<1x64x256xf32, #tpu.memory_space<vmem>>
    %dma_wait3A_71 = tpu.memref_squeeze %dma_wait3A_70 : memref<1x64x256xf32, #tpu.memory_space<vmem>> -> memref<64x256xf32, #tpu.memory_space<vmem>>
    %dma_wait3A_72 = arith.constant 0 : i32
    %dma_wait3A_73 = tpu.memref_slice %arg2[%add3A_18, %dma_wait3A_72] : memref<65553x256xf32, #tpu.memory_space<hbm>> -> memref<64x256xf32, #tpu.memory_space<hbm>>
    %dma_wait3A_74 = arith.constant 0 : i32
    %dma_wait3A_75 = arith.constant 0 : i32
    %dma_wait3A_76 = tpu.memref_slice %arg6[%dma_wait3A_67, %dma_wait3A_74, %dma_wait3A_75] : memref<2x64x256xf32, #tpu.memory_space<vmem>> -> memref<1x64x256xf32, #tpu.memory_space<vmem>>
    %dma_wait3A_77 = tpu.memref_squeeze %dma_wait3A_76 : memref<1x64x256xf32, #tpu.memory_space<vmem>> -> memref<64x256xf32, #tpu.memory_space<vmem>>
    %dma_wait3A_78 = arith.constant 0 : i32
    %dma_wait3A_79 = tpu.memref_slice %arg2[%add3A_18, %dma_wait3A_78] : memref<65553x256xf32, #tpu.memory_space<hbm>> -> memref<64x256xf32, #tpu.memory_space<hbm>>
    tpu.wait_dma2 semaphore(%arg10 : memref<!tpu.dma_semaphore, #tpu.memory_space<semaphore_mem>>) src(%dma_wait3A_79 : memref<64x256xf32, #tpu.memory_space<hbm>>) dst(%dma_wait3A_77 : memref<64x256xf32, #tpu.memory_space<vmem>>)
    %scan3A_80 = arith.constant 1 : i32
    %scan3A_81 = arith.constant 0 : i32
    %scan3A_82 = arith.constant 0 : i32
    %scan3A_83 = arith.constant 0 : i32
    %scan3A_84 = arith.constant 64 : i32
    %scan3A_85 = arith.addi %scan3A_83, %scan3A_84 : i32
    %scan3A_86 = arith.constant 1 : i32
    %scan3A_87 = scf.for %scan3A_152 = %scan3A_83 to %scan3A_85 step %scan3A_86 iter_args(%scan3A_153 = %scan3A_82) -> (i32)  : i32 {
      %broadcast_in_dim3A = arith.constant 0.000000e+00 : f32
      %broadcast_in_dim3A_154 = vector.broadcast %broadcast_in_dim3A : f32 to vector<16xf32>
      %broadcast_in_dim3A_155 = arith.constant 0.000000e+00 : f32
      %broadcast_in_dim3A_156 = vector.broadcast %broadcast_in_dim3A_155 : f32 to vector<16xf32>
      %broadcast_in_dim3A_157 = arith.constant 0.000000e+00 : f32
      %broadcast_in_dim3A_158 = vector.broadcast %broadcast_in_dim3A_157 : f32 to vector<16xf32>
      %broadcast_in_dim3A_159 = arith.constant 0.000000e+00 : f32
      %broadcast_in_dim3A_160 = vector.broadcast %broadcast_in_dim3A_159 : f32 to vector<16xf32>
      %get3A = arith.constant 0 : i32
      %get3A_161 = arith.constant 0 : i32
      %get3A_162 = tpu.memref_slice %arg6[%scan3A_80, %get3A, %get3A_161] : memref<2x64x256xf32, #tpu.memory_space<vmem>> -> memref<1x64x256xf32, #tpu.memory_space<vmem>>
      %get3A_163 = tpu.memref_squeeze %get3A_162 : memref<1x64x256xf32, #tpu.memory_space<vmem>> -> memref<64x256xf32, #tpu.memory_space<vmem>>
      %get3A_164 = arith.index_cast %scan3A_152 : i32 to index
      %get3A_165 = arith.constant 0 : index
      %get3A_166 = tpu.vector_load %get3A_163[%get3A_164, %get3A_165] {strides = array<i32>} : memref<64x256xf32, #tpu.memory_space<vmem>>, vector<1x16xf32>,
      %get3A_167 = vector.shape_cast %get3A_166 : vector<1x16xf32> to vector<16xf32>
      %get3A_168 = arith.constant 0 : i32
      %get3A_169 = tpu.memref_slice %arg5[%scan3A_81, %get3A_168] : memref<1x256xf32, #tpu.memory_space<vmem>> -> memref<1x256xf32, #tpu.memory_space<vmem>>
      %get3A_170 = tpu.memref_squeeze %get3A_169 : memref<1x256xf32, #tpu.memory_space<vmem>> -> memref<256xf32, #tpu.memory_space<vmem>>
      %get3A_171 = arith.constant 0 : index
      %get3A_172 = tpu.vector_load %get3A_170[%get3A_171] {strides = array<i32>} : memref<256xf32, #tpu.memory_space<vmem>>, vector<16xf32>,
      %get3A_173 = vector.shape_cast %get3A_172 : vector<16xf32> to vector<16xf32>
      %get3A_174 = arith.constant 0 : i32
      %get3A_175 = arith.constant 0 : i32
      %get3A_176 = tpu.memref_slice %arg6[%scan3A_80, %get3A_174, %get3A_175] : memref<2x64x256xf32, #tpu.memory_space<vmem>> -> memref<1x64x256xf32, #tpu.memory_space<vmem>>
      %get3A_177 = tpu.memref_squeeze %get3A_176 : memref<1x64x256xf32, #tpu.memory_space<vmem>> -> memref<64x256xf32, #tpu.memory_space<vmem>>
      %get3A_178 = arith.index_cast %scan3A_152 : i32 to index
      %get3A_179 = arith.constant 16 : index
      %get3A_180 = tpu.vector_load %get3A_177[%get3A_178, %get3A_179] {strides = array<i32>} : memref<64x256xf32, #tpu.memory_space<vmem>>, vector<1x16xf32>,
      %get3A_181 = vector.shape_cast %get3A_180 : vector<1x16xf32> to vector<16xf32>
      %get3A_182 = arith.constant 0 : i32
      %get3A_183 = tpu.memref_slice %arg5[%scan3A_81, %get3A_182] : memref<1x256xf32, #tpu.memory_space<vmem>> -> memref<1x256xf32, #tpu.memory_space<vmem>>
      %get3A_184 = tpu.memref_squeeze %get3A_183 : memref<1x256xf32, #tpu.memory_space<vmem>> -> memref<256xf32, #tpu.memory_space<vmem>>
      %get3A_185 = arith.constant 16 : index
      %get3A_186 = tpu.vector_load %get3A_184[%get3A_185] {strides = array<i32>} : memref<256xf32, #tpu.memory_space<vmem>>, vector<16xf32>,
      %get3A_187 = vector.shape_cast %get3A_186 : vector<16xf32> to vector<16xf32>
      %mul3A_188 = arith.mulf %get3A_167, %get3A_173 : vector<16xf32>
      %add3A_189 = arith.addf %broadcast_in_dim3A_154, %mul3A_188 : vector<16xf32>
      %mul3A_190 = arith.mulf %get3A_181, %get3A_187 : vector<16xf32>
      %add3A_191 = arith.addf %broadcast_in_dim3A_156, %mul3A_190 : vector<16xf32>
      %mul3A_192 = arith.mulf %get3A_167, %get3A_167 : vector<16xf32>
      %add3A_193 = arith.addf %broadcast_in_dim3A_158, %mul3A_192 : vector<16xf32>
      %mul3A_194 = arith.mulf %get3A_181, %get3A_181 : vector<16xf32>
      %add3A_195 = arith.addf %broadcast_in_dim3A_160, %mul3A_194 : vector<16xf32>
      %get3A_196 = arith.constant 0 : i32
      %get3A_197 = arith.constant 0 : i32
      %get3A_198 = tpu.memref_slice %arg6[%scan3A_80, %get3A_196, %get3A_197] : memref<2x64x256xf32, #tpu.memory_space<vmem>> -> memref<1x64x256xf32, #tpu.memory_space<vmem>>
      %get3A_199 = tpu.memref_squeeze %get3A_198 : memref<1x64x256xf32, #tpu.memory_space<vmem>> -> memref<64x256xf32, #tpu.memory_space<vmem>>
      %get3A_200 = arith.index_cast %scan3A_152 : i32 to index
      %get3A_201 = arith.constant 32 : index
      %get3A_202 = tpu.vector_load %get3A_199[%get3A_200, %get3A_201] {strides = array<i32>} : memref<64x256xf32, #tpu.memory_space<vmem>>, vector<1x16xf32>,
      %get3A_203 = vector.shape_cast %get3A_202 : vector<1x16xf32> to vector<16xf32>
      %get3A_204 = arith.constant 0 : i32
      %get3A_205 = tpu.memref_slice %arg5[%scan3A_81, %get3A_204] : memref<1x256xf32, #tpu.memory_space<vmem>> -> memref<1x256xf32, #tpu.memory_space<vmem>>
      %get3A_206 = tpu.memref_squeeze %get3A_205 : memref<1x256xf32, #tpu.memory_space<vmem>> -> memref<256xf32, #tpu.memory_space<vmem>>
      %get3A_207 = arith.constant 32 : index
      %get3A_208 = tpu.vector_load %get3A_206[%get3A_207] {strides = array<i32>} : memref<256xf32, #tpu.memory_space<vmem>>, vector<16xf32>,
      %get3A_209 = vector.shape_cast %get3A_208 : vector<16xf32> to vector<16xf32>
      %get3A_210 = arith.constant 0 : i32
      %get3A_211 = arith.constant 0 : i32
      %get3A_212 = tpu.memref_slice %arg6[%scan3A_80, %get3A_210, %get3A_211] : memref<2x64x256xf32, #tpu.memory_space<vmem>> -> memref<1x64x256xf32, #tpu.memory_space<vmem>>
      %get3A_213 = tpu.memref_squeeze %get3A_212 : memref<1x64x256xf32, #tpu.memory_space<vmem>> -> memref<64x256xf32, #tpu.memory_space<vmem>>
      %get3A_214 = arith.index_cast %scan3A_152 : i32 to index
      %get3A_215 = arith.constant 48 : index
      %get3A_216 = tpu.vector_load %get3A_213[%get3A_214, %get3A_215] {strides = array<i32>} : memref<64x256xf32, #tpu.memory_space<vmem>>, vector<1x16xf32>,
      %get3A_217 = vector.shape_cast %get3A_216 : vector<1x16xf32> to vector<16xf32>
      %get3A_218 = arith.constant 0 : i32
      %get3A_219 = tpu.memref_slice %arg5[%scan3A_81, %get3A_218] : memref<1x256xf32, #tpu.memory_space<vmem>> -> memref<1x256xf32, #tpu.memory_space<vmem>>
      %get3A_220 = tpu.memref_squeeze %get3A_219 : memref<1x256xf32, #tpu.memory_space<vmem>> -> memref<256xf32, #tpu.memory_space<vmem>>
      %get3A_221 = arith.constant 48 : index
      %get3A_222 = tpu.vector_load %get3A_220[%get3A_221] {strides = array<i32>} : memref<256xf32, #tpu.memory_space<vmem>>, vector<16xf32>,
      %get3A_223 = vector.shape_cast %get3A_222 : vector<16xf32> to vector<16xf32>
      %mul3A_224 = arith.mulf %get3A_203, %get3A_209 : vector<16xf32>
      %add3A_225 = arith.addf %add3A_189, %mul3A_224 : vector<16xf32>
      %mul3A_226 = arith.mulf %get3A_217, %get3A_223 : vector<16xf32>
      %add3A_227 = arith.addf %add3A_191, %mul3A_226 : vector<16xf32>
      %mul3A_228 = arith.mulf %get3A_203, %get3A_203 : vector<16xf32>
      %add3A_229 = arith.addf %add3A_193, %mul3A_228 : vector<16xf32>
      %mul3A_230 = arith.mulf %get3A_217, %get3A_217 : vector<16xf32>
      %add3A_231 = arith.addf %add3A_195, %mul3A_230 : vector<16xf32>
      %get3A_232 = arith.constant 0 : i32
      %get3A_233 = arith.constant 0 : i32
      %get3A_234 = tpu.memref_slice %arg6[%scan3A_80, %get3A_232, %get3A_233] : memref<2x64x256xf32, #tpu.memory_space<vmem>> -> memref<1x64x256xf32, #tpu.memory_space<vmem>>
      %get3A_235 = tpu.memref_squeeze %get3A_234 : memref<1x64x256xf32, #tpu.memory_space<vmem>> -> memref<64x256xf32, #tpu.memory_space<vmem>>
      %get3A_236 = arith.index_cast %scan3A_152 : i32 to index
      %get3A_237 = arith.constant 64 : index
      %get3A_238 = tpu.vector_load %get3A_235[%get3A_236, %get3A_237] {strides = array<i32>} : memref<64x256xf32, #tpu.memory_space<vmem>>, vector<1x16xf32>,
      %get3A_239 = vector.shape_cast %get3A_238 : vector<1x16xf32> to vector<16xf32>
      %get3A_240 = arith.constant 0 : i32
      %get3A_241 = tpu.memref_slice %arg5[%scan3A_81, %get3A_240] : memref<1x256xf32, #tpu.memory_space<vmem>> -> memref<1x256xf32, #tpu.memory_space<vmem>>
      %get3A_242 = tpu.memref_squeeze %get3A_241 : memref<1x256xf32, #tpu.memory_space<vmem>> -> memref<256xf32, #tpu.memory_space<vmem>>
      %get3A_243 = arith.constant 64 : index
      %get3A_244 = tpu.vector_load %get3A_242[%get3A_243] {strides = array<i32>} : memref<256xf32, #tpu.memory_space<vmem>>, vector<16xf32>,
      %get3A_245 = vector.shape_cast %get3A_244 : vector<16xf32> to vector<16xf32>
      %get3A_246 = arith.constant 0 : i32
      %get3A_247 = arith.constant 0 : i32
      %get3A_248 = tpu.memref_slice %arg6[%scan3A_80, %get3A_246, %get3A_247] : memref<2x64x256xf32, #tpu.memory_space<vmem>> -> memref<1x64x256xf32, #tpu.memory_space<vmem>>
      %get3A_249 = tpu.memref_squeeze %get3A_248 : memref<1x64x256xf32, #tpu.memory_space<vmem>> -> memref<64x256xf32, #tpu.memory_space<vmem>>
      %get3A_250 = arith.index_cast %scan3A_152 : i32 to index
      %get3A_251 = arith.constant 80 : index
      %get3A_252 = tpu.vector_load %get3A_249[%get3A_250, %get3A_251] {strides = array<i32>} : memref<64x256xf32, #tpu.memory_space<vmem>>, vector<1x16xf32>,
      %get3A_253 = vector.shape_cast %get3A_252 : vector<1x16xf32> to vector<16xf32>
      %get3A_254 = arith.constant 0 : i32
      %get3A_255 = tpu.memref_slice %arg5[%scan3A_81, %get3A_254] : memref<1x256xf32, #tpu.memory_space<vmem>> -> memref<1x256xf32, #tpu.memory_space<vmem>>
      %get3A_256 = tpu.memref_squeeze %get3A_255 : memref<1x256xf32, #tpu.memory_space<vmem>> -> memref<256xf32, #tpu.memory_space<vmem>>
      %get3A_257 = arith.constant 80 : index
      %get3A_258 = tpu.vector_load %get3A_256[%get3A_257] {strides = array<i32>} : memref<256xf32, #tpu.memory_space<vmem>>, vector<16xf32>,
      %get3A_259 = vector.shape_cast %get3A_258 : vector<16xf32> to vector<16xf32>
      %mul3A_260 = arith.mulf %get3A_239, %get3A_245 : vector<16xf32>
      %add3A_261 = arith.addf %add3A_225, %mul3A_260 : vector<16xf32>
      %mul3A_262 = arith.mulf %get3A_253, %get3A_259 : vector<16xf32>
      %add3A_263 = arith.addf %add3A_227, %mul3A_262 : vector<16xf32>
      %mul3A_264 = arith.mulf %get3A_239, %get3A_239 : vector<16xf32>
      %add3A_265 = arith.addf %add3A_229, %mul3A_264 : vector<16xf32>
      %mul3A_266 = arith.mulf %get3A_253, %get3A_253 : vector<16xf32>
      %add3A_267 = arith.addf %add3A_231, %mul3A_266 : vector<16xf32>
      %get3A_268 = arith.constant 0 : i32
      %get3A_269 = arith.constant 0 : i32
      %get3A_270 = tpu.memref_slice %arg6[%scan3A_80, %get3A_268, %get3A_269] : memref<2x64x256xf32, #tpu.memory_space<vmem>> -> memref<1x64x256xf32, #tpu.memory_space<vmem>>
      %get3A_271 = tpu.memref_squeeze %get3A_270 : memref<1x64x256xf32, #tpu.memory_space<vmem>> -> memref<64x256xf32, #tpu.memory_space<vmem>>
      %get3A_272 = arith.index_cast %scan3A_152 : i32 to index
      %get3A_273 = arith.constant 96 : index
      %get3A_274 = tpu.vector_load %get3A_271[%get3A_272, %get3A_273] {strides = array<i32>} : memref<64x256xf32, #tpu.memory_space<vmem>>, vector<1x16xf32>,
      %get3A_275 = vector.shape_cast %get3A_274 : vector<1x16xf32> to vector<16xf32>
      %get3A_276 = arith.constant 0 : i32
      %get3A_277 = tpu.memref_slice %arg5[%scan3A_81, %get3A_276] : memref<1x256xf32, #tpu.memory_space<vmem>> -> memref<1x256xf32, #tpu.memory_space<vmem>>
      %get3A_278 = tpu.memref_squeeze %get3A_277 : memref<1x256xf32, #tpu.memory_space<vmem>> -> memref<256xf32, #tpu.memory_space<vmem>>
      %get3A_279 = arith.constant 96 : index
      %get3A_280 = tpu.vector_load %get3A_278[%get3A_279] {strides = array<i32>} : memref<256xf32, #tpu.memory_space<vmem>>, vector<16xf32>,
      %get3A_281 = vector.shape_cast %get3A_280 : vector<16xf32> to vector<16xf32>
      %get3A_282 = arith.constant 0 : i32
      %get3A_283 = arith.constant 0 : i32
      %get3A_284 = tpu.memref_slice %arg6[%scan3A_80, %get3A_282, %get3A_283] : memref<2x64x256xf32, #tpu.memory_space<vmem>> -> memref<1x64x256xf32, #tpu.memory_space<vmem>>
      %get3A_285 = tpu.memref_squeeze %get3A_284 : memref<1x64x256xf32, #tpu.memory_space<vmem>> -> memref<64x256xf32, #tpu.memory_space<vmem>>
      %get3A_286 = arith.index_cast %scan3A_152 : i32 to index
      %get3A_287 = arith.constant 112 : index
      %get3A_288 = tpu.vector_load %get3A_285[%get3A_286, %get3A_287] {strides = array<i32>} : memref<64x256xf32, #tpu.memory_space<vmem>>, vector<1x16xf32>,
      %get3A_289 = vector.shape_cast %get3A_288 : vector<1x16xf32> to vector<16xf32>
      %get3A_290 = arith.constant 0 : i32
      %get3A_291 = tpu.memref_slice %arg5[%scan3A_81, %get3A_290] : memref<1x256xf32, #tpu.memory_space<vmem>> -> memref<1x256xf32, #tpu.memory_space<vmem>>
      %get3A_292 = tpu.memref_squeeze %get3A_291 : memref<1x256xf32, #tpu.memory_space<vmem>> -> memref<256xf32, #tpu.memory_space<vmem>>
      %get3A_293 = arith.constant 112 : index
      %get3A_294 = tpu.vector_load %get3A_292[%get3A_293] {strides = array<i32>} : memref<256xf32, #tpu.memory_space<vmem>>, vector<16xf32>,
      %get3A_295 = vector.shape_cast %get3A_294 : vector<16xf32> to vector<16xf32>
      %mul3A_296 = arith.mulf %get3A_275, %get3A_281 : vector<16xf32>
      %add3A_297 = arith.addf %add3A_261, %mul3A_296 : vector<16xf32>
      %mul3A_298 = arith.mulf %get3A_289, %get3A_295 : vector<16xf32>
      %add3A_299 = arith.addf %add3A_263, %mul3A_298 : vector<16xf32>
      %mul3A_300 = arith.mulf %get3A_275, %get3A_275 : vector<16xf32>
      %add3A_301 = arith.addf %add3A_265, %mul3A_300 : vector<16xf32>
      %mul3A_302 = arith.mulf %get3A_289, %get3A_289 : vector<16xf32>
      %add3A_303 = arith.addf %add3A_267, %mul3A_302 : vector<16xf32>
      %get3A_304 = arith.constant 0 : i32
      %get3A_305 = arith.constant 0 : i32
      %get3A_306 = tpu.memref_slice %arg6[%scan3A_80, %get3A_304, %get3A_305] : memref<2x64x256xf32, #tpu.memory_space<vmem>> -> memref<1x64x256xf32, #tpu.memory_space<vmem>>
      %get3A_307 = tpu.memref_squeeze %get3A_306 : memref<1x64x256xf32, #tpu.memory_space<vmem>> -> memref<64x256xf32, #tpu.memory_space<vmem>>
      %get3A_308 = arith.index_cast %scan3A_152 : i32 to index
      %get3A_309 = arith.constant 128 : index
      %get3A_310 = tpu.vector_load %get3A_307[%get3A_308, %get3A_309] {strides = array<i32>} : memref<64x256xf32, #tpu.memory_space<vmem>>, vector<1x16xf32>,
      %get3A_311 = vector.shape_cast %get3A_310 : vector<1x16xf32> to vector<16xf32>
      %get3A_312 = arith.constant 0 : i32
      %get3A_313 = tpu.memref_slice %arg5[%scan3A_81, %get3A_312] : memref<1x256xf32, #tpu.memory_space<vmem>> -> memref<1x256xf32, #tpu.memory_space<vmem>>
      %get3A_314 = tpu.memref_squeeze %get3A_313 : memref<1x256xf32, #tpu.memory_space<vmem>> -> memref<256xf32, #tpu.memory_space<vmem>>
      %get3A_315 = arith.constant 128 : index
      %get3A_316 = tpu.vector_load %get3A_314[%get3A_315] {strides = array<i32>} : memref<256xf32, #tpu.memory_space<vmem>>, vector<16xf32>,
      %get3A_317 = vector.shape_cast %get3A_316 : vector<16xf32> to vector<16xf32>
      %get3A_318 = arith.constant 0 : i32
      %get3A_319 = arith.constant 0 : i32
      %get3A_320 = tpu.memref_slice %arg6[%scan3A_80, %get3A_318, %get3A_319] : memref<2x64x256xf32, #tpu.memory_space<vmem>> -> memref<1x64x256xf32, #tpu.memory_space<vmem>>
      %get3A_321 = tpu.memref_squeeze %get3A_320 : memref<1x64x256xf32, #tpu.memory_space<vmem>> -> memref<64x256xf32, #tpu.memory_space<vmem>>
      %get3A_322 = arith.index_cast %scan3A_152 : i32 to index
      %get3A_323 = arith.constant 144 : index
      %get3A_324 = tpu.vector_load %get3A_321[%get3A_322, %get3A_323] {strides = array<i32>} : memref<64x256xf32, #tpu.memory_space<vmem>>, vector<1x16xf32>,
      %get3A_325 = vector.shape_cast %get3A_324 : vector<1x16xf32> to vector<16xf32>
      %get3A_326 = arith.constant 0 : i32
      %get3A_327 = tpu.memref_slice %arg5[%scan3A_81, %get3A_326] : memref<1x256xf32, #tpu.memory_space<vmem>> -> memref<1x256xf32, #tpu.memory_space<vmem>>
      %get3A_328 = tpu.memref_squeeze %get3A_327 : memref<1x256xf32, #tpu.memory_space<vmem>> -> memref<256xf32, #tpu.memory_space<vmem>>
      %get3A_329 = arith.constant 144 : index
      %get3A_330 = tpu.vector_load %get3A_328[%get3A_329] {strides = array<i32>} : memref<256xf32, #tpu.memory_space<vmem>>, vector<16xf32>,
      %get3A_331 = vector.shape_cast %get3A_330 : vector<16xf32> to vector<16xf32>
      %mul3A_332 = arith.mulf %get3A_311, %get3A_317 : vector<16xf32>
      %add3A_333 = arith.addf %add3A_297, %mul3A_332 : vector<16xf32>
      %mul3A_334 = arith.mulf %get3A_325, %get3A_331 : vector<16xf32>
      %add3A_335 = arith.addf %add3A_299, %mul3A_334 : vector<16xf32>
      %mul3A_336 = arith.mulf %get3A_311, %get3A_311 : vector<16xf32>
      %add3A_337 = arith.addf %add3A_301, %mul3A_336 : vector<16xf32>
      %mul3A_338 = arith.mulf %get3A_325, %get3A_325 : vector<16xf32>
      %add3A_339 = arith.addf %add3A_303, %mul3A_338 : vector<16xf32>
      %get3A_340 = arith.constant 0 : i32
      %get3A_341 = arith.constant 0 : i32
      %get3A_342 = tpu.memref_slice %arg6[%scan3A_80, %get3A_340, %get3A_341] : memref<2x64x256xf32, #tpu.memory_space<vmem>> -> memref<1x64x256xf32, #tpu.memory_space<vmem>>
      %get3A_343 = tpu.memref_squeeze %get3A_342 : memref<1x64x256xf32, #tpu.memory_space<vmem>> -> memref<64x256xf32, #tpu.memory_space<vmem>>
      %get3A_344 = arith.index_cast %scan3A_152 : i32 to index
      %get3A_345 = arith.constant 160 : index
      %get3A_346 = tpu.vector_load %get3A_343[%get3A_344, %get3A_345] {strides = array<i32>} : memref<64x256xf32, #tpu.memory_space<vmem>>, vector<1x16xf32>,
      %get3A_347 = vector.shape_cast %get3A_346 : vector<1x16xf32> to vector<16xf32>
      %get3A_348 = arith.constant 0 : i32
      %get3A_349 = tpu.memref_slice %arg5[%scan3A_81, %get3A_348] : memref<1x256xf32, #tpu.memory_space<vmem>> -> memref<1x256xf32, #tpu.memory_space<vmem>>
      %get3A_350 = tpu.memref_squeeze %get3A_349 : memref<1x256xf32, #tpu.memory_space<vmem>> -> memref<256xf32, #tpu.memory_space<vmem>>
      %get3A_351 = arith.constant 160 : index
      %get3A_352 = tpu.vector_load %get3A_350[%get3A_351] {strides = array<i32>} : memref<256xf32, #tpu.memory_space<vmem>>, vector<16xf32>,
      %get3A_353 = vector.shape_cast %get3A_352 : vector<16xf32> to vector<16xf32>
      %get3A_354 = arith.constant 0 : i32
      %get3A_355 = arith.constant 0 : i32
      %get3A_356 = tpu.memref_slice %arg6[%scan3A_80, %get3A_354, %get3A_355] : memref<2x64x256xf32, #tpu.memory_space<vmem>> -> memref<1x64x256xf32, #tpu.memory_space<vmem>>
      %get3A_357 = tpu.memref_squeeze %get3A_356 : memref<1x64x256xf32, #tpu.memory_space<vmem>> -> memref<64x256xf32, #tpu.memory_space<vmem>>
      %get3A_358 = arith.index_cast %scan3A_152 : i32 to index
      %get3A_359 = arith.constant 176 : index
      %get3A_360 = tpu.vector_load %get3A_357[%get3A_358, %get3A_359] {strides = array<i32>} : memref<64x256xf32, #tpu.memory_space<vmem>>, vector<1x16xf32>,
      %get3A_361 = vector.shape_cast %get3A_360 : vector<1x16xf32> to vector<16xf32>
      %get3A_362 = arith.constant 0 : i32
      %get3A_363 = tpu.memref_slice %arg5[%scan3A_81, %get3A_362] : memref<1x256xf32, #tpu.memory_space<vmem>> -> memref<1x256xf32, #tpu.memory_space<vmem>>
      %get3A_364 = tpu.memref_squeeze %get3A_363 : memref<1x256xf32, #tpu.memory_space<vmem>> -> memref<256xf32, #tpu.memory_space<vmem>>
      %get3A_365 = arith.constant 176 : index
      %get3A_366 = tpu.vector_load %get3A_364[%get3A_365] {strides = array<i32>} : memref<256xf32, #tpu.memory_space<vmem>>, vector<16xf32>,
      %get3A_367 = vector.shape_cast %get3A_366 : vector<16xf32> to vector<16xf32>
      %mul3A_368 = arith.mulf %get3A_347, %get3A_353 : vector<16xf32>
      %add3A_369 = arith.addf %add3A_333, %mul3A_368 : vector<16xf32>
      %mul3A_370 = arith.mulf %get3A_361, %get3A_367 : vector<16xf32>
      %add3A_371 = arith.addf %add3A_335, %mul3A_370 : vector<16xf32>
      %mul3A_372 = arith.mulf %get3A_347, %get3A_347 : vector<16xf32>
      %add3A_373 = arith.addf %add3A_337, %mul3A_372 : vector<16xf32>
      %mul3A_374 = arith.mulf %get3A_361, %get3A_361 : vector<16xf32>
      %add3A_375 = arith.addf %add3A_339, %mul3A_374 : vector<16xf32>
      %get3A_376 = arith.constant 0 : i32
      %get3A_377 = arith.constant 0 : i32
      %get3A_378 = tpu.memref_slice %arg6[%scan3A_80, %get3A_376, %get3A_377] : memref<2x64x256xf32, #tpu.memory_space<vmem>> -> memref<1x64x256xf32, #tpu.memory_space<vmem>>
      %get3A_379 = tpu.memref_squeeze %get3A_378 : memref<1x64x256xf32, #tpu.memory_space<vmem>> -> memref<64x256xf32, #tpu.memory_space<vmem>>
      %get3A_380 = arith.index_cast %scan3A_152 : i32 to index
      %get3A_381 = arith.constant 192 : index
      %get3A_382 = tpu.vector_load %get3A_379[%get3A_380, %get3A_381] {strides = array<i32>} : memref<64x256xf32, #tpu.memory_space<vmem>>, vector<1x16xf32>,
      %get3A_383 = vector.shape_cast %get3A_382 : vector<1x16xf32> to vector<16xf32>
      %get3A_384 = arith.constant 0 : i32
      %get3A_385 = tpu.memref_slice %arg5[%scan3A_81, %get3A_384] : memref<1x256xf32, #tpu.memory_space<vmem>> -> memref<1x256xf32, #tpu.memory_space<vmem>>
      %get3A_386 = tpu.memref_squeeze %get3A_385 : memref<1x256xf32, #tpu.memory_space<vmem>> -> memref<256xf32, #tpu.memory_space<vmem>>
      %get3A_387 = arith.constant 192 : index
      %get3A_388 = tpu.vector_load %get3A_386[%get3A_387] {strides = array<i32>} : memref<256xf32, #tpu.memory_space<vmem>>, vector<16xf32>,
      %get3A_389 = vector.shape_cast %get3A_388 : vector<16xf32> to vector<16xf32>
      %get3A_390 = arith.constant 0 : i32
      %get3A_391 = arith.constant 0 : i32
      %get3A_392 = tpu.memref_slice %arg6[%scan3A_80, %get3A_390, %get3A_391] : memref<2x64x256xf32, #tpu.memory_space<vmem>> -> memref<1x64x256xf32, #tpu.memory_space<vmem>>
      %get3A_393 = tpu.memref_squeeze %get3A_392 : memref<1x64x256xf32, #tpu.memory_space<vmem>> -> memref<64x256xf32, #tpu.memory_space<vmem>>
      %get3A_394 = arith.index_cast %scan3A_152 : i32 to index
      %get3A_395 = arith.constant 208 : index
      %get3A_396 = tpu.vector_load %get3A_393[%get3A_394, %get3A_395] {strides = array<i32>} : memref<64x256xf32, #tpu.memory_space<vmem>>, vector<1x16xf32>,
      %get3A_397 = vector.shape_cast %get3A_396 : vector<1x16xf32> to vector<16xf32>
      %get3A_398 = arith.constant 0 : i32
      %get3A_399 = tpu.memref_slice %arg5[%scan3A_81, %get3A_398] : memref<1x256xf32, #tpu.memory_space<vmem>> -> memref<1x256xf32, #tpu.memory_space<vmem>>
      %get3A_400 = tpu.memref_squeeze %get3A_399 : memref<1x256xf32, #tpu.memory_space<vmem>> -> memref<256xf32, #tpu.memory_space<vmem>>
      %get3A_401 = arith.constant 208 : index
      %get3A_402 = tpu.vector_load %get3A_400[%get3A_401] {strides = array<i32>} : memref<256xf32, #tpu.memory_space<vmem>>, vector<16xf32>,
      %get3A_403 = vector.shape_cast %get3A_402 : vector<16xf32> to vector<16xf32>
      %mul3A_404 = arith.mulf %get3A_383, %get3A_389 : vector<16xf32>
      %add3A_405 = arith.addf %add3A_369, %mul3A_404 : vector<16xf32>
      %mul3A_406 = arith.mulf %get3A_397, %get3A_403 : vector<16xf32>
      %add3A_407 = arith.addf %add3A_371, %mul3A_406 : vector<16xf32>
      %mul3A_408 = arith.mulf %get3A_383, %get3A_383 : vector<16xf32>
      %add3A_409 = arith.addf %add3A_373, %mul3A_408 : vector<16xf32>
      %mul3A_410 = arith.mulf %get3A_397, %get3A_397 : vector<16xf32>
      %add3A_411 = arith.addf %add3A_375, %mul3A_410 : vector<16xf32>
      %get3A_412 = arith.constant 0 : i32
      %get3A_413 = arith.constant 0 : i32
      %get3A_414 = tpu.memref_slice %arg6[%scan3A_80, %get3A_412, %get3A_413] : memref<2x64x256xf32, #tpu.memory_space<vmem>> -> memref<1x64x256xf32, #tpu.memory_space<vmem>>
      %get3A_415 = tpu.memref_squeeze %get3A_414 : memref<1x64x256xf32, #tpu.memory_space<vmem>> -> memref<64x256xf32, #tpu.memory_space<vmem>>
      %get3A_416 = arith.index_cast %scan3A_152 : i32 to index
      %get3A_417 = arith.constant 224 : index
      %get3A_418 = tpu.vector_load %get3A_415[%get3A_416, %get3A_417] {strides = array<i32>} : memref<64x256xf32, #tpu.memory_space<vmem>>, vector<1x16xf32>,
      %get3A_419 = vector.shape_cast %get3A_418 : vector<1x16xf32> to vector<16xf32>
      %get3A_420 = arith.constant 0 : i32
      %get3A_421 = tpu.memref_slice %arg5[%scan3A_81, %get3A_420] : memref<1x256xf32, #tpu.memory_space<vmem>> -> memref<1x256xf32, #tpu.memory_space<vmem>>
      %get3A_422 = tpu.memref_squeeze %get3A_421 : memref<1x256xf32, #tpu.memory_space<vmem>> -> memref<256xf32, #tpu.memory_space<vmem>>
      %get3A_423 = arith.constant 224 : index
      %get3A_424 = tpu.vector_load %get3A_422[%get3A_423] {strides = array<i32>} : memref<256xf32, #tpu.memory_space<vmem>>, vector<16xf32>,
      %get3A_425 = vector.shape_cast %get3A_424 : vector<16xf32> to vector<16xf32>
      %get3A_426 = arith.constant 0 : i32
      %get3A_427 = arith.constant 0 : i32
      %get3A_428 = tpu.memref_slice %arg6[%scan3A_80, %get3A_426, %get3A_427] : memref<2x64x256xf32, #tpu.memory_space<vmem>> -> memref<1x64x256xf32, #tpu.memory_space<vmem>>
      %get3A_429 = tpu.memref_squeeze %get3A_428 : memref<1x64x256xf32, #tpu.memory_space<vmem>> -> memref<64x256xf32, #tpu.memory_space<vmem>>
      %get3A_430 = arith.index_cast %scan3A_152 : i32 to index
      %get3A_431 = arith.constant 240 : index
      %get3A_432 = tpu.vector_load %get3A_429[%get3A_430, %get3A_431] {strides = array<i32>} : memref<64x256xf32, #tpu.memory_space<vmem>>, vector<1x16xf32>,
      %get3A_433 = vector.shape_cast %get3A_432 : vector<1x16xf32> to vector<16xf32>
      %get3A_434 = arith.constant 0 : i32
      %get3A_435 = tpu.memref_slice %arg5[%scan3A_81, %get3A_434] : memref<1x256xf32, #tpu.memory_space<vmem>> -> memref<1x256xf32, #tpu.memory_space<vmem>>
      %get3A_436 = tpu.memref_squeeze %get3A_435 : memref<1x256xf32, #tpu.memory_space<vmem>> -> memref<256xf32, #tpu.memory_space<vmem>>
      %get3A_437 = arith.constant 240 : index
      %get3A_438 = tpu.vector_load %get3A_436[%get3A_437] {strides = array<i32>} : memref<256xf32, #tpu.memory_space<vmem>>, vector<16xf32>,
      %get3A_439 = vector.shape_cast %get3A_438 : vector<16xf32> to vector<16xf32>
      %mul3A_440 = arith.mulf %get3A_419, %get3A_425 : vector<16xf32>
      %add3A_441 = arith.addf %add3A_405, %mul3A_440 : vector<16xf32>
      %mul3A_442 = arith.mulf %get3A_433, %get3A_439 : vector<16xf32>
      %add3A_443 = arith.addf %add3A_407, %mul3A_442 : vector<16xf32>
      %mul3A_444 = arith.mulf %get3A_419, %get3A_419 : vector<16xf32>
      %add3A_445 = arith.addf %add3A_409, %mul3A_444 : vector<16xf32>
      %mul3A_446 = arith.mulf %get3A_433, %get3A_433 : vector<16xf32>
      %add3A_447 = arith.addf %add3A_411, %mul3A_446 : vector<16xf32>
      %add3A_448 = arith.constant 64 : i32
      %add3A_449 = arith.addi %add3A_448, %scan3A_152 : i32
      %mul3A_450 = arith.constant 16 : i32
      %mul3A_451 = arith.muli %add3A_449, %mul3A_450 : i32
      %add3A_452 = arith.addf %add3A_441, %add3A_443 : vector<16xf32>
      %swap3A = arith.index_cast %mul3A_451 : i32 to index
      %swap3A_453 = tpu.vector_load %arg7[%swap3A] {strides = array<i32>} : memref<4096xf32, #tpu.memory_space<vmem>>, vector<16xf32>,
      %swap3A_454 = vector.shape_cast %swap3A_453 : vector<16xf32> to vector<16xf32>
      %swap3A_455 = vector.shape_cast %add3A_452 : vector<16xf32> to vector<16xf32>
      tpu.vector_store %arg7[%swap3A], %swap3A_455 {strides = array<i32>} : memref<4096xf32, #tpu.memory_space<vmem>>, vector<16xf32>,
      %add3A_456 = arith.addf %add3A_445, %add3A_447 : vector<16xf32>
      %swap3A_457 = arith.index_cast %mul3A_451 : i32 to index
      %swap3A_458 = tpu.vector_load %arg8[%swap3A_457] {strides = array<i32>} : memref<4096xf32, #tpu.memory_space<vmem>>, vector<16xf32>,
      %swap3A_459 = vector.shape_cast %swap3A_458 : vector<16xf32> to vector<16xf32>
      %swap3A_460 = vector.shape_cast %add3A_456 : vector<16xf32> to vector<16xf32>
      tpu.vector_store %arg8[%swap3A_457], %swap3A_460 {strides = array<i32>} : memref<4096xf32, #tpu.memory_space<vmem>>, vector<16xf32>,
      %scan3A_461 = arith.constant 0 : i32
      scf.yield %scan3A_461 : i32
    }
    %scan3A_88 = arith.constant 64 : i32
    %add3A_89 = arith.constant 192 : i32
    %add3A_90 = arith.addi %mul3A_2, %add3A_89 : i32
    %dma_start3A_91 = arith.constant 1 : i32
    %dma_start3A_92 = arith.constant 0 : i32
    %dma_start3A_93 = arith.constant 0 : i32
    %dma_start3A_94 = tpu.memref_slice %arg6[%dma_start3A_91, %dma_start3A_92, %dma_start3A_93] : memref<2x64x256xf32, #tpu.memory_space<vmem>> -> memref<1x64x256xf32, #tpu.memory_space<vmem>>
    %dma_start3A_95 = tpu.memref_squeeze %dma_start3A_94 : memref<1x64x256xf32, #tpu.memory_space<vmem>> -> memref<64x256xf32, #tpu.memory_space<vmem>>
    %dma_start3A_96 = arith.constant 0 : i32
    %dma_start3A_97 = tpu.memref_slice %arg2[%add3A_90, %dma_start3A_96] : memref<65553x256xf32, #tpu.memory_space<hbm>> -> memref<64x256xf32, #tpu.memory_space<hbm>>
    %dma_start3A_98 = arith.constant 0 : i32
    %dma_start3A_99 = arith.constant 0 : i32
    %dma_start3A_100 = tpu.memref_slice %arg6[%dma_start3A_91, %dma_start3A_98, %dma_start3A_99] : memref<2x64x256xf32, #tpu.memory_space<vmem>> -> memref<1x64x256xf32, #tpu.memory_space<vmem>>
    %dma_start3A_101 = tpu.memref_squeeze %dma_start3A_100 : memref<1x64x256xf32, #tpu.memory_space<vmem>> -> memref<64x256xf32, #tpu.memory_space<vmem>>
    %dma_start3A_102 = arith.constant 0 : i32
    %dma_start3A_103 = tpu.memref_slice %arg2[%add3A_90, %dma_start3A_102] : memref<65553x256xf32, #tpu.memory_space<hbm>> -> memref<64x256xf32, #tpu.memory_space<hbm>>
    tpu.enqueue_dma source(%dma_start3A_103 : memref<64x256xf32, #tpu.memory_space<hbm>>) target(%dma_start3A_101 : memref<64x256xf32, #tpu.memory_space<vmem>>) target_semaphore(%arg10 : memref<!tpu.dma_semaphore, #tpu.memory_space<semaphore_mem>>)
    %dma_wait3A_104 = arith.constant 0 : i32
    %dma_wait3A_105 = arith.constant 0 : i32
    %dma_wait3A_106 = arith.constant 0 : i32
    %dma_wait3A_107 = tpu.memref_slice %arg6[%dma_wait3A_104, %dma_wait3A_105, %dma_wait3A_106] : memref<2x64x256xf32, #tpu.memory_space<vmem>> -> memref<1x64x256xf32, #tpu.memory_space<vmem>>
    %dma_wait3A_108 = tpu.memref_squeeze %dma_wait3A_107 : memref<1x64x256xf32, #tpu.memory_space<vmem>> -> memref<64x256xf32, #tpu.memory_space<vmem>>
    %dma_wait3A_109 = arith.constant 0 : i32
    %dma_wait3A_110 = tpu.memref_slice %arg2[%add3A_53, %dma_wait3A_109] : memref<65553x256xf32, #tpu.memory_space<hbm>> -> memref<64x256xf32, #tpu.memory_space<hbm>>
    %dma_wait3A_111 = arith.constant 0 : i32
    %dma_wait3A_112 = arith.constant 0 : i32
    %dma_wait3A_113 = tpu.memref_slice %arg6[%dma_wait3A_104, %dma_wait3A_111, %dma_wait3A_112] : memref<2x64x256xf32, #tpu.memory_space<vmem>> -> memref<1x64x256xf32, #tpu.memory_space<vmem>>
    %dma_wait3A_114 = tpu.memref_squeeze %dma_wait3A_113 : memref<1x64x256xf32, #tpu.memory_space<vmem>> -> memref<64x256xf32, #tpu.memory_space<vmem>>
    %dma_wait3A_115 = arith.constant 0 : i32
    %dma_wait3A_116 = tpu.memref_slice %arg2[%add3A_53, %dma_wait3A_115] : memref<65553x256xf32, #tpu.memory_space<hbm>> -> memref<64x256xf32, #tpu.memory_space<hbm>>
    tpu.wait_dma2 semaphore(%arg9 : memref<!tpu.dma_semaphore, #tpu.memory_space<semaphore_mem>>) src(%dma_wait3A_116 : memref<64x256xf32, #tpu.memory_space<hbm>>) dst(%dma_wait3A_114 : memref<64x256xf32, #tpu.memory_space<vmem>>)
    %scan3A_117 = arith.constant 0 : i32
    %scan3A_118 = arith.constant 0 : i32
    %scan3A_119 = arith.constant 0 : i32
    %scan3A_120 = arith.constant 0 : i32
    %scan3A_121 = arith.constant 64 : i32
    %scan3A_122 = arith.addi %scan3A_120, %scan3A_121 : i32
    %scan3A_123 = arith.constant 1 : i32
    %scan3A_124 = scf.for %scan3A_152 = %scan3A_120 to %scan3A_122 step %scan3A_123 iter_args(%scan3A_153 = %scan3A_119) -> (i32)  : i32 {
      %broadcast_in_dim3A = arith.constant 0.000000e+00 : f32
      %broadcast_in_dim3A_154 = vector.broadcast %broadcast_in_dim3A : f32 to vector<16xf32>
      %broadcast_in_dim3A_155 = arith.constant 0.000000e+00 : f32
      %broadcast_in_dim3A_156 = vector.broadcast %broadcast_in_dim3A_155 : f32 to vector<16xf32>
      %broadcast_in_dim3A_157 = arith.constant 0.000000e+00 : f32
      %broadcast_in_dim3A_158 = vector.broadcast %broadcast_in_dim3A_157 : f32 to vector<16xf32>
      %broadcast_in_dim3A_159 = arith.constant 0.000000e+00 : f32
      %broadcast_in_dim3A_160 = vector.broadcast %broadcast_in_dim3A_159 : f32 to vector<16xf32>
      %get3A = arith.constant 0 : i32
      %get3A_161 = arith.constant 0 : i32
      %get3A_162 = tpu.memref_slice %arg6[%scan3A_117, %get3A, %get3A_161] : memref<2x64x256xf32, #tpu.memory_space<vmem>> -> memref<1x64x256xf32, #tpu.memory_space<vmem>>
      %get3A_163 = tpu.memref_squeeze %get3A_162 : memref<1x64x256xf32, #tpu.memory_space<vmem>> -> memref<64x256xf32, #tpu.memory_space<vmem>>
      %get3A_164 = arith.index_cast %scan3A_152 : i32 to index
      %get3A_165 = arith.constant 0 : index
      %get3A_166 = tpu.vector_load %get3A_163[%get3A_164, %get3A_165] {strides = array<i32>} : memref<64x256xf32, #tpu.memory_space<vmem>>, vector<1x16xf32>,
      %get3A_167 = vector.shape_cast %get3A_166 : vector<1x16xf32> to vector<16xf32>
      %get3A_168 = arith.constant 0 : i32
      %get3A_169 = tpu.memref_slice %arg5[%scan3A_118, %get3A_168] : memref<1x256xf32, #tpu.memory_space<vmem>> -> memref<1x256xf32, #tpu.memory_space<vmem>>
      %get3A_170 = tpu.memref_squeeze %get3A_169 : memref<1x256xf32, #tpu.memory_space<vmem>> -> memref<256xf32, #tpu.memory_space<vmem>>
      %get3A_171 = arith.constant 0 : index
      %get3A_172 = tpu.vector_load %get3A_170[%get3A_171] {strides = array<i32>} : memref<256xf32, #tpu.memory_space<vmem>>, vector<16xf32>,
      %get3A_173 = vector.shape_cast %get3A_172 : vector<16xf32> to vector<16xf32>
      %get3A_174 = arith.constant 0 : i32
      %get3A_175 = arith.constant 0 : i32
      %get3A_176 = tpu.memref_slice %arg6[%scan3A_117, %get3A_174, %get3A_175] : memref<2x64x256xf32, #tpu.memory_space<vmem>> -> memref<1x64x256xf32, #tpu.memory_space<vmem>>
      %get3A_177 = tpu.memref_squeeze %get3A_176 : memref<1x64x256xf32, #tpu.memory_space<vmem>> -> memref<64x256xf32, #tpu.memory_space<vmem>>
      %get3A_178 = arith.index_cast %scan3A_152 : i32 to index
      %get3A_179 = arith.constant 16 : index
      %get3A_180 = tpu.vector_load %get3A_177[%get3A_178, %get3A_179] {strides = array<i32>} : memref<64x256xf32, #tpu.memory_space<vmem>>, vector<1x16xf32>,
      %get3A_181 = vector.shape_cast %get3A_180 : vector<1x16xf32> to vector<16xf32>
      %get3A_182 = arith.constant 0 : i32
      %get3A_183 = tpu.memref_slice %arg5[%scan3A_118, %get3A_182] : memref<1x256xf32, #tpu.memory_space<vmem>> -> memref<1x256xf32, #tpu.memory_space<vmem>>
      %get3A_184 = tpu.memref_squeeze %get3A_183 : memref<1x256xf32, #tpu.memory_space<vmem>> -> memref<256xf32, #tpu.memory_space<vmem>>
      %get3A_185 = arith.constant 16 : index
      %get3A_186 = tpu.vector_load %get3A_184[%get3A_185] {strides = array<i32>} : memref<256xf32, #tpu.memory_space<vmem>>, vector<16xf32>,
      %get3A_187 = vector.shape_cast %get3A_186 : vector<16xf32> to vector<16xf32>
      %mul3A_188 = arith.mulf %get3A_167, %get3A_173 : vector<16xf32>
      %add3A_189 = arith.addf %broadcast_in_dim3A_154, %mul3A_188 : vector<16xf32>
      %mul3A_190 = arith.mulf %get3A_181, %get3A_187 : vector<16xf32>
      %add3A_191 = arith.addf %broadcast_in_dim3A_156, %mul3A_190 : vector<16xf32>
      %mul3A_192 = arith.mulf %get3A_167, %get3A_167 : vector<16xf32>
      %add3A_193 = arith.addf %broadcast_in_dim3A_158, %mul3A_192 : vector<16xf32>
      %mul3A_194 = arith.mulf %get3A_181, %get3A_181 : vector<16xf32>
      %add3A_195 = arith.addf %broadcast_in_dim3A_160, %mul3A_194 : vector<16xf32>
      %get3A_196 = arith.constant 0 : i32
      %get3A_197 = arith.constant 0 : i32
      %get3A_198 = tpu.memref_slice %arg6[%scan3A_117, %get3A_196, %get3A_197] : memref<2x64x256xf32, #tpu.memory_space<vmem>> -> memref<1x64x256xf32, #tpu.memory_space<vmem>>
      %get3A_199 = tpu.memref_squeeze %get3A_198 : memref<1x64x256xf32, #tpu.memory_space<vmem>> -> memref<64x256xf32, #tpu.memory_space<vmem>>
      %get3A_200 = arith.index_cast %scan3A_152 : i32 to index
      %get3A_201 = arith.constant 32 : index
      %get3A_202 = tpu.vector_load %get3A_199[%get3A_200, %get3A_201] {strides = array<i32>} : memref<64x256xf32, #tpu.memory_space<vmem>>, vector<1x16xf32>,
      %get3A_203 = vector.shape_cast %get3A_202 : vector<1x16xf32> to vector<16xf32>
      %get3A_204 = arith.constant 0 : i32
      %get3A_205 = tpu.memref_slice %arg5[%scan3A_118, %get3A_204] : memref<1x256xf32, #tpu.memory_space<vmem>> -> memref<1x256xf32, #tpu.memory_space<vmem>>
      %get3A_206 = tpu.memref_squeeze %get3A_205 : memref<1x256xf32, #tpu.memory_space<vmem>> -> memref<256xf32, #tpu.memory_space<vmem>>
      %get3A_207 = arith.constant 32 : index
      %get3A_208 = tpu.vector_load %get3A_206[%get3A_207] {strides = array<i32>} : memref<256xf32, #tpu.memory_space<vmem>>, vector<16xf32>,
      %get3A_209 = vector.shape_cast %get3A_208 : vector<16xf32> to vector<16xf32>
      %get3A_210 = arith.constant 0 : i32
      %get3A_211 = arith.constant 0 : i32
      %get3A_212 = tpu.memref_slice %arg6[%scan3A_117, %get3A_210, %get3A_211] : memref<2x64x256xf32, #tpu.memory_space<vmem>> -> memref<1x64x256xf32, #tpu.memory_space<vmem>>
      %get3A_213 = tpu.memref_squeeze %get3A_212 : memref<1x64x256xf32, #tpu.memory_space<vmem>> -> memref<64x256xf32, #tpu.memory_space<vmem>>
      %get3A_214 = arith.index_cast %scan3A_152 : i32 to index
      %get3A_215 = arith.constant 48 : index
      %get3A_216 = tpu.vector_load %get3A_213[%get3A_214, %get3A_215] {strides = array<i32>} : memref<64x256xf32, #tpu.memory_space<vmem>>, vector<1x16xf32>,
      %get3A_217 = vector.shape_cast %get3A_216 : vector<1x16xf32> to vector<16xf32>
      %get3A_218 = arith.constant 0 : i32
      %get3A_219 = tpu.memref_slice %arg5[%scan3A_118, %get3A_218] : memref<1x256xf32, #tpu.memory_space<vmem>> -> memref<1x256xf32, #tpu.memory_space<vmem>>
      %get3A_220 = tpu.memref_squeeze %get3A_219 : memref<1x256xf32, #tpu.memory_space<vmem>> -> memref<256xf32, #tpu.memory_space<vmem>>
      %get3A_221 = arith.constant 48 : index
      %get3A_222 = tpu.vector_load %get3A_220[%get3A_221] {strides = array<i32>} : memref<256xf32, #tpu.memory_space<vmem>>, vector<16xf32>,
      %get3A_223 = vector.shape_cast %get3A_222 : vector<16xf32> to vector<16xf32>
      %mul3A_224 = arith.mulf %get3A_203, %get3A_209 : vector<16xf32>
      %add3A_225 = arith.addf %add3A_189, %mul3A_224 : vector<16xf32>
      %mul3A_226 = arith.mulf %get3A_217, %get3A_223 : vector<16xf32>
      %add3A_227 = arith.addf %add3A_191, %mul3A_226 : vector<16xf32>
      %mul3A_228 = arith.mulf %get3A_203, %get3A_203 : vector<16xf32>
      %add3A_229 = arith.addf %add3A_193, %mul3A_228 : vector<16xf32>
      %mul3A_230 = arith.mulf %get3A_217, %get3A_217 : vector<16xf32>
      %add3A_231 = arith.addf %add3A_195, %mul3A_230 : vector<16xf32>
      %get3A_232 = arith.constant 0 : i32
      %get3A_233 = arith.constant 0 : i32
      %get3A_234 = tpu.memref_slice %arg6[%scan3A_117, %get3A_232, %get3A_233] : memref<2x64x256xf32, #tpu.memory_space<vmem>> -> memref<1x64x256xf32, #tpu.memory_space<vmem>>
      %get3A_235 = tpu.memref_squeeze %get3A_234 : memref<1x64x256xf32, #tpu.memory_space<vmem>> -> memref<64x256xf32, #tpu.memory_space<vmem>>
      %get3A_236 = arith.index_cast %scan3A_152 : i32 to index
      %get3A_237 = arith.constant 64 : index
      %get3A_238 = tpu.vector_load %get3A_235[%get3A_236, %get3A_237] {strides = array<i32>} : memref<64x256xf32, #tpu.memory_space<vmem>>, vector<1x16xf32>,
      %get3A_239 = vector.shape_cast %get3A_238 : vector<1x16xf32> to vector<16xf32>
      %get3A_240 = arith.constant 0 : i32
      %get3A_241 = tpu.memref_slice %arg5[%scan3A_118, %get3A_240] : memref<1x256xf32, #tpu.memory_space<vmem>> -> memref<1x256xf32, #tpu.memory_space<vmem>>
      %get3A_242 = tpu.memref_squeeze %get3A_241 : memref<1x256xf32, #tpu.memory_space<vmem>> -> memref<256xf32, #tpu.memory_space<vmem>>
      %get3A_243 = arith.constant 64 : index
      %get3A_244 = tpu.vector_load %get3A_242[%get3A_243] {strides = array<i32>} : memref<256xf32, #tpu.memory_space<vmem>>, vector<16xf32>,
      %get3A_245 = vector.shape_cast %get3A_244 : vector<16xf32> to vector<16xf32>
      %get3A_246 = arith.constant 0 : i32
      %get3A_247 = arith.constant 0 : i32
      %get3A_248 = tpu.memref_slice %arg6[%scan3A_117, %get3A_246, %get3A_247] : memref<2x64x256xf32, #tpu.memory_space<vmem>> -> memref<1x64x256xf32, #tpu.memory_space<vmem>>
      %get3A_249 = tpu.memref_squeeze %get3A_248 : memref<1x64x256xf32, #tpu.memory_space<vmem>> -> memref<64x256xf32, #tpu.memory_space<vmem>>
      %get3A_250 = arith.index_cast %scan3A_152 : i32 to index
      %get3A_251 = arith.constant 80 : index
      %get3A_252 = tpu.vector_load %get3A_249[%get3A_250, %get3A_251] {strides = array<i32>} : memref<64x256xf32, #tpu.memory_space<vmem>>, vector<1x16xf32>,
      %get3A_253 = vector.shape_cast %get3A_252 : vector<1x16xf32> to vector<16xf32>
      %get3A_254 = arith.constant 0 : i32
      %get3A_255 = tpu.memref_slice %arg5[%scan3A_118, %get3A_254] : memref<1x256xf32, #tpu.memory_space<vmem>> -> memref<1x256xf32, #tpu.memory_space<vmem>>
      %get3A_256 = tpu.memref_squeeze %get3A_255 : memref<1x256xf32, #tpu.memory_space<vmem>> -> memref<256xf32, #tpu.memory_space<vmem>>
      %get3A_257 = arith.constant 80 : index
      %get3A_258 = tpu.vector_load %get3A_256[%get3A_257] {strides = array<i32>} : memref<256xf32, #tpu.memory_space<vmem>>, vector<16xf32>,
      %get3A_259 = vector.shape_cast %get3A_258 : vector<16xf32> to vector<16xf32>
      %mul3A_260 = arith.mulf %get3A_239, %get3A_245 : vector<16xf32>
      %add3A_261 = arith.addf %add3A_225, %mul3A_260 : vector<16xf32>
      %mul3A_262 = arith.mulf %get3A_253, %get3A_259 : vector<16xf32>
      %add3A_263 = arith.addf %add3A_227, %mul3A_262 : vector<16xf32>
      %mul3A_264 = arith.mulf %get3A_239, %get3A_239 : vector<16xf32>
      %add3A_265 = arith.addf %add3A_229, %mul3A_264 : vector<16xf32>
      %mul3A_266 = arith.mulf %get3A_253, %get3A_253 : vector<16xf32>
      %add3A_267 = arith.addf %add3A_231, %mul3A_266 : vector<16xf32>
      %get3A_268 = arith.constant 0 : i32
      %get3A_269 = arith.constant 0 : i32
      %get3A_270 = tpu.memref_slice %arg6[%scan3A_117, %get3A_268, %get3A_269] : memref<2x64x256xf32, #tpu.memory_space<vmem>> -> memref<1x64x256xf32, #tpu.memory_space<vmem>>
      %get3A_271 = tpu.memref_squeeze %get3A_270 : memref<1x64x256xf32, #tpu.memory_space<vmem>> -> memref<64x256xf32, #tpu.memory_space<vmem>>
      %get3A_272 = arith.index_cast %scan3A_152 : i32 to index
      %get3A_273 = arith.constant 96 : index
      %get3A_274 = tpu.vector_load %get3A_271[%get3A_272, %get3A_273] {strides = array<i32>} : memref<64x256xf32, #tpu.memory_space<vmem>>, vector<1x16xf32>,
      %get3A_275 = vector.shape_cast %get3A_274 : vector<1x16xf32> to vector<16xf32>
      %get3A_276 = arith.constant 0 : i32
      %get3A_277 = tpu.memref_slice %arg5[%scan3A_118, %get3A_276] : memref<1x256xf32, #tpu.memory_space<vmem>> -> memref<1x256xf32, #tpu.memory_space<vmem>>
      %get3A_278 = tpu.memref_squeeze %get3A_277 : memref<1x256xf32, #tpu.memory_space<vmem>> -> memref<256xf32, #tpu.memory_space<vmem>>
      %get3A_279 = arith.constant 96 : index
      %get3A_280 = tpu.vector_load %get3A_278[%get3A_279] {strides = array<i32>} : memref<256xf32, #tpu.memory_space<vmem>>, vector<16xf32>,
      %get3A_281 = vector.shape_cast %get3A_280 : vector<16xf32> to vector<16xf32>
      %get3A_282 = arith.constant 0 : i32
      %get3A_283 = arith.constant 0 : i32
      %get3A_284 = tpu.memref_slice %arg6[%scan3A_117, %get3A_282, %get3A_283] : memref<2x64x256xf32, #tpu.memory_space<vmem>> -> memref<1x64x256xf32, #tpu.memory_space<vmem>>
      %get3A_285 = tpu.memref_squeeze %get3A_284 : memref<1x64x256xf32, #tpu.memory_space<vmem>> -> memref<64x256xf32, #tpu.memory_space<vmem>>
      %get3A_286 = arith.index_cast %scan3A_152 : i32 to index
      %get3A_287 = arith.constant 112 : index
      %get3A_288 = tpu.vector_load %get3A_285[%get3A_286, %get3A_287] {strides = array<i32>} : memref<64x256xf32, #tpu.memory_space<vmem>>, vector<1x16xf32>,
      %get3A_289 = vector.shape_cast %get3A_288 : vector<1x16xf32> to vector<16xf32>
      %get3A_290 = arith.constant 0 : i32
      %get3A_291 = tpu.memref_slice %arg5[%scan3A_118, %get3A_290] : memref<1x256xf32, #tpu.memory_space<vmem>> -> memref<1x256xf32, #tpu.memory_space<vmem>>
      %get3A_292 = tpu.memref_squeeze %get3A_291 : memref<1x256xf32, #tpu.memory_space<vmem>> -> memref<256xf32, #tpu.memory_space<vmem>>
      %get3A_293 = arith.constant 112 : index
      %get3A_294 = tpu.vector_load %get3A_292[%get3A_293] {strides = array<i32>} : memref<256xf32, #tpu.memory_space<vmem>>, vector<16xf32>,
      %get3A_295 = vector.shape_cast %get3A_294 : vector<16xf32> to vector<16xf32>
      %mul3A_296 = arith.mulf %get3A_275, %get3A_281 : vector<16xf32>
      %add3A_297 = arith.addf %add3A_261, %mul3A_296 : vector<16xf32>
      %mul3A_298 = arith.mulf %get3A_289, %get3A_295 : vector<16xf32>
      %add3A_299 = arith.addf %add3A_263, %mul3A_298 : vector<16xf32>
      %mul3A_300 = arith.mulf %get3A_275, %get3A_275 : vector<16xf32>
      %add3A_301 = arith.addf %add3A_265, %mul3A_300 : vector<16xf32>
      %mul3A_302 = arith.mulf %get3A_289, %get3A_289 : vector<16xf32>
      %add3A_303 = arith.addf %add3A_267, %mul3A_302 : vector<16xf32>
      %get3A_304 = arith.constant 0 : i32
      %get3A_305 = arith.constant 0 : i32
      %get3A_306 = tpu.memref_slice %arg6[%scan3A_117, %get3A_304, %get3A_305] : memref<2x64x256xf32, #tpu.memory_space<vmem>> -> memref<1x64x256xf32, #tpu.memory_space<vmem>>
      %get3A_307 = tpu.memref_squeeze %get3A_306 : memref<1x64x256xf32, #tpu.memory_space<vmem>> -> memref<64x256xf32, #tpu.memory_space<vmem>>
      %get3A_308 = arith.index_cast %scan3A_152 : i32 to index
      %get3A_309 = arith.constant 128 : index
      %get3A_310 = tpu.vector_load %get3A_307[%get3A_308, %get3A_309] {strides = array<i32>} : memref<64x256xf32, #tpu.memory_space<vmem>>, vector<1x16xf32>,
      %get3A_311 = vector.shape_cast %get3A_310 : vector<1x16xf32> to vector<16xf32>
      %get3A_312 = arith.constant 0 : i32
      %get3A_313 = tpu.memref_slice %arg5[%scan3A_118, %get3A_312] : memref<1x256xf32, #tpu.memory_space<vmem>> -> memref<1x256xf32, #tpu.memory_space<vmem>>
      %get3A_314 = tpu.memref_squeeze %get3A_313 : memref<1x256xf32, #tpu.memory_space<vmem>> -> memref<256xf32, #tpu.memory_space<vmem>>
      %get3A_315 = arith.constant 128 : index
      %get3A_316 = tpu.vector_load %get3A_314[%get3A_315] {strides = array<i32>} : memref<256xf32, #tpu.memory_space<vmem>>, vector<16xf32>,
      %get3A_317 = vector.shape_cast %get3A_316 : vector<16xf32> to vector<16xf32>
      %get3A_318 = arith.constant 0 : i32
      %get3A_319 = arith.constant 0 : i32
      %get3A_320 = tpu.memref_slice %arg6[%scan3A_117, %get3A_318, %get3A_319] : memref<2x64x256xf32, #tpu.memory_space<vmem>> -> memref<1x64x256xf32, #tpu.memory_space<vmem>>
      %get3A_321 = tpu.memref_squeeze %get3A_320 : memref<1x64x256xf32, #tpu.memory_space<vmem>> -> memref<64x256xf32, #tpu.memory_space<vmem>>
      %get3A_322 = arith.index_cast %scan3A_152 : i32 to index
      %get3A_323 = arith.constant 144 : index
      %get3A_324 = tpu.vector_load %get3A_321[%get3A_322, %get3A_323] {strides = array<i32>} : memref<64x256xf32, #tpu.memory_space<vmem>>, vector<1x16xf32>,
      %get3A_325 = vector.shape_cast %get3A_324 : vector<1x16xf32> to vector<16xf32>
      %get3A_326 = arith.constant 0 : i32
      %get3A_327 = tpu.memref_slice %arg5[%scan3A_118, %get3A_326] : memref<1x256xf32, #tpu.memory_space<vmem>> -> memref<1x256xf32, #tpu.memory_space<vmem>>
      %get3A_328 = tpu.memref_squeeze %get3A_327 : memref<1x256xf32, #tpu.memory_space<vmem>> -> memref<256xf32, #tpu.memory_space<vmem>>
      %get3A_329 = arith.constant 144 : index
      %get3A_330 = tpu.vector_load %get3A_328[%get3A_329] {strides = array<i32>} : memref<256xf32, #tpu.memory_space<vmem>>, vector<16xf32>,
      %get3A_331 = vector.shape_cast %get3A_330 : vector<16xf32> to vector<16xf32>
      %mul3A_332 = arith.mulf %get3A_311, %get3A_317 : vector<16xf32>
      %add3A_333 = arith.addf %add3A_297, %mul3A_332 : vector<16xf32>
      %mul3A_334 = arith.mulf %get3A_325, %get3A_331 : vector<16xf32>
      %add3A_335 = arith.addf %add3A_299, %mul3A_334 : vector<16xf32>
      %mul3A_336 = arith.mulf %get3A_311, %get3A_311 : vector<16xf32>
      %add3A_337 = arith.addf %add3A_301, %mul3A_336 : vector<16xf32>
      %mul3A_338 = arith.mulf %get3A_325, %get3A_325 : vector<16xf32>
      %add3A_339 = arith.addf %add3A_303, %mul3A_338 : vector<16xf32>
      %get3A_340 = arith.constant 0 : i32
      %get3A_341 = arith.constant 0 : i32
      %get3A_342 = tpu.memref_slice %arg6[%scan3A_117, %get3A_340, %get3A_341] : memref<2x64x256xf32, #tpu.memory_space<vmem>> -> memref<1x64x256xf32, #tpu.memory_space<vmem>>
      %get3A_343 = tpu.memref_squeeze %get3A_342 : memref<1x64x256xf32, #tpu.memory_space<vmem>> -> memref<64x256xf32, #tpu.memory_space<vmem>>
      %get3A_344 = arith.index_cast %scan3A_152 : i32 to index
      %get3A_345 = arith.constant 160 : index
      %get3A_346 = tpu.vector_load %get3A_343[%get3A_344, %get3A_345] {strides = array<i32>} : memref<64x256xf32, #tpu.memory_space<vmem>>, vector<1x16xf32>,
      %get3A_347 = vector.shape_cast %get3A_346 : vector<1x16xf32> to vector<16xf32>
      %get3A_348 = arith.constant 0 : i32
      %get3A_349 = tpu.memref_slice %arg5[%scan3A_118, %get3A_348] : memref<1x256xf32, #tpu.memory_space<vmem>> -> memref<1x256xf32, #tpu.memory_space<vmem>>
      %get3A_350 = tpu.memref_squeeze %get3A_349 : memref<1x256xf32, #tpu.memory_space<vmem>> -> memref<256xf32, #tpu.memory_space<vmem>>
      %get3A_351 = arith.constant 160 : index
      %get3A_352 = tpu.vector_load %get3A_350[%get3A_351] {strides = array<i32>} : memref<256xf32, #tpu.memory_space<vmem>>, vector<16xf32>,
      %get3A_353 = vector.shape_cast %get3A_352 : vector<16xf32> to vector<16xf32>
      %get3A_354 = arith.constant 0 : i32
      %get3A_355 = arith.constant 0 : i32
      %get3A_356 = tpu.memref_slice %arg6[%scan3A_117, %get3A_354, %get3A_355] : memref<2x64x256xf32, #tpu.memory_space<vmem>> -> memref<1x64x256xf32, #tpu.memory_space<vmem>>
      %get3A_357 = tpu.memref_squeeze %get3A_356 : memref<1x64x256xf32, #tpu.memory_space<vmem>> -> memref<64x256xf32, #tpu.memory_space<vmem>>
      %get3A_358 = arith.index_cast %scan3A_152 : i32 to index
      %get3A_359 = arith.constant 176 : index
      %get3A_360 = tpu.vector_load %get3A_357[%get3A_358, %get3A_359] {strides = array<i32>} : memref<64x256xf32, #tpu.memory_space<vmem>>, vector<1x16xf32>,
      %get3A_361 = vector.shape_cast %get3A_360 : vector<1x16xf32> to vector<16xf32>
      %get3A_362 = arith.constant 0 : i32
      %get3A_363 = tpu.memref_slice %arg5[%scan3A_118, %get3A_362] : memref<1x256xf32, #tpu.memory_space<vmem>> -> memref<1x256xf32, #tpu.memory_space<vmem>>
      %get3A_364 = tpu.memref_squeeze %get3A_363 : memref<1x256xf32, #tpu.memory_space<vmem>> -> memref<256xf32, #tpu.memory_space<vmem>>
      %get3A_365 = arith.constant 176 : index
      %get3A_366 = tpu.vector_load %get3A_364[%get3A_365] {strides = array<i32>} : memref<256xf32, #tpu.memory_space<vmem>>, vector<16xf32>,
      %get3A_367 = vector.shape_cast %get3A_366 : vector<16xf32> to vector<16xf32>
      %mul3A_368 = arith.mulf %get3A_347, %get3A_353 : vector<16xf32>
      %add3A_369 = arith.addf %add3A_333, %mul3A_368 : vector<16xf32>
      %mul3A_370 = arith.mulf %get3A_361, %get3A_367 : vector<16xf32>
      %add3A_371 = arith.addf %add3A_335, %mul3A_370 : vector<16xf32>
      %mul3A_372 = arith.mulf %get3A_347, %get3A_347 : vector<16xf32>
      %add3A_373 = arith.addf %add3A_337, %mul3A_372 : vector<16xf32>
      %mul3A_374 = arith.mulf %get3A_361, %get3A_361 : vector<16xf32>
      %add3A_375 = arith.addf %add3A_339, %mul3A_374 : vector<16xf32>
      %get3A_376 = arith.constant 0 : i32
      %get3A_377 = arith.constant 0 : i32
      %get3A_378 = tpu.memref_slice %arg6[%scan3A_117, %get3A_376, %get3A_377] : memref<2x64x256xf32, #tpu.memory_space<vmem>> -> memref<1x64x256xf32, #tpu.memory_space<vmem>>
      %get3A_379 = tpu.memref_squeeze %get3A_378 : memref<1x64x256xf32, #tpu.memory_space<vmem>> -> memref<64x256xf32, #tpu.memory_space<vmem>>
      %get3A_380 = arith.index_cast %scan3A_152 : i32 to index
      %get3A_381 = arith.constant 192 : index
      %get3A_382 = tpu.vector_load %get3A_379[%get3A_380, %get3A_381] {strides = array<i32>} : memref<64x256xf32, #tpu.memory_space<vmem>>, vector<1x16xf32>,
      %get3A_383 = vector.shape_cast %get3A_382 : vector<1x16xf32> to vector<16xf32>
      %get3A_384 = arith.constant 0 : i32
      %get3A_385 = tpu.memref_slice %arg5[%scan3A_118, %get3A_384] : memref<1x256xf32, #tpu.memory_space<vmem>> -> memref<1x256xf32, #tpu.memory_space<vmem>>
      %get3A_386 = tpu.memref_squeeze %get3A_385 : memref<1x256xf32, #tpu.memory_space<vmem>> -> memref<256xf32, #tpu.memory_space<vmem>>
      %get3A_387 = arith.constant 192 : index
      %get3A_388 = tpu.vector_load %get3A_386[%get3A_387] {strides = array<i32>} : memref<256xf32, #tpu.memory_space<vmem>>, vector<16xf32>,
      %get3A_389 = vector.shape_cast %get3A_388 : vector<16xf32> to vector<16xf32>
      %get3A_390 = arith.constant 0 : i32
      %get3A_391 = arith.constant 0 : i32
      %get3A_392 = tpu.memref_slice %arg6[%scan3A_117, %get3A_390, %get3A_391] : memref<2x64x256xf32, #tpu.memory_space<vmem>> -> memref<1x64x256xf32, #tpu.memory_space<vmem>>
      %get3A_393 = tpu.memref_squeeze %get3A_392 : memref<1x64x256xf32, #tpu.memory_space<vmem>> -> memref<64x256xf32, #tpu.memory_space<vmem>>
      %get3A_394 = arith.index_cast %scan3A_152 : i32 to index
      %get3A_395 = arith.constant 208 : index
      %get3A_396 = tpu.vector_load %get3A_393[%get3A_394, %get3A_395] {strides = array<i32>} : memref<64x256xf32, #tpu.memory_space<vmem>>, vector<1x16xf32>,
      %get3A_397 = vector.shape_cast %get3A_396 : vector<1x16xf32> to vector<16xf32>
      %get3A_398 = arith.constant 0 : i32
      %get3A_399 = tpu.memref_slice %arg5[%scan3A_118, %get3A_398] : memref<1x256xf32, #tpu.memory_space<vmem>> -> memref<1x256xf32, #tpu.memory_space<vmem>>
      %get3A_400 = tpu.memref_squeeze %get3A_399 : memref<1x256xf32, #tpu.memory_space<vmem>> -> memref<256xf32, #tpu.memory_space<vmem>>
      %get3A_401 = arith.constant 208 : index
      %get3A_402 = tpu.vector_load %get3A_400[%get3A_401] {strides = array<i32>} : memref<256xf32, #tpu.memory_space<vmem>>, vector<16xf32>,
      %get3A_403 = vector.shape_cast %get3A_402 : vector<16xf32> to vector<16xf32>
      %mul3A_404 = arith.mulf %get3A_383, %get3A_389 : vector<16xf32>
      %add3A_405 = arith.addf %add3A_369, %mul3A_404 : vector<16xf32>
      %mul3A_406 = arith.mulf %get3A_397, %get3A_403 : vector<16xf32>
      %add3A_407 = arith.addf %add3A_371, %mul3A_406 : vector<16xf32>
      %mul3A_408 = arith.mulf %get3A_383, %get3A_383 : vector<16xf32>
      %add3A_409 = arith.addf %add3A_373, %mul3A_408 : vector<16xf32>
      %mul3A_410 = arith.mulf %get3A_397, %get3A_397 : vector<16xf32>
      %add3A_411 = arith.addf %add3A_375, %mul3A_410 : vector<16xf32>
      %get3A_412 = arith.constant 0 : i32
      %get3A_413 = arith.constant 0 : i32
      %get3A_414 = tpu.memref_slice %arg6[%scan3A_117, %get3A_412, %get3A_413] : memref<2x64x256xf32, #tpu.memory_space<vmem>> -> memref<1x64x256xf32, #tpu.memory_space<vmem>>
      %get3A_415 = tpu.memref_squeeze %get3A_414 : memref<1x64x256xf32, #tpu.memory_space<vmem>> -> memref<64x256xf32, #tpu.memory_space<vmem>>
      %get3A_416 = arith.index_cast %scan3A_152 : i32 to index
      %get3A_417 = arith.constant 224 : index
      %get3A_418 = tpu.vector_load %get3A_415[%get3A_416, %get3A_417] {strides = array<i32>} : memref<64x256xf32, #tpu.memory_space<vmem>>, vector<1x16xf32>,
      %get3A_419 = vector.shape_cast %get3A_418 : vector<1x16xf32> to vector<16xf32>
      %get3A_420 = arith.constant 0 : i32
      %get3A_421 = tpu.memref_slice %arg5[%scan3A_118, %get3A_420] : memref<1x256xf32, #tpu.memory_space<vmem>> -> memref<1x256xf32, #tpu.memory_space<vmem>>
      %get3A_422 = tpu.memref_squeeze %get3A_421 : memref<1x256xf32, #tpu.memory_space<vmem>> -> memref<256xf32, #tpu.memory_space<vmem>>
      %get3A_423 = arith.constant 224 : index
      %get3A_424 = tpu.vector_load %get3A_422[%get3A_423] {strides = array<i32>} : memref<256xf32, #tpu.memory_space<vmem>>, vector<16xf32>,
      %get3A_425 = vector.shape_cast %get3A_424 : vector<16xf32> to vector<16xf32>
      %get3A_426 = arith.constant 0 : i32
      %get3A_427 = arith.constant 0 : i32
      %get3A_428 = tpu.memref_slice %arg6[%scan3A_117, %get3A_426, %get3A_427] : memref<2x64x256xf32, #tpu.memory_space<vmem>> -> memref<1x64x256xf32, #tpu.memory_space<vmem>>
      %get3A_429 = tpu.memref_squeeze %get3A_428 : memref<1x64x256xf32, #tpu.memory_space<vmem>> -> memref<64x256xf32, #tpu.memory_space<vmem>>
      %get3A_430 = arith.index_cast %scan3A_152 : i32 to index
      %get3A_431 = arith.constant 240 : index
      %get3A_432 = tpu.vector_load %get3A_429[%get3A_430, %get3A_431] {strides = array<i32>} : memref<64x256xf32, #tpu.memory_space<vmem>>, vector<1x16xf32>,
      %get3A_433 = vector.shape_cast %get3A_432 : vector<1x16xf32> to vector<16xf32>
      %get3A_434 = arith.constant 0 : i32
      %get3A_435 = tpu.memref_slice %arg5[%scan3A_118, %get3A_434] : memref<1x256xf32, #tpu.memory_space<vmem>> -> memref<1x256xf32, #tpu.memory_space<vmem>>
      %get3A_436 = tpu.memref_squeeze %get3A_435 : memref<1x256xf32, #tpu.memory_space<vmem>> -> memref<256xf32, #tpu.memory_space<vmem>>
      %get3A_437 = arith.constant 240 : index
      %get3A_438 = tpu.vector_load %get3A_436[%get3A_437] {strides = array<i32>} : memref<256xf32, #tpu.memory_space<vmem>>, vector<16xf32>,
      %get3A_439 = vector.shape_cast %get3A_438 : vector<16xf32> to vector<16xf32>
      %mul3A_440 = arith.mulf %get3A_419, %get3A_425 : vector<16xf32>
      %add3A_441 = arith.addf %add3A_405, %mul3A_440 : vector<16xf32>
      %mul3A_442 = arith.mulf %get3A_433, %get3A_439 : vector<16xf32>
      %add3A_443 = arith.addf %add3A_407, %mul3A_442 : vector<16xf32>
      %mul3A_444 = arith.mulf %get3A_419, %get3A_419 : vector<16xf32>
      %add3A_445 = arith.addf %add3A_409, %mul3A_444 : vector<16xf32>
      %mul3A_446 = arith.mulf %get3A_433, %get3A_433 : vector<16xf32>
      %add3A_447 = arith.addf %add3A_411, %mul3A_446 : vector<16xf32>
      %add3A_448 = arith.constant 128 : i32
      %add3A_449 = arith.addi %add3A_448, %scan3A_152 : i32
      %mul3A_450 = arith.constant 16 : i32
      %mul3A_451 = arith.muli %add3A_449, %mul3A_450 : i32
      %add3A_452 = arith.addf %add3A_441, %add3A_443 : vector<16xf32>
      %swap3A = arith.index_cast %mul3A_451 : i32 to index
      %swap3A_453 = tpu.vector_load %arg7[%swap3A] {strides = array<i32>} : memref<4096xf32, #tpu.memory_space<vmem>>, vector<16xf32>,
      %swap3A_454 = vector.shape_cast %swap3A_453 : vector<16xf32> to vector<16xf32>
      %swap3A_455 = vector.shape_cast %add3A_452 : vector<16xf32> to vector<16xf32>
      tpu.vector_store %arg7[%swap3A], %swap3A_455 {strides = array<i32>} : memref<4096xf32, #tpu.memory_space<vmem>>, vector<16xf32>,
      %add3A_456 = arith.addf %add3A_445, %add3A_447 : vector<16xf32>
      %swap3A_457 = arith.index_cast %mul3A_451 : i32 to index
      %swap3A_458 = tpu.vector_load %arg8[%swap3A_457] {strides = array<i32>} : memref<4096xf32, #tpu.memory_space<vmem>>, vector<16xf32>,
      %swap3A_459 = vector.shape_cast %swap3A_458 : vector<16xf32> to vector<16xf32>
      %swap3A_460 = vector.shape_cast %add3A_456 : vector<16xf32> to vector<16xf32>
      tpu.vector_store %arg8[%swap3A_457], %swap3A_460 {strides = array<i32>} : memref<4096xf32, #tpu.memory_space<vmem>>, vector<16xf32>,
      %scan3A_461 = arith.constant 0 : i32
      scf.yield %scan3A_461 : i32
    }
    %scan3A_125 = arith.constant 64 : i32
    %dma_wait3A_126 = arith.constant 1 : i32
    %dma_wait3A_127 = arith.constant 0 : i32
    %dma_wait3A_128 = arith.constant 0 : i32
    %dma_wait3A_129 = tpu.memref_slice %arg6[%dma_wait3A_126, %dma_wait3A_127, %dma_wait3A_128] : memref<2x64x256xf32, #tpu.memory_space<vmem>> -> memref<1x64x256xf32, #tpu.memory_space<vmem>>
    %dma_wait3A_130 = tpu.memref_squeeze %dma_wait3A_129 : memref<1x64x256xf32, #tpu.memory_space<vmem>> -> memref<64x256xf32, #tpu.memory_space<vmem>>
    %dma_wait3A_131 = arith.constant 0 : i32
    %dma_wait3A_132 = tpu.memref_slice %arg2[%add3A_90, %dma_wait3A_131] : memref<65553x256xf32, #tpu.memory_space<hbm>> -> memref<64x256xf32, #tpu.memory_space<hbm>>
    %dma_wait3A_133 = arith.constant 0 : i32
    %dma_wait3A_134 = arith.constant 0 : i32
    %dma_wait3A_135 = tpu.memref_slice %arg6[%dma_wait3A_126, %dma_wait3A_133, %dma_wait3A_134] : memref<2x64x256xf32, #tpu.memory_space<vmem>> -> memref<1x64x256xf32, #tpu.memory_space<vmem>>
    %dma_wait3A_136 = tpu.memref_squeeze %dma_wait3A_135 : memref<1x64x256xf32, #tpu.memory_space<vmem>> -> memref<64x256xf32, #tpu.memory_space<vmem>>
    %dma_wait3A_137 = arith.constant 0 : i32
    %dma_wait3A_138 = tpu.memref_slice %arg2[%add3A_90, %dma_wait3A_137] : memref<65553x256xf32, #tpu.memory_space<hbm>> -> memref<64x256xf32, #tpu.memory_space<hbm>>
    tpu.wait_dma2 semaphore(%arg10 : memref<!tpu.dma_semaphore, #tpu.memory_space<semaphore_mem>>) src(%dma_wait3A_138 : memref<64x256xf32, #tpu.memory_space<hbm>>) dst(%dma_wait3A_136 : memref<64x256xf32, #tpu.memory_space<vmem>>)
    %scan3A_139 = arith.constant 1 : i32
    %scan3A_140 = arith.constant 0 : i32
    %scan3A_141 = arith.constant 0 : i32
    %scan3A_142 = arith.constant 0 : i32
    %scan3A_143 = arith.constant 64 : i32
    %scan3A_144 = arith.addi %scan3A_142, %scan3A_143 : i32
    %scan3A_145 = arith.constant 1 : i32
    %scan3A_146 = scf.for %scan3A_152 = %scan3A_142 to %scan3A_144 step %scan3A_145 iter_args(%scan3A_153 = %scan3A_141) -> (i32)  : i32 {
      %broadcast_in_dim3A = arith.constant 0.000000e+00 : f32
      %broadcast_in_dim3A_154 = vector.broadcast %broadcast_in_dim3A : f32 to vector<16xf32>
      %broadcast_in_dim3A_155 = arith.constant 0.000000e+00 : f32
      %broadcast_in_dim3A_156 = vector.broadcast %broadcast_in_dim3A_155 : f32 to vector<16xf32>
      %broadcast_in_dim3A_157 = arith.constant 0.000000e+00 : f32
      %broadcast_in_dim3A_158 = vector.broadcast %broadcast_in_dim3A_157 : f32 to vector<16xf32>
      %broadcast_in_dim3A_159 = arith.constant 0.000000e+00 : f32
      %broadcast_in_dim3A_160 = vector.broadcast %broadcast_in_dim3A_159 : f32 to vector<16xf32>
      %get3A = arith.constant 0 : i32
      %get3A_161 = arith.constant 0 : i32
      %get3A_162 = tpu.memref_slice %arg6[%scan3A_139, %get3A, %get3A_161] : memref<2x64x256xf32, #tpu.memory_space<vmem>> -> memref<1x64x256xf32, #tpu.memory_space<vmem>>
      %get3A_163 = tpu.memref_squeeze %get3A_162 : memref<1x64x256xf32, #tpu.memory_space<vmem>> -> memref<64x256xf32, #tpu.memory_space<vmem>>
      %get3A_164 = arith.index_cast %scan3A_152 : i32 to index
      %get3A_165 = arith.constant 0 : index
      %get3A_166 = tpu.vector_load %get3A_163[%get3A_164, %get3A_165] {strides = array<i32>} : memref<64x256xf32, #tpu.memory_space<vmem>>, vector<1x16xf32>,
      %get3A_167 = vector.shape_cast %get3A_166 : vector<1x16xf32> to vector<16xf32>
      %get3A_168 = arith.constant 0 : i32
      %get3A_169 = tpu.memref_slice %arg5[%scan3A_140, %get3A_168] : memref<1x256xf32, #tpu.memory_space<vmem>> -> memref<1x256xf32, #tpu.memory_space<vmem>>
      %get3A_170 = tpu.memref_squeeze %get3A_169 : memref<1x256xf32, #tpu.memory_space<vmem>> -> memref<256xf32, #tpu.memory_space<vmem>>
      %get3A_171 = arith.constant 0 : index
      %get3A_172 = tpu.vector_load %get3A_170[%get3A_171] {strides = array<i32>} : memref<256xf32, #tpu.memory_space<vmem>>, vector<16xf32>,
      %get3A_173 = vector.shape_cast %get3A_172 : vector<16xf32> to vector<16xf32>
      %get3A_174 = arith.constant 0 : i32
      %get3A_175 = arith.constant 0 : i32
      %get3A_176 = tpu.memref_slice %arg6[%scan3A_139, %get3A_174, %get3A_175] : memref<2x64x256xf32, #tpu.memory_space<vmem>> -> memref<1x64x256xf32, #tpu.memory_space<vmem>>
      %get3A_177 = tpu.memref_squeeze %get3A_176 : memref<1x64x256xf32, #tpu.memory_space<vmem>> -> memref<64x256xf32, #tpu.memory_space<vmem>>
      %get3A_178 = arith.index_cast %scan3A_152 : i32 to index
      %get3A_179 = arith.constant 16 : index
      %get3A_180 = tpu.vector_load %get3A_177[%get3A_178, %get3A_179] {strides = array<i32>} : memref<64x256xf32, #tpu.memory_space<vmem>>, vector<1x16xf32>,
      %get3A_181 = vector.shape_cast %get3A_180 : vector<1x16xf32> to vector<16xf32>
      %get3A_182 = arith.constant 0 : i32
      %get3A_183 = tpu.memref_slice %arg5[%scan3A_140, %get3A_182] : memref<1x256xf32, #tpu.memory_space<vmem>> -> memref<1x256xf32, #tpu.memory_space<vmem>>
      %get3A_184 = tpu.memref_squeeze %get3A_183 : memref<1x256xf32, #tpu.memory_space<vmem>> -> memref<256xf32, #tpu.memory_space<vmem>>
      %get3A_185 = arith.constant 16 : index
      %get3A_186 = tpu.vector_load %get3A_184[%get3A_185] {strides = array<i32>} : memref<256xf32, #tpu.memory_space<vmem>>, vector<16xf32>,
      %get3A_187 = vector.shape_cast %get3A_186 : vector<16xf32> to vector<16xf32>
      %mul3A_188 = arith.mulf %get3A_167, %get3A_173 : vector<16xf32>
      %add3A_189 = arith.addf %broadcast_in_dim3A_154, %mul3A_188 : vector<16xf32>
      %mul3A_190 = arith.mulf %get3A_181, %get3A_187 : vector<16xf32>
      %add3A_191 = arith.addf %broadcast_in_dim3A_156, %mul3A_190 : vector<16xf32>
      %mul3A_192 = arith.mulf %get3A_167, %get3A_167 : vector<16xf32>
      %add3A_193 = arith.addf %broadcast_in_dim3A_158, %mul3A_192 : vector<16xf32>
      %mul3A_194 = arith.mulf %get3A_181, %get3A_181 : vector<16xf32>
      %add3A_195 = arith.addf %broadcast_in_dim3A_160, %mul3A_194 : vector<16xf32>
      %get3A_196 = arith.constant 0 : i32
      %get3A_197 = arith.constant 0 : i32
      %get3A_198 = tpu.memref_slice %arg6[%scan3A_139, %get3A_196, %get3A_197] : memref<2x64x256xf32, #tpu.memory_space<vmem>> -> memref<1x64x256xf32, #tpu.memory_space<vmem>>
      %get3A_199 = tpu.memref_squeeze %get3A_198 : memref<1x64x256xf32, #tpu.memory_space<vmem>> -> memref<64x256xf32, #tpu.memory_space<vmem>>
      %get3A_200 = arith.index_cast %scan3A_152 : i32 to index
      %get3A_201 = arith.constant 32 : index
      %get3A_202 = tpu.vector_load %get3A_199[%get3A_200, %get3A_201] {strides = array<i32>} : memref<64x256xf32, #tpu.memory_space<vmem>>, vector<1x16xf32>,
      %get3A_203 = vector.shape_cast %get3A_202 : vector<1x16xf32> to vector<16xf32>
      %get3A_204 = arith.constant 0 : i32
      %get3A_205 = tpu.memref_slice %arg5[%scan3A_140, %get3A_204] : memref<1x256xf32, #tpu.memory_space<vmem>> -> memref<1x256xf32, #tpu.memory_space<vmem>>
      %get3A_206 = tpu.memref_squeeze %get3A_205 : memref<1x256xf32, #tpu.memory_space<vmem>> -> memref<256xf32, #tpu.memory_space<vmem>>
      %get3A_207 = arith.constant 32 : index
      %get3A_208 = tpu.vector_load %get3A_206[%get3A_207] {strides = array<i32>} : memref<256xf32, #tpu.memory_space<vmem>>, vector<16xf32>,
      %get3A_209 = vector.shape_cast %get3A_208 : vector<16xf32> to vector<16xf32>
      %get3A_210 = arith.constant 0 : i32
      %get3A_211 = arith.constant 0 : i32
      %get3A_212 = tpu.memref_slice %arg6[%scan3A_139, %get3A_210, %get3A_211] : memref<2x64x256xf32, #tpu.memory_space<vmem>> -> memref<1x64x256xf32, #tpu.memory_space<vmem>>
      %get3A_213 = tpu.memref_squeeze %get3A_212 : memref<1x64x256xf32, #tpu.memory_space<vmem>> -> memref<64x256xf32, #tpu.memory_space<vmem>>
      %get3A_214 = arith.index_cast %scan3A_152 : i32 to index
      %get3A_215 = arith.constant 48 : index
      %get3A_216 = tpu.vector_load %get3A_213[%get3A_214, %get3A_215] {strides = array<i32>} : memref<64x256xf32, #tpu.memory_space<vmem>>, vector<1x16xf32>,
      %get3A_217 = vector.shape_cast %get3A_216 : vector<1x16xf32> to vector<16xf32>
      %get3A_218 = arith.constant 0 : i32
      %get3A_219 = tpu.memref_slice %arg5[%scan3A_140, %get3A_218] : memref<1x256xf32, #tpu.memory_space<vmem>> -> memref<1x256xf32, #tpu.memory_space<vmem>>
      %get3A_220 = tpu.memref_squeeze %get3A_219 : memref<1x256xf32, #tpu.memory_space<vmem>> -> memref<256xf32, #tpu.memory_space<vmem>>
      %get3A_221 = arith.constant 48 : index
      %get3A_222 = tpu.vector_load %get3A_220[%get3A_221] {strides = array<i32>} : memref<256xf32, #tpu.memory_space<vmem>>, vector<16xf32>,
      %get3A_223 = vector.shape_cast %get3A_222 : vector<16xf32> to vector<16xf32>
      %mul3A_224 = arith.mulf %get3A_203, %get3A_209 : vector<16xf32>
      %add3A_225 = arith.addf %add3A_189, %mul3A_224 : vector<16xf32>
      %mul3A_226 = arith.mulf %get3A_217, %get3A_223 : vector<16xf32>
      %add3A_227 = arith.addf %add3A_191, %mul3A_226 : vector<16xf32>
      %mul3A_228 = arith.mulf %get3A_203, %get3A_203 : vector<16xf32>
      %add3A_229 = arith.addf %add3A_193, %mul3A_228 : vector<16xf32>
      %mul3A_230 = arith.mulf %get3A_217, %get3A_217 : vector<16xf32>
      %add3A_231 = arith.addf %add3A_195, %mul3A_230 : vector<16xf32>
      %get3A_232 = arith.constant 0 : i32
      %get3A_233 = arith.constant 0 : i32
      %get3A_234 = tpu.memref_slice %arg6[%scan3A_139, %get3A_232, %get3A_233] : memref<2x64x256xf32, #tpu.memory_space<vmem>> -> memref<1x64x256xf32, #tpu.memory_space<vmem>>
      %get3A_235 = tpu.memref_squeeze %get3A_234 : memref<1x64x256xf32, #tpu.memory_space<vmem>> -> memref<64x256xf32, #tpu.memory_space<vmem>>
      %get3A_236 = arith.index_cast %scan3A_152 : i32 to index
      %get3A_237 = arith.constant 64 : index
      %get3A_238 = tpu.vector_load %get3A_235[%get3A_236, %get3A_237] {strides = array<i32>} : memref<64x256xf32, #tpu.memory_space<vmem>>, vector<1x16xf32>,
      %get3A_239 = vector.shape_cast %get3A_238 : vector<1x16xf32> to vector<16xf32>
      %get3A_240 = arith.constant 0 : i32
      %get3A_241 = tpu.memref_slice %arg5[%scan3A_140, %get3A_240] : memref<1x256xf32, #tpu.memory_space<vmem>> -> memref<1x256xf32, #tpu.memory_space<vmem>>
      %get3A_242 = tpu.memref_squeeze %get3A_241 : memref<1x256xf32, #tpu.memory_space<vmem>> -> memref<256xf32, #tpu.memory_space<vmem>>
      %get3A_243 = arith.constant 64 : index
      %get3A_244 = tpu.vector_load %get3A_242[%get3A_243] {strides = array<i32>} : memref<256xf32, #tpu.memory_space<vmem>>, vector<16xf32>,
      %get3A_245 = vector.shape_cast %get3A_244 : vector<16xf32> to vector<16xf32>
      %get3A_246 = arith.constant 0 : i32
      %get3A_247 = arith.constant 0 : i32
      %get3A_248 = tpu.memref_slice %arg6[%scan3A_139, %get3A_246, %get3A_247] : memref<2x64x256xf32, #tpu.memory_space<vmem>> -> memref<1x64x256xf32, #tpu.memory_space<vmem>>
      %get3A_249 = tpu.memref_squeeze %get3A_248 : memref<1x64x256xf32, #tpu.memory_space<vmem>> -> memref<64x256xf32, #tpu.memory_space<vmem>>
      %get3A_250 = arith.index_cast %scan3A_152 : i32 to index
      %get3A_251 = arith.constant 80 : index
      %get3A_252 = tpu.vector_load %get3A_249[%get3A_250, %get3A_251] {strides = array<i32>} : memref<64x256xf32, #tpu.memory_space<vmem>>, vector<1x16xf32>,
      %get3A_253 = vector.shape_cast %get3A_252 : vector<1x16xf32> to vector<16xf32>
      %get3A_254 = arith.constant 0 : i32
      %get3A_255 = tpu.memref_slice %arg5[%scan3A_140, %get3A_254] : memref<1x256xf32, #tpu.memory_space<vmem>> -> memref<1x256xf32, #tpu.memory_space<vmem>>
      %get3A_256 = tpu.memref_squeeze %get3A_255 : memref<1x256xf32, #tpu.memory_space<vmem>> -> memref<256xf32, #tpu.memory_space<vmem>>
      %get3A_257 = arith.constant 80 : index
      %get3A_258 = tpu.vector_load %get3A_256[%get3A_257] {strides = array<i32>} : memref<256xf32, #tpu.memory_space<vmem>>, vector<16xf32>,
      %get3A_259 = vector.shape_cast %get3A_258 : vector<16xf32> to vector<16xf32>
      %mul3A_260 = arith.mulf %get3A_239, %get3A_245 : vector<16xf32>
      %add3A_261 = arith.addf %add3A_225, %mul3A_260 : vector<16xf32>
      %mul3A_262 = arith.mulf %get3A_253, %get3A_259 : vector<16xf32>
      %add3A_263 = arith.addf %add3A_227, %mul3A_262 : vector<16xf32>
      %mul3A_264 = arith.mulf %get3A_239, %get3A_239 : vector<16xf32>
      %add3A_265 = arith.addf %add3A_229, %mul3A_264 : vector<16xf32>
      %mul3A_266 = arith.mulf %get3A_253, %get3A_253 : vector<16xf32>
      %add3A_267 = arith.addf %add3A_231, %mul3A_266 : vector<16xf32>
      %get3A_268 = arith.constant 0 : i32
      %get3A_269 = arith.constant 0 : i32
      %get3A_270 = tpu.memref_slice %arg6[%scan3A_139, %get3A_268, %get3A_269] : memref<2x64x256xf32, #tpu.memory_space<vmem>> -> memref<1x64x256xf32, #tpu.memory_space<vmem>>
      %get3A_271 = tpu.memref_squeeze %get3A_270 : memref<1x64x256xf32, #tpu.memory_space<vmem>> -> memref<64x256xf32, #tpu.memory_space<vmem>>
      %get3A_272 = arith.index_cast %scan3A_152 : i32 to index
      %get3A_273 = arith.constant 96 : index
      %get3A_274 = tpu.vector_load %get3A_271[%get3A_272, %get3A_273] {strides = array<i32>} : memref<64x256xf32, #tpu.memory_space<vmem>>, vector<1x16xf32>,
      %get3A_275 = vector.shape_cast %get3A_274 : vector<1x16xf32> to vector<16xf32>
      %get3A_276 = arith.constant 0 : i32
      %get3A_277 = tpu.memref_slice %arg5[%scan3A_140, %get3A_276] : memref<1x256xf32, #tpu.memory_space<vmem>> -> memref<1x256xf32, #tpu.memory_space<vmem>>
      %get3A_278 = tpu.memref_squeeze %get3A_277 : memref<1x256xf32, #tpu.memory_space<vmem>> -> memref<256xf32, #tpu.memory_space<vmem>>
      %get3A_279 = arith.constant 96 : index
      %get3A_280 = tpu.vector_load %get3A_278[%get3A_279] {strides = array<i32>} : memref<256xf32, #tpu.memory_space<vmem>>, vector<16xf32>,
      %get3A_281 = vector.shape_cast %get3A_280 : vector<16xf32> to vector<16xf32>
      %get3A_282 = arith.constant 0 : i32
      %get3A_283 = arith.constant 0 : i32
      %get3A_284 = tpu.memref_slice %arg6[%scan3A_139, %get3A_282, %get3A_283] : memref<2x64x256xf32, #tpu.memory_space<vmem>> -> memref<1x64x256xf32, #tpu.memory_space<vmem>>
      %get3A_285 = tpu.memref_squeeze %get3A_284 : memref<1x64x256xf32, #tpu.memory_space<vmem>> -> memref<64x256xf32, #tpu.memory_space<vmem>>
      %get3A_286 = arith.index_cast %scan3A_152 : i32 to index
      %get3A_287 = arith.constant 112 : index
      %get3A_288 = tpu.vector_load %get3A_285[%get3A_286, %get3A_287] {strides = array<i32>} : memref<64x256xf32, #tpu.memory_space<vmem>>, vector<1x16xf32>,
      %get3A_289 = vector.shape_cast %get3A_288 : vector<1x16xf32> to vector<16xf32>
      %get3A_290 = arith.constant 0 : i32
      %get3A_291 = tpu.memref_slice %arg5[%scan3A_140, %get3A_290] : memref<1x256xf32, #tpu.memory_space<vmem>> -> memref<1x256xf32, #tpu.memory_space<vmem>>
      %get3A_292 = tpu.memref_squeeze %get3A_291 : memref<1x256xf32, #tpu.memory_space<vmem>> -> memref<256xf32, #tpu.memory_space<vmem>>
      %get3A_293 = arith.constant 112 : index
      %get3A_294 = tpu.vector_load %get3A_292[%get3A_293] {strides = array<i32>} : memref<256xf32, #tpu.memory_space<vmem>>, vector<16xf32>,
      %get3A_295 = vector.shape_cast %get3A_294 : vector<16xf32> to vector<16xf32>
      %mul3A_296 = arith.mulf %get3A_275, %get3A_281 : vector<16xf32>
      %add3A_297 = arith.addf %add3A_261, %mul3A_296 : vector<16xf32>
      %mul3A_298 = arith.mulf %get3A_289, %get3A_295 : vector<16xf32>
      %add3A_299 = arith.addf %add3A_263, %mul3A_298 : vector<16xf32>
      %mul3A_300 = arith.mulf %get3A_275, %get3A_275 : vector<16xf32>
      %add3A_301 = arith.addf %add3A_265, %mul3A_300 : vector<16xf32>
      %mul3A_302 = arith.mulf %get3A_289, %get3A_289 : vector<16xf32>
      %add3A_303 = arith.addf %add3A_267, %mul3A_302 : vector<16xf32>
      %get3A_304 = arith.constant 0 : i32
      %get3A_305 = arith.constant 0 : i32
      %get3A_306 = tpu.memref_slice %arg6[%scan3A_139, %get3A_304, %get3A_305] : memref<2x64x256xf32, #tpu.memory_space<vmem>> -> memref<1x64x256xf32, #tpu.memory_space<vmem>>
      %get3A_307 = tpu.memref_squeeze %get3A_306 : memref<1x64x256xf32, #tpu.memory_space<vmem>> -> memref<64x256xf32, #tpu.memory_space<vmem>>
      %get3A_308 = arith.index_cast %scan3A_152 : i32 to index
      %get3A_309 = arith.constant 128 : index
      %get3A_310 = tpu.vector_load %get3A_307[%get3A_308, %get3A_309] {strides = array<i32>} : memref<64x256xf32, #tpu.memory_space<vmem>>, vector<1x16xf32>,
      %get3A_311 = vector.shape_cast %get3A_310 : vector<1x16xf32> to vector<16xf32>
      %get3A_312 = arith.constant 0 : i32
      %get3A_313 = tpu.memref_slice %arg5[%scan3A_140, %get3A_312] : memref<1x256xf32, #tpu.memory_space<vmem>> -> memref<1x256xf32, #tpu.memory_space<vmem>>
      %get3A_314 = tpu.memref_squeeze %get3A_313 : memref<1x256xf32, #tpu.memory_space<vmem>> -> memref<256xf32, #tpu.memory_space<vmem>>
      %get3A_315 = arith.constant 128 : index
      %get3A_316 = tpu.vector_load %get3A_314[%get3A_315] {strides = array<i32>} : memref<256xf32, #tpu.memory_space<vmem>>, vector<16xf32>,
      %get3A_317 = vector.shape_cast %get3A_316 : vector<16xf32> to vector<16xf32>
      %get3A_318 = arith.constant 0 : i32
      %get3A_319 = arith.constant 0 : i32
      %get3A_320 = tpu.memref_slice %arg6[%scan3A_139, %get3A_318, %get3A_319] : memref<2x64x256xf32, #tpu.memory_space<vmem>> -> memref<1x64x256xf32, #tpu.memory_space<vmem>>
      %get3A_321 = tpu.memref_squeeze %get3A_320 : memref<1x64x256xf32, #tpu.memory_space<vmem>> -> memref<64x256xf32, #tpu.memory_space<vmem>>
      %get3A_322 = arith.index_cast %scan3A_152 : i32 to index
      %get3A_323 = arith.constant 144 : index
      %get3A_324 = tpu.vector_load %get3A_321[%get3A_322, %get3A_323] {strides = array<i32>} : memref<64x256xf32, #tpu.memory_space<vmem>>, vector<1x16xf32>,
      %get3A_325 = vector.shape_cast %get3A_324 : vector<1x16xf32> to vector<16xf32>
      %get3A_326 = arith.constant 0 : i32
      %get3A_327 = tpu.memref_slice %arg5[%scan3A_140, %get3A_326] : memref<1x256xf32, #tpu.memory_space<vmem>> -> memref<1x256xf32, #tpu.memory_space<vmem>>
      %get3A_328 = tpu.memref_squeeze %get3A_327 : memref<1x256xf32, #tpu.memory_space<vmem>> -> memref<256xf32, #tpu.memory_space<vmem>>
      %get3A_329 = arith.constant 144 : index
      %get3A_330 = tpu.vector_load %get3A_328[%get3A_329] {strides = array<i32>} : memref<256xf32, #tpu.memory_space<vmem>>, vector<16xf32>,
      %get3A_331 = vector.shape_cast %get3A_330 : vector<16xf32> to vector<16xf32>
      %mul3A_332 = arith.mulf %get3A_311, %get3A_317 : vector<16xf32>
      %add3A_333 = arith.addf %add3A_297, %mul3A_332 : vector<16xf32>
      %mul3A_334 = arith.mulf %get3A_325, %get3A_331 : vector<16xf32>
      %add3A_335 = arith.addf %add3A_299, %mul3A_334 : vector<16xf32>
      %mul3A_336 = arith.mulf %get3A_311, %get3A_311 : vector<16xf32>
      %add3A_337 = arith.addf %add3A_301, %mul3A_336 : vector<16xf32>
      %mul3A_338 = arith.mulf %get3A_325, %get3A_325 : vector<16xf32>
      %add3A_339 = arith.addf %add3A_303, %mul3A_338 : vector<16xf32>
      %get3A_340 = arith.constant 0 : i32
      %get3A_341 = arith.constant 0 : i32
      %get3A_342 = tpu.memref_slice %arg6[%scan3A_139, %get3A_340, %get3A_341] : memref<2x64x256xf32, #tpu.memory_space<vmem>> -> memref<1x64x256xf32, #tpu.memory_space<vmem>>
      %get3A_343 = tpu.memref_squeeze %get3A_342 : memref<1x64x256xf32, #tpu.memory_space<vmem>> -> memref<64x256xf32, #tpu.memory_space<vmem>>
      %get3A_344 = arith.index_cast %scan3A_152 : i32 to index
      %get3A_345 = arith.constant 160 : index
      %get3A_346 = tpu.vector_load %get3A_343[%get3A_344, %get3A_345] {strides = array<i32>} : memref<64x256xf32, #tpu.memory_space<vmem>>, vector<1x16xf32>,
      %get3A_347 = vector.shape_cast %get3A_346 : vector<1x16xf32> to vector<16xf32>
      %get3A_348 = arith.constant 0 : i32
      %get3A_349 = tpu.memref_slice %arg5[%scan3A_140, %get3A_348] : memref<1x256xf32, #tpu.memory_space<vmem>> -> memref<1x256xf32, #tpu.memory_space<vmem>>
      %get3A_350 = tpu.memref_squeeze %get3A_349 : memref<1x256xf32, #tpu.memory_space<vmem>> -> memref<256xf32, #tpu.memory_space<vmem>>
      %get3A_351 = arith.constant 160 : index
      %get3A_352 = tpu.vector_load %get3A_350[%get3A_351] {strides = array<i32>} : memref<256xf32, #tpu.memory_space<vmem>>, vector<16xf32>,
      %get3A_353 = vector.shape_cast %get3A_352 : vector<16xf32> to vector<16xf32>
      %get3A_354 = arith.constant 0 : i32
      %get3A_355 = arith.constant 0 : i32
      %get3A_356 = tpu.memref_slice %arg6[%scan3A_139, %get3A_354, %get3A_355] : memref<2x64x256xf32, #tpu.memory_space<vmem>> -> memref<1x64x256xf32, #tpu.memory_space<vmem>>
      %get3A_357 = tpu.memref_squeeze %get3A_356 : memref<1x64x256xf32, #tpu.memory_space<vmem>> -> memref<64x256xf32, #tpu.memory_space<vmem>>
      %get3A_358 = arith.index_cast %scan3A_152 : i32 to index
      %get3A_359 = arith.constant 176 : index
      %get3A_360 = tpu.vector_load %get3A_357[%get3A_358, %get3A_359] {strides = array<i32>} : memref<64x256xf32, #tpu.memory_space<vmem>>, vector<1x16xf32>,
      %get3A_361 = vector.shape_cast %get3A_360 : vector<1x16xf32> to vector<16xf32>
      %get3A_362 = arith.constant 0 : i32
      %get3A_363 = tpu.memref_slice %arg5[%scan3A_140, %get3A_362] : memref<1x256xf32, #tpu.memory_space<vmem>> -> memref<1x256xf32, #tpu.memory_space<vmem>>
      %get3A_364 = tpu.memref_squeeze %get3A_363 : memref<1x256xf32, #tpu.memory_space<vmem>> -> memref<256xf32, #tpu.memory_space<vmem>>
      %get3A_365 = arith.constant 176 : index
      %get3A_366 = tpu.vector_load %get3A_364[%get3A_365] {strides = array<i32>} : memref<256xf32, #tpu.memory_space<vmem>>, vector<16xf32>,
      %get3A_367 = vector.shape_cast %get3A_366 : vector<16xf32> to vector<16xf32>
      %mul3A_368 = arith.mulf %get3A_347, %get3A_353 : vector<16xf32>
      %add3A_369 = arith.addf %add3A_333, %mul3A_368 : vector<16xf32>
      %mul3A_370 = arith.mulf %get3A_361, %get3A_367 : vector<16xf32>
      %add3A_371 = arith.addf %add3A_335, %mul3A_370 : vector<16xf32>
      %mul3A_372 = arith.mulf %get3A_347, %get3A_347 : vector<16xf32>
      %add3A_373 = arith.addf %add3A_337, %mul3A_372 : vector<16xf32>
      %mul3A_374 = arith.mulf %get3A_361, %get3A_361 : vector<16xf32>
      %add3A_375 = arith.addf %add3A_339, %mul3A_374 : vector<16xf32>
      %get3A_376 = arith.constant 0 : i32
      %get3A_377 = arith.constant 0 : i32
      %get3A_378 = tpu.memref_slice %arg6[%scan3A_139, %get3A_376, %get3A_377] : memref<2x64x256xf32, #tpu.memory_space<vmem>> -> memref<1x64x256xf32, #tpu.memory_space<vmem>>
      %get3A_379 = tpu.memref_squeeze %get3A_378 : memref<1x64x256xf32, #tpu.memory_space<vmem>> -> memref<64x256xf32, #tpu.memory_space<vmem>>
      %get3A_380 = arith.index_cast %scan3A_152 : i32 to index
      %get3A_381 = arith.constant 192 : index
      %get3A_382 = tpu.vector_load %get3A_379[%get3A_380, %get3A_381] {strides = array<i32>} : memref<64x256xf32, #tpu.memory_space<vmem>>, vector<1x16xf32>,
      %get3A_383 = vector.shape_cast %get3A_382 : vector<1x16xf32> to vector<16xf32>
      %get3A_384 = arith.constant 0 : i32
      %get3A_385 = tpu.memref_slice %arg5[%scan3A_140, %get3A_384] : memref<1x256xf32, #tpu.memory_space<vmem>> -> memref<1x256xf32, #tpu.memory_space<vmem>>
      %get3A_386 = tpu.memref_squeeze %get3A_385 : memref<1x256xf32, #tpu.memory_space<vmem>> -> memref<256xf32, #tpu.memory_space<vmem>>
      %get3A_387 = arith.constant 192 : index
      %get3A_388 = tpu.vector_load %get3A_386[%get3A_387] {strides = array<i32>} : memref<256xf32, #tpu.memory_space<vmem>>, vector<16xf32>,
      %get3A_389 = vector.shape_cast %get3A_388 : vector<16xf32> to vector<16xf32>
      %get3A_390 = arith.constant 0 : i32
      %get3A_391 = arith.constant 0 : i32
      %get3A_392 = tpu.memref_slice %arg6[%scan3A_139, %get3A_390, %get3A_391] : memref<2x64x256xf32, #tpu.memory_space<vmem>> -> memref<1x64x256xf32, #tpu.memory_space<vmem>>
      %get3A_393 = tpu.memref_squeeze %get3A_392 : memref<1x64x256xf32, #tpu.memory_space<vmem>> -> memref<64x256xf32, #tpu.memory_space<vmem>>
      %get3A_394 = arith.index_cast %scan3A_152 : i32 to index
      %get3A_395 = arith.constant 208 : index
      %get3A_396 = tpu.vector_load %get3A_393[%get3A_394, %get3A_395] {strides = array<i32>} : memref<64x256xf32, #tpu.memory_space<vmem>>, vector<1x16xf32>,
      %get3A_397 = vector.shape_cast %get3A_396 : vector<1x16xf32> to vector<16xf32>
      %get3A_398 = arith.constant 0 : i32
      %get3A_399 = tpu.memref_slice %arg5[%scan3A_140, %get3A_398] : memref<1x256xf32, #tpu.memory_space<vmem>> -> memref<1x256xf32, #tpu.memory_space<vmem>>
      %get3A_400 = tpu.memref_squeeze %get3A_399 : memref<1x256xf32, #tpu.memory_space<vmem>> -> memref<256xf32, #tpu.memory_space<vmem>>
      %get3A_401 = arith.constant 208 : index
      %get3A_402 = tpu.vector_load %get3A_400[%get3A_401] {strides = array<i32>} : memref<256xf32, #tpu.memory_space<vmem>>, vector<16xf32>,
      %get3A_403 = vector.shape_cast %get3A_402 : vector<16xf32> to vector<16xf32>
      %mul3A_404 = arith.mulf %get3A_383, %get3A_389 : vector<16xf32>
      %add3A_405 = arith.addf %add3A_369, %mul3A_404 : vector<16xf32>
      %mul3A_406 = arith.mulf %get3A_397, %get3A_403 : vector<16xf32>
      %add3A_407 = arith.addf %add3A_371, %mul3A_406 : vector<16xf32>
      %mul3A_408 = arith.mulf %get3A_383, %get3A_383 : vector<16xf32>
      %add3A_409 = arith.addf %add3A_373, %mul3A_408 : vector<16xf32>
      %mul3A_410 = arith.mulf %get3A_397, %get3A_397 : vector<16xf32>
      %add3A_411 = arith.addf %add3A_375, %mul3A_410 : vector<16xf32>
      %get3A_412 = arith.constant 0 : i32
      %get3A_413 = arith.constant 0 : i32
      %get3A_414 = tpu.memref_slice %arg6[%scan3A_139, %get3A_412, %get3A_413] : memref<2x64x256xf32, #tpu.memory_space<vmem>> -> memref<1x64x256xf32, #tpu.memory_space<vmem>>
      %get3A_415 = tpu.memref_squeeze %get3A_414 : memref<1x64x256xf32, #tpu.memory_space<vmem>> -> memref<64x256xf32, #tpu.memory_space<vmem>>
      %get3A_416 = arith.index_cast %scan3A_152 : i32 to index
      %get3A_417 = arith.constant 224 : index
      %get3A_418 = tpu.vector_load %get3A_415[%get3A_416, %get3A_417] {strides = array<i32>} : memref<64x256xf32, #tpu.memory_space<vmem>>, vector<1x16xf32>,
      %get3A_419 = vector.shape_cast %get3A_418 : vector<1x16xf32> to vector<16xf32>
      %get3A_420 = arith.constant 0 : i32
      %get3A_421 = tpu.memref_slice %arg5[%scan3A_140, %get3A_420] : memref<1x256xf32, #tpu.memory_space<vmem>> -> memref<1x256xf32, #tpu.memory_space<vmem>>
      %get3A_422 = tpu.memref_squeeze %get3A_421 : memref<1x256xf32, #tpu.memory_space<vmem>> -> memref<256xf32, #tpu.memory_space<vmem>>
      %get3A_423 = arith.constant 224 : index
      %get3A_424 = tpu.vector_load %get3A_422[%get3A_423] {strides = array<i32>} : memref<256xf32, #tpu.memory_space<vmem>>, vector<16xf32>,
      %get3A_425 = vector.shape_cast %get3A_424 : vector<16xf32> to vector<16xf32>
      %get3A_426 = arith.constant 0 : i32
      %get3A_427 = arith.constant 0 : i32
      %get3A_428 = tpu.memref_slice %arg6[%scan3A_139, %get3A_426, %get3A_427] : memref<2x64x256xf32, #tpu.memory_space<vmem>> -> memref<1x64x256xf32, #tpu.memory_space<vmem>>
      %get3A_429 = tpu.memref_squeeze %get3A_428 : memref<1x64x256xf32, #tpu.memory_space<vmem>> -> memref<64x256xf32, #tpu.memory_space<vmem>>
      %get3A_430 = arith.index_cast %scan3A_152 : i32 to index
      %get3A_431 = arith.constant 240 : index
      %get3A_432 = tpu.vector_load %get3A_429[%get3A_430, %get3A_431] {strides = array<i32>} : memref<64x256xf32, #tpu.memory_space<vmem>>, vector<1x16xf32>,
      %get3A_433 = vector.shape_cast %get3A_432 : vector<1x16xf32> to vector<16xf32>
      %get3A_434 = arith.constant 0 : i32
      %get3A_435 = tpu.memref_slice %arg5[%scan3A_140, %get3A_434] : memref<1x256xf32, #tpu.memory_space<vmem>> -> memref<1x256xf32, #tpu.memory_space<vmem>>
      %get3A_436 = tpu.memref_squeeze %get3A_435 : memref<1x256xf32, #tpu.memory_space<vmem>> -> memref<256xf32, #tpu.memory_space<vmem>>
      %get3A_437 = arith.constant 240 : index
      %get3A_438 = tpu.vector_load %get3A_436[%get3A_437] {strides = array<i32>} : memref<256xf32, #tpu.memory_space<vmem>>, vector<16xf32>,
      %get3A_439 = vector.shape_cast %get3A_438 : vector<16xf32> to vector<16xf32>
      %mul3A_440 = arith.mulf %get3A_419, %get3A_425 : vector<16xf32>
      %add3A_441 = arith.addf %add3A_405, %mul3A_440 : vector<16xf32>
      %mul3A_442 = arith.mulf %get3A_433, %get3A_439 : vector<16xf32>
      %add3A_443 = arith.addf %add3A_407, %mul3A_442 : vector<16xf32>
      %mul3A_444 = arith.mulf %get3A_419, %get3A_419 : vector<16xf32>
      %add3A_445 = arith.addf %add3A_409, %mul3A_444 : vector<16xf32>
      %mul3A_446 = arith.mulf %get3A_433, %get3A_433 : vector<16xf32>
      %add3A_447 = arith.addf %add3A_411, %mul3A_446 : vector<16xf32>
      %add3A_448 = arith.constant 192 : i32
      %add3A_449 = arith.addi %add3A_448, %scan3A_152 : i32
      %mul3A_450 = arith.constant 16 : i32
      %mul3A_451 = arith.muli %add3A_449, %mul3A_450 : i32
      %add3A_452 = arith.addf %add3A_441, %add3A_443 : vector<16xf32>
      %swap3A = arith.index_cast %mul3A_451 : i32 to index
      %swap3A_453 = tpu.vector_load %arg7[%swap3A] {strides = array<i32>} : memref<4096xf32, #tpu.memory_space<vmem>>, vector<16xf32>,
      %swap3A_454 = vector.shape_cast %swap3A_453 : vector<16xf32> to vector<16xf32>
      %swap3A_455 = vector.shape_cast %add3A_452 : vector<16xf32> to vector<16xf32>
      tpu.vector_store %arg7[%swap3A], %swap3A_455 {strides = array<i32>} : memref<4096xf32, #tpu.memory_space<vmem>>, vector<16xf32>,
      %add3A_456 = arith.addf %add3A_445, %add3A_447 : vector<16xf32>
      %swap3A_457 = arith.index_cast %mul3A_451 : i32 to index
      %swap3A_458 = tpu.vector_load %arg8[%swap3A_457] {strides = array<i32>} : memref<4096xf32, #tpu.memory_space<vmem>>, vector<16xf32>,
      %swap3A_459 = vector.shape_cast %swap3A_458 : vector<16xf32> to vector<16xf32>
      %swap3A_460 = vector.shape_cast %add3A_456 : vector<16xf32> to vector<16xf32>
      tpu.vector_store %arg8[%swap3A_457], %swap3A_460 {strides = array<i32>} : memref<4096xf32, #tpu.memory_space<vmem>>, vector<16xf32>,
      %scan3A_461 = arith.constant 0 : i32
      scf.yield %scan3A_461 : i32
    }
    %scan3A_147 = arith.constant 64 : i32
    %mul3A_148 = arith.constant 4096 : i32
    %mul3A_149 = arith.muli %add3A, %mul3A_148 : i32
    "tpu.region"() ({
      %run_scoped3A = tpu.sem_alloc : memref<!tpu.dma_semaphore, #tpu.memory_space<semaphore_mem>>
      %dma_start3A_152 = tpu.memref_slice %arg3[%mul3A_149] : memref<131072xf32, #tpu.memory_space<hbm>> -> memref<4096xf32, #tpu.memory_space<hbm>>
      %dma_start3A_153 = tpu.memref_slice %arg3[%mul3A_149] : memref<131072xf32, #tpu.memory_space<hbm>> -> memref<4096xf32, #tpu.memory_space<hbm>>
      tpu.enqueue_dma source(%arg7 : memref<4096xf32, #tpu.memory_space<vmem>>) target(%dma_start3A_153 : memref<4096xf32, #tpu.memory_space<hbm>>) target_semaphore(%run_scoped3A : memref<!tpu.dma_semaphore, #tpu.memory_space<semaphore_mem>>)
      %dma_wait3A_154 = tpu.memref_slice %arg3[%mul3A_149] : memref<131072xf32, #tpu.memory_space<hbm>> -> memref<4096xf32, #tpu.memory_space<hbm>>
      %dma_wait3A_155 = tpu.memref_slice %arg3[%mul3A_149] : memref<131072xf32, #tpu.memory_space<hbm>> -> memref<4096xf32, #tpu.memory_space<hbm>>
      tpu.wait_dma2 semaphore(%run_scoped3A : memref<!tpu.dma_semaphore, #tpu.memory_space<semaphore_mem>>) src(%arg7 : memref<4096xf32, #tpu.memory_space<vmem>>) dst(%dma_wait3A_155 : memref<4096xf32, #tpu.memory_space<hbm>>)
      tpu.yield
    }) : () -> ()
    %mul3A_150 = arith.constant 4096 : i32
    %mul3A_151 = arith.muli %add3A, %mul3A_150 : i32
    "tpu.region"() ({
      %run_scoped3A = tpu.sem_alloc : memref<!tpu.dma_semaphore, #tpu.memory_space<semaphore_mem>>
      %dma_start3A_152 = tpu.memref_slice %arg4[%mul3A_151] : memref<131072xf32, #tpu.memory_space<hbm>> -> memref<4096xf32, #tpu.memory_space<hbm>>
      %dma_start3A_153 = tpu.memref_slice %arg4[%mul3A_151] : memref<131072xf32, #tpu.memory_space<hbm>> -> memref<4096xf32, #tpu.memory_space<hbm>>
      tpu.enqueue_dma source(%arg8 : memref<4096xf32, #tpu.memory_space<vmem>>) target(%dma_start3A_153 : memref<4096xf32, #tpu.memory_space<hbm>>) target_semaphore(%run_scoped3A : memref<!tpu.dma_semaphore, #tpu.memory_space<semaphore_mem>>)
      %dma_wait3A_154 = tpu.memref_slice %arg4[%mul3A_151] : memref<131072xf32, #tpu.memory_space<hbm>> -> memref<4096xf32, #tpu.memory_space<hbm>>
      %dma_wait3A_155 = tpu.memref_slice %arg4[%mul3A_151] : memref<131072xf32, #tpu.memory_space<hbm>> -> memref<4096xf32, #tpu.memory_space<hbm>>
      tpu.wait_dma2 semaphore(%run_scoped3A : memref<!tpu.dma_semaphore, #tpu.memory_space<semaphore_mem>>) src(%arg8 : memref<4096xf32, #tpu.memory_space<vmem>>) dst(%dma_wait3A_155 : memref<4096xf32, #tpu.memory_space<hbm>>)
      tpu.yield
    }) : () -> ()
    return
  }
}

module attributes {stable_mosaic.version = 14 : i64} {
  func.func @_tc_cos_kernel(%arg0: i32, %arg1: memref<8192x256xf32, #tpu.memory_space<vmem>>, %arg2: memref<8x256xf32, #tpu.memory_space<vmem>>, %arg3: memref<64x128xf32, #tpu.memory_space<vmem>>) attributes {dimension_semantics = [#tpu.dimension_semantics<arbitrary>], iteration_bounds = array<i64: 8>, scalar_prefetch = 0 : i64, scratch_operands = 0 : i64, tpu.core_type = #tpu.core_type<tc>, window_params = [{transform_indices = @transform_0, window_bounds = array<i64: 8192, 256>}, {transform_indices = @transform_1, window_bounds = array<i64: 8, 256>}, {transform_indices = @transform_2, window_bounds = array<i64: 64, 128>}]} {
    %get3A = arith.constant 0 : index
    %get3A_0 = arith.constant 0 : index
    %get3A_1 = vector.load %arg1[%get3A, %get3A_0] : memref<8192x256xf32, #tpu.memory_space<vmem>>, vector<8192x256xf32>
    %get3A_2 = arith.constant 0 : index
    %get3A_3 = arith.constant 0 : index
    %get3A_4 = vector.load %arg2[%get3A_2, %get3A_3] : memref<8x256xf32, #tpu.memory_space<vmem>>, vector<1x256xf32>
    %convert_element_type3A = arith.truncf %get3A_1 : vector<8192x256xf32> to vector<8192x256xbf16>
    %convert_element_type3A_5 = arith.truncf %get3A_4 : vector<1x256xf32> to vector<1x256xbf16>
    %transpose3A = tpu.transpose %convert_element_type3A_5, [1, 0] : vector<1x256xbf16> -> vector<256x1xbf16>
    %dot_general3A = arith.constant dense<0.000000e+00> : vector<8192x1xf32>
    %dot_general3A_6 = tpu.matmul %convert_element_type3A, %transpose3A, %dot_general3A {dimension_numbers = #tpu.dot_dimension_numbers<[1], [0], [0], [1], [0, 0, 1, 1], [], []>, transpose_lhs_hint = false} : vector<8192x256xbf16>, vector<256x1xbf16>, vector<8192x1xf32> -> vector<8192x1xf32>
    %broadcast_in_dim3A = arith.constant 1.000000e+00 : bf16
    %broadcast_in_dim3A_7 = vector.broadcast %broadcast_in_dim3A : bf16 to vector<256x1xbf16>
    %mul3A = arith.mulf %convert_element_type3A, %convert_element_type3A : vector<8192x256xbf16>
    %dot_general3A_8 = arith.constant dense<0.000000e+00> : vector<8192x1xf32>
    %dot_general3A_9 = tpu.matmul %mul3A, %broadcast_in_dim3A_7, %dot_general3A_8 {dimension_numbers = #tpu.dot_dimension_numbers<[1], [0], [0], [1], [0, 0, 1, 1], [], []>, transpose_lhs_hint = false} : vector<8192x256xbf16>, vector<256x1xbf16>, vector<8192x1xf32> -> vector<8192x1xf32>
    %mul3A_10 = arith.mulf %get3A_4, %get3A_4 : vector<1x256xf32>
    %reduce_sum3A = vector.shape_cast %mul3A_10 : vector<1x256xf32> to vector<1x1x256xf32>
    %reduce_sum3A_11 = arith.constant dense<0.000000e+00> : vector<1xf32>
    %reduce_sum3A_12 = vector.multi_reduction <add>, %reduce_sum3A, %reduce_sum3A_11 [1, 2] : vector<1x1x256xf32> to vector<1xf32>
    %reduce_sum3A_13 = vector.shape_cast %reduce_sum3A_12 : vector<1xf32> to vector<1x1x1xf32>
    %reduce_sum3A_14 = vector.extract %reduce_sum3A_13[0, 0, 0] : f32 from vector<1x1x1xf32>
    %sqrt3A = math.sqrt %reduce_sum3A_14 : f32
    %reshape3A = vector.shape_cast %dot_general3A_6 : vector<8192x1xf32> to vector<64x128xf32>
    %reshape3A_15 = vector.shape_cast %dot_general3A_9 : vector<8192x1xf32> to vector<64x128xf32>
    %sqrt3A_16 = math.sqrt %reshape3A_15 : vector<64x128xf32>
    %mul3A_17 = vector.broadcast %sqrt3A : f32 to vector<64x128xf32>
    %mul3A_18 = arith.mulf %mul3A_17, %sqrt3A_16 : vector<64x128xf32>
    %max3A = arith.constant 9.99999993E-9 : f32
    %max3A_19 = vector.broadcast %max3A : f32 to vector<64x128xf32>
    %max3A_20 = arith.maximumf %mul3A_18, %max3A_19 : vector<64x128xf32>
    %div3A = arith.divf %reshape3A, %max3A_20 : vector<64x128xf32>
    %swap3A = arith.constant 0 : index
    %swap3A_21 = arith.constant 0 : index
    %swap3A_22 = vector.load %arg3[%swap3A, %swap3A_21] : memref<64x128xf32, #tpu.memory_space<vmem>>, vector<64x128xf32>
    tpu.vector_store %arg3[%swap3A, %swap3A_21], %div3A {strides = array<i32>} : memref<64x128xf32, #tpu.memory_space<vmem>>, vector<64x128xf32>,
    return
  }
  func.func @transform_0(%arg0: i32) -> (i32, i32) {
    %add3A = arith.constant 1 : i32
    %add3A_0 = arith.addi %arg0, %add3A : i32
    %c0_i32 = arith.constant 0 : i32
    %c0_i32_1 = arith.constant 0 : i32
    return %add3A_0, %c0_i32 : i32, i32
  }
  func.func @transform_1(%arg0: i32) -> (i32, i32) {
    %c0_i32 = arith.constant 0 : i32
    %c0_i32_0 = arith.constant 0 : i32
    %c0_i32_1 = arith.constant 0 : i32
    return %c0_i32, %c0_i32_0 : i32, i32
  }
  func.func @transform_2(%arg0: i32) -> (i32, i32) {
    %c0_i32 = arith.constant 0 : i32
    %c0_i32_0 = arith.constant 0 : i32
    return %arg0, %c0_i32 : i32, i32
  }
}

module attributes {stable_mosaic.version = 14 : i64} {
  func.func @_sel_kernel(%arg0: i32, %arg1: memref<512x128xf32, #tpu.memory_space<vmem>>, %arg2: memref<1024x128xf32, #tpu.memory_space<vmem>>, %arg3: memref<1024x128xf32, #tpu.memory_space<vmem>>, %arg4: memref<8x256xf32, #tpu.memory_space<vmem>>, %arg5: memref<1x1xf32, #tpu.memory_space<vmem>>) attributes {dimension_semantics = [#tpu.dimension_semantics<arbitrary>], iteration_bounds = array<i64: 1>, scalar_prefetch = 0 : i64, scratch_operands = 0 : i64, tpu.core_type = #tpu.core_type<tc>, window_params = [{pipeline_mode = #tpu.pipeline_mode<synchronous>, transform_indices = @transform_0, window_bounds = array<i64: 512, 128>}, {pipeline_mode = #tpu.pipeline_mode<synchronous>, transform_indices = @transform_1, window_bounds = array<i64: 1024, 128>}, {pipeline_mode = #tpu.pipeline_mode<synchronous>, transform_indices = @transform_2, window_bounds = array<i64: 1024, 128>}, {transform_indices = @transform_3, window_bounds = array<i64: 8, 256>}, {pipeline_mode = #tpu.pipeline_mode<synchronous>, transform_indices = @transform_4, window_bounds = array<i64: 1, 1>}]} {
    %get3A = arith.constant 0 : index
    %get3A_0 = arith.constant 0 : index
    %get3A_1 = vector.load %arg1[%get3A, %get3A_0] : memref<512x128xf32, #tpu.memory_space<vmem>>, vector<512x128xf32>
    %get3A_2 = arith.constant 0 : index
    %get3A_3 = arith.constant 0 : index
    %get3A_4 = vector.load %arg4[%get3A_2, %get3A_3] : memref<8x256xf32, #tpu.memory_space<vmem>>, vector<1x256xf32>
    %mul3A = arith.mulf %get3A_4, %get3A_4 : vector<1x256xf32>
    %reduce_sum3A = vector.shape_cast %mul3A : vector<1x256xf32> to vector<1x1x256xf32>
    %reduce_sum3A_5 = arith.constant dense<0.000000e+00> : vector<1xf32>
    %reduce_sum3A_6 = vector.multi_reduction <add>, %reduce_sum3A, %reduce_sum3A_5 [1, 2] : vector<1x1x256xf32> to vector<1xf32>
    %reduce_sum3A_7 = vector.shape_cast %reduce_sum3A_6 : vector<1xf32> to vector<1x1x1xf32>
    %reduce_sum3A_8 = vector.extract %reduce_sum3A_7[0, 0, 0] : f32 from vector<1x1x1xf32>
    %sqrt3A = math.sqrt %reduce_sum3A_8 : f32
    %get3A_9 = arith.constant 0 : index
    %get3A_10 = arith.constant 0 : index
    %get3A_11 = vector.load %arg2[%get3A_9, %get3A_10] : memref<1024x128xf32, #tpu.memory_space<vmem>>, vector<1024x128xf32>
    %get3A_12 = arith.constant 0 : index
    %get3A_13 = arith.constant 0 : index
    %get3A_14 = vector.load %arg3[%get3A_12, %get3A_13] : memref<1024x128xf32, #tpu.memory_space<vmem>>, vector<1024x128xf32>
    %iota3A = tpu.iota {dimensions = array<i32: 0>} : vector<128x128xi32>
    %iota3A_15 = tpu.iota {dimensions = array<i32: 1>} : vector<128x128xi32>
    %jit3A = arith.constant 16 : i32
    %div3A = vector.broadcast %jit3A : i32 to vector<128x128xi32>
    %div3A_16 = arith.divsi %iota3A, %div3A : vector<128x128xi32>
    %sign3A = arith.constant 0 : i32
    %sign3A_17 = vector.broadcast %sign3A : i32 to vector<128x128xi32>
    %sign3A_18 = arith.cmpi sgt, %iota3A, %sign3A_17 : vector<128x128xi32>
    %sign3A_19 = arith.extui %sign3A_18 : vector<128x128xi1> to vector<128x128xi32>
    %sign3A_20 = arith.constant 0 : i32
    %sign3A_21 = vector.broadcast %sign3A_20 : i32 to vector<128x128xi32>
    %sign3A_22 = arith.cmpi slt, %iota3A, %sign3A_21 : vector<128x128xi32>
    %sign3A_23 = arith.extui %sign3A_22 : vector<128x128xi1> to vector<128x128xi32>
    %sign3A_24 = arith.subi %sign3A_19, %sign3A_23 : vector<128x128xi32>
    %sign3A_25 = arith.constant 0 : i32
    %sign3A_26 = arith.cmpi sgt, %jit3A, %sign3A_25 : i32
    %sign3A_27 = arith.extui %sign3A_26 : i1 to i32
    %sign3A_28 = arith.constant 0 : i32
    %sign3A_29 = arith.cmpi slt, %jit3A, %sign3A_28 : i32
    %sign3A_30 = arith.extui %sign3A_29 : i1 to i32
    %sign3A_31 = arith.subi %sign3A_27, %sign3A_30 : i32
    %ne3A = vector.broadcast %sign3A_31 : i32 to vector<128x128xi32>
    %ne3A_32 = arith.cmpi ne, %sign3A_24, %ne3A : vector<128x128xi32>
    %rem3A = vector.broadcast %jit3A : i32 to vector<128x128xi32>
    %rem3A_33 = arith.remsi %iota3A, %rem3A : vector<128x128xi32>
    %ne3A_34 = arith.constant 0 : i32
    %ne3A_35 = vector.broadcast %ne3A_34 : i32 to vector<128x128xi32>
    %ne3A_36 = arith.cmpi ne, %rem3A_33, %ne3A_35 : vector<128x128xi32>
    %and3A = arith.andi %ne3A_32, %ne3A_36 : vector<128x128xi1>
    %sub3A = arith.constant 1 : i32
    %sub3A_37 = vector.broadcast %sub3A : i32 to vector<128x128xi32>
    %sub3A_38 = arith.subi %div3A_16, %sub3A_37 : vector<128x128xi32>
    %select_n3A = arith.select %and3A, %sub3A_38, %div3A_16 : vector<128x128xi1>, vector<128x128xi32>
    %jit3A_39 = arith.constant 16 : i32
    %div3A_40 = vector.broadcast %jit3A_39 : i32 to vector<128x128xi32>
    %div3A_41 = arith.divsi %iota3A_15, %div3A_40 : vector<128x128xi32>
    %sign3A_42 = arith.constant 0 : i32
    %sign3A_43 = vector.broadcast %sign3A_42 : i32 to vector<128x128xi32>
    %sign3A_44 = arith.cmpi sgt, %iota3A_15, %sign3A_43 : vector<128x128xi32>
    %sign3A_45 = arith.extui %sign3A_44 : vector<128x128xi1> to vector<128x128xi32>
    %sign3A_46 = arith.constant 0 : i32
    %sign3A_47 = vector.broadcast %sign3A_46 : i32 to vector<128x128xi32>
    %sign3A_48 = arith.cmpi slt, %iota3A_15, %sign3A_47 : vector<128x128xi32>
    %sign3A_49 = arith.extui %sign3A_48 : vector<128x128xi1> to vector<128x128xi32>
    %sign3A_50 = arith.subi %sign3A_45, %sign3A_49 : vector<128x128xi32>
    %sign3A_51 = arith.constant 0 : i32
    %sign3A_52 = arith.cmpi sgt, %jit3A_39, %sign3A_51 : i32
    %sign3A_53 = arith.extui %sign3A_52 : i1 to i32
    %sign3A_54 = arith.constant 0 : i32
    %sign3A_55 = arith.cmpi slt, %jit3A_39, %sign3A_54 : i32
    %sign3A_56 = arith.extui %sign3A_55 : i1 to i32
    %sign3A_57 = arith.subi %sign3A_53, %sign3A_56 : i32
    %ne3A_58 = vector.broadcast %sign3A_57 : i32 to vector<128x128xi32>
    %ne3A_59 = arith.cmpi ne, %sign3A_50, %ne3A_58 : vector<128x128xi32>
    %rem3A_60 = vector.broadcast %jit3A_39 : i32 to vector<128x128xi32>
    %rem3A_61 = arith.remsi %iota3A_15, %rem3A_60 : vector<128x128xi32>
    %ne3A_62 = arith.constant 0 : i32
    %ne3A_63 = vector.broadcast %ne3A_62 : i32 to vector<128x128xi32>
    %ne3A_64 = arith.cmpi ne, %rem3A_61, %ne3A_63 : vector<128x128xi32>
    %and3A_65 = arith.andi %ne3A_59, %ne3A_64 : vector<128x128xi1>
    %sub3A_66 = arith.constant 1 : i32
    %sub3A_67 = vector.broadcast %sub3A_66 : i32 to vector<128x128xi32>
    %sub3A_68 = arith.subi %div3A_41, %sub3A_67 : vector<128x128xi32>
    %select_n3A_69 = arith.select %and3A_65, %sub3A_68, %div3A_41 : vector<128x128xi1>, vector<128x128xi32>
    %eq3A = arith.cmpi eq, %select_n3A, %select_n3A_69 : vector<128x128xi32>
    %convert_element_type3A = arith.extui %eq3A : vector<128x128xi1> to vector<128x128xi32>
    %convert_element_type3A_70 = arith.sitofp %convert_element_type3A : vector<128x128xi32> to vector<128x128xf32>
    %dot_general3A = arith.constant dense<0.000000e+00> : vector<1024x128xf32>
    %dot_general3A_71 = tpu.matmul %get3A_11, %convert_element_type3A_70, %dot_general3A {dimension_numbers = #tpu.dot_dimension_numbers<[1], [0], [0], [1], [0, 0, 1, 1], [], []>, transpose_lhs_hint = false} : vector<1024x128xf32>, vector<128x128xf32>, vector<1024x128xf32> -> vector<1024x128xf32>
    %dot_general3A_72 = arith.constant dense<0.000000e+00> : vector<1024x128xf32>
    %dot_general3A_73 = tpu.matmul %get3A_14, %convert_element_type3A_70, %dot_general3A_72 {dimension_numbers = #tpu.dot_dimension_numbers<[1], [0], [0], [1], [0, 0, 1, 1], [], []>, transpose_lhs_hint = false} : vector<1024x128xf32>, vector<128x128xf32>, vector<1024x128xf32> -> vector<1024x128xf32>
    %sqrt3A_74 = math.sqrt %dot_general3A_73 : vector<1024x128xf32>
    %mul3A_75 = vector.broadcast %sqrt3A : f32 to vector<1024x128xf32>
    %mul3A_76 = arith.mulf %mul3A_75, %sqrt3A_74 : vector<1024x128xf32>
    %max3A = arith.constant 9.99999993E-9 : f32
    %max3A_77 = vector.broadcast %max3A : f32 to vector<1024x128xf32>
    %max3A_78 = arith.maximumf %mul3A_76, %max3A_77 : vector<1024x128xf32>
    %div3A_79 = arith.divf %dot_general3A_71, %max3A_78 : vector<1024x128xf32>
    %iota3A_80 = tpu.iota {dimensions = array<i32: 0>} : vector<1024x128xi32>
    %iota3A_81 = tpu.iota {dimensions = array<i32: 1>} : vector<1024x128xi32>
    %mul3A_82 = arith.constant 8 : i32
    %mul3A_83 = vector.broadcast %mul3A_82 : i32 to vector<1024x128xi32>
    %mul3A_84 = arith.muli %iota3A_80, %mul3A_83 : vector<1024x128xi32>
    %jit3A_85 = arith.constant 16 : i32
    %div3A_86 = vector.broadcast %jit3A_85 : i32 to vector<1024x128xi32>
    %div3A_87 = arith.divsi %iota3A_81, %div3A_86 : vector<1024x128xi32>
    %sign3A_88 = arith.constant 0 : i32
    %sign3A_89 = vector.broadcast %sign3A_88 : i32 to vector<1024x128xi32>
    %sign3A_90 = arith.cmpi sgt, %iota3A_81, %sign3A_89 : vector<1024x128xi32>
    %sign3A_91 = arith.extui %sign3A_90 : vector<1024x128xi1> to vector<1024x128xi32>
    %sign3A_92 = arith.constant 0 : i32
    %sign3A_93 = vector.broadcast %sign3A_92 : i32 to vector<1024x128xi32>
    %sign3A_94 = arith.cmpi slt, %iota3A_81, %sign3A_93 : vector<1024x128xi32>
    %sign3A_95 = arith.extui %sign3A_94 : vector<1024x128xi1> to vector<1024x128xi32>
    %sign3A_96 = arith.subi %sign3A_91, %sign3A_95 : vector<1024x128xi32>
    %sign3A_97 = arith.constant 0 : i32
    %sign3A_98 = arith.cmpi sgt, %jit3A_85, %sign3A_97 : i32
    %sign3A_99 = arith.extui %sign3A_98 : i1 to i32
    %sign3A_100 = arith.constant 0 : i32
    %sign3A_101 = arith.cmpi slt, %jit3A_85, %sign3A_100 : i32
    %sign3A_102 = arith.extui %sign3A_101 : i1 to i32
    %sign3A_103 = arith.subi %sign3A_99, %sign3A_102 : i32
    %ne3A_104 = vector.broadcast %sign3A_103 : i32 to vector<1024x128xi32>
    %ne3A_105 = arith.cmpi ne, %sign3A_96, %ne3A_104 : vector<1024x128xi32>
    %rem3A_106 = vector.broadcast %jit3A_85 : i32 to vector<1024x128xi32>
    %rem3A_107 = arith.remsi %iota3A_81, %rem3A_106 : vector<1024x128xi32>
    %ne3A_108 = arith.constant 0 : i32
    %ne3A_109 = vector.broadcast %ne3A_108 : i32 to vector<1024x128xi32>
    %ne3A_110 = arith.cmpi ne, %rem3A_107, %ne3A_109 : vector<1024x128xi32>
    %and3A_111 = arith.andi %ne3A_105, %ne3A_110 : vector<1024x128xi1>
    %sub3A_112 = arith.constant 1 : i32
    %sub3A_113 = vector.broadcast %sub3A_112 : i32 to vector<1024x128xi32>
    %sub3A_114 = arith.subi %div3A_87, %sub3A_113 : vector<1024x128xi32>
    %select_n3A_115 = arith.select %and3A_111, %sub3A_114, %div3A_87 : vector<1024x128xi1>, vector<1024x128xi32>
    %add3A = arith.addi %mul3A_84, %select_n3A_115 : vector<1024x128xi32>
    %jit3A_116 = arith.constant 16 : i32
    %eq3A_117 = arith.constant 0 : i32
    %eq3A_118 = arith.cmpi eq, %jit3A_116, %eq3A_117 : i32
    %jit3A_119 = arith.constant 1 : i32
    %select_n3A_120 = arith.select %eq3A_118, %jit3A_119, %jit3A_116 : i32
    %rem3A_121 = vector.broadcast %select_n3A_120 : i32 to vector<1024x128xi32>
    %rem3A_122 = arith.remsi %iota3A_81, %rem3A_121 : vector<1024x128xi32>
    %ne3A_123 = arith.constant 0 : i32
    %ne3A_124 = vector.broadcast %ne3A_123 : i32 to vector<1024x128xi32>
    %ne3A_125 = arith.cmpi ne, %rem3A_122, %ne3A_124 : vector<1024x128xi32>
    %lt3A = arith.constant 0 : i32
    %lt3A_126 = vector.broadcast %lt3A : i32 to vector<1024x128xi32>
    %lt3A_127 = arith.cmpi slt, %rem3A_122, %lt3A_126 : vector<1024x128xi32>
    %lt3A_128 = arith.constant 0 : i32
    %lt3A_129 = arith.cmpi slt, %select_n3A_120, %lt3A_128 : i32
    %ne3A_130 = vector.broadcast %lt3A_129 : i1 to vector<1024x128xi1>
    %ne3A_131 = vector.broadcast %ne3A_130 : vector<1024x128xi1> to vector<1024x128xi1>
    %ne3A_132 = arith.xori %lt3A_127, %ne3A_131 : vector<1024x128xi1>
    %and3A_133 = arith.andi %ne3A_132, %ne3A_125 : vector<1024x128xi1>
    %add3A_134 = vector.broadcast %select_n3A_120 : i32 to vector<1024x128xi32>
    %add3A_135 = arith.addi %rem3A_122, %add3A_134 : vector<1024x128xi32>
    %select_n3A_136 = arith.select %and3A_133, %add3A_135, %rem3A_122 : vector<1024x128xi1>, vector<1024x128xi32>
    %eq3A_137 = arith.constant 0 : i32
    %eq3A_138 = vector.broadcast %eq3A_137 : i32 to vector<1024x128xi32>
    %eq3A_139 = arith.cmpi eq, %select_n3A_136, %eq3A_138 : vector<1024x128xi32>
    %ge3A = arith.constant 17 : i32
    %ge3A_140 = vector.broadcast %ge3A : i32 to vector<1024x128xi32>
    %ge3A_141 = arith.cmpi sge, %add3A, %ge3A_140 : vector<1024x128xi32>
    %and3A_142 = arith.andi %eq3A_139, %ge3A_141 : vector<1024x128xi1>
    %iota3A_143 = tpu.iota {dimensions = array<i32: 0>} : vector<512x128xi32>
    %iota3A_144 = tpu.iota {dimensions = array<i32: 1>} : vector<512x128xi32>
    %mul3A_145 = arith.constant 128 : i32
    %mul3A_146 = vector.broadcast %mul3A_145 : i32 to vector<512x128xi32>
    %mul3A_147 = arith.muli %iota3A_143, %mul3A_146 : vector<512x128xi32>
    %add3A_148 = arith.constant 8192 : i32
    %add3A_149 = vector.broadcast %add3A_148 : i32 to vector<512x128xi32>
    %add3A_150 = arith.addi %add3A_149, %mul3A_147 : vector<512x128xi32>
    %add3A_151 = arith.addi %add3A_150, %iota3A_144 : vector<512x128xi32>
    %lt3A_152 = arith.constant 65553 : i32
    %lt3A_153 = vector.broadcast %lt3A_152 : i32 to vector<512x128xi32>
    %lt3A_154 = arith.cmpi slt, %add3A_151, %lt3A_153 : vector<512x128xi32>
    %slice3A = vector.extract_strided_slice %div3A_79 {offsets = [0, 0], sizes = [8, 128], strides = [1, 1]} : vector<1024x128xf32> to vector<8x128xf32>
    %slice3A_155 = vector.extract_strided_slice %add3A {offsets = [0, 0], sizes = [8, 128], strides = [1, 1]} : vector<1024x128xi32> to vector<8x128xi32>
    %slice3A_156 = vector.extract_strided_slice %eq3A_139 {offsets = [0, 0], sizes = [8, 128], strides = [1, 1]} : vector<1024x128xi1> to vector<8x128xi1>
    %ge3A_157 = arith.constant 1 : i32
    %ge3A_158 = vector.broadcast %ge3A_157 : i32 to vector<8x128xi32>
    %ge3A_159 = arith.cmpi sge, %slice3A_155, %ge3A_158 : vector<8x128xi32>
    %and3A_160 = arith.andi %slice3A_156, %ge3A_159 : vector<8x128xi1>
    %le3A = arith.constant 16 : i32
    %le3A_161 = vector.broadcast %le3A : i32 to vector<8x128xi32>
    %le3A_162 = arith.cmpi sle, %slice3A_155, %le3A_161 : vector<8x128xi32>
    %and3A_163 = arith.andi %and3A_160, %le3A_162 : vector<8x128xi1>
    %sub3A_164 = arith.constant 1.000000e+00 : f32
    %sub3A_165 = vector.broadcast %sub3A_164 : f32 to vector<8x128xf32>
    %sub3A_166 = arith.subf %sub3A_165, %slice3A : vector<8x128xf32>
    %bitcast_convert_type3A = tpu.bitcast %sub3A_166 : vector<8x128xf32> -> vector<8x128xi32>
    %ge3A_167 = arith.constant -2147483648 : i32
    %ge3A_168 = vector.broadcast %ge3A_167 : i32 to vector<8x128xi32>
    %ge3A_169 = arith.cmpi uge, %bitcast_convert_type3A, %ge3A_168 : vector<8x128xi32>
    %not3A = arith.constant dense<-1> : vector<8x128xi32>
    %not3A_170 = arith.xori %bitcast_convert_type3A, %not3A : vector<8x128xi32>
    %or3A = arith.constant -2147483648 : i32
    %or3A_171 = vector.broadcast %or3A : i32 to vector<8x128xi32>
    %or3A_172 = arith.ori %bitcast_convert_type3A, %or3A_171 : vector<8x128xi32>
    %select_n3A_173 = arith.select %ge3A_169, %not3A_170, %or3A_172 : vector<8x128xi1>, vector<8x128xi32>
    %jit3A_174 = arith.constant 0 : i32
    %broadcast_in_dim3A = vector.broadcast %jit3A_174 : i32 to vector<8x128xi32>
    %select_n3A_175 = arith.select %and3A_163, %select_n3A_173, %broadcast_in_dim3A : vector<8x128xi1>, vector<8x128xi32>
    %broadcast_in_dim3A_176 = arith.constant 0 : i32
    %broadcast_in_dim3A_177 = vector.broadcast %broadcast_in_dim3A_176 : i32 to vector<8x128xi32>
    %or3A_178 = arith.constant 0 : i32
    %or3A_179 = arith.constant -1073741824 : i32
    %or3A_180 = arith.ori %or3A_178, %or3A_179 : i32
    %or3A_181 = arith.constant 0 : i32
    %or3A_182 = arith.constant -2147483648 : i32
    %or3A_183 = arith.ori %or3A_181, %or3A_182 : i32
    %or3A_184 = arith.constant 0 : i32
    %or3A_185 = arith.constant 1073741824 : i32
    %or3A_186 = arith.ori %or3A_184, %or3A_185 : i32
    %ge3A_187 = vector.broadcast %or3A_180 : i32 to vector<8x128xi32>
    %ge3A_188 = arith.cmpi uge, %select_n3A_175, %ge3A_187 : vector<8x128xi32>
    %convert_element_type3A_189 = arith.extui %ge3A_188 : vector<8x128xi1> to vector<8x128xi32>
    %reduce_sum3A_190 = vector.shape_cast %convert_element_type3A_189 : vector<8x128xi32> to vector<1x8x128xi32>
    %reduce_sum3A_191 = arith.constant dense<0> : vector<1xi32>
    %reduce_sum3A_192 = vector.multi_reduction <add>, %reduce_sum3A_190, %reduce_sum3A_191 [1, 2] : vector<1x8x128xi32> to vector<1xi32>
    %reduce_sum3A_193 = vector.shape_cast %reduce_sum3A_192 : vector<1xi32> to vector<1x1x1xi32>
    %reduce_sum3A_194 = vector.extract %reduce_sum3A_193[0, 0, 0] : i32 from vector<1x1x1xi32>
    %ge3A_195 = vector.broadcast %or3A_180 : i32 to vector<8x128xi32>
    %ge3A_196 = arith.cmpi uge, %broadcast_in_dim3A_177, %ge3A_195 : vector<8x128xi32>
    %convert_element_type3A_197 = arith.extui %ge3A_196 : vector<8x128xi1> to vector<8x128xi32>
    %reduce_sum3A_198 = vector.shape_cast %convert_element_type3A_197 : vector<8x128xi32> to vector<1x8x128xi32>
    %reduce_sum3A_199 = arith.constant dense<0> : vector<1xi32>
    %reduce_sum3A_200 = vector.multi_reduction <add>, %reduce_sum3A_198, %reduce_sum3A_199 [1, 2] : vector<1x8x128xi32> to vector<1xi32>
    %reduce_sum3A_201 = vector.shape_cast %reduce_sum3A_200 : vector<1xi32> to vector<1x1x1xi32>
    %reduce_sum3A_202 = vector.extract %reduce_sum3A_201[0, 0, 0] : i32 from vector<1x1x1xi32>
    %add3A_203 = arith.addi %reduce_sum3A_194, %reduce_sum3A_202 : i32
    %ge3A_204 = vector.broadcast %or3A_183 : i32 to vector<8x128xi32>
    %ge3A_205 = arith.cmpi uge, %select_n3A_175, %ge3A_204 : vector<8x128xi32>
    %convert_element_type3A_206 = arith.extui %ge3A_205 : vector<8x128xi1> to vector<8x128xi32>
    %reduce_sum3A_207 = vector.shape_cast %convert_element_type3A_206 : vector<8x128xi32> to vector<1x8x128xi32>
    %reduce_sum3A_208 = arith.constant dense<0> : vector<1xi32>
    %reduce_sum3A_209 = vector.multi_reduction <add>, %reduce_sum3A_207, %reduce_sum3A_208 [1, 2] : vector<1x8x128xi32> to vector<1xi32>
    %reduce_sum3A_210 = vector.shape_cast %reduce_sum3A_209 : vector<1xi32> to vector<1x1x1xi32>
    %reduce_sum3A_211 = vector.extract %reduce_sum3A_210[0, 0, 0] : i32 from vector<1x1x1xi32>
    %ge3A_212 = vector.broadcast %or3A_183 : i32 to vector<8x128xi32>
    %ge3A_213 = arith.cmpi uge, %broadcast_in_dim3A_177, %ge3A_212 : vector<8x128xi32>
    %convert_element_type3A_214 = arith.extui %ge3A_213 : vector<8x128xi1> to vector<8x128xi32>
    %reduce_sum3A_215 = vector.shape_cast %convert_element_type3A_214 : vector<8x128xi32> to vector<1x8x128xi32>
    %reduce_sum3A_216 = arith.constant dense<0> : vector<1xi32>
    %reduce_sum3A_217 = vector.multi_reduction <add>, %reduce_sum3A_215, %reduce_sum3A_216 [1, 2] : vector<1x8x128xi32> to vector<1xi32>
    %reduce_sum3A_218 = vector.shape_cast %reduce_sum3A_217 : vector<1xi32> to vector<1x1x1xi32>
    %reduce_sum3A_219 = vector.extract %reduce_sum3A_218[0, 0, 0] : i32 from vector<1x1x1xi32>
    %add3A_220 = arith.addi %reduce_sum3A_211, %reduce_sum3A_219 : i32
    %ge3A_221 = vector.broadcast %or3A_186 : i32 to vector<8x128xi32>
    %ge3A_222 = arith.cmpi uge, %select_n3A_175, %ge3A_221 : vector<8x128xi32>
    %convert_element_type3A_223 = arith.extui %ge3A_222 : vector<8x128xi1> to vector<8x128xi32>
    %reduce_sum3A_224 = vector.shape_cast %convert_element_type3A_223 : vector<8x128xi32> to vector<1x8x128xi32>
    %reduce_sum3A_225 = arith.constant dense<0> : vector<1xi32>
    %reduce_sum3A_226 = vector.multi_reduction <add>, %reduce_sum3A_224, %reduce_sum3A_225 [1, 2] : vector<1x8x128xi32> to vector<1xi32>
    %reduce_sum3A_227 = vector.shape_cast %reduce_sum3A_226 : vector<1xi32> to vector<1x1x1xi32>
    %reduce_sum3A_228 = vector.extract %reduce_sum3A_227[0, 0, 0] : i32 from vector<1x1x1xi32>
    %ge3A_229 = vector.broadcast %or3A_186 : i32 to vector<8x128xi32>
    %ge3A_230 = arith.cmpi uge, %broadcast_in_dim3A_177, %ge3A_229 : vector<8x128xi32>
    %convert_element_type3A_231 = arith.extui %ge3A_230 : vector<8x128xi1> to vector<8x128xi32>
    %reduce_sum3A_232 = vector.shape_cast %convert_element_type3A_231 : vector<8x128xi32> to vector<1x8x128xi32>
    %reduce_sum3A_233 = arith.constant dense<0> : vector<1xi32>
    %reduce_sum3A_234 = vector.multi_reduction <add>, %reduce_sum3A_232, %reduce_sum3A_233 [1, 2] : vector<1x8x128xi32> to vector<1xi32>
    %reduce_sum3A_235 = vector.shape_cast %reduce_sum3A_234 : vector<1xi32> to vector<1x1x1xi32>
    %reduce_sum3A_236 = vector.extract %reduce_sum3A_235[0, 0, 0] : i32 from vector<1x1x1xi32>
    %add3A_237 = arith.addi %reduce_sum3A_228, %reduce_sum3A_236 : i32
    %ge3A_238 = arith.constant 8 : i32
    %ge3A_239 = arith.cmpi sge, %add3A_203, %ge3A_238 : i32
    %ge3A_240 = arith.constant 8 : i32
    %ge3A_241 = arith.cmpi sge, %add3A_220, %ge3A_240 : i32
    %ge3A_242 = arith.constant 8 : i32
    %ge3A_243 = arith.cmpi sge, %add3A_237, %ge3A_242 : i32
    %jit3A_244 = arith.constant 0 : i32
    %select_n3A_245 = arith.select %ge3A_243, %or3A_186, %jit3A_244 : i32
    %select_n3A_246 = arith.select %ge3A_241, %or3A_183, %select_n3A_245 : i32
    %select_n3A_247 = arith.select %ge3A_239, %or3A_180, %select_n3A_246 : i32
    %or3A_248 = arith.constant 805306368 : i32
    %or3A_249 = arith.ori %select_n3A_247, %or3A_248 : i32
    %or3A_250 = arith.constant 536870912 : i32
    %or3A_251 = arith.ori %select_n3A_247, %or3A_250 : i32
    %or3A_252 = arith.constant 268435456 : i32
    %or3A_253 = arith.ori %select_n3A_247, %or3A_252 : i32
    %ge3A_254 = vector.broadcast %or3A_249 : i32 to vector<8x128xi32>
    %ge3A_255 = arith.cmpi uge, %select_n3A_175, %ge3A_254 : vector<8x128xi32>
    %convert_element_type3A_256 = arith.extui %ge3A_255 : vector<8x128xi1> to vector<8x128xi32>
    %reduce_sum3A_257 = vector.shape_cast %convert_element_type3A_256 : vector<8x128xi32> to vector<1x8x128xi32>
    %reduce_sum3A_258 = arith.constant dense<0> : vector<1xi32>
    %reduce_sum3A_259 = vector.multi_reduction <add>, %reduce_sum3A_257, %reduce_sum3A_258 [1, 2] : vector<1x8x128xi32> to vector<1xi32>
    %reduce_sum3A_260 = vector.shape_cast %reduce_sum3A_259 : vector<1xi32> to vector<1x1x1xi32>
    %reduce_sum3A_261 = vector.extract %reduce_sum3A_260[0, 0, 0] : i32 from vector<1x1x1xi32>
    %ge3A_262 = vector.broadcast %or3A_249 : i32 to vector<8x128xi32>
    %ge3A_263 = arith.cmpi uge, %broadcast_in_dim3A_177, %ge3A_262 : vector<8x128xi32>
    %convert_element_type3A_264 = arith.extui %ge3A_263 : vector<8x128xi1> to vector<8x128xi32>
    %reduce_sum3A_265 = vector.shape_cast %convert_element_type3A_264 : vector<8x128xi32> to vector<1x8x128xi32>
    %reduce_sum3A_266 = arith.constant dense<0> : vector<1xi32>
    %reduce_sum3A_267 = vector.multi_reduction <add>, %reduce_sum3A_265, %reduce_sum3A_266 [1, 2] : vector<1x8x128xi32> to vector<1xi32>
    %reduce_sum3A_268 = vector.shape_cast %reduce_sum3A_267 : vector<1xi32> to vector<1x1x1xi32>
    %reduce_sum3A_269 = vector.extract %reduce_sum3A_268[0, 0, 0] : i32 from vector<1x1x1xi32>
    %add3A_270 = arith.addi %reduce_sum3A_261, %reduce_sum3A_269 : i32
    %ge3A_271 = vector.broadcast %or3A_251 : i32 to vector<8x128xi32>
    %ge3A_272 = arith.cmpi uge, %select_n3A_175, %ge3A_271 : vector<8x128xi32>
    %convert_element_type3A_273 = arith.extui %ge3A_272 : vector<8x128xi1> to vector<8x128xi32>
    %reduce_sum3A_274 = vector.shape_cast %convert_element_type3A_273 : vector<8x128xi32> to vector<1x8x128xi32>
    %reduce_sum3A_275 = arith.constant dense<0> : vector<1xi32>
    %reduce_sum3A_276 = vector.multi_reduction <add>, %reduce_sum3A_274, %reduce_sum3A_275 [1, 2] : vector<1x8x128xi32> to vector<1xi32>
    %reduce_sum3A_277 = vector.shape_cast %reduce_sum3A_276 : vector<1xi32> to vector<1x1x1xi32>
    %reduce_sum3A_278 = vector.extract %reduce_sum3A_277[0, 0, 0] : i32 from vector<1x1x1xi32>
    %ge3A_279 = vector.broadcast %or3A_251 : i32 to vector<8x128xi32>
    %ge3A_280 = arith.cmpi uge, %broadcast_in_dim3A_177, %ge3A_279 : vector<8x128xi32>
    %convert_element_type3A_281 = arith.extui %ge3A_280 : vector<8x128xi1> to vector<8x128xi32>
    %reduce_sum3A_282 = vector.shape_cast %convert_element_type3A_281 : vector<8x128xi32> to vector<1x8x128xi32>
    %reduce_sum3A_283 = arith.constant dense<0> : vector<1xi32>
    %reduce_sum3A_284 = vector.multi_reduction <add>, %reduce_sum3A_282, %reduce_sum3A_283 [1, 2] : vector<1x8x128xi32> to vector<1xi32>
    %reduce_sum3A_285 = vector.shape_cast %reduce_sum3A_284 : vector<1xi32> to vector<1x1x1xi32>
    %reduce_sum3A_286 = vector.extract %reduce_sum3A_285[0, 0, 0] : i32 from vector<1x1x1xi32>
    %add3A_287 = arith.addi %reduce_sum3A_278, %reduce_sum3A_286 : i32
    %ge3A_288 = vector.broadcast %or3A_253 : i32 to vector<8x128xi32>
    %ge3A_289 = arith.cmpi uge, %select_n3A_175, %ge3A_288 : vector<8x128xi32>
    %convert_element_type3A_290 = arith.extui %ge3A_289 : vector<8x128xi1> to vector<8x128xi32>
    %reduce_sum3A_291 = vector.shape_cast %convert_element_type3A_290 : vector<8x128xi32> to vector<1x8x128xi32>
    %reduce_sum3A_292 = arith.constant dense<0> : vector<1xi32>
    %reduce_sum3A_293 = vector.multi_reduction <add>, %reduce_sum3A_291, %reduce_sum3A_292 [1, 2] : vector<1x8x128xi32> to vector<1xi32>
    %reduce_sum3A_294 = vector.shape_cast %reduce_sum3A_293 : vector<1xi32> to vector<1x1x1xi32>
    %reduce_sum3A_295 = vector.extract %reduce_sum3A_294[0, 0, 0] : i32 from vector<1x1x1xi32>
    %ge3A_296 = vector.broadcast %or3A_253 : i32 to vector<8x128xi32>
    %ge3A_297 = arith.cmpi uge, %broadcast_in_dim3A_177, %ge3A_296 : vector<8x128xi32>
    %convert_element_type3A_298 = arith.extui %ge3A_297 : vector<8x128xi1> to vector<8x128xi32>
    %reduce_sum3A_299 = vector.shape_cast %convert_element_type3A_298 : vector<8x128xi32> to vector<1x8x128xi32>
    %reduce_sum3A_300 = arith.constant dense<0> : vector<1xi32>
    %reduce_sum3A_301 = vector.multi_reduction <add>, %reduce_sum3A_299, %reduce_sum3A_300 [1, 2] : vector<1x8x128xi32> to vector<1xi32>
    %reduce_sum3A_302 = vector.shape_cast %reduce_sum3A_301 : vector<1xi32> to vector<1x1x1xi32>
    %reduce_sum3A_303 = vector.extract %reduce_sum3A_302[0, 0, 0] : i32 from vector<1x1x1xi32>
    %add3A_304 = arith.addi %reduce_sum3A_295, %reduce_sum3A_303 : i32
    %ge3A_305 = arith.constant 8 : i32
    %ge3A_306 = arith.cmpi sge, %add3A_270, %ge3A_305 : i32
    %ge3A_307 = arith.constant 8 : i32
    %ge3A_308 = arith.cmpi sge, %add3A_287, %ge3A_307 : i32
    %ge3A_309 = arith.constant 8 : i32
    %ge3A_310 = arith.cmpi sge, %add3A_304, %ge3A_309 : i32
    %select_n3A_311 = arith.select %ge3A_310, %or3A_253, %select_n3A_247 : i32
    %select_n3A_312 = arith.select %ge3A_308, %or3A_251, %select_n3A_311 : i32
    %select_n3A_313 = arith.select %ge3A_306, %or3A_249, %select_n3A_312 : i32
    %or3A_314 = arith.constant 201326592 : i32
    %or3A_315 = arith.ori %select_n3A_313, %or3A_314 : i32
    %or3A_316 = arith.constant 134217728 : i32
    %or3A_317 = arith.ori %select_n3A_313, %or3A_316 : i32
    %or3A_318 = arith.constant 67108864 : i32
    %or3A_319 = arith.ori %select_n3A_313, %or3A_318 : i32
    %ge3A_320 = vector.broadcast %or3A_315 : i32 to vector<8x128xi32>
    %ge3A_321 = arith.cmpi uge, %select_n3A_175, %ge3A_320 : vector<8x128xi32>
    %convert_element_type3A_322 = arith.extui %ge3A_321 : vector<8x128xi1> to vector<8x128xi32>
    %reduce_sum3A_323 = vector.shape_cast %convert_element_type3A_322 : vector<8x128xi32> to vector<1x8x128xi32>
    %reduce_sum3A_324 = arith.constant dense<0> : vector<1xi32>
    %reduce_sum3A_325 = vector.multi_reduction <add>, %reduce_sum3A_323, %reduce_sum3A_324 [1, 2] : vector<1x8x128xi32> to vector<1xi32>
    %reduce_sum3A_326 = vector.shape_cast %reduce_sum3A_325 : vector<1xi32> to vector<1x1x1xi32>
    %reduce_sum3A_327 = vector.extract %reduce_sum3A_326[0, 0, 0] : i32 from vector<1x1x1xi32>
    %ge3A_328 = vector.broadcast %or3A_315 : i32 to vector<8x128xi32>
    %ge3A_329 = arith.cmpi uge, %broadcast_in_dim3A_177, %ge3A_328 : vector<8x128xi32>
    %convert_element_type3A_330 = arith.extui %ge3A_329 : vector<8x128xi1> to vector<8x128xi32>
    %reduce_sum3A_331 = vector.shape_cast %convert_element_type3A_330 : vector<8x128xi32> to vector<1x8x128xi32>
    %reduce_sum3A_332 = arith.constant dense<0> : vector<1xi32>
    %reduce_sum3A_333 = vector.multi_reduction <add>, %reduce_sum3A_331, %reduce_sum3A_332 [1, 2] : vector<1x8x128xi32> to vector<1xi32>
    %reduce_sum3A_334 = vector.shape_cast %reduce_sum3A_333 : vector<1xi32> to vector<1x1x1xi32>
    %reduce_sum3A_335 = vector.extract %reduce_sum3A_334[0, 0, 0] : i32 from vector<1x1x1xi32>
    %add3A_336 = arith.addi %reduce_sum3A_327, %reduce_sum3A_335 : i32
    %ge3A_337 = vector.broadcast %or3A_317 : i32 to vector<8x128xi32>
    %ge3A_338 = arith.cmpi uge, %select_n3A_175, %ge3A_337 : vector<8x128xi32>
    %convert_element_type3A_339 = arith.extui %ge3A_338 : vector<8x128xi1> to vector<8x128xi32>
    %reduce_sum3A_340 = vector.shape_cast %convert_element_type3A_339 : vector<8x128xi32> to vector<1x8x128xi32>
    %reduce_sum3A_341 = arith.constant dense<0> : vector<1xi32>
    %reduce_sum3A_342 = vector.multi_reduction <add>, %reduce_sum3A_340, %reduce_sum3A_341 [1, 2] : vector<1x8x128xi32> to vector<1xi32>
    %reduce_sum3A_343 = vector.shape_cast %reduce_sum3A_342 : vector<1xi32> to vector<1x1x1xi32>
    %reduce_sum3A_344 = vector.extract %reduce_sum3A_343[0, 0, 0] : i32 from vector<1x1x1xi32>
    %ge3A_345 = vector.broadcast %or3A_317 : i32 to vector<8x128xi32>
    %ge3A_346 = arith.cmpi uge, %broadcast_in_dim3A_177, %ge3A_345 : vector<8x128xi32>
    %convert_element_type3A_347 = arith.extui %ge3A_346 : vector<8x128xi1> to vector<8x128xi32>
    %reduce_sum3A_348 = vector.shape_cast %convert_element_type3A_347 : vector<8x128xi32> to vector<1x8x128xi32>
    %reduce_sum3A_349 = arith.constant dense<0> : vector<1xi32>
    %reduce_sum3A_350 = vector.multi_reduction <add>, %reduce_sum3A_348, %reduce_sum3A_349 [1, 2] : vector<1x8x128xi32> to vector<1xi32>
    %reduce_sum3A_351 = vector.shape_cast %reduce_sum3A_350 : vector<1xi32> to vector<1x1x1xi32>
    %reduce_sum3A_352 = vector.extract %reduce_sum3A_351[0, 0, 0] : i32 from vector<1x1x1xi32>
    %add3A_353 = arith.addi %reduce_sum3A_344, %reduce_sum3A_352 : i32
    %ge3A_354 = vector.broadcast %or3A_319 : i32 to vector<8x128xi32>
    %ge3A_355 = arith.cmpi uge, %select_n3A_175, %ge3A_354 : vector<8x128xi32>
    %convert_element_type3A_356 = arith.extui %ge3A_355 : vector<8x128xi1> to vector<8x128xi32>
    %reduce_sum3A_357 = vector.shape_cast %convert_element_type3A_356 : vector<8x128xi32> to vector<1x8x128xi32>
    %reduce_sum3A_358 = arith.constant dense<0> : vector<1xi32>
    %reduce_sum3A_359 = vector.multi_reduction <add>, %reduce_sum3A_357, %reduce_sum3A_358 [1, 2] : vector<1x8x128xi32> to vector<1xi32>
    %reduce_sum3A_360 = vector.shape_cast %reduce_sum3A_359 : vector<1xi32> to vector<1x1x1xi32>
    %reduce_sum3A_361 = vector.extract %reduce_sum3A_360[0, 0, 0] : i32 from vector<1x1x1xi32>
    %ge3A_362 = vector.broadcast %or3A_319 : i32 to vector<8x128xi32>
    %ge3A_363 = arith.cmpi uge, %broadcast_in_dim3A_177, %ge3A_362 : vector<8x128xi32>
    %convert_element_type3A_364 = arith.extui %ge3A_363 : vector<8x128xi1> to vector<8x128xi32>
    %reduce_sum3A_365 = vector.shape_cast %convert_element_type3A_364 : vector<8x128xi32> to vector<1x8x128xi32>
    %reduce_sum3A_366 = arith.constant dense<0> : vector<1xi32>
    %reduce_sum3A_367 = vector.multi_reduction <add>, %reduce_sum3A_365, %reduce_sum3A_366 [1, 2] : vector<1x8x128xi32> to vector<1xi32>
    %reduce_sum3A_368 = vector.shape_cast %reduce_sum3A_367 : vector<1xi32> to vector<1x1x1xi32>
    %reduce_sum3A_369 = vector.extract %reduce_sum3A_368[0, 0, 0] : i32 from vector<1x1x1xi32>
    %add3A_370 = arith.addi %reduce_sum3A_361, %reduce_sum3A_369 : i32
    %ge3A_371 = arith.constant 8 : i32
    %ge3A_372 = arith.cmpi sge, %add3A_336, %ge3A_371 : i32
    %ge3A_373 = arith.constant 8 : i32
    %ge3A_374 = arith.cmpi sge, %add3A_353, %ge3A_373 : i32
    %ge3A_375 = arith.constant 8 : i32
    %ge3A_376 = arith.cmpi sge, %add3A_370, %ge3A_375 : i32
    %select_n3A_377 = arith.select %ge3A_376, %or3A_319, %select_n3A_313 : i32
    %select_n3A_378 = arith.select %ge3A_374, %or3A_317, %select_n3A_377 : i32
    %select_n3A_379 = arith.select %ge3A_372, %or3A_315, %select_n3A_378 : i32
    %or3A_380 = arith.constant 50331648 : i32
    %or3A_381 = arith.ori %select_n3A_379, %or3A_380 : i32
    %or3A_382 = arith.constant 33554432 : i32
    %or3A_383 = arith.ori %select_n3A_379, %or3A_382 : i32
    %or3A_384 = arith.constant 16777216 : i32
    %or3A_385 = arith.ori %select_n3A_379, %or3A_384 : i32
    %ge3A_386 = vector.broadcast %or3A_381 : i32 to vector<8x128xi32>
    %ge3A_387 = arith.cmpi uge, %select_n3A_175, %ge3A_386 : vector<8x128xi32>
    %convert_element_type3A_388 = arith.extui %ge3A_387 : vector<8x128xi1> to vector<8x128xi32>
    %reduce_sum3A_389 = vector.shape_cast %convert_element_type3A_388 : vector<8x128xi32> to vector<1x8x128xi32>
    %reduce_sum3A_390 = arith.constant dense<0> : vector<1xi32>
    %reduce_sum3A_391 = vector.multi_reduction <add>, %reduce_sum3A_389, %reduce_sum3A_390 [1, 2] : vector<1x8x128xi32> to vector<1xi32>
    %reduce_sum3A_392 = vector.shape_cast %reduce_sum3A_391 : vector<1xi32> to vector<1x1x1xi32>
    %reduce_sum3A_393 = vector.extract %reduce_sum3A_392[0, 0, 0] : i32 from vector<1x1x1xi32>
    %ge3A_394 = vector.broadcast %or3A_381 : i32 to vector<8x128xi32>
    %ge3A_395 = arith.cmpi uge, %broadcast_in_dim3A_177, %ge3A_394 : vector<8x128xi32>
    %convert_element_type3A_396 = arith.extui %ge3A_395 : vector<8x128xi1> to vector<8x128xi32>
    %reduce_sum3A_397 = vector.shape_cast %convert_element_type3A_396 : vector<8x128xi32> to vector<1x8x128xi32>
    %reduce_sum3A_398 = arith.constant dense<0> : vector<1xi32>
    %reduce_sum3A_399 = vector.multi_reduction <add>, %reduce_sum3A_397, %reduce_sum3A_398 [1, 2] : vector<1x8x128xi32> to vector<1xi32>
    %reduce_sum3A_400 = vector.shape_cast %reduce_sum3A_399 : vector<1xi32> to vector<1x1x1xi32>
    %reduce_sum3A_401 = vector.extract %reduce_sum3A_400[0, 0, 0] : i32 from vector<1x1x1xi32>
    %add3A_402 = arith.addi %reduce_sum3A_393, %reduce_sum3A_401 : i32
    %ge3A_403 = vector.broadcast %or3A_383 : i32 to vector<8x128xi32>
    %ge3A_404 = arith.cmpi uge, %select_n3A_175, %ge3A_403 : vector<8x128xi32>
    %convert_element_type3A_405 = arith.extui %ge3A_404 : vector<8x128xi1> to vector<8x128xi32>
    %reduce_sum3A_406 = vector.shape_cast %convert_element_type3A_405 : vector<8x128xi32> to vector<1x8x128xi32>
    %reduce_sum3A_407 = arith.constant dense<0> : vector<1xi32>
    %reduce_sum3A_408 = vector.multi_reduction <add>, %reduce_sum3A_406, %reduce_sum3A_407 [1, 2] : vector<1x8x128xi32> to vector<1xi32>
    %reduce_sum3A_409 = vector.shape_cast %reduce_sum3A_408 : vector<1xi32> to vector<1x1x1xi32>
    %reduce_sum3A_410 = vector.extract %reduce_sum3A_409[0, 0, 0] : i32 from vector<1x1x1xi32>
    %ge3A_411 = vector.broadcast %or3A_383 : i32 to vector<8x128xi32>
    %ge3A_412 = arith.cmpi uge, %broadcast_in_dim3A_177, %ge3A_411 : vector<8x128xi32>
    %convert_element_type3A_413 = arith.extui %ge3A_412 : vector<8x128xi1> to vector<8x128xi32>
    %reduce_sum3A_414 = vector.shape_cast %convert_element_type3A_413 : vector<8x128xi32> to vector<1x8x128xi32>
    %reduce_sum3A_415 = arith.constant dense<0> : vector<1xi32>
    %reduce_sum3A_416 = vector.multi_reduction <add>, %reduce_sum3A_414, %reduce_sum3A_415 [1, 2] : vector<1x8x128xi32> to vector<1xi32>
    %reduce_sum3A_417 = vector.shape_cast %reduce_sum3A_416 : vector<1xi32> to vector<1x1x1xi32>
    %reduce_sum3A_418 = vector.extract %reduce_sum3A_417[0, 0, 0] : i32 from vector<1x1x1xi32>
    %add3A_419 = arith.addi %reduce_sum3A_410, %reduce_sum3A_418 : i32
    %ge3A_420 = vector.broadcast %or3A_385 : i32 to vector<8x128xi32>
    %ge3A_421 = arith.cmpi uge, %select_n3A_175, %ge3A_420 : vector<8x128xi32>
    %convert_element_type3A_422 = arith.extui %ge3A_421 : vector<8x128xi1> to vector<8x128xi32>
    %reduce_sum3A_423 = vector.shape_cast %convert_element_type3A_422 : vector<8x128xi32> to vector<1x8x128xi32>
    %reduce_sum3A_424 = arith.constant dense<0> : vector<1xi32>
    %reduce_sum3A_425 = vector.multi_reduction <add>, %reduce_sum3A_423, %reduce_sum3A_424 [1, 2] : vector<1x8x128xi32> to vector<1xi32>
    %reduce_sum3A_426 = vector.shape_cast %reduce_sum3A_425 : vector<1xi32> to vector<1x1x1xi32>
    %reduce_sum3A_427 = vector.extract %reduce_sum3A_426[0, 0, 0] : i32 from vector<1x1x1xi32>
    %ge3A_428 = vector.broadcast %or3A_385 : i32 to vector<8x128xi32>
    %ge3A_429 = arith.cmpi uge, %broadcast_in_dim3A_177, %ge3A_428 : vector<8x128xi32>
    %convert_element_type3A_430 = arith.extui %ge3A_429 : vector<8x128xi1> to vector<8x128xi32>
    %reduce_sum3A_431 = vector.shape_cast %convert_element_type3A_430 : vector<8x128xi32> to vector<1x8x128xi32>
    %reduce_sum3A_432 = arith.constant dense<0> : vector<1xi32>
    %reduce_sum3A_433 = vector.multi_reduction <add>, %reduce_sum3A_431, %reduce_sum3A_432 [1, 2] : vector<1x8x128xi32> to vector<1xi32>
    %reduce_sum3A_434 = vector.shape_cast %reduce_sum3A_433 : vector<1xi32> to vector<1x1x1xi32>
    %reduce_sum3A_435 = vector.extract %reduce_sum3A_434[0, 0, 0] : i32 from vector<1x1x1xi32>
    %add3A_436 = arith.addi %reduce_sum3A_427, %reduce_sum3A_435 : i32
    %ge3A_437 = arith.constant 8 : i32
    %ge3A_438 = arith.cmpi sge, %add3A_402, %ge3A_437 : i32
    %ge3A_439 = arith.constant 8 : i32
    %ge3A_440 = arith.cmpi sge, %add3A_419, %ge3A_439 : i32
    %ge3A_441 = arith.constant 8 : i32
    %ge3A_442 = arith.cmpi sge, %add3A_436, %ge3A_441 : i32
    %select_n3A_443 = arith.select %ge3A_442, %or3A_385, %select_n3A_379 : i32
    %select_n3A_444 = arith.select %ge3A_440, %or3A_383, %select_n3A_443 : i32
    %select_n3A_445 = arith.select %ge3A_438, %or3A_381, %select_n3A_444 : i32
    %or3A_446 = arith.constant 12582912 : i32
    %or3A_447 = arith.ori %select_n3A_445, %or3A_446 : i32
    %or3A_448 = arith.constant 8388608 : i32
    %or3A_449 = arith.ori %select_n3A_445, %or3A_448 : i32
    %or3A_450 = arith.constant 4194304 : i32
    %or3A_451 = arith.ori %select_n3A_445, %or3A_450 : i32
    %ge3A_452 = vector.broadcast %or3A_447 : i32 to vector<8x128xi32>
    %ge3A_453 = arith.cmpi uge, %select_n3A_175, %ge3A_452 : vector<8x128xi32>
    %convert_element_type3A_454 = arith.extui %ge3A_453 : vector<8x128xi1> to vector<8x128xi32>
    %reduce_sum3A_455 = vector.shape_cast %convert_element_type3A_454 : vector<8x128xi32> to vector<1x8x128xi32>
    %reduce_sum3A_456 = arith.constant dense<0> : vector<1xi32>
    %reduce_sum3A_457 = vector.multi_reduction <add>, %reduce_sum3A_455, %reduce_sum3A_456 [1, 2] : vector<1x8x128xi32> to vector<1xi32>
    %reduce_sum3A_458 = vector.shape_cast %reduce_sum3A_457 : vector<1xi32> to vector<1x1x1xi32>
    %reduce_sum3A_459 = vector.extract %reduce_sum3A_458[0, 0, 0] : i32 from vector<1x1x1xi32>
    %ge3A_460 = vector.broadcast %or3A_447 : i32 to vector<8x128xi32>
    %ge3A_461 = arith.cmpi uge, %broadcast_in_dim3A_177, %ge3A_460 : vector<8x128xi32>
    %convert_element_type3A_462 = arith.extui %ge3A_461 : vector<8x128xi1> to vector<8x128xi32>
    %reduce_sum3A_463 = vector.shape_cast %convert_element_type3A_462 : vector<8x128xi32> to vector<1x8x128xi32>
    %reduce_sum3A_464 = arith.constant dense<0> : vector<1xi32>
    %reduce_sum3A_465 = vector.multi_reduction <add>, %reduce_sum3A_463, %reduce_sum3A_464 [1, 2] : vector<1x8x128xi32> to vector<1xi32>
    %reduce_sum3A_466 = vector.shape_cast %reduce_sum3A_465 : vector<1xi32> to vector<1x1x1xi32>
    %reduce_sum3A_467 = vector.extract %reduce_sum3A_466[0, 0, 0] : i32 from vector<1x1x1xi32>
    %add3A_468 = arith.addi %reduce_sum3A_459, %reduce_sum3A_467 : i32
    %ge3A_469 = vector.broadcast %or3A_449 : i32 to vector<8x128xi32>
    %ge3A_470 = arith.cmpi uge, %select_n3A_175, %ge3A_469 : vector<8x128xi32>
    %convert_element_type3A_471 = arith.extui %ge3A_470 : vector<8x128xi1> to vector<8x128xi32>
    %reduce_sum3A_472 = vector.shape_cast %convert_element_type3A_471 : vector<8x128xi32> to vector<1x8x128xi32>
    %reduce_sum3A_473 = arith.constant dense<0> : vector<1xi32>
    %reduce_sum3A_474 = vector.multi_reduction <add>, %reduce_sum3A_472, %reduce_sum3A_473 [1, 2] : vector<1x8x128xi32> to vector<1xi32>
    %reduce_sum3A_475 = vector.shape_cast %reduce_sum3A_474 : vector<1xi32> to vector<1x1x1xi32>
    %reduce_sum3A_476 = vector.extract %reduce_sum3A_475[0, 0, 0] : i32 from vector<1x1x1xi32>
    %ge3A_477 = vector.broadcast %or3A_449 : i32 to vector<8x128xi32>
    %ge3A_478 = arith.cmpi uge, %broadcast_in_dim3A_177, %ge3A_477 : vector<8x128xi32>
    %convert_element_type3A_479 = arith.extui %ge3A_478 : vector<8x128xi1> to vector<8x128xi32>
    %reduce_sum3A_480 = vector.shape_cast %convert_element_type3A_479 : vector<8x128xi32> to vector<1x8x128xi32>
    %reduce_sum3A_481 = arith.constant dense<0> : vector<1xi32>
    %reduce_sum3A_482 = vector.multi_reduction <add>, %reduce_sum3A_480, %reduce_sum3A_481 [1, 2] : vector<1x8x128xi32> to vector<1xi32>
    %reduce_sum3A_483 = vector.shape_cast %reduce_sum3A_482 : vector<1xi32> to vector<1x1x1xi32>
    %reduce_sum3A_484 = vector.extract %reduce_sum3A_483[0, 0, 0] : i32 from vector<1x1x1xi32>
    %add3A_485 = arith.addi %reduce_sum3A_476, %reduce_sum3A_484 : i32
    %ge3A_486 = vector.broadcast %or3A_451 : i32 to vector<8x128xi32>
    %ge3A_487 = arith.cmpi uge, %select_n3A_175, %ge3A_486 : vector<8x128xi32>
    %convert_element_type3A_488 = arith.extui %ge3A_487 : vector<8x128xi1> to vector<8x128xi32>
    %reduce_sum3A_489 = vector.shape_cast %convert_element_type3A_488 : vector<8x128xi32> to vector<1x8x128xi32>
    %reduce_sum3A_490 = arith.constant dense<0> : vector<1xi32>
    %reduce_sum3A_491 = vector.multi_reduction <add>, %reduce_sum3A_489, %reduce_sum3A_490 [1, 2] : vector<1x8x128xi32> to vector<1xi32>
    %reduce_sum3A_492 = vector.shape_cast %reduce_sum3A_491 : vector<1xi32> to vector<1x1x1xi32>
    %reduce_sum3A_493 = vector.extract %reduce_sum3A_492[0, 0, 0] : i32 from vector<1x1x1xi32>
    %ge3A_494 = vector.broadcast %or3A_451 : i32 to vector<8x128xi32>
    %ge3A_495 = arith.cmpi uge, %broadcast_in_dim3A_177, %ge3A_494 : vector<8x128xi32>
    %convert_element_type3A_496 = arith.extui %ge3A_495 : vector<8x128xi1> to vector<8x128xi32>
    %reduce_sum3A_497 = vector.shape_cast %convert_element_type3A_496 : vector<8x128xi32> to vector<1x8x128xi32>
    %reduce_sum3A_498 = arith.constant dense<0> : vector<1xi32>
    %reduce_sum3A_499 = vector.multi_reduction <add>, %reduce_sum3A_497, %reduce_sum3A_498 [1, 2] : vector<1x8x128xi32> to vector<1xi32>
    %reduce_sum3A_500 = vector.shape_cast %reduce_sum3A_499 : vector<1xi32> to vector<1x1x1xi32>
    %reduce_sum3A_501 = vector.extract %reduce_sum3A_500[0, 0, 0] : i32 from vector<1x1x1xi32>
    %add3A_502 = arith.addi %reduce_sum3A_493, %reduce_sum3A_501 : i32
    %ge3A_503 = arith.constant 8 : i32
    %ge3A_504 = arith.cmpi sge, %add3A_468, %ge3A_503 : i32
    %ge3A_505 = arith.constant 8 : i32
    %ge3A_506 = arith.cmpi sge, %add3A_485, %ge3A_505 : i32
    %ge3A_507 = arith.constant 8 : i32
    %ge3A_508 = arith.cmpi sge, %add3A_502, %ge3A_507 : i32
    %select_n3A_509 = arith.select %ge3A_508, %or3A_451, %select_n3A_445 : i32
    %select_n3A_510 = arith.select %ge3A_506, %or3A_449, %select_n3A_509 : i32
    %select_n3A_511 = arith.select %ge3A_504, %or3A_447, %select_n3A_510 : i32
    %or3A_512 = arith.constant 3145728 : i32
    %or3A_513 = arith.ori %select_n3A_511, %or3A_512 : i32
    %or3A_514 = arith.constant 2097152 : i32
    %or3A_515 = arith.ori %select_n3A_511, %or3A_514 : i32
    %or3A_516 = arith.constant 1048576 : i32
    %or3A_517 = arith.ori %select_n3A_511, %or3A_516 : i32
    %ge3A_518 = vector.broadcast %or3A_513 : i32 to vector<8x128xi32>
    %ge3A_519 = arith.cmpi uge, %select_n3A_175, %ge3A_518 : vector<8x128xi32>
    %convert_element_type3A_520 = arith.extui %ge3A_519 : vector<8x128xi1> to vector<8x128xi32>
    %reduce_sum3A_521 = vector.shape_cast %convert_element_type3A_520 : vector<8x128xi32> to vector<1x8x128xi32>
    %reduce_sum3A_522 = arith.constant dense<0> : vector<1xi32>
    %reduce_sum3A_523 = vector.multi_reduction <add>, %reduce_sum3A_521, %reduce_sum3A_522 [1, 2] : vector<1x8x128xi32> to vector<1xi32>
    %reduce_sum3A_524 = vector.shape_cast %reduce_sum3A_523 : vector<1xi32> to vector<1x1x1xi32>
    %reduce_sum3A_525 = vector.extract %reduce_sum3A_524[0, 0, 0] : i32 from vector<1x1x1xi32>
    %ge3A_526 = vector.broadcast %or3A_513 : i32 to vector<8x128xi32>
    %ge3A_527 = arith.cmpi uge, %broadcast_in_dim3A_177, %ge3A_526 : vector<8x128xi32>
    %convert_element_type3A_528 = arith.extui %ge3A_527 : vector<8x128xi1> to vector<8x128xi32>
    %reduce_sum3A_529 = vector.shape_cast %convert_element_type3A_528 : vector<8x128xi32> to vector<1x8x128xi32>
    %reduce_sum3A_530 = arith.constant dense<0> : vector<1xi32>
    %reduce_sum3A_531 = vector.multi_reduction <add>, %reduce_sum3A_529, %reduce_sum3A_530 [1, 2] : vector<1x8x128xi32> to vector<1xi32>
    %reduce_sum3A_532 = vector.shape_cast %reduce_sum3A_531 : vector<1xi32> to vector<1x1x1xi32>
    %reduce_sum3A_533 = vector.extract %reduce_sum3A_532[0, 0, 0] : i32 from vector<1x1x1xi32>
    %add3A_534 = arith.addi %reduce_sum3A_525, %reduce_sum3A_533 : i32
    %ge3A_535 = vector.broadcast %or3A_515 : i32 to vector<8x128xi32>
    %ge3A_536 = arith.cmpi uge, %select_n3A_175, %ge3A_535 : vector<8x128xi32>
    %convert_element_type3A_537 = arith.extui %ge3A_536 : vector<8x128xi1> to vector<8x128xi32>
    %reduce_sum3A_538 = vector.shape_cast %convert_element_type3A_537 : vector<8x128xi32> to vector<1x8x128xi32>
    %reduce_sum3A_539 = arith.constant dense<0> : vector<1xi32>
    %reduce_sum3A_540 = vector.multi_reduction <add>, %reduce_sum3A_538, %reduce_sum3A_539 [1, 2] : vector<1x8x128xi32> to vector<1xi32>
    %reduce_sum3A_541 = vector.shape_cast %reduce_sum3A_540 : vector<1xi32> to vector<1x1x1xi32>
    %reduce_sum3A_542 = vector.extract %reduce_sum3A_541[0, 0, 0] : i32 from vector<1x1x1xi32>
    %ge3A_543 = vector.broadcast %or3A_515 : i32 to vector<8x128xi32>
    %ge3A_544 = arith.cmpi uge, %broadcast_in_dim3A_177, %ge3A_543 : vector<8x128xi32>
    %convert_element_type3A_545 = arith.extui %ge3A_544 : vector<8x128xi1> to vector<8x128xi32>
    %reduce_sum3A_546 = vector.shape_cast %convert_element_type3A_545 : vector<8x128xi32> to vector<1x8x128xi32>
    %reduce_sum3A_547 = arith.constant dense<0> : vector<1xi32>
    %reduce_sum3A_548 = vector.multi_reduction <add>, %reduce_sum3A_546, %reduce_sum3A_547 [1, 2] : vector<1x8x128xi32> to vector<1xi32>
    %reduce_sum3A_549 = vector.shape_cast %reduce_sum3A_548 : vector<1xi32> to vector<1x1x1xi32>
    %reduce_sum3A_550 = vector.extract %reduce_sum3A_549[0, 0, 0] : i32 from vector<1x1x1xi32>
    %add3A_551 = arith.addi %reduce_sum3A_542, %reduce_sum3A_550 : i32
    %ge3A_552 = vector.broadcast %or3A_517 : i32 to vector<8x128xi32>
    %ge3A_553 = arith.cmpi uge, %select_n3A_175, %ge3A_552 : vector<8x128xi32>
    %convert_element_type3A_554 = arith.extui %ge3A_553 : vector<8x128xi1> to vector<8x128xi32>
    %reduce_sum3A_555 = vector.shape_cast %convert_element_type3A_554 : vector<8x128xi32> to vector<1x8x128xi32>
    %reduce_sum3A_556 = arith.constant dense<0> : vector<1xi32>
    %reduce_sum3A_557 = vector.multi_reduction <add>, %reduce_sum3A_555, %reduce_sum3A_556 [1, 2] : vector<1x8x128xi32> to vector<1xi32>
    %reduce_sum3A_558 = vector.shape_cast %reduce_sum3A_557 : vector<1xi32> to vector<1x1x1xi32>
    %reduce_sum3A_559 = vector.extract %reduce_sum3A_558[0, 0, 0] : i32 from vector<1x1x1xi32>
    %ge3A_560 = vector.broadcast %or3A_517 : i32 to vector<8x128xi32>
    %ge3A_561 = arith.cmpi uge, %broadcast_in_dim3A_177, %ge3A_560 : vector<8x128xi32>
    %convert_element_type3A_562 = arith.extui %ge3A_561 : vector<8x128xi1> to vector<8x128xi32>
    %reduce_sum3A_563 = vector.shape_cast %convert_element_type3A_562 : vector<8x128xi32> to vector<1x8x128xi32>
    %reduce_sum3A_564 = arith.constant dense<0> : vector<1xi32>
    %reduce_sum3A_565 = vector.multi_reduction <add>, %reduce_sum3A_563, %reduce_sum3A_564 [1, 2] : vector<1x8x128xi32> to vector<1xi32>
    %reduce_sum3A_566 = vector.shape_cast %reduce_sum3A_565 : vector<1xi32> to vector<1x1x1xi32>
    %reduce_sum3A_567 = vector.extract %reduce_sum3A_566[0, 0, 0] : i32 from vector<1x1x1xi32>
    %add3A_568 = arith.addi %reduce_sum3A_559, %reduce_sum3A_567 : i32
    %ge3A_569 = arith.constant 8 : i32
    %ge3A_570 = arith.cmpi sge, %add3A_534, %ge3A_569 : i32
    %ge3A_571 = arith.constant 8 : i32
    %ge3A_572 = arith.cmpi sge, %add3A_551, %ge3A_571 : i32
    %ge3A_573 = arith.constant 8 : i32
    %ge3A_574 = arith.cmpi sge, %add3A_568, %ge3A_573 : i32
    %select_n3A_575 = arith.select %ge3A_574, %or3A_517, %select_n3A_511 : i32
    %select_n3A_576 = arith.select %ge3A_572, %or3A_515, %select_n3A_575 : i32
    %select_n3A_577 = arith.select %ge3A_570, %or3A_513, %select_n3A_576 : i32
    %or3A_578 = arith.constant 786432 : i32
    %or3A_579 = arith.ori %select_n3A_577, %or3A_578 : i32
    %or3A_580 = arith.constant 524288 : i32
    %or3A_581 = arith.ori %select_n3A_577, %or3A_580 : i32
    %or3A_582 = arith.constant 262144 : i32
    %or3A_583 = arith.ori %select_n3A_577, %or3A_582 : i32
    %ge3A_584 = vector.broadcast %or3A_579 : i32 to vector<8x128xi32>
    %ge3A_585 = arith.cmpi uge, %select_n3A_175, %ge3A_584 : vector<8x128xi32>
    %convert_element_type3A_586 = arith.extui %ge3A_585 : vector<8x128xi1> to vector<8x128xi32>
    %reduce_sum3A_587 = vector.shape_cast %convert_element_type3A_586 : vector<8x128xi32> to vector<1x8x128xi32>
    %reduce_sum3A_588 = arith.constant dense<0> : vector<1xi32>
    %reduce_sum3A_589 = vector.multi_reduction <add>, %reduce_sum3A_587, %reduce_sum3A_588 [1, 2] : vector<1x8x128xi32> to vector<1xi32>
    %reduce_sum3A_590 = vector.shape_cast %reduce_sum3A_589 : vector<1xi32> to vector<1x1x1xi32>
    %reduce_sum3A_591 = vector.extract %reduce_sum3A_590[0, 0, 0] : i32 from vector<1x1x1xi32>
    %ge3A_592 = vector.broadcast %or3A_579 : i32 to vector<8x128xi32>
    %ge3A_593 = arith.cmpi uge, %broadcast_in_dim3A_177, %ge3A_592 : vector<8x128xi32>
    %convert_element_type3A_594 = arith.extui %ge3A_593 : vector<8x128xi1> to vector<8x128xi32>
    %reduce_sum3A_595 = vector.shape_cast %convert_element_type3A_594 : vector<8x128xi32> to vector<1x8x128xi32>
    %reduce_sum3A_596 = arith.constant dense<0> : vector<1xi32>
    %reduce_sum3A_597 = vector.multi_reduction <add>, %reduce_sum3A_595, %reduce_sum3A_596 [1, 2] : vector<1x8x128xi32> to vector<1xi32>
    %reduce_sum3A_598 = vector.shape_cast %reduce_sum3A_597 : vector<1xi32> to vector<1x1x1xi32>
    %reduce_sum3A_599 = vector.extract %reduce_sum3A_598[0, 0, 0] : i32 from vector<1x1x1xi32>
    %add3A_600 = arith.addi %reduce_sum3A_591, %reduce_sum3A_599 : i32
    %ge3A_601 = vector.broadcast %or3A_581 : i32 to vector<8x128xi32>
    %ge3A_602 = arith.cmpi uge, %select_n3A_175, %ge3A_601 : vector<8x128xi32>
    %convert_element_type3A_603 = arith.extui %ge3A_602 : vector<8x128xi1> to vector<8x128xi32>
    %reduce_sum3A_604 = vector.shape_cast %convert_element_type3A_603 : vector<8x128xi32> to vector<1x8x128xi32>
    %reduce_sum3A_605 = arith.constant dense<0> : vector<1xi32>
    %reduce_sum3A_606 = vector.multi_reduction <add>, %reduce_sum3A_604, %reduce_sum3A_605 [1, 2] : vector<1x8x128xi32> to vector<1xi32>
    %reduce_sum3A_607 = vector.shape_cast %reduce_sum3A_606 : vector<1xi32> to vector<1x1x1xi32>
    %reduce_sum3A_608 = vector.extract %reduce_sum3A_607[0, 0, 0] : i32 from vector<1x1x1xi32>
    %ge3A_609 = vector.broadcast %or3A_581 : i32 to vector<8x128xi32>
    %ge3A_610 = arith.cmpi uge, %broadcast_in_dim3A_177, %ge3A_609 : vector<8x128xi32>
    %convert_element_type3A_611 = arith.extui %ge3A_610 : vector<8x128xi1> to vector<8x128xi32>
    %reduce_sum3A_612 = vector.shape_cast %convert_element_type3A_611 : vector<8x128xi32> to vector<1x8x128xi32>
    %reduce_sum3A_613 = arith.constant dense<0> : vector<1xi32>
    %reduce_sum3A_614 = vector.multi_reduction <add>, %reduce_sum3A_612, %reduce_sum3A_613 [1, 2] : vector<1x8x128xi32> to vector<1xi32>
    %reduce_sum3A_615 = vector.shape_cast %reduce_sum3A_614 : vector<1xi32> to vector<1x1x1xi32>
    %reduce_sum3A_616 = vector.extract %reduce_sum3A_615[0, 0, 0] : i32 from vector<1x1x1xi32>
    %add3A_617 = arith.addi %reduce_sum3A_608, %reduce_sum3A_616 : i32
    %ge3A_618 = vector.broadcast %or3A_583 : i32 to vector<8x128xi32>
    %ge3A_619 = arith.cmpi uge, %select_n3A_175, %ge3A_618 : vector<8x128xi32>
    %convert_element_type3A_620 = arith.extui %ge3A_619 : vector<8x128xi1> to vector<8x128xi32>
    %reduce_sum3A_621 = vector.shape_cast %convert_element_type3A_620 : vector<8x128xi32> to vector<1x8x128xi32>
    %reduce_sum3A_622 = arith.constant dense<0> : vector<1xi32>
    %reduce_sum3A_623 = vector.multi_reduction <add>, %reduce_sum3A_621, %reduce_sum3A_622 [1, 2] : vector<1x8x128xi32> to vector<1xi32>
    %reduce_sum3A_624 = vector.shape_cast %reduce_sum3A_623 : vector<1xi32> to vector<1x1x1xi32>
    %reduce_sum3A_625 = vector.extract %reduce_sum3A_624[0, 0, 0] : i32 from vector<1x1x1xi32>
    %ge3A_626 = vector.broadcast %or3A_583 : i32 to vector<8x128xi32>
    %ge3A_627 = arith.cmpi uge, %broadcast_in_dim3A_177, %ge3A_626 : vector<8x128xi32>
    %convert_element_type3A_628 = arith.extui %ge3A_627 : vector<8x128xi1> to vector<8x128xi32>
    %reduce_sum3A_629 = vector.shape_cast %convert_element_type3A_628 : vector<8x128xi32> to vector<1x8x128xi32>
    %reduce_sum3A_630 = arith.constant dense<0> : vector<1xi32>
    %reduce_sum3A_631 = vector.multi_reduction <add>, %reduce_sum3A_629, %reduce_sum3A_630 [1, 2] : vector<1x8x128xi32> to vector<1xi32>
    %reduce_sum3A_632 = vector.shape_cast %reduce_sum3A_631 : vector<1xi32> to vector<1x1x1xi32>
    %reduce_sum3A_633 = vector.extract %reduce_sum3A_632[0, 0, 0] : i32 from vector<1x1x1xi32>
    %add3A_634 = arith.addi %reduce_sum3A_625, %reduce_sum3A_633 : i32
    %ge3A_635 = arith.constant 8 : i32
    %ge3A_636 = arith.cmpi sge, %add3A_600, %ge3A_635 : i32
    %ge3A_637 = arith.constant 8 : i32
    %ge3A_638 = arith.cmpi sge, %add3A_617, %ge3A_637 : i32
    %ge3A_639 = arith.constant 8 : i32
    %ge3A_640 = arith.cmpi sge, %add3A_634, %ge3A_639 : i32
    %select_n3A_641 = arith.select %ge3A_640, %or3A_583, %select_n3A_577 : i32
    %select_n3A_642 = arith.select %ge3A_638, %or3A_581, %select_n3A_641 : i32
    %select_n3A_643 = arith.select %ge3A_636, %or3A_579, %select_n3A_642 : i32
    %or3A_644 = arith.constant 196608 : i32
    %or3A_645 = arith.ori %select_n3A_643, %or3A_644 : i32
    %or3A_646 = arith.constant 131072 : i32
    %or3A_647 = arith.ori %select_n3A_643, %or3A_646 : i32
    %or3A_648 = arith.constant 65536 : i32
    %or3A_649 = arith.ori %select_n3A_643, %or3A_648 : i32
    %ge3A_650 = vector.broadcast %or3A_645 : i32 to vector<8x128xi32>
    %ge3A_651 = arith.cmpi uge, %select_n3A_175, %ge3A_650 : vector<8x128xi32>
    %convert_element_type3A_652 = arith.extui %ge3A_651 : vector<8x128xi1> to vector<8x128xi32>
    %reduce_sum3A_653 = vector.shape_cast %convert_element_type3A_652 : vector<8x128xi32> to vector<1x8x128xi32>
    %reduce_sum3A_654 = arith.constant dense<0> : vector<1xi32>
    %reduce_sum3A_655 = vector.multi_reduction <add>, %reduce_sum3A_653, %reduce_sum3A_654 [1, 2] : vector<1x8x128xi32> to vector<1xi32>
    %reduce_sum3A_656 = vector.shape_cast %reduce_sum3A_655 : vector<1xi32> to vector<1x1x1xi32>
    %reduce_sum3A_657 = vector.extract %reduce_sum3A_656[0, 0, 0] : i32 from vector<1x1x1xi32>
    %ge3A_658 = vector.broadcast %or3A_645 : i32 to vector<8x128xi32>
    %ge3A_659 = arith.cmpi uge, %broadcast_in_dim3A_177, %ge3A_658 : vector<8x128xi32>
    %convert_element_type3A_660 = arith.extui %ge3A_659 : vector<8x128xi1> to vector<8x128xi32>
    %reduce_sum3A_661 = vector.shape_cast %convert_element_type3A_660 : vector<8x128xi32> to vector<1x8x128xi32>
    %reduce_sum3A_662 = arith.constant dense<0> : vector<1xi32>
    %reduce_sum3A_663 = vector.multi_reduction <add>, %reduce_sum3A_661, %reduce_sum3A_662 [1, 2] : vector<1x8x128xi32> to vector<1xi32>
    %reduce_sum3A_664 = vector.shape_cast %reduce_sum3A_663 : vector<1xi32> to vector<1x1x1xi32>
    %reduce_sum3A_665 = vector.extract %reduce_sum3A_664[0, 0, 0] : i32 from vector<1x1x1xi32>
    %add3A_666 = arith.addi %reduce_sum3A_657, %reduce_sum3A_665 : i32
    %ge3A_667 = vector.broadcast %or3A_647 : i32 to vector<8x128xi32>
    %ge3A_668 = arith.cmpi uge, %select_n3A_175, %ge3A_667 : vector<8x128xi32>
    %convert_element_type3A_669 = arith.extui %ge3A_668 : vector<8x128xi1> to vector<8x128xi32>
    %reduce_sum3A_670 = vector.shape_cast %convert_element_type3A_669 : vector<8x128xi32> to vector<1x8x128xi32>
    %reduce_sum3A_671 = arith.constant dense<0> : vector<1xi32>
    %reduce_sum3A_672 = vector.multi_reduction <add>, %reduce_sum3A_670, %reduce_sum3A_671 [1, 2] : vector<1x8x128xi32> to vector<1xi32>
    %reduce_sum3A_673 = vector.shape_cast %reduce_sum3A_672 : vector<1xi32> to vector<1x1x1xi32>
    %reduce_sum3A_674 = vector.extract %reduce_sum3A_673[0, 0, 0] : i32 from vector<1x1x1xi32>
    %ge3A_675 = vector.broadcast %or3A_647 : i32 to vector<8x128xi32>
    %ge3A_676 = arith.cmpi uge, %broadcast_in_dim3A_177, %ge3A_675 : vector<8x128xi32>
    %convert_element_type3A_677 = arith.extui %ge3A_676 : vector<8x128xi1> to vector<8x128xi32>
    %reduce_sum3A_678 = vector.shape_cast %convert_element_type3A_677 : vector<8x128xi32> to vector<1x8x128xi32>
    %reduce_sum3A_679 = arith.constant dense<0> : vector<1xi32>
    %reduce_sum3A_680 = vector.multi_reduction <add>, %reduce_sum3A_678, %reduce_sum3A_679 [1, 2] : vector<1x8x128xi32> to vector<1xi32>
    %reduce_sum3A_681 = vector.shape_cast %reduce_sum3A_680 : vector<1xi32> to vector<1x1x1xi32>
    %reduce_sum3A_682 = vector.extract %reduce_sum3A_681[0, 0, 0] : i32 from vector<1x1x1xi32>
    %add3A_683 = arith.addi %reduce_sum3A_674, %reduce_sum3A_682 : i32
    %ge3A_684 = vector.broadcast %or3A_649 : i32 to vector<8x128xi32>
    %ge3A_685 = arith.cmpi uge, %select_n3A_175, %ge3A_684 : vector<8x128xi32>
    %convert_element_type3A_686 = arith.extui %ge3A_685 : vector<8x128xi1> to vector<8x128xi32>
    %reduce_sum3A_687 = vector.shape_cast %convert_element_type3A_686 : vector<8x128xi32> to vector<1x8x128xi32>
    %reduce_sum3A_688 = arith.constant dense<0> : vector<1xi32>
    %reduce_sum3A_689 = vector.multi_reduction <add>, %reduce_sum3A_687, %reduce_sum3A_688 [1, 2] : vector<1x8x128xi32> to vector<1xi32>
    %reduce_sum3A_690 = vector.shape_cast %reduce_sum3A_689 : vector<1xi32> to vector<1x1x1xi32>
    %reduce_sum3A_691 = vector.extract %reduce_sum3A_690[0, 0, 0] : i32 from vector<1x1x1xi32>
    %ge3A_692 = vector.broadcast %or3A_649 : i32 to vector<8x128xi32>
    %ge3A_693 = arith.cmpi uge, %broadcast_in_dim3A_177, %ge3A_692 : vector<8x128xi32>
    %convert_element_type3A_694 = arith.extui %ge3A_693 : vector<8x128xi1> to vector<8x128xi32>
    %reduce_sum3A_695 = vector.shape_cast %convert_element_type3A_694 : vector<8x128xi32> to vector<1x8x128xi32>
    %reduce_sum3A_696 = arith.constant dense<0> : vector<1xi32>
    %reduce_sum3A_697 = vector.multi_reduction <add>, %reduce_sum3A_695, %reduce_sum3A_696 [1, 2] : vector<1x8x128xi32> to vector<1xi32>
    %reduce_sum3A_698 = vector.shape_cast %reduce_sum3A_697 : vector<1xi32> to vector<1x1x1xi32>
    %reduce_sum3A_699 = vector.extract %reduce_sum3A_698[0, 0, 0] : i32 from vector<1x1x1xi32>
    %add3A_700 = arith.addi %reduce_sum3A_691, %reduce_sum3A_699 : i32
    %ge3A_701 = arith.constant 8 : i32
    %ge3A_702 = arith.cmpi sge, %add3A_666, %ge3A_701 : i32
    %ge3A_703 = arith.constant 8 : i32
    %ge3A_704 = arith.cmpi sge, %add3A_683, %ge3A_703 : i32
    %ge3A_705 = arith.constant 8 : i32
    %ge3A_706 = arith.cmpi sge, %add3A_700, %ge3A_705 : i32
    %select_n3A_707 = arith.select %ge3A_706, %or3A_649, %select_n3A_643 : i32
    %select_n3A_708 = arith.select %ge3A_704, %or3A_647, %select_n3A_707 : i32
    %select_n3A_709 = arith.select %ge3A_702, %or3A_645, %select_n3A_708 : i32
    %or3A_710 = arith.constant 49152 : i32
    %or3A_711 = arith.ori %select_n3A_709, %or3A_710 : i32
    %or3A_712 = arith.constant 32768 : i32
    %or3A_713 = arith.ori %select_n3A_709, %or3A_712 : i32
    %or3A_714 = arith.constant 16384 : i32
    %or3A_715 = arith.ori %select_n3A_709, %or3A_714 : i32
    %ge3A_716 = vector.broadcast %or3A_711 : i32 to vector<8x128xi32>
    %ge3A_717 = arith.cmpi uge, %select_n3A_175, %ge3A_716 : vector<8x128xi32>
    %convert_element_type3A_718 = arith.extui %ge3A_717 : vector<8x128xi1> to vector<8x128xi32>
    %reduce_sum3A_719 = vector.shape_cast %convert_element_type3A_718 : vector<8x128xi32> to vector<1x8x128xi32>
    %reduce_sum3A_720 = arith.constant dense<0> : vector<1xi32>
    %reduce_sum3A_721 = vector.multi_reduction <add>, %reduce_sum3A_719, %reduce_sum3A_720 [1, 2] : vector<1x8x128xi32> to vector<1xi32>
    %reduce_sum3A_722 = vector.shape_cast %reduce_sum3A_721 : vector<1xi32> to vector<1x1x1xi32>
    %reduce_sum3A_723 = vector.extract %reduce_sum3A_722[0, 0, 0] : i32 from vector<1x1x1xi32>
    %ge3A_724 = vector.broadcast %or3A_711 : i32 to vector<8x128xi32>
    %ge3A_725 = arith.cmpi uge, %broadcast_in_dim3A_177, %ge3A_724 : vector<8x128xi32>
    %convert_element_type3A_726 = arith.extui %ge3A_725 : vector<8x128xi1> to vector<8x128xi32>
    %reduce_sum3A_727 = vector.shape_cast %convert_element_type3A_726 : vector<8x128xi32> to vector<1x8x128xi32>
    %reduce_sum3A_728 = arith.constant dense<0> : vector<1xi32>
    %reduce_sum3A_729 = vector.multi_reduction <add>, %reduce_sum3A_727, %reduce_sum3A_728 [1, 2] : vector<1x8x128xi32> to vector<1xi32>
    %reduce_sum3A_730 = vector.shape_cast %reduce_sum3A_729 : vector<1xi32> to vector<1x1x1xi32>
    %reduce_sum3A_731 = vector.extract %reduce_sum3A_730[0, 0, 0] : i32 from vector<1x1x1xi32>
    %add3A_732 = arith.addi %reduce_sum3A_723, %reduce_sum3A_731 : i32
    %ge3A_733 = vector.broadcast %or3A_713 : i32 to vector<8x128xi32>
    %ge3A_734 = arith.cmpi uge, %select_n3A_175, %ge3A_733 : vector<8x128xi32>
    %convert_element_type3A_735 = arith.extui %ge3A_734 : vector<8x128xi1> to vector<8x128xi32>
    %reduce_sum3A_736 = vector.shape_cast %convert_element_type3A_735 : vector<8x128xi32> to vector<1x8x128xi32>
    %reduce_sum3A_737 = arith.constant dense<0> : vector<1xi32>
    %reduce_sum3A_738 = vector.multi_reduction <add>, %reduce_sum3A_736, %reduce_sum3A_737 [1, 2] : vector<1x8x128xi32> to vector<1xi32>
    %reduce_sum3A_739 = vector.shape_cast %reduce_sum3A_738 : vector<1xi32> to vector<1x1x1xi32>
    %reduce_sum3A_740 = vector.extract %reduce_sum3A_739[0, 0, 0] : i32 from vector<1x1x1xi32>
    %ge3A_741 = vector.broadcast %or3A_713 : i32 to vector<8x128xi32>
    %ge3A_742 = arith.cmpi uge, %broadcast_in_dim3A_177, %ge3A_741 : vector<8x128xi32>
    %convert_element_type3A_743 = arith.extui %ge3A_742 : vector<8x128xi1> to vector<8x128xi32>
    %reduce_sum3A_744 = vector.shape_cast %convert_element_type3A_743 : vector<8x128xi32> to vector<1x8x128xi32>
    %reduce_sum3A_745 = arith.constant dense<0> : vector<1xi32>
    %reduce_sum3A_746 = vector.multi_reduction <add>, %reduce_sum3A_744, %reduce_sum3A_745 [1, 2] : vector<1x8x128xi32> to vector<1xi32>
    %reduce_sum3A_747 = vector.shape_cast %reduce_sum3A_746 : vector<1xi32> to vector<1x1x1xi32>
    %reduce_sum3A_748 = vector.extract %reduce_sum3A_747[0, 0, 0] : i32 from vector<1x1x1xi32>
    %add3A_749 = arith.addi %reduce_sum3A_740, %reduce_sum3A_748 : i32
    %ge3A_750 = vector.broadcast %or3A_715 : i32 to vector<8x128xi32>
    %ge3A_751 = arith.cmpi uge, %select_n3A_175, %ge3A_750 : vector<8x128xi32>
    %convert_element_type3A_752 = arith.extui %ge3A_751 : vector<8x128xi1> to vector<8x128xi32>
    %reduce_sum3A_753 = vector.shape_cast %convert_element_type3A_752 : vector<8x128xi32> to vector<1x8x128xi32>
    %reduce_sum3A_754 = arith.constant dense<0> : vector<1xi32>
    %reduce_sum3A_755 = vector.multi_reduction <add>, %reduce_sum3A_753, %reduce_sum3A_754 [1, 2] : vector<1x8x128xi32> to vector<1xi32>
    %reduce_sum3A_756 = vector.shape_cast %reduce_sum3A_755 : vector<1xi32> to vector<1x1x1xi32>
    %reduce_sum3A_757 = vector.extract %reduce_sum3A_756[0, 0, 0] : i32 from vector<1x1x1xi32>
    %ge3A_758 = vector.broadcast %or3A_715 : i32 to vector<8x128xi32>
    %ge3A_759 = arith.cmpi uge, %broadcast_in_dim3A_177, %ge3A_758 : vector<8x128xi32>
    %convert_element_type3A_760 = arith.extui %ge3A_759 : vector<8x128xi1> to vector<8x128xi32>
    %reduce_sum3A_761 = vector.shape_cast %convert_element_type3A_760 : vector<8x128xi32> to vector<1x8x128xi32>
    %reduce_sum3A_762 = arith.constant dense<0> : vector<1xi32>
    %reduce_sum3A_763 = vector.multi_reduction <add>, %reduce_sum3A_761, %reduce_sum3A_762 [1, 2] : vector<1x8x128xi32> to vector<1xi32>
    %reduce_sum3A_764 = vector.shape_cast %reduce_sum3A_763 : vector<1xi32> to vector<1x1x1xi32>
    %reduce_sum3A_765 = vector.extract %reduce_sum3A_764[0, 0, 0] : i32 from vector<1x1x1xi32>
    %add3A_766 = arith.addi %reduce_sum3A_757, %reduce_sum3A_765 : i32
    %ge3A_767 = arith.constant 8 : i32
    %ge3A_768 = arith.cmpi sge, %add3A_732, %ge3A_767 : i32
    %ge3A_769 = arith.constant 8 : i32
    %ge3A_770 = arith.cmpi sge, %add3A_749, %ge3A_769 : i32
    %ge3A_771 = arith.constant 8 : i32
    %ge3A_772 = arith.cmpi sge, %add3A_766, %ge3A_771 : i32
    %select_n3A_773 = arith.select %ge3A_772, %or3A_715, %select_n3A_709 : i32
    %select_n3A_774 = arith.select %ge3A_770, %or3A_713, %select_n3A_773 : i32
    %select_n3A_775 = arith.select %ge3A_768, %or3A_711, %select_n3A_774 : i32
    %or3A_776 = arith.constant 12288 : i32
    %or3A_777 = arith.ori %select_n3A_775, %or3A_776 : i32
    %or3A_778 = arith.constant 8192 : i32
    %or3A_779 = arith.ori %select_n3A_775, %or3A_778 : i32
    %or3A_780 = arith.constant 4096 : i32
    %or3A_781 = arith.ori %select_n3A_775, %or3A_780 : i32
    %ge3A_782 = vector.broadcast %or3A_777 : i32 to vector<8x128xi32>
    %ge3A_783 = arith.cmpi uge, %select_n3A_175, %ge3A_782 : vector<8x128xi32>
    %convert_element_type3A_784 = arith.extui %ge3A_783 : vector<8x128xi1> to vector<8x128xi32>
    %reduce_sum3A_785 = vector.shape_cast %convert_element_type3A_784 : vector<8x128xi32> to vector<1x8x128xi32>
    %reduce_sum3A_786 = arith.constant dense<0> : vector<1xi32>
    %reduce_sum3A_787 = vector.multi_reduction <add>, %reduce_sum3A_785, %reduce_sum3A_786 [1, 2] : vector<1x8x128xi32> to vector<1xi32>
    %reduce_sum3A_788 = vector.shape_cast %reduce_sum3A_787 : vector<1xi32> to vector<1x1x1xi32>
    %reduce_sum3A_789 = vector.extract %reduce_sum3A_788[0, 0, 0] : i32 from vector<1x1x1xi32>
    %ge3A_790 = vector.broadcast %or3A_777 : i32 to vector<8x128xi32>
    %ge3A_791 = arith.cmpi uge, %broadcast_in_dim3A_177, %ge3A_790 : vector<8x128xi32>
    %convert_element_type3A_792 = arith.extui %ge3A_791 : vector<8x128xi1> to vector<8x128xi32>
    %reduce_sum3A_793 = vector.shape_cast %convert_element_type3A_792 : vector<8x128xi32> to vector<1x8x128xi32>
    %reduce_sum3A_794 = arith.constant dense<0> : vector<1xi32>
    %reduce_sum3A_795 = vector.multi_reduction <add>, %reduce_sum3A_793, %reduce_sum3A_794 [1, 2] : vector<1x8x128xi32> to vector<1xi32>
    %reduce_sum3A_796 = vector.shape_cast %reduce_sum3A_795 : vector<1xi32> to vector<1x1x1xi32>
    %reduce_sum3A_797 = vector.extract %reduce_sum3A_796[0, 0, 0] : i32 from vector<1x1x1xi32>
    %add3A_798 = arith.addi %reduce_sum3A_789, %reduce_sum3A_797 : i32
    %ge3A_799 = vector.broadcast %or3A_779 : i32 to vector<8x128xi32>
    %ge3A_800 = arith.cmpi uge, %select_n3A_175, %ge3A_799 : vector<8x128xi32>
    %convert_element_type3A_801 = arith.extui %ge3A_800 : vector<8x128xi1> to vector<8x128xi32>
    %reduce_sum3A_802 = vector.shape_cast %convert_element_type3A_801 : vector<8x128xi32> to vector<1x8x128xi32>
    %reduce_sum3A_803 = arith.constant dense<0> : vector<1xi32>
    %reduce_sum3A_804 = vector.multi_reduction <add>, %reduce_sum3A_802, %reduce_sum3A_803 [1, 2] : vector<1x8x128xi32> to vector<1xi32>
    %reduce_sum3A_805 = vector.shape_cast %reduce_sum3A_804 : vector<1xi32> to vector<1x1x1xi32>
    %reduce_sum3A_806 = vector.extract %reduce_sum3A_805[0, 0, 0] : i32 from vector<1x1x1xi32>
    %ge3A_807 = vector.broadcast %or3A_779 : i32 to vector<8x128xi32>
    %ge3A_808 = arith.cmpi uge, %broadcast_in_dim3A_177, %ge3A_807 : vector<8x128xi32>
    %convert_element_type3A_809 = arith.extui %ge3A_808 : vector<8x128xi1> to vector<8x128xi32>
    %reduce_sum3A_810 = vector.shape_cast %convert_element_type3A_809 : vector<8x128xi32> to vector<1x8x128xi32>
    %reduce_sum3A_811 = arith.constant dense<0> : vector<1xi32>
    %reduce_sum3A_812 = vector.multi_reduction <add>, %reduce_sum3A_810, %reduce_sum3A_811 [1, 2] : vector<1x8x128xi32> to vector<1xi32>
    %reduce_sum3A_813 = vector.shape_cast %reduce_sum3A_812 : vector<1xi32> to vector<1x1x1xi32>
    %reduce_sum3A_814 = vector.extract %reduce_sum3A_813[0, 0, 0] : i32 from vector<1x1x1xi32>
    %add3A_815 = arith.addi %reduce_sum3A_806, %reduce_sum3A_814 : i32
    %ge3A_816 = vector.broadcast %or3A_781 : i32 to vector<8x128xi32>
    %ge3A_817 = arith.cmpi uge, %select_n3A_175, %ge3A_816 : vector<8x128xi32>
    %convert_element_type3A_818 = arith.extui %ge3A_817 : vector<8x128xi1> to vector<8x128xi32>
    %reduce_sum3A_819 = vector.shape_cast %convert_element_type3A_818 : vector<8x128xi32> to vector<1x8x128xi32>
    %reduce_sum3A_820 = arith.constant dense<0> : vector<1xi32>
    %reduce_sum3A_821 = vector.multi_reduction <add>, %reduce_sum3A_819, %reduce_sum3A_820 [1, 2] : vector<1x8x128xi32> to vector<1xi32>
    %reduce_sum3A_822 = vector.shape_cast %reduce_sum3A_821 : vector<1xi32> to vector<1x1x1xi32>
    %reduce_sum3A_823 = vector.extract %reduce_sum3A_822[0, 0, 0] : i32 from vector<1x1x1xi32>
    %ge3A_824 = vector.broadcast %or3A_781 : i32 to vector<8x128xi32>
    %ge3A_825 = arith.cmpi uge, %broadcast_in_dim3A_177, %ge3A_824 : vector<8x128xi32>
    %convert_element_type3A_826 = arith.extui %ge3A_825 : vector<8x128xi1> to vector<8x128xi32>
    %reduce_sum3A_827 = vector.shape_cast %convert_element_type3A_826 : vector<8x128xi32> to vector<1x8x128xi32>
    %reduce_sum3A_828 = arith.constant dense<0> : vector<1xi32>
    %reduce_sum3A_829 = vector.multi_reduction <add>, %reduce_sum3A_827, %reduce_sum3A_828 [1, 2] : vector<1x8x128xi32> to vector<1xi32>
    %reduce_sum3A_830 = vector.shape_cast %reduce_sum3A_829 : vector<1xi32> to vector<1x1x1xi32>
    %reduce_sum3A_831 = vector.extract %reduce_sum3A_830[0, 0, 0] : i32 from vector<1x1x1xi32>
    %add3A_832 = arith.addi %reduce_sum3A_823, %reduce_sum3A_831 : i32
    %ge3A_833 = arith.constant 8 : i32
    %ge3A_834 = arith.cmpi sge, %add3A_798, %ge3A_833 : i32
    %ge3A_835 = arith.constant 8 : i32
    %ge3A_836 = arith.cmpi sge, %add3A_815, %ge3A_835 : i32
    %ge3A_837 = arith.constant 8 : i32
    %ge3A_838 = arith.cmpi sge, %add3A_832, %ge3A_837 : i32
    %select_n3A_839 = arith.select %ge3A_838, %or3A_781, %select_n3A_775 : i32
    %select_n3A_840 = arith.select %ge3A_836, %or3A_779, %select_n3A_839 : i32
    %select_n3A_841 = arith.select %ge3A_834, %or3A_777, %select_n3A_840 : i32
    %or3A_842 = arith.constant 3072 : i32
    %or3A_843 = arith.ori %select_n3A_841, %or3A_842 : i32
    %or3A_844 = arith.constant 2048 : i32
    %or3A_845 = arith.ori %select_n3A_841, %or3A_844 : i32
    %or3A_846 = arith.constant 1024 : i32
    %or3A_847 = arith.ori %select_n3A_841, %or3A_846 : i32
    %ge3A_848 = vector.broadcast %or3A_843 : i32 to vector<8x128xi32>
    %ge3A_849 = arith.cmpi uge, %select_n3A_175, %ge3A_848 : vector<8x128xi32>
    %convert_element_type3A_850 = arith.extui %ge3A_849 : vector<8x128xi1> to vector<8x128xi32>
    %reduce_sum3A_851 = vector.shape_cast %convert_element_type3A_850 : vector<8x128xi32> to vector<1x8x128xi32>
    %reduce_sum3A_852 = arith.constant dense<0> : vector<1xi32>
    %reduce_sum3A_853 = vector.multi_reduction <add>, %reduce_sum3A_851, %reduce_sum3A_852 [1, 2] : vector<1x8x128xi32> to vector<1xi32>
    %reduce_sum3A_854 = vector.shape_cast %reduce_sum3A_853 : vector<1xi32> to vector<1x1x1xi32>
    %reduce_sum3A_855 = vector.extract %reduce_sum3A_854[0, 0, 0] : i32 from vector<1x1x1xi32>
    %ge3A_856 = vector.broadcast %or3A_843 : i32 to vector<8x128xi32>
    %ge3A_857 = arith.cmpi uge, %broadcast_in_dim3A_177, %ge3A_856 : vector<8x128xi32>
    %convert_element_type3A_858 = arith.extui %ge3A_857 : vector<8x128xi1> to vector<8x128xi32>
    %reduce_sum3A_859 = vector.shape_cast %convert_element_type3A_858 : vector<8x128xi32> to vector<1x8x128xi32>
    %reduce_sum3A_860 = arith.constant dense<0> : vector<1xi32>
    %reduce_sum3A_861 = vector.multi_reduction <add>, %reduce_sum3A_859, %reduce_sum3A_860 [1, 2] : vector<1x8x128xi32> to vector<1xi32>
    %reduce_sum3A_862 = vector.shape_cast %reduce_sum3A_861 : vector<1xi32> to vector<1x1x1xi32>
    %reduce_sum3A_863 = vector.extract %reduce_sum3A_862[0, 0, 0] : i32 from vector<1x1x1xi32>
    %add3A_864 = arith.addi %reduce_sum3A_855, %reduce_sum3A_863 : i32
    %ge3A_865 = vector.broadcast %or3A_845 : i32 to vector<8x128xi32>
    %ge3A_866 = arith.cmpi uge, %select_n3A_175, %ge3A_865 : vector<8x128xi32>
    %convert_element_type3A_867 = arith.extui %ge3A_866 : vector<8x128xi1> to vector<8x128xi32>
    %reduce_sum3A_868 = vector.shape_cast %convert_element_type3A_867 : vector<8x128xi32> to vector<1x8x128xi32>
    %reduce_sum3A_869 = arith.constant dense<0> : vector<1xi32>
    %reduce_sum3A_870 = vector.multi_reduction <add>, %reduce_sum3A_868, %reduce_sum3A_869 [1, 2] : vector<1x8x128xi32> to vector<1xi32>
    %reduce_sum3A_871 = vector.shape_cast %reduce_sum3A_870 : vector<1xi32> to vector<1x1x1xi32>
    %reduce_sum3A_872 = vector.extract %reduce_sum3A_871[0, 0, 0] : i32 from vector<1x1x1xi32>
    %ge3A_873 = vector.broadcast %or3A_845 : i32 to vector<8x128xi32>
    %ge3A_874 = arith.cmpi uge, %broadcast_in_dim3A_177, %ge3A_873 : vector<8x128xi32>
    %convert_element_type3A_875 = arith.extui %ge3A_874 : vector<8x128xi1> to vector<8x128xi32>
    %reduce_sum3A_876 = vector.shape_cast %convert_element_type3A_875 : vector<8x128xi32> to vector<1x8x128xi32>
    %reduce_sum3A_877 = arith.constant dense<0> : vector<1xi32>
    %reduce_sum3A_878 = vector.multi_reduction <add>, %reduce_sum3A_876, %reduce_sum3A_877 [1, 2] : vector<1x8x128xi32> to vector<1xi32>
    %reduce_sum3A_879 = vector.shape_cast %reduce_sum3A_878 : vector<1xi32> to vector<1x1x1xi32>
    %reduce_sum3A_880 = vector.extract %reduce_sum3A_879[0, 0, 0] : i32 from vector<1x1x1xi32>
    %add3A_881 = arith.addi %reduce_sum3A_872, %reduce_sum3A_880 : i32
    %ge3A_882 = vector.broadcast %or3A_847 : i32 to vector<8x128xi32>
    %ge3A_883 = arith.cmpi uge, %select_n3A_175, %ge3A_882 : vector<8x128xi32>
    %convert_element_type3A_884 = arith.extui %ge3A_883 : vector<8x128xi1> to vector<8x128xi32>
    %reduce_sum3A_885 = vector.shape_cast %convert_element_type3A_884 : vector<8x128xi32> to vector<1x8x128xi32>
    %reduce_sum3A_886 = arith.constant dense<0> : vector<1xi32>
    %reduce_sum3A_887 = vector.multi_reduction <add>, %reduce_sum3A_885, %reduce_sum3A_886 [1, 2] : vector<1x8x128xi32> to vector<1xi32>
    %reduce_sum3A_888 = vector.shape_cast %reduce_sum3A_887 : vector<1xi32> to vector<1x1x1xi32>
    %reduce_sum3A_889 = vector.extract %reduce_sum3A_888[0, 0, 0] : i32 from vector<1x1x1xi32>
    %ge3A_890 = vector.broadcast %or3A_847 : i32 to vector<8x128xi32>
    %ge3A_891 = arith.cmpi uge, %broadcast_in_dim3A_177, %ge3A_890 : vector<8x128xi32>
    %convert_element_type3A_892 = arith.extui %ge3A_891 : vector<8x128xi1> to vector<8x128xi32>
    %reduce_sum3A_893 = vector.shape_cast %convert_element_type3A_892 : vector<8x128xi32> to vector<1x8x128xi32>
    %reduce_sum3A_894 = arith.constant dense<0> : vector<1xi32>
    %reduce_sum3A_895 = vector.multi_reduction <add>, %reduce_sum3A_893, %reduce_sum3A_894 [1, 2] : vector<1x8x128xi32> to vector<1xi32>
    %reduce_sum3A_896 = vector.shape_cast %reduce_sum3A_895 : vector<1xi32> to vector<1x1x1xi32>
    %reduce_sum3A_897 = vector.extract %reduce_sum3A_896[0, 0, 0] : i32 from vector<1x1x1xi32>
    %add3A_898 = arith.addi %reduce_sum3A_889, %reduce_sum3A_897 : i32
    %ge3A_899 = arith.constant 8 : i32
    %ge3A_900 = arith.cmpi sge, %add3A_864, %ge3A_899 : i32
    %ge3A_901 = arith.constant 8 : i32
    %ge3A_902 = arith.cmpi sge, %add3A_881, %ge3A_901 : i32
    %ge3A_903 = arith.constant 8 : i32
    %ge3A_904 = arith.cmpi sge, %add3A_898, %ge3A_903 : i32
    %select_n3A_905 = arith.select %ge3A_904, %or3A_847, %select_n3A_841 : i32
    %select_n3A_906 = arith.select %ge3A_902, %or3A_845, %select_n3A_905 : i32
    %select_n3A_907 = arith.select %ge3A_900, %or3A_843, %select_n3A_906 : i32
    %or3A_908 = arith.constant 768 : i32
    %or3A_909 = arith.ori %select_n3A_907, %or3A_908 : i32
    %or3A_910 = arith.constant 512 : i32
    %or3A_911 = arith.ori %select_n3A_907, %or3A_910 : i32
    %or3A_912 = arith.constant 256 : i32
    %or3A_913 = arith.ori %select_n3A_907, %or3A_912 : i32
    %ge3A_914 = vector.broadcast %or3A_909 : i32 to vector<8x128xi32>
    %ge3A_915 = arith.cmpi uge, %select_n3A_175, %ge3A_914 : vector<8x128xi32>
    %convert_element_type3A_916 = arith.extui %ge3A_915 : vector<8x128xi1> to vector<8x128xi32>
    %reduce_sum3A_917 = vector.shape_cast %convert_element_type3A_916 : vector<8x128xi32> to vector<1x8x128xi32>
    %reduce_sum3A_918 = arith.constant dense<0> : vector<1xi32>
    %reduce_sum3A_919 = vector.multi_reduction <add>, %reduce_sum3A_917, %reduce_sum3A_918 [1, 2] : vector<1x8x128xi32> to vector<1xi32>
    %reduce_sum3A_920 = vector.shape_cast %reduce_sum3A_919 : vector<1xi32> to vector<1x1x1xi32>
    %reduce_sum3A_921 = vector.extract %reduce_sum3A_920[0, 0, 0] : i32 from vector<1x1x1xi32>
    %ge3A_922 = vector.broadcast %or3A_909 : i32 to vector<8x128xi32>
    %ge3A_923 = arith.cmpi uge, %broadcast_in_dim3A_177, %ge3A_922 : vector<8x128xi32>
    %convert_element_type3A_924 = arith.extui %ge3A_923 : vector<8x128xi1> to vector<8x128xi32>
    %reduce_sum3A_925 = vector.shape_cast %convert_element_type3A_924 : vector<8x128xi32> to vector<1x8x128xi32>
    %reduce_sum3A_926 = arith.constant dense<0> : vector<1xi32>
    %reduce_sum3A_927 = vector.multi_reduction <add>, %reduce_sum3A_925, %reduce_sum3A_926 [1, 2] : vector<1x8x128xi32> to vector<1xi32>
    %reduce_sum3A_928 = vector.shape_cast %reduce_sum3A_927 : vector<1xi32> to vector<1x1x1xi32>
    %reduce_sum3A_929 = vector.extract %reduce_sum3A_928[0, 0, 0] : i32 from vector<1x1x1xi32>
    %add3A_930 = arith.addi %reduce_sum3A_921, %reduce_sum3A_929 : i32
    %ge3A_931 = vector.broadcast %or3A_911 : i32 to vector<8x128xi32>
    %ge3A_932 = arith.cmpi uge, %select_n3A_175, %ge3A_931 : vector<8x128xi32>
    %convert_element_type3A_933 = arith.extui %ge3A_932 : vector<8x128xi1> to vector<8x128xi32>
    %reduce_sum3A_934 = vector.shape_cast %convert_element_type3A_933 : vector<8x128xi32> to vector<1x8x128xi32>
    %reduce_sum3A_935 = arith.constant dense<0> : vector<1xi32>
    %reduce_sum3A_936 = vector.multi_reduction <add>, %reduce_sum3A_934, %reduce_sum3A_935 [1, 2] : vector<1x8x128xi32> to vector<1xi32>
    %reduce_sum3A_937 = vector.shape_cast %reduce_sum3A_936 : vector<1xi32> to vector<1x1x1xi32>
    %reduce_sum3A_938 = vector.extract %reduce_sum3A_937[0, 0, 0] : i32 from vector<1x1x1xi32>
    %ge3A_939 = vector.broadcast %or3A_911 : i32 to vector<8x128xi32>
    %ge3A_940 = arith.cmpi uge, %broadcast_in_dim3A_177, %ge3A_939 : vector<8x128xi32>
    %convert_element_type3A_941 = arith.extui %ge3A_940 : vector<8x128xi1> to vector<8x128xi32>
    %reduce_sum3A_942 = vector.shape_cast %convert_element_type3A_941 : vector<8x128xi32> to vector<1x8x128xi32>
    %reduce_sum3A_943 = arith.constant dense<0> : vector<1xi32>
    %reduce_sum3A_944 = vector.multi_reduction <add>, %reduce_sum3A_942, %reduce_sum3A_943 [1, 2] : vector<1x8x128xi32> to vector<1xi32>
    %reduce_sum3A_945 = vector.shape_cast %reduce_sum3A_944 : vector<1xi32> to vector<1x1x1xi32>
    %reduce_sum3A_946 = vector.extract %reduce_sum3A_945[0, 0, 0] : i32 from vector<1x1x1xi32>
    %add3A_947 = arith.addi %reduce_sum3A_938, %reduce_sum3A_946 : i32
    %ge3A_948 = vector.broadcast %or3A_913 : i32 to vector<8x128xi32>
    %ge3A_949 = arith.cmpi uge, %select_n3A_175, %ge3A_948 : vector<8x128xi32>
    %convert_element_type3A_950 = arith.extui %ge3A_949 : vector<8x128xi1> to vector<8x128xi32>
    %reduce_sum3A_951 = vector.shape_cast %convert_element_type3A_950 : vector<8x128xi32> to vector<1x8x128xi32>
    %reduce_sum3A_952 = arith.constant dense<0> : vector<1xi32>
    %reduce_sum3A_953 = vector.multi_reduction <add>, %reduce_sum3A_951, %reduce_sum3A_952 [1, 2] : vector<1x8x128xi32> to vector<1xi32>
    %reduce_sum3A_954 = vector.shape_cast %reduce_sum3A_953 : vector<1xi32> to vector<1x1x1xi32>
    %reduce_sum3A_955 = vector.extract %reduce_sum3A_954[0, 0, 0] : i32 from vector<1x1x1xi32>
    %ge3A_956 = vector.broadcast %or3A_913 : i32 to vector<8x128xi32>
    %ge3A_957 = arith.cmpi uge, %broadcast_in_dim3A_177, %ge3A_956 : vector<8x128xi32>
    %convert_element_type3A_958 = arith.extui %ge3A_957 : vector<8x128xi1> to vector<8x128xi32>
    %reduce_sum3A_959 = vector.shape_cast %convert_element_type3A_958 : vector<8x128xi32> to vector<1x8x128xi32>
    %reduce_sum3A_960 = arith.constant dense<0> : vector<1xi32>
    %reduce_sum3A_961 = vector.multi_reduction <add>, %reduce_sum3A_959, %reduce_sum3A_960 [1, 2] : vector<1x8x128xi32> to vector<1xi32>
    %reduce_sum3A_962 = vector.shape_cast %reduce_sum3A_961 : vector<1xi32> to vector<1x1x1xi32>
    %reduce_sum3A_963 = vector.extract %reduce_sum3A_962[0, 0, 0] : i32 from vector<1x1x1xi32>
    %add3A_964 = arith.addi %reduce_sum3A_955, %reduce_sum3A_963 : i32
    %ge3A_965 = arith.constant 8 : i32
    %ge3A_966 = arith.cmpi sge, %add3A_930, %ge3A_965 : i32
    %ge3A_967 = arith.constant 8 : i32
    %ge3A_968 = arith.cmpi sge, %add3A_947, %ge3A_967 : i32
    %ge3A_969 = arith.constant 8 : i32
    %ge3A_970 = arith.cmpi sge, %add3A_964, %ge3A_969 : i32
    %select_n3A_971 = arith.select %ge3A_970, %or3A_913, %select_n3A_907 : i32
    %select_n3A_972 = arith.select %ge3A_968, %or3A_911, %select_n3A_971 : i32
    %select_n3A_973 = arith.select %ge3A_966, %or3A_909, %select_n3A_972 : i32
    %or3A_974 = arith.constant 192 : i32
    %or3A_975 = arith.ori %select_n3A_973, %or3A_974 : i32
    %or3A_976 = arith.constant 128 : i32
    %or3A_977 = arith.ori %select_n3A_973, %or3A_976 : i32
    %or3A_978 = arith.constant 64 : i32
    %or3A_979 = arith.ori %select_n3A_973, %or3A_978 : i32
    %ge3A_980 = vector.broadcast %or3A_975 : i32 to vector<8x128xi32>
    %ge3A_981 = arith.cmpi uge, %select_n3A_175, %ge3A_980 : vector<8x128xi32>
    %convert_element_type3A_982 = arith.extui %ge3A_981 : vector<8x128xi1> to vector<8x128xi32>
    %reduce_sum3A_983 = vector.shape_cast %convert_element_type3A_982 : vector<8x128xi32> to vector<1x8x128xi32>
    %reduce_sum3A_984 = arith.constant dense<0> : vector<1xi32>
    %reduce_sum3A_985 = vector.multi_reduction <add>, %reduce_sum3A_983, %reduce_sum3A_984 [1, 2] : vector<1x8x128xi32> to vector<1xi32>
    %reduce_sum3A_986 = vector.shape_cast %reduce_sum3A_985 : vector<1xi32> to vector<1x1x1xi32>
    %reduce_sum3A_987 = vector.extract %reduce_sum3A_986[0, 0, 0] : i32 from vector<1x1x1xi32>
    %ge3A_988 = vector.broadcast %or3A_975 : i32 to vector<8x128xi32>
    %ge3A_989 = arith.cmpi uge, %broadcast_in_dim3A_177, %ge3A_988 : vector<8x128xi32>
    %convert_element_type3A_990 = arith.extui %ge3A_989 : vector<8x128xi1> to vector<8x128xi32>
    %reduce_sum3A_991 = vector.shape_cast %convert_element_type3A_990 : vector<8x128xi32> to vector<1x8x128xi32>
    %reduce_sum3A_992 = arith.constant dense<0> : vector<1xi32>
    %reduce_sum3A_993 = vector.multi_reduction <add>, %reduce_sum3A_991, %reduce_sum3A_992 [1, 2] : vector<1x8x128xi32> to vector<1xi32>
    %reduce_sum3A_994 = vector.shape_cast %reduce_sum3A_993 : vector<1xi32> to vector<1x1x1xi32>
    %reduce_sum3A_995 = vector.extract %reduce_sum3A_994[0, 0, 0] : i32 from vector<1x1x1xi32>
    %add3A_996 = arith.addi %reduce_sum3A_987, %reduce_sum3A_995 : i32
    %ge3A_997 = vector.broadcast %or3A_977 : i32 to vector<8x128xi32>
    %ge3A_998 = arith.cmpi uge, %select_n3A_175, %ge3A_997 : vector<8x128xi32>
    %convert_element_type3A_999 = arith.extui %ge3A_998 : vector<8x128xi1> to vector<8x128xi32>
    %reduce_sum3A_1000 = vector.shape_cast %convert_element_type3A_999 : vector<8x128xi32> to vector<1x8x128xi32>
    %reduce_sum3A_1001 = arith.constant dense<0> : vector<1xi32>
    %reduce_sum3A_1002 = vector.multi_reduction <add>, %reduce_sum3A_1000, %reduce_sum3A_1001 [1, 2] : vector<1x8x128xi32> to vector<1xi32>
    %reduce_sum3A_1003 = vector.shape_cast %reduce_sum3A_1002 : vector<1xi32> to vector<1x1x1xi32>
    %reduce_sum3A_1004 = vector.extract %reduce_sum3A_1003[0, 0, 0] : i32 from vector<1x1x1xi32>
    %ge3A_1005 = vector.broadcast %or3A_977 : i32 to vector<8x128xi32>
    %ge3A_1006 = arith.cmpi uge, %broadcast_in_dim3A_177, %ge3A_1005 : vector<8x128xi32>
    %convert_element_type3A_1007 = arith.extui %ge3A_1006 : vector<8x128xi1> to vector<8x128xi32>
    %reduce_sum3A_1008 = vector.shape_cast %convert_element_type3A_1007 : vector<8x128xi32> to vector<1x8x128xi32>
    %reduce_sum3A_1009 = arith.constant dense<0> : vector<1xi32>
    %reduce_sum3A_1010 = vector.multi_reduction <add>, %reduce_sum3A_1008, %reduce_sum3A_1009 [1, 2] : vector<1x8x128xi32> to vector<1xi32>
    %reduce_sum3A_1011 = vector.shape_cast %reduce_sum3A_1010 : vector<1xi32> to vector<1x1x1xi32>
    %reduce_sum3A_1012 = vector.extract %reduce_sum3A_1011[0, 0, 0] : i32 from vector<1x1x1xi32>
    %add3A_1013 = arith.addi %reduce_sum3A_1004, %reduce_sum3A_1012 : i32
    %ge3A_1014 = vector.broadcast %or3A_979 : i32 to vector<8x128xi32>
    %ge3A_1015 = arith.cmpi uge, %select_n3A_175, %ge3A_1014 : vector<8x128xi32>
    %convert_element_type3A_1016 = arith.extui %ge3A_1015 : vector<8x128xi1> to vector<8x128xi32>
    %reduce_sum3A_1017 = vector.shape_cast %convert_element_type3A_1016 : vector<8x128xi32> to vector<1x8x128xi32>
    %reduce_sum3A_1018 = arith.constant dense<0> : vector<1xi32>
    %reduce_sum3A_1019 = vector.multi_reduction <add>, %reduce_sum3A_1017, %reduce_sum3A_1018 [1, 2] : vector<1x8x128xi32> to vector<1xi32>
    %reduce_sum3A_1020 = vector.shape_cast %reduce_sum3A_1019 : vector<1xi32> to vector<1x1x1xi32>
    %reduce_sum3A_1021 = vector.extract %reduce_sum3A_1020[0, 0, 0] : i32 from vector<1x1x1xi32>
    %ge3A_1022 = vector.broadcast %or3A_979 : i32 to vector<8x128xi32>
    %ge3A_1023 = arith.cmpi uge, %broadcast_in_dim3A_177, %ge3A_1022 : vector<8x128xi32>
    %convert_element_type3A_1024 = arith.extui %ge3A_1023 : vector<8x128xi1> to vector<8x128xi32>
    %reduce_sum3A_1025 = vector.shape_cast %convert_element_type3A_1024 : vector<8x128xi32> to vector<1x8x128xi32>
    %reduce_sum3A_1026 = arith.constant dense<0> : vector<1xi32>
    %reduce_sum3A_1027 = vector.multi_reduction <add>, %reduce_sum3A_1025, %reduce_sum3A_1026 [1, 2] : vector<1x8x128xi32> to vector<1xi32>
    %reduce_sum3A_1028 = vector.shape_cast %reduce_sum3A_1027 : vector<1xi32> to vector<1x1x1xi32>
    %reduce_sum3A_1029 = vector.extract %reduce_sum3A_1028[0, 0, 0] : i32 from vector<1x1x1xi32>
    %add3A_1030 = arith.addi %reduce_sum3A_1021, %reduce_sum3A_1029 : i32
    %ge3A_1031 = arith.constant 8 : i32
    %ge3A_1032 = arith.cmpi sge, %add3A_996, %ge3A_1031 : i32
    %ge3A_1033 = arith.constant 8 : i32
    %ge3A_1034 = arith.cmpi sge, %add3A_1013, %ge3A_1033 : i32
    %ge3A_1035 = arith.constant 8 : i32
    %ge3A_1036 = arith.cmpi sge, %add3A_1030, %ge3A_1035 : i32
    %select_n3A_1037 = arith.select %ge3A_1036, %or3A_979, %select_n3A_973 : i32
    %select_n3A_1038 = arith.select %ge3A_1034, %or3A_977, %select_n3A_1037 : i32
    %select_n3A_1039 = arith.select %ge3A_1032, %or3A_975, %select_n3A_1038 : i32
    %or3A_1040 = arith.constant 48 : i32
    %or3A_1041 = arith.ori %select_n3A_1039, %or3A_1040 : i32
    %or3A_1042 = arith.constant 32 : i32
    %or3A_1043 = arith.ori %select_n3A_1039, %or3A_1042 : i32
    %or3A_1044 = arith.constant 16 : i32
    %or3A_1045 = arith.ori %select_n3A_1039, %or3A_1044 : i32
    %ge3A_1046 = vector.broadcast %or3A_1041 : i32 to vector<8x128xi32>
    %ge3A_1047 = arith.cmpi uge, %select_n3A_175, %ge3A_1046 : vector<8x128xi32>
    %convert_element_type3A_1048 = arith.extui %ge3A_1047 : vector<8x128xi1> to vector<8x128xi32>
    %reduce_sum3A_1049 = vector.shape_cast %convert_element_type3A_1048 : vector<8x128xi32> to vector<1x8x128xi32>
    %reduce_sum3A_1050 = arith.constant dense<0> : vector<1xi32>
    %reduce_sum3A_1051 = vector.multi_reduction <add>, %reduce_sum3A_1049, %reduce_sum3A_1050 [1, 2] : vector<1x8x128xi32> to vector<1xi32>
    %reduce_sum3A_1052 = vector.shape_cast %reduce_sum3A_1051 : vector<1xi32> to vector<1x1x1xi32>
    %reduce_sum3A_1053 = vector.extract %reduce_sum3A_1052[0, 0, 0] : i32 from vector<1x1x1xi32>
    %ge3A_1054 = vector.broadcast %or3A_1041 : i32 to vector<8x128xi32>
    %ge3A_1055 = arith.cmpi uge, %broadcast_in_dim3A_177, %ge3A_1054 : vector<8x128xi32>
    %convert_element_type3A_1056 = arith.extui %ge3A_1055 : vector<8x128xi1> to vector<8x128xi32>
    %reduce_sum3A_1057 = vector.shape_cast %convert_element_type3A_1056 : vector<8x128xi32> to vector<1x8x128xi32>
    %reduce_sum3A_1058 = arith.constant dense<0> : vector<1xi32>
    %reduce_sum3A_1059 = vector.multi_reduction <add>, %reduce_sum3A_1057, %reduce_sum3A_1058 [1, 2] : vector<1x8x128xi32> to vector<1xi32>
    %reduce_sum3A_1060 = vector.shape_cast %reduce_sum3A_1059 : vector<1xi32> to vector<1x1x1xi32>
    %reduce_sum3A_1061 = vector.extract %reduce_sum3A_1060[0, 0, 0] : i32 from vector<1x1x1xi32>
    %add3A_1062 = arith.addi %reduce_sum3A_1053, %reduce_sum3A_1061 : i32
    %ge3A_1063 = vector.broadcast %or3A_1043 : i32 to vector<8x128xi32>
    %ge3A_1064 = arith.cmpi uge, %select_n3A_175, %ge3A_1063 : vector<8x128xi32>
    %convert_element_type3A_1065 = arith.extui %ge3A_1064 : vector<8x128xi1> to vector<8x128xi32>
    %reduce_sum3A_1066 = vector.shape_cast %convert_element_type3A_1065 : vector<8x128xi32> to vector<1x8x128xi32>
    %reduce_sum3A_1067 = arith.constant dense<0> : vector<1xi32>
    %reduce_sum3A_1068 = vector.multi_reduction <add>, %reduce_sum3A_1066, %reduce_sum3A_1067 [1, 2] : vector<1x8x128xi32> to vector<1xi32>
    %reduce_sum3A_1069 = vector.shape_cast %reduce_sum3A_1068 : vector<1xi32> to vector<1x1x1xi32>
    %reduce_sum3A_1070 = vector.extract %reduce_sum3A_1069[0, 0, 0] : i32 from vector<1x1x1xi32>
    %ge3A_1071 = vector.broadcast %or3A_1043 : i32 to vector<8x128xi32>
    %ge3A_1072 = arith.cmpi uge, %broadcast_in_dim3A_177, %ge3A_1071 : vector<8x128xi32>
    %convert_element_type3A_1073 = arith.extui %ge3A_1072 : vector<8x128xi1> to vector<8x128xi32>
    %reduce_sum3A_1074 = vector.shape_cast %convert_element_type3A_1073 : vector<8x128xi32> to vector<1x8x128xi32>
    %reduce_sum3A_1075 = arith.constant dense<0> : vector<1xi32>
    %reduce_sum3A_1076 = vector.multi_reduction <add>, %reduce_sum3A_1074, %reduce_sum3A_1075 [1, 2] : vector<1x8x128xi32> to vector<1xi32>
    %reduce_sum3A_1077 = vector.shape_cast %reduce_sum3A_1076 : vector<1xi32> to vector<1x1x1xi32>
    %reduce_sum3A_1078 = vector.extract %reduce_sum3A_1077[0, 0, 0] : i32 from vector<1x1x1xi32>
    %add3A_1079 = arith.addi %reduce_sum3A_1070, %reduce_sum3A_1078 : i32
    %ge3A_1080 = vector.broadcast %or3A_1045 : i32 to vector<8x128xi32>
    %ge3A_1081 = arith.cmpi uge, %select_n3A_175, %ge3A_1080 : vector<8x128xi32>
    %convert_element_type3A_1082 = arith.extui %ge3A_1081 : vector<8x128xi1> to vector<8x128xi32>
    %reduce_sum3A_1083 = vector.shape_cast %convert_element_type3A_1082 : vector<8x128xi32> to vector<1x8x128xi32>
    %reduce_sum3A_1084 = arith.constant dense<0> : vector<1xi32>
    %reduce_sum3A_1085 = vector.multi_reduction <add>, %reduce_sum3A_1083, %reduce_sum3A_1084 [1, 2] : vector<1x8x128xi32> to vector<1xi32>
    %reduce_sum3A_1086 = vector.shape_cast %reduce_sum3A_1085 : vector<1xi32> to vector<1x1x1xi32>
    %reduce_sum3A_1087 = vector.extract %reduce_sum3A_1086[0, 0, 0] : i32 from vector<1x1x1xi32>
    %ge3A_1088 = vector.broadcast %or3A_1045 : i32 to vector<8x128xi32>
    %ge3A_1089 = arith.cmpi uge, %broadcast_in_dim3A_177, %ge3A_1088 : vector<8x128xi32>
    %convert_element_type3A_1090 = arith.extui %ge3A_1089 : vector<8x128xi1> to vector<8x128xi32>
    %reduce_sum3A_1091 = vector.shape_cast %convert_element_type3A_1090 : vector<8x128xi32> to vector<1x8x128xi32>
    %reduce_sum3A_1092 = arith.constant dense<0> : vector<1xi32>
    %reduce_sum3A_1093 = vector.multi_reduction <add>, %reduce_sum3A_1091, %reduce_sum3A_1092 [1, 2] : vector<1x8x128xi32> to vector<1xi32>
    %reduce_sum3A_1094 = vector.shape_cast %reduce_sum3A_1093 : vector<1xi32> to vector<1x1x1xi32>
    %reduce_sum3A_1095 = vector.extract %reduce_sum3A_1094[0, 0, 0] : i32 from vector<1x1x1xi32>
    %add3A_1096 = arith.addi %reduce_sum3A_1087, %reduce_sum3A_1095 : i32
    %ge3A_1097 = arith.constant 8 : i32
    %ge3A_1098 = arith.cmpi sge, %add3A_1062, %ge3A_1097 : i32
    %ge3A_1099 = arith.constant 8 : i32
    %ge3A_1100 = arith.cmpi sge, %add3A_1079, %ge3A_1099 : i32
    %ge3A_1101 = arith.constant 8 : i32
    %ge3A_1102 = arith.cmpi sge, %add3A_1096, %ge3A_1101 : i32
    %select_n3A_1103 = arith.select %ge3A_1102, %or3A_1045, %select_n3A_1039 : i32
    %select_n3A_1104 = arith.select %ge3A_1100, %or3A_1043, %select_n3A_1103 : i32
    %select_n3A_1105 = arith.select %ge3A_1098, %or3A_1041, %select_n3A_1104 : i32
    %or3A_1106 = arith.constant 12 : i32
    %or3A_1107 = arith.ori %select_n3A_1105, %or3A_1106 : i32
    %or3A_1108 = arith.constant 8 : i32
    %or3A_1109 = arith.ori %select_n3A_1105, %or3A_1108 : i32
    %or3A_1110 = arith.constant 4 : i32
    %or3A_1111 = arith.ori %select_n3A_1105, %or3A_1110 : i32
    %ge3A_1112 = vector.broadcast %or3A_1107 : i32 to vector<8x128xi32>
    %ge3A_1113 = arith.cmpi uge, %select_n3A_175, %ge3A_1112 : vector<8x128xi32>
    %convert_element_type3A_1114 = arith.extui %ge3A_1113 : vector<8x128xi1> to vector<8x128xi32>
    %reduce_sum3A_1115 = vector.shape_cast %convert_element_type3A_1114 : vector<8x128xi32> to vector<1x8x128xi32>
    %reduce_sum3A_1116 = arith.constant dense<0> : vector<1xi32>
    %reduce_sum3A_1117 = vector.multi_reduction <add>, %reduce_sum3A_1115, %reduce_sum3A_1116 [1, 2] : vector<1x8x128xi32> to vector<1xi32>
    %reduce_sum3A_1118 = vector.shape_cast %reduce_sum3A_1117 : vector<1xi32> to vector<1x1x1xi32>
    %reduce_sum3A_1119 = vector.extract %reduce_sum3A_1118[0, 0, 0] : i32 from vector<1x1x1xi32>
    %ge3A_1120 = vector.broadcast %or3A_1107 : i32 to vector<8x128xi32>
    %ge3A_1121 = arith.cmpi uge, %broadcast_in_dim3A_177, %ge3A_1120 : vector<8x128xi32>
    %convert_element_type3A_1122 = arith.extui %ge3A_1121 : vector<8x128xi1> to vector<8x128xi32>
    %reduce_sum3A_1123 = vector.shape_cast %convert_element_type3A_1122 : vector<8x128xi32> to vector<1x8x128xi32>
    %reduce_sum3A_1124 = arith.constant dense<0> : vector<1xi32>
    %reduce_sum3A_1125 = vector.multi_reduction <add>, %reduce_sum3A_1123, %reduce_sum3A_1124 [1, 2] : vector<1x8x128xi32> to vector<1xi32>
    %reduce_sum3A_1126 = vector.shape_cast %reduce_sum3A_1125 : vector<1xi32> to vector<1x1x1xi32>
    %reduce_sum3A_1127 = vector.extract %reduce_sum3A_1126[0, 0, 0] : i32 from vector<1x1x1xi32>
    %add3A_1128 = arith.addi %reduce_sum3A_1119, %reduce_sum3A_1127 : i32
    %ge3A_1129 = vector.broadcast %or3A_1109 : i32 to vector<8x128xi32>
    %ge3A_1130 = arith.cmpi uge, %select_n3A_175, %ge3A_1129 : vector<8x128xi32>
    %convert_element_type3A_1131 = arith.extui %ge3A_1130 : vector<8x128xi1> to vector<8x128xi32>
    %reduce_sum3A_1132 = vector.shape_cast %convert_element_type3A_1131 : vector<8x128xi32> to vector<1x8x128xi32>
    %reduce_sum3A_1133 = arith.constant dense<0> : vector<1xi32>
    %reduce_sum3A_1134 = vector.multi_reduction <add>, %reduce_sum3A_1132, %reduce_sum3A_1133 [1, 2] : vector<1x8x128xi32> to vector<1xi32>
    %reduce_sum3A_1135 = vector.shape_cast %reduce_sum3A_1134 : vector<1xi32> to vector<1x1x1xi32>
    %reduce_sum3A_1136 = vector.extract %reduce_sum3A_1135[0, 0, 0] : i32 from vector<1x1x1xi32>
    %ge3A_1137 = vector.broadcast %or3A_1109 : i32 to vector<8x128xi32>
    %ge3A_1138 = arith.cmpi uge, %broadcast_in_dim3A_177, %ge3A_1137 : vector<8x128xi32>
    %convert_element_type3A_1139 = arith.extui %ge3A_1138 : vector<8x128xi1> to vector<8x128xi32>
    %reduce_sum3A_1140 = vector.shape_cast %convert_element_type3A_1139 : vector<8x128xi32> to vector<1x8x128xi32>
    %reduce_sum3A_1141 = arith.constant dense<0> : vector<1xi32>
    %reduce_sum3A_1142 = vector.multi_reduction <add>, %reduce_sum3A_1140, %reduce_sum3A_1141 [1, 2] : vector<1x8x128xi32> to vector<1xi32>
    %reduce_sum3A_1143 = vector.shape_cast %reduce_sum3A_1142 : vector<1xi32> to vector<1x1x1xi32>
    %reduce_sum3A_1144 = vector.extract %reduce_sum3A_1143[0, 0, 0] : i32 from vector<1x1x1xi32>
    %add3A_1145 = arith.addi %reduce_sum3A_1136, %reduce_sum3A_1144 : i32
    %ge3A_1146 = vector.broadcast %or3A_1111 : i32 to vector<8x128xi32>
    %ge3A_1147 = arith.cmpi uge, %select_n3A_175, %ge3A_1146 : vector<8x128xi32>
    %convert_element_type3A_1148 = arith.extui %ge3A_1147 : vector<8x128xi1> to vector<8x128xi32>
    %reduce_sum3A_1149 = vector.shape_cast %convert_element_type3A_1148 : vector<8x128xi32> to vector<1x8x128xi32>
    %reduce_sum3A_1150 = arith.constant dense<0> : vector<1xi32>
    %reduce_sum3A_1151 = vector.multi_reduction <add>, %reduce_sum3A_1149, %reduce_sum3A_1150 [1, 2] : vector<1x8x128xi32> to vector<1xi32>
    %reduce_sum3A_1152 = vector.shape_cast %reduce_sum3A_1151 : vector<1xi32> to vector<1x1x1xi32>
    %reduce_sum3A_1153 = vector.extract %reduce_sum3A_1152[0, 0, 0] : i32 from vector<1x1x1xi32>
    %ge3A_1154 = vector.broadcast %or3A_1111 : i32 to vector<8x128xi32>
    %ge3A_1155 = arith.cmpi uge, %broadcast_in_dim3A_177, %ge3A_1154 : vector<8x128xi32>
    %convert_element_type3A_1156 = arith.extui %ge3A_1155 : vector<8x128xi1> to vector<8x128xi32>
    %reduce_sum3A_1157 = vector.shape_cast %convert_element_type3A_1156 : vector<8x128xi32> to vector<1x8x128xi32>
    %reduce_sum3A_1158 = arith.constant dense<0> : vector<1xi32>
    %reduce_sum3A_1159 = vector.multi_reduction <add>, %reduce_sum3A_1157, %reduce_sum3A_1158 [1, 2] : vector<1x8x128xi32> to vector<1xi32>
    %reduce_sum3A_1160 = vector.shape_cast %reduce_sum3A_1159 : vector<1xi32> to vector<1x1x1xi32>
    %reduce_sum3A_1161 = vector.extract %reduce_sum3A_1160[0, 0, 0] : i32 from vector<1x1x1xi32>
    %add3A_1162 = arith.addi %reduce_sum3A_1153, %reduce_sum3A_1161 : i32
    %ge3A_1163 = arith.constant 8 : i32
    %ge3A_1164 = arith.cmpi sge, %add3A_1128, %ge3A_1163 : i32
    %ge3A_1165 = arith.constant 8 : i32
    %ge3A_1166 = arith.cmpi sge, %add3A_1145, %ge3A_1165 : i32
    %ge3A_1167 = arith.constant 8 : i32
    %ge3A_1168 = arith.cmpi sge, %add3A_1162, %ge3A_1167 : i32
    %select_n3A_1169 = arith.select %ge3A_1168, %or3A_1111, %select_n3A_1105 : i32
    %select_n3A_1170 = arith.select %ge3A_1166, %or3A_1109, %select_n3A_1169 : i32
    %select_n3A_1171 = arith.select %ge3A_1164, %or3A_1107, %select_n3A_1170 : i32
    %or3A_1172 = arith.constant 3 : i32
    %or3A_1173 = arith.ori %select_n3A_1171, %or3A_1172 : i32
    %or3A_1174 = arith.constant 2 : i32
    %or3A_1175 = arith.ori %select_n3A_1171, %or3A_1174 : i32
    %or3A_1176 = arith.constant 1 : i32
    %or3A_1177 = arith.ori %select_n3A_1171, %or3A_1176 : i32
    %ge3A_1178 = vector.broadcast %or3A_1173 : i32 to vector<8x128xi32>
    %ge3A_1179 = arith.cmpi uge, %select_n3A_175, %ge3A_1178 : vector<8x128xi32>
    %convert_element_type3A_1180 = arith.extui %ge3A_1179 : vector<8x128xi1> to vector<8x128xi32>
    %reduce_sum3A_1181 = vector.shape_cast %convert_element_type3A_1180 : vector<8x128xi32> to vector<1x8x128xi32>
    %reduce_sum3A_1182 = arith.constant dense<0> : vector<1xi32>
    %reduce_sum3A_1183 = vector.multi_reduction <add>, %reduce_sum3A_1181, %reduce_sum3A_1182 [1, 2] : vector<1x8x128xi32> to vector<1xi32>
    %reduce_sum3A_1184 = vector.shape_cast %reduce_sum3A_1183 : vector<1xi32> to vector<1x1x1xi32>
    %reduce_sum3A_1185 = vector.extract %reduce_sum3A_1184[0, 0, 0] : i32 from vector<1x1x1xi32>
    %ge3A_1186 = vector.broadcast %or3A_1173 : i32 to vector<8x128xi32>
    %ge3A_1187 = arith.cmpi uge, %broadcast_in_dim3A_177, %ge3A_1186 : vector<8x128xi32>
    %convert_element_type3A_1188 = arith.extui %ge3A_1187 : vector<8x128xi1> to vector<8x128xi32>
    %reduce_sum3A_1189 = vector.shape_cast %convert_element_type3A_1188 : vector<8x128xi32> to vector<1x8x128xi32>
    %reduce_sum3A_1190 = arith.constant dense<0> : vector<1xi32>
    %reduce_sum3A_1191 = vector.multi_reduction <add>, %reduce_sum3A_1189, %reduce_sum3A_1190 [1, 2] : vector<1x8x128xi32> to vector<1xi32>
    %reduce_sum3A_1192 = vector.shape_cast %reduce_sum3A_1191 : vector<1xi32> to vector<1x1x1xi32>
    %reduce_sum3A_1193 = vector.extract %reduce_sum3A_1192[0, 0, 0] : i32 from vector<1x1x1xi32>
    %add3A_1194 = arith.addi %reduce_sum3A_1185, %reduce_sum3A_1193 : i32
    %ge3A_1195 = vector.broadcast %or3A_1175 : i32 to vector<8x128xi32>
    %ge3A_1196 = arith.cmpi uge, %select_n3A_175, %ge3A_1195 : vector<8x128xi32>
    %convert_element_type3A_1197 = arith.extui %ge3A_1196 : vector<8x128xi1> to vector<8x128xi32>
    %reduce_sum3A_1198 = vector.shape_cast %convert_element_type3A_1197 : vector<8x128xi32> to vector<1x8x128xi32>
    %reduce_sum3A_1199 = arith.constant dense<0> : vector<1xi32>
    %reduce_sum3A_1200 = vector.multi_reduction <add>, %reduce_sum3A_1198, %reduce_sum3A_1199 [1, 2] : vector<1x8x128xi32> to vector<1xi32>
    %reduce_sum3A_1201 = vector.shape_cast %reduce_sum3A_1200 : vector<1xi32> to vector<1x1x1xi32>
    %reduce_sum3A_1202 = vector.extract %reduce_sum3A_1201[0, 0, 0] : i32 from vector<1x1x1xi32>
    %ge3A_1203 = vector.broadcast %or3A_1175 : i32 to vector<8x128xi32>
    %ge3A_1204 = arith.cmpi uge, %broadcast_in_dim3A_177, %ge3A_1203 : vector<8x128xi32>
    %convert_element_type3A_1205 = arith.extui %ge3A_1204 : vector<8x128xi1> to vector<8x128xi32>
    %reduce_sum3A_1206 = vector.shape_cast %convert_element_type3A_1205 : vector<8x128xi32> to vector<1x8x128xi32>
    %reduce_sum3A_1207 = arith.constant dense<0> : vector<1xi32>
    %reduce_sum3A_1208 = vector.multi_reduction <add>, %reduce_sum3A_1206, %reduce_sum3A_1207 [1, 2] : vector<1x8x128xi32> to vector<1xi32>
    %reduce_sum3A_1209 = vector.shape_cast %reduce_sum3A_1208 : vector<1xi32> to vector<1x1x1xi32>
    %reduce_sum3A_1210 = vector.extract %reduce_sum3A_1209[0, 0, 0] : i32 from vector<1x1x1xi32>
    %add3A_1211 = arith.addi %reduce_sum3A_1202, %reduce_sum3A_1210 : i32
    %ge3A_1212 = vector.broadcast %or3A_1177 : i32 to vector<8x128xi32>
    %ge3A_1213 = arith.cmpi uge, %select_n3A_175, %ge3A_1212 : vector<8x128xi32>
    %convert_element_type3A_1214 = arith.extui %ge3A_1213 : vector<8x128xi1> to vector<8x128xi32>
    %reduce_sum3A_1215 = vector.shape_cast %convert_element_type3A_1214 : vector<8x128xi32> to vector<1x8x128xi32>
    %reduce_sum3A_1216 = arith.constant dense<0> : vector<1xi32>
    %reduce_sum3A_1217 = vector.multi_reduction <add>, %reduce_sum3A_1215, %reduce_sum3A_1216 [1, 2] : vector<1x8x128xi32> to vector<1xi32>
    %reduce_sum3A_1218 = vector.shape_cast %reduce_sum3A_1217 : vector<1xi32> to vector<1x1x1xi32>
    %reduce_sum3A_1219 = vector.extract %reduce_sum3A_1218[0, 0, 0] : i32 from vector<1x1x1xi32>
    %ge3A_1220 = vector.broadcast %or3A_1177 : i32 to vector<8x128xi32>
    %ge3A_1221 = arith.cmpi uge, %broadcast_in_dim3A_177, %ge3A_1220 : vector<8x128xi32>
    %convert_element_type3A_1222 = arith.extui %ge3A_1221 : vector<8x128xi1> to vector<8x128xi32>
    %reduce_sum3A_1223 = vector.shape_cast %convert_element_type3A_1222 : vector<8x128xi32> to vector<1x8x128xi32>
    %reduce_sum3A_1224 = arith.constant dense<0> : vector<1xi32>
    %reduce_sum3A_1225 = vector.multi_reduction <add>, %reduce_sum3A_1223, %reduce_sum3A_1224 [1, 2] : vector<1x8x128xi32> to vector<1xi32>
    %reduce_sum3A_1226 = vector.shape_cast %reduce_sum3A_1225 : vector<1xi32> to vector<1x1x1xi32>
    %reduce_sum3A_1227 = vector.extract %reduce_sum3A_1226[0, 0, 0] : i32 from vector<1x1x1xi32>
    %add3A_1228 = arith.addi %reduce_sum3A_1219, %reduce_sum3A_1227 : i32
    %ge3A_1229 = arith.constant 8 : i32
    %ge3A_1230 = arith.cmpi sge, %add3A_1194, %ge3A_1229 : i32
    %ge3A_1231 = arith.constant 8 : i32
    %ge3A_1232 = arith.cmpi sge, %add3A_1211, %ge3A_1231 : i32
    %ge3A_1233 = arith.constant 8 : i32
    %ge3A_1234 = arith.cmpi sge, %add3A_1228, %ge3A_1233 : i32
    %select_n3A_1235 = arith.select %ge3A_1234, %or3A_1177, %select_n3A_1171 : i32
    %select_n3A_1236 = arith.select %ge3A_1232, %or3A_1175, %select_n3A_1235 : i32
    %select_n3A_1237 = arith.select %ge3A_1230, %or3A_1173, %select_n3A_1236 : i32
    %lt3A_1238 = arith.constant -2147483648 : i32
    %lt3A_1239 = arith.cmpi ult, %select_n3A_1237, %lt3A_1238 : i32
    %not3A_1240 = arith.constant -1 : i32
    %not3A_1241 = arith.xori %select_n3A_1237, %not3A_1240 : i32
    %xor3A = arith.constant -2147483648 : i32
    %xor3A_1242 = arith.xori %select_n3A_1237, %xor3A : i32
    %select_n3A_1243 = arith.select %lt3A_1239, %not3A_1241, %xor3A_1242 : i32
    %bitcast_convert_type3A_1244 = arith.bitcast %select_n3A_1243 : i32 to f32
    %gt3A = vector.broadcast %bitcast_convert_type3A_1244 : f32 to vector<8x128xf32>
    %gt3A_1245 = arith.cmpf ogt, %sub3A_166, %gt3A : vector<8x128xf32>
    %and3A_1246 = arith.andi %and3A_163, %gt3A_1245 : vector<8x128xi1>
    %convert_element_type3A_1247 = arith.extui %and3A_1246 : vector<8x128xi1> to vector<8x128xi32>
    %reduce_sum3A_1248 = vector.shape_cast %convert_element_type3A_1247 : vector<8x128xi32> to vector<1x8x128xi32>
    %reduce_sum3A_1249 = arith.constant dense<0> : vector<1xi32>
    %reduce_sum3A_1250 = vector.multi_reduction <add>, %reduce_sum3A_1248, %reduce_sum3A_1249 [1, 2] : vector<1x8x128xi32> to vector<1xi32>
    %reduce_sum3A_1251 = vector.shape_cast %reduce_sum3A_1250 : vector<1xi32> to vector<1x1x1xi32>
    %reduce_sum3A_1252 = vector.extract %reduce_sum3A_1251[0, 0, 0] : i32 from vector<1x1x1xi32>
    %jit3A_1253 = arith.constant 0.000000e+00 : f32
    %broadcast_in_dim3A_1254 = vector.broadcast %jit3A_1253 : f32 to vector<8x128xf32>
    %select_n3A_1255 = arith.select %and3A_1246, %sub3A_166, %broadcast_in_dim3A_1254 : vector<8x128xi1>, vector<8x128xf32>
    %reduce_sum3A_1256 = vector.shape_cast %select_n3A_1255 : vector<8x128xf32> to vector<1x8x128xf32>
    %reduce_sum3A_1257 = arith.constant dense<0.000000e+00> : vector<1xf32>
    %reduce_sum3A_1258 = vector.multi_reduction <add>, %reduce_sum3A_1256, %reduce_sum3A_1257 [1, 2] : vector<1x8x128xf32> to vector<1xf32>
    %reduce_sum3A_1259 = vector.shape_cast %reduce_sum3A_1258 : vector<1xf32> to vector<1x1x1xf32>
    %reduce_sum3A_1260 = vector.extract %reduce_sum3A_1259[0, 0, 0] : f32 from vector<1x1x1xf32>
    %sub3A_1261 = arith.constant 8 : i32
    %sub3A_1262 = arith.subi %sub3A_1261, %reduce_sum3A_1252 : i32
    %convert_element_type3A_1263 = arith.sitofp %sub3A_1262 : i32 to f32
    %mul3A_1264 = arith.mulf %convert_element_type3A_1263, %bitcast_convert_type3A_1244 : f32
    %add3A_1265 = arith.addf %reduce_sum3A_1260, %mul3A_1264 : f32
    %div3A_1266 = arith.constant 8.000000e+00 : f32
    %div3A_1267 = arith.divf %add3A_1265, %div3A_1266 : f32
    %bitcast_convert_type3A_1268 = tpu.bitcast %get3A_1 : vector<512x128xf32> -> vector<512x128xi32>
    %ge3A_1269 = arith.constant -2147483648 : i32
    %ge3A_1270 = vector.broadcast %ge3A_1269 : i32 to vector<512x128xi32>
    %ge3A_1271 = arith.cmpi uge, %bitcast_convert_type3A_1268, %ge3A_1270 : vector<512x128xi32>
    %not3A_1272 = arith.constant dense<-1> : vector<512x128xi32>
    %not3A_1273 = arith.xori %bitcast_convert_type3A_1268, %not3A_1272 : vector<512x128xi32>
    %or3A_1274 = arith.constant -2147483648 : i32
    %or3A_1275 = vector.broadcast %or3A_1274 : i32 to vector<512x128xi32>
    %or3A_1276 = arith.ori %bitcast_convert_type3A_1268, %or3A_1275 : vector<512x128xi32>
    %select_n3A_1277 = arith.select %ge3A_1271, %not3A_1273, %or3A_1276 : vector<512x128xi1>, vector<512x128xi32>
    %jit3A_1278 = arith.constant 0 : i32
    %broadcast_in_dim3A_1279 = vector.broadcast %jit3A_1278 : i32 to vector<512x128xi32>
    %select_n3A_1280 = arith.select %lt3A_154, %select_n3A_1277, %broadcast_in_dim3A_1279 : vector<512x128xi1>, vector<512x128xi32>
    %bitcast_convert_type3A_1281 = tpu.bitcast %div3A_79 : vector<1024x128xf32> -> vector<1024x128xi32>
    %ge3A_1282 = arith.constant -2147483648 : i32
    %ge3A_1283 = vector.broadcast %ge3A_1282 : i32 to vector<1024x128xi32>
    %ge3A_1284 = arith.cmpi uge, %bitcast_convert_type3A_1281, %ge3A_1283 : vector<1024x128xi32>
    %not3A_1285 = arith.constant dense<-1> : vector<1024x128xi32>
    %not3A_1286 = arith.xori %bitcast_convert_type3A_1281, %not3A_1285 : vector<1024x128xi32>
    %or3A_1287 = arith.constant -2147483648 : i32
    %or3A_1288 = vector.broadcast %or3A_1287 : i32 to vector<1024x128xi32>
    %or3A_1289 = arith.ori %bitcast_convert_type3A_1281, %or3A_1288 : vector<1024x128xi32>
    %select_n3A_1290 = arith.select %ge3A_1284, %not3A_1286, %or3A_1289 : vector<1024x128xi1>, vector<1024x128xi32>
    %jit3A_1291 = arith.constant 0 : i32
    %broadcast_in_dim3A_1292 = vector.broadcast %jit3A_1291 : i32 to vector<1024x128xi32>
    %select_n3A_1293 = arith.select %and3A_142, %select_n3A_1290, %broadcast_in_dim3A_1292 : vector<1024x128xi1>, vector<1024x128xi32>
    %or3A_1294 = arith.constant 0 : i32
    %or3A_1295 = arith.constant -1073741824 : i32
    %or3A_1296 = arith.ori %or3A_1294, %or3A_1295 : i32
    %or3A_1297 = arith.constant 0 : i32
    %or3A_1298 = arith.constant -2147483648 : i32
    %or3A_1299 = arith.ori %or3A_1297, %or3A_1298 : i32
    %or3A_1300 = arith.constant 0 : i32
    %or3A_1301 = arith.constant 1073741824 : i32
    %or3A_1302 = arith.ori %or3A_1300, %or3A_1301 : i32
    %ge3A_1303 = vector.broadcast %or3A_1296 : i32 to vector<512x128xi32>
    %ge3A_1304 = arith.cmpi uge, %select_n3A_1280, %ge3A_1303 : vector<512x128xi32>
    %convert_element_type3A_1305 = arith.extui %ge3A_1304 : vector<512x128xi1> to vector<512x128xi32>
    %reduce_sum3A_1306 = vector.shape_cast %convert_element_type3A_1305 : vector<512x128xi32> to vector<1x512x128xi32>
    %reduce_sum3A_1307 = arith.constant dense<0> : vector<1xi32>
    %reduce_sum3A_1308 = vector.multi_reduction <add>, %reduce_sum3A_1306, %reduce_sum3A_1307 [1, 2] : vector<1x512x128xi32> to vector<1xi32>
    %reduce_sum3A_1309 = vector.shape_cast %reduce_sum3A_1308 : vector<1xi32> to vector<1x1x1xi32>
    %reduce_sum3A_1310 = vector.extract %reduce_sum3A_1309[0, 0, 0] : i32 from vector<1x1x1xi32>
    %ge3A_1311 = vector.broadcast %or3A_1296 : i32 to vector<1024x128xi32>
    %ge3A_1312 = arith.cmpi uge, %select_n3A_1293, %ge3A_1311 : vector<1024x128xi32>
    %convert_element_type3A_1313 = arith.extui %ge3A_1312 : vector<1024x128xi1> to vector<1024x128xi32>
    %reduce_sum3A_1314 = vector.shape_cast %convert_element_type3A_1313 : vector<1024x128xi32> to vector<1x1024x128xi32>
    %reduce_sum3A_1315 = arith.constant dense<0> : vector<1xi32>
    %reduce_sum3A_1316 = vector.multi_reduction <add>, %reduce_sum3A_1314, %reduce_sum3A_1315 [1, 2] : vector<1x1024x128xi32> to vector<1xi32>
    %reduce_sum3A_1317 = vector.shape_cast %reduce_sum3A_1316 : vector<1xi32> to vector<1x1x1xi32>
    %reduce_sum3A_1318 = vector.extract %reduce_sum3A_1317[0, 0, 0] : i32 from vector<1x1x1xi32>
    %add3A_1319 = arith.addi %reduce_sum3A_1310, %reduce_sum3A_1318 : i32
    %ge3A_1320 = vector.broadcast %or3A_1299 : i32 to vector<512x128xi32>
    %ge3A_1321 = arith.cmpi uge, %select_n3A_1280, %ge3A_1320 : vector<512x128xi32>
    %convert_element_type3A_1322 = arith.extui %ge3A_1321 : vector<512x128xi1> to vector<512x128xi32>
    %reduce_sum3A_1323 = vector.shape_cast %convert_element_type3A_1322 : vector<512x128xi32> to vector<1x512x128xi32>
    %reduce_sum3A_1324 = arith.constant dense<0> : vector<1xi32>
    %reduce_sum3A_1325 = vector.multi_reduction <add>, %reduce_sum3A_1323, %reduce_sum3A_1324 [1, 2] : vector<1x512x128xi32> to vector<1xi32>
    %reduce_sum3A_1326 = vector.shape_cast %reduce_sum3A_1325 : vector<1xi32> to vector<1x1x1xi32>
    %reduce_sum3A_1327 = vector.extract %reduce_sum3A_1326[0, 0, 0] : i32 from vector<1x1x1xi32>
    %ge3A_1328 = vector.broadcast %or3A_1299 : i32 to vector<1024x128xi32>
    %ge3A_1329 = arith.cmpi uge, %select_n3A_1293, %ge3A_1328 : vector<1024x128xi32>
    %convert_element_type3A_1330 = arith.extui %ge3A_1329 : vector<1024x128xi1> to vector<1024x128xi32>
    %reduce_sum3A_1331 = vector.shape_cast %convert_element_type3A_1330 : vector<1024x128xi32> to vector<1x1024x128xi32>
    %reduce_sum3A_1332 = arith.constant dense<0> : vector<1xi32>
    %reduce_sum3A_1333 = vector.multi_reduction <add>, %reduce_sum3A_1331, %reduce_sum3A_1332 [1, 2] : vector<1x1024x128xi32> to vector<1xi32>
    %reduce_sum3A_1334 = vector.shape_cast %reduce_sum3A_1333 : vector<1xi32> to vector<1x1x1xi32>
    %reduce_sum3A_1335 = vector.extract %reduce_sum3A_1334[0, 0, 0] : i32 from vector<1x1x1xi32>
    %add3A_1336 = arith.addi %reduce_sum3A_1327, %reduce_sum3A_1335 : i32
    %ge3A_1337 = vector.broadcast %or3A_1302 : i32 to vector<512x128xi32>
    %ge3A_1338 = arith.cmpi uge, %select_n3A_1280, %ge3A_1337 : vector<512x128xi32>
    %convert_element_type3A_1339 = arith.extui %ge3A_1338 : vector<512x128xi1> to vector<512x128xi32>
    %reduce_sum3A_1340 = vector.shape_cast %convert_element_type3A_1339 : vector<512x128xi32> to vector<1x512x128xi32>
    %reduce_sum3A_1341 = arith.constant dense<0> : vector<1xi32>
    %reduce_sum3A_1342 = vector.multi_reduction <add>, %reduce_sum3A_1340, %reduce_sum3A_1341 [1, 2] : vector<1x512x128xi32> to vector<1xi32>
    %reduce_sum3A_1343 = vector.shape_cast %reduce_sum3A_1342 : vector<1xi32> to vector<1x1x1xi32>
    %reduce_sum3A_1344 = vector.extract %reduce_sum3A_1343[0, 0, 0] : i32 from vector<1x1x1xi32>
    %ge3A_1345 = vector.broadcast %or3A_1302 : i32 to vector<1024x128xi32>
    %ge3A_1346 = arith.cmpi uge, %select_n3A_1293, %ge3A_1345 : vector<1024x128xi32>
    %convert_element_type3A_1347 = arith.extui %ge3A_1346 : vector<1024x128xi1> to vector<1024x128xi32>
    %reduce_sum3A_1348 = vector.shape_cast %convert_element_type3A_1347 : vector<1024x128xi32> to vector<1x1024x128xi32>
    %reduce_sum3A_1349 = arith.constant dense<0> : vector<1xi32>
    %reduce_sum3A_1350 = vector.multi_reduction <add>, %reduce_sum3A_1348, %reduce_sum3A_1349 [1, 2] : vector<1x1024x128xi32> to vector<1xi32>
    %reduce_sum3A_1351 = vector.shape_cast %reduce_sum3A_1350 : vector<1xi32> to vector<1x1x1xi32>
    %reduce_sum3A_1352 = vector.extract %reduce_sum3A_1351[0, 0, 0] : i32 from vector<1x1x1xi32>
    %add3A_1353 = arith.addi %reduce_sum3A_1344, %reduce_sum3A_1352 : i32
    %ge3A_1354 = arith.constant 64 : i32
    %ge3A_1355 = arith.cmpi sge, %add3A_1319, %ge3A_1354 : i32
    %ge3A_1356 = arith.constant 64 : i32
    %ge3A_1357 = arith.cmpi sge, %add3A_1336, %ge3A_1356 : i32
    %ge3A_1358 = arith.constant 64 : i32
    %ge3A_1359 = arith.cmpi sge, %add3A_1353, %ge3A_1358 : i32
    %jit3A_1360 = arith.constant 0 : i32
    %select_n3A_1361 = arith.select %ge3A_1359, %or3A_1302, %jit3A_1360 : i32
    %select_n3A_1362 = arith.select %ge3A_1357, %or3A_1299, %select_n3A_1361 : i32
    %select_n3A_1363 = arith.select %ge3A_1355, %or3A_1296, %select_n3A_1362 : i32
    %or3A_1364 = arith.constant 805306368 : i32
    %or3A_1365 = arith.ori %select_n3A_1363, %or3A_1364 : i32
    %or3A_1366 = arith.constant 536870912 : i32
    %or3A_1367 = arith.ori %select_n3A_1363, %or3A_1366 : i32
    %or3A_1368 = arith.constant 268435456 : i32
    %or3A_1369 = arith.ori %select_n3A_1363, %or3A_1368 : i32
    %ge3A_1370 = vector.broadcast %or3A_1365 : i32 to vector<512x128xi32>
    %ge3A_1371 = arith.cmpi uge, %select_n3A_1280, %ge3A_1370 : vector<512x128xi32>
    %convert_element_type3A_1372 = arith.extui %ge3A_1371 : vector<512x128xi1> to vector<512x128xi32>
    %reduce_sum3A_1373 = vector.shape_cast %convert_element_type3A_1372 : vector<512x128xi32> to vector<1x512x128xi32>
    %reduce_sum3A_1374 = arith.constant dense<0> : vector<1xi32>
    %reduce_sum3A_1375 = vector.multi_reduction <add>, %reduce_sum3A_1373, %reduce_sum3A_1374 [1, 2] : vector<1x512x128xi32> to vector<1xi32>
    %reduce_sum3A_1376 = vector.shape_cast %reduce_sum3A_1375 : vector<1xi32> to vector<1x1x1xi32>
    %reduce_sum3A_1377 = vector.extract %reduce_sum3A_1376[0, 0, 0] : i32 from vector<1x1x1xi32>
    %ge3A_1378 = vector.broadcast %or3A_1365 : i32 to vector<1024x128xi32>
    %ge3A_1379 = arith.cmpi uge, %select_n3A_1293, %ge3A_1378 : vector<1024x128xi32>
    %convert_element_type3A_1380 = arith.extui %ge3A_1379 : vector<1024x128xi1> to vector<1024x128xi32>
    %reduce_sum3A_1381 = vector.shape_cast %convert_element_type3A_1380 : vector<1024x128xi32> to vector<1x1024x128xi32>
    %reduce_sum3A_1382 = arith.constant dense<0> : vector<1xi32>
    %reduce_sum3A_1383 = vector.multi_reduction <add>, %reduce_sum3A_1381, %reduce_sum3A_1382 [1, 2] : vector<1x1024x128xi32> to vector<1xi32>
    %reduce_sum3A_1384 = vector.shape_cast %reduce_sum3A_1383 : vector<1xi32> to vector<1x1x1xi32>
    %reduce_sum3A_1385 = vector.extract %reduce_sum3A_1384[0, 0, 0] : i32 from vector<1x1x1xi32>
    %add3A_1386 = arith.addi %reduce_sum3A_1377, %reduce_sum3A_1385 : i32
    %ge3A_1387 = vector.broadcast %or3A_1367 : i32 to vector<512x128xi32>
    %ge3A_1388 = arith.cmpi uge, %select_n3A_1280, %ge3A_1387 : vector<512x128xi32>
    %convert_element_type3A_1389 = arith.extui %ge3A_1388 : vector<512x128xi1> to vector<512x128xi32>
    %reduce_sum3A_1390 = vector.shape_cast %convert_element_type3A_1389 : vector<512x128xi32> to vector<1x512x128xi32>
    %reduce_sum3A_1391 = arith.constant dense<0> : vector<1xi32>
    %reduce_sum3A_1392 = vector.multi_reduction <add>, %reduce_sum3A_1390, %reduce_sum3A_1391 [1, 2] : vector<1x512x128xi32> to vector<1xi32>
    %reduce_sum3A_1393 = vector.shape_cast %reduce_sum3A_1392 : vector<1xi32> to vector<1x1x1xi32>
    %reduce_sum3A_1394 = vector.extract %reduce_sum3A_1393[0, 0, 0] : i32 from vector<1x1x1xi32>
    %ge3A_1395 = vector.broadcast %or3A_1367 : i32 to vector<1024x128xi32>
    %ge3A_1396 = arith.cmpi uge, %select_n3A_1293, %ge3A_1395 : vector<1024x128xi32>
    %convert_element_type3A_1397 = arith.extui %ge3A_1396 : vector<1024x128xi1> to vector<1024x128xi32>
    %reduce_sum3A_1398 = vector.shape_cast %convert_element_type3A_1397 : vector<1024x128xi32> to vector<1x1024x128xi32>
    %reduce_sum3A_1399 = arith.constant dense<0> : vector<1xi32>
    %reduce_sum3A_1400 = vector.multi_reduction <add>, %reduce_sum3A_1398, %reduce_sum3A_1399 [1, 2] : vector<1x1024x128xi32> to vector<1xi32>
    %reduce_sum3A_1401 = vector.shape_cast %reduce_sum3A_1400 : vector<1xi32> to vector<1x1x1xi32>
    %reduce_sum3A_1402 = vector.extract %reduce_sum3A_1401[0, 0, 0] : i32 from vector<1x1x1xi32>
    %add3A_1403 = arith.addi %reduce_sum3A_1394, %reduce_sum3A_1402 : i32
    %ge3A_1404 = vector.broadcast %or3A_1369 : i32 to vector<512x128xi32>
    %ge3A_1405 = arith.cmpi uge, %select_n3A_1280, %ge3A_1404 : vector<512x128xi32>
    %convert_element_type3A_1406 = arith.extui %ge3A_1405 : vector<512x128xi1> to vector<512x128xi32>
    %reduce_sum3A_1407 = vector.shape_cast %convert_element_type3A_1406 : vector<512x128xi32> to vector<1x512x128xi32>
    %reduce_sum3A_1408 = arith.constant dense<0> : vector<1xi32>
    %reduce_sum3A_1409 = vector.multi_reduction <add>, %reduce_sum3A_1407, %reduce_sum3A_1408 [1, 2] : vector<1x512x128xi32> to vector<1xi32>
    %reduce_sum3A_1410 = vector.shape_cast %reduce_sum3A_1409 : vector<1xi32> to vector<1x1x1xi32>
    %reduce_sum3A_1411 = vector.extract %reduce_sum3A_1410[0, 0, 0] : i32 from vector<1x1x1xi32>
    %ge3A_1412 = vector.broadcast %or3A_1369 : i32 to vector<1024x128xi32>
    %ge3A_1413 = arith.cmpi uge, %select_n3A_1293, %ge3A_1412 : vector<1024x128xi32>
    %convert_element_type3A_1414 = arith.extui %ge3A_1413 : vector<1024x128xi1> to vector<1024x128xi32>
    %reduce_sum3A_1415 = vector.shape_cast %convert_element_type3A_1414 : vector<1024x128xi32> to vector<1x1024x128xi32>
    %reduce_sum3A_1416 = arith.constant dense<0> : vector<1xi32>
    %reduce_sum3A_1417 = vector.multi_reduction <add>, %reduce_sum3A_1415, %reduce_sum3A_1416 [1, 2] : vector<1x1024x128xi32> to vector<1xi32>
    %reduce_sum3A_1418 = vector.shape_cast %reduce_sum3A_1417 : vector<1xi32> to vector<1x1x1xi32>
    %reduce_sum3A_1419 = vector.extract %reduce_sum3A_1418[0, 0, 0] : i32 from vector<1x1x1xi32>
    %add3A_1420 = arith.addi %reduce_sum3A_1411, %reduce_sum3A_1419 : i32
    %ge3A_1421 = arith.constant 64 : i32
    %ge3A_1422 = arith.cmpi sge, %add3A_1386, %ge3A_1421 : i32
    %ge3A_1423 = arith.constant 64 : i32
    %ge3A_1424 = arith.cmpi sge, %add3A_1403, %ge3A_1423 : i32
    %ge3A_1425 = arith.constant 64 : i32
    %ge3A_1426 = arith.cmpi sge, %add3A_1420, %ge3A_1425 : i32
    %select_n3A_1427 = arith.select %ge3A_1426, %or3A_1369, %select_n3A_1363 : i32
    %select_n3A_1428 = arith.select %ge3A_1424, %or3A_1367, %select_n3A_1427 : i32
    %select_n3A_1429 = arith.select %ge3A_1422, %or3A_1365, %select_n3A_1428 : i32
    %or3A_1430 = arith.constant 201326592 : i32
    %or3A_1431 = arith.ori %select_n3A_1429, %or3A_1430 : i32
    %or3A_1432 = arith.constant 134217728 : i32
    %or3A_1433 = arith.ori %select_n3A_1429, %or3A_1432 : i32
    %or3A_1434 = arith.constant 67108864 : i32
    %or3A_1435 = arith.ori %select_n3A_1429, %or3A_1434 : i32
    %ge3A_1436 = vector.broadcast %or3A_1431 : i32 to vector<512x128xi32>
    %ge3A_1437 = arith.cmpi uge, %select_n3A_1280, %ge3A_1436 : vector<512x128xi32>
    %convert_element_type3A_1438 = arith.extui %ge3A_1437 : vector<512x128xi1> to vector<512x128xi32>
    %reduce_sum3A_1439 = vector.shape_cast %convert_element_type3A_1438 : vector<512x128xi32> to vector<1x512x128xi32>
    %reduce_sum3A_1440 = arith.constant dense<0> : vector<1xi32>
    %reduce_sum3A_1441 = vector.multi_reduction <add>, %reduce_sum3A_1439, %reduce_sum3A_1440 [1, 2] : vector<1x512x128xi32> to vector<1xi32>
    %reduce_sum3A_1442 = vector.shape_cast %reduce_sum3A_1441 : vector<1xi32> to vector<1x1x1xi32>
    %reduce_sum3A_1443 = vector.extract %reduce_sum3A_1442[0, 0, 0] : i32 from vector<1x1x1xi32>
    %ge3A_1444 = vector.broadcast %or3A_1431 : i32 to vector<1024x128xi32>
    %ge3A_1445 = arith.cmpi uge, %select_n3A_1293, %ge3A_1444 : vector<1024x128xi32>
    %convert_element_type3A_1446 = arith.extui %ge3A_1445 : vector<1024x128xi1> to vector<1024x128xi32>
    %reduce_sum3A_1447 = vector.shape_cast %convert_element_type3A_1446 : vector<1024x128xi32> to vector<1x1024x128xi32>
    %reduce_sum3A_1448 = arith.constant dense<0> : vector<1xi32>
    %reduce_sum3A_1449 = vector.multi_reduction <add>, %reduce_sum3A_1447, %reduce_sum3A_1448 [1, 2] : vector<1x1024x128xi32> to vector<1xi32>
    %reduce_sum3A_1450 = vector.shape_cast %reduce_sum3A_1449 : vector<1xi32> to vector<1x1x1xi32>
    %reduce_sum3A_1451 = vector.extract %reduce_sum3A_1450[0, 0, 0] : i32 from vector<1x1x1xi32>
    %add3A_1452 = arith.addi %reduce_sum3A_1443, %reduce_sum3A_1451 : i32
    %ge3A_1453 = vector.broadcast %or3A_1433 : i32 to vector<512x128xi32>
    %ge3A_1454 = arith.cmpi uge, %select_n3A_1280, %ge3A_1453 : vector<512x128xi32>
    %convert_element_type3A_1455 = arith.extui %ge3A_1454 : vector<512x128xi1> to vector<512x128xi32>
    %reduce_sum3A_1456 = vector.shape_cast %convert_element_type3A_1455 : vector<512x128xi32> to vector<1x512x128xi32>
    %reduce_sum3A_1457 = arith.constant dense<0> : vector<1xi32>
    %reduce_sum3A_1458 = vector.multi_reduction <add>, %reduce_sum3A_1456, %reduce_sum3A_1457 [1, 2] : vector<1x512x128xi32> to vector<1xi32>
    %reduce_sum3A_1459 = vector.shape_cast %reduce_sum3A_1458 : vector<1xi32> to vector<1x1x1xi32>
    %reduce_sum3A_1460 = vector.extract %reduce_sum3A_1459[0, 0, 0] : i32 from vector<1x1x1xi32>
    %ge3A_1461 = vector.broadcast %or3A_1433 : i32 to vector<1024x128xi32>
    %ge3A_1462 = arith.cmpi uge, %select_n3A_1293, %ge3A_1461 : vector<1024x128xi32>
    %convert_element_type3A_1463 = arith.extui %ge3A_1462 : vector<1024x128xi1> to vector<1024x128xi32>
    %reduce_sum3A_1464 = vector.shape_cast %convert_element_type3A_1463 : vector<1024x128xi32> to vector<1x1024x128xi32>
    %reduce_sum3A_1465 = arith.constant dense<0> : vector<1xi32>
    %reduce_sum3A_1466 = vector.multi_reduction <add>, %reduce_sum3A_1464, %reduce_sum3A_1465 [1, 2] : vector<1x1024x128xi32> to vector<1xi32>
    %reduce_sum3A_1467 = vector.shape_cast %reduce_sum3A_1466 : vector<1xi32> to vector<1x1x1xi32>
    %reduce_sum3A_1468 = vector.extract %reduce_sum3A_1467[0, 0, 0] : i32 from vector<1x1x1xi32>
    %add3A_1469 = arith.addi %reduce_sum3A_1460, %reduce_sum3A_1468 : i32
    %ge3A_1470 = vector.broadcast %or3A_1435 : i32 to vector<512x128xi32>
    %ge3A_1471 = arith.cmpi uge, %select_n3A_1280, %ge3A_1470 : vector<512x128xi32>
    %convert_element_type3A_1472 = arith.extui %ge3A_1471 : vector<512x128xi1> to vector<512x128xi32>
    %reduce_sum3A_1473 = vector.shape_cast %convert_element_type3A_1472 : vector<512x128xi32> to vector<1x512x128xi32>
    %reduce_sum3A_1474 = arith.constant dense<0> : vector<1xi32>
    %reduce_sum3A_1475 = vector.multi_reduction <add>, %reduce_sum3A_1473, %reduce_sum3A_1474 [1, 2] : vector<1x512x128xi32> to vector<1xi32>
    %reduce_sum3A_1476 = vector.shape_cast %reduce_sum3A_1475 : vector<1xi32> to vector<1x1x1xi32>
    %reduce_sum3A_1477 = vector.extract %reduce_sum3A_1476[0, 0, 0] : i32 from vector<1x1x1xi32>
    %ge3A_1478 = vector.broadcast %or3A_1435 : i32 to vector<1024x128xi32>
    %ge3A_1479 = arith.cmpi uge, %select_n3A_1293, %ge3A_1478 : vector<1024x128xi32>
    %convert_element_type3A_1480 = arith.extui %ge3A_1479 : vector<1024x128xi1> to vector<1024x128xi32>
    %reduce_sum3A_1481 = vector.shape_cast %convert_element_type3A_1480 : vector<1024x128xi32> to vector<1x1024x128xi32>
    %reduce_sum3A_1482 = arith.constant dense<0> : vector<1xi32>
    %reduce_sum3A_1483 = vector.multi_reduction <add>, %reduce_sum3A_1481, %reduce_sum3A_1482 [1, 2] : vector<1x1024x128xi32> to vector<1xi32>
    %reduce_sum3A_1484 = vector.shape_cast %reduce_sum3A_1483 : vector<1xi32> to vector<1x1x1xi32>
    %reduce_sum3A_1485 = vector.extract %reduce_sum3A_1484[0, 0, 0] : i32 from vector<1x1x1xi32>
    %add3A_1486 = arith.addi %reduce_sum3A_1477, %reduce_sum3A_1485 : i32
    %ge3A_1487 = arith.constant 64 : i32
    %ge3A_1488 = arith.cmpi sge, %add3A_1452, %ge3A_1487 : i32
    %ge3A_1489 = arith.constant 64 : i32
    %ge3A_1490 = arith.cmpi sge, %add3A_1469, %ge3A_1489 : i32
    %ge3A_1491 = arith.constant 64 : i32
    %ge3A_1492 = arith.cmpi sge, %add3A_1486, %ge3A_1491 : i32
    %select_n3A_1493 = arith.select %ge3A_1492, %or3A_1435, %select_n3A_1429 : i32
    %select_n3A_1494 = arith.select %ge3A_1490, %or3A_1433, %select_n3A_1493 : i32
    %select_n3A_1495 = arith.select %ge3A_1488, %or3A_1431, %select_n3A_1494 : i32
    %or3A_1496 = arith.constant 50331648 : i32
    %or3A_1497 = arith.ori %select_n3A_1495, %or3A_1496 : i32
    %or3A_1498 = arith.constant 33554432 : i32
    %or3A_1499 = arith.ori %select_n3A_1495, %or3A_1498 : i32
    %or3A_1500 = arith.constant 16777216 : i32
    %or3A_1501 = arith.ori %select_n3A_1495, %or3A_1500 : i32
    %ge3A_1502 = vector.broadcast %or3A_1497 : i32 to vector<512x128xi32>
    %ge3A_1503 = arith.cmpi uge, %select_n3A_1280, %ge3A_1502 : vector<512x128xi32>
    %convert_element_type3A_1504 = arith.extui %ge3A_1503 : vector<512x128xi1> to vector<512x128xi32>
    %reduce_sum3A_1505 = vector.shape_cast %convert_element_type3A_1504 : vector<512x128xi32> to vector<1x512x128xi32>
    %reduce_sum3A_1506 = arith.constant dense<0> : vector<1xi32>
    %reduce_sum3A_1507 = vector.multi_reduction <add>, %reduce_sum3A_1505, %reduce_sum3A_1506 [1, 2] : vector<1x512x128xi32> to vector<1xi32>
    %reduce_sum3A_1508 = vector.shape_cast %reduce_sum3A_1507 : vector<1xi32> to vector<1x1x1xi32>
    %reduce_sum3A_1509 = vector.extract %reduce_sum3A_1508[0, 0, 0] : i32 from vector<1x1x1xi32>
    %ge3A_1510 = vector.broadcast %or3A_1497 : i32 to vector<1024x128xi32>
    %ge3A_1511 = arith.cmpi uge, %select_n3A_1293, %ge3A_1510 : vector<1024x128xi32>
    %convert_element_type3A_1512 = arith.extui %ge3A_1511 : vector<1024x128xi1> to vector<1024x128xi32>
    %reduce_sum3A_1513 = vector.shape_cast %convert_element_type3A_1512 : vector<1024x128xi32> to vector<1x1024x128xi32>
    %reduce_sum3A_1514 = arith.constant dense<0> : vector<1xi32>
    %reduce_sum3A_1515 = vector.multi_reduction <add>, %reduce_sum3A_1513, %reduce_sum3A_1514 [1, 2] : vector<1x1024x128xi32> to vector<1xi32>
    %reduce_sum3A_1516 = vector.shape_cast %reduce_sum3A_1515 : vector<1xi32> to vector<1x1x1xi32>
    %reduce_sum3A_1517 = vector.extract %reduce_sum3A_1516[0, 0, 0] : i32 from vector<1x1x1xi32>
    %add3A_1518 = arith.addi %reduce_sum3A_1509, %reduce_sum3A_1517 : i32
    %ge3A_1519 = vector.broadcast %or3A_1499 : i32 to vector<512x128xi32>
    %ge3A_1520 = arith.cmpi uge, %select_n3A_1280, %ge3A_1519 : vector<512x128xi32>
    %convert_element_type3A_1521 = arith.extui %ge3A_1520 : vector<512x128xi1> to vector<512x128xi32>
    %reduce_sum3A_1522 = vector.shape_cast %convert_element_type3A_1521 : vector<512x128xi32> to vector<1x512x128xi32>
    %reduce_sum3A_1523 = arith.constant dense<0> : vector<1xi32>
    %reduce_sum3A_1524 = vector.multi_reduction <add>, %reduce_sum3A_1522, %reduce_sum3A_1523 [1, 2] : vector<1x512x128xi32> to vector<1xi32>
    %reduce_sum3A_1525 = vector.shape_cast %reduce_sum3A_1524 : vector<1xi32> to vector<1x1x1xi32>
    %reduce_sum3A_1526 = vector.extract %reduce_sum3A_1525[0, 0, 0] : i32 from vector<1x1x1xi32>
    %ge3A_1527 = vector.broadcast %or3A_1499 : i32 to vector<1024x128xi32>
    %ge3A_1528 = arith.cmpi uge, %select_n3A_1293, %ge3A_1527 : vector<1024x128xi32>
    %convert_element_type3A_1529 = arith.extui %ge3A_1528 : vector<1024x128xi1> to vector<1024x128xi32>
    %reduce_sum3A_1530 = vector.shape_cast %convert_element_type3A_1529 : vector<1024x128xi32> to vector<1x1024x128xi32>
    %reduce_sum3A_1531 = arith.constant dense<0> : vector<1xi32>
    %reduce_sum3A_1532 = vector.multi_reduction <add>, %reduce_sum3A_1530, %reduce_sum3A_1531 [1, 2] : vector<1x1024x128xi32> to vector<1xi32>
    %reduce_sum3A_1533 = vector.shape_cast %reduce_sum3A_1532 : vector<1xi32> to vector<1x1x1xi32>
    %reduce_sum3A_1534 = vector.extract %reduce_sum3A_1533[0, 0, 0] : i32 from vector<1x1x1xi32>
    %add3A_1535 = arith.addi %reduce_sum3A_1526, %reduce_sum3A_1534 : i32
    %ge3A_1536 = vector.broadcast %or3A_1501 : i32 to vector<512x128xi32>
    %ge3A_1537 = arith.cmpi uge, %select_n3A_1280, %ge3A_1536 : vector<512x128xi32>
    %convert_element_type3A_1538 = arith.extui %ge3A_1537 : vector<512x128xi1> to vector<512x128xi32>
    %reduce_sum3A_1539 = vector.shape_cast %convert_element_type3A_1538 : vector<512x128xi32> to vector<1x512x128xi32>
    %reduce_sum3A_1540 = arith.constant dense<0> : vector<1xi32>
    %reduce_sum3A_1541 = vector.multi_reduction <add>, %reduce_sum3A_1539, %reduce_sum3A_1540 [1, 2] : vector<1x512x128xi32> to vector<1xi32>
    %reduce_sum3A_1542 = vector.shape_cast %reduce_sum3A_1541 : vector<1xi32> to vector<1x1x1xi32>
    %reduce_sum3A_1543 = vector.extract %reduce_sum3A_1542[0, 0, 0] : i32 from vector<1x1x1xi32>
    %ge3A_1544 = vector.broadcast %or3A_1501 : i32 to vector<1024x128xi32>
    %ge3A_1545 = arith.cmpi uge, %select_n3A_1293, %ge3A_1544 : vector<1024x128xi32>
    %convert_element_type3A_1546 = arith.extui %ge3A_1545 : vector<1024x128xi1> to vector<1024x128xi32>
    %reduce_sum3A_1547 = vector.shape_cast %convert_element_type3A_1546 : vector<1024x128xi32> to vector<1x1024x128xi32>
    %reduce_sum3A_1548 = arith.constant dense<0> : vector<1xi32>
    %reduce_sum3A_1549 = vector.multi_reduction <add>, %reduce_sum3A_1547, %reduce_sum3A_1548 [1, 2] : vector<1x1024x128xi32> to vector<1xi32>
    %reduce_sum3A_1550 = vector.shape_cast %reduce_sum3A_1549 : vector<1xi32> to vector<1x1x1xi32>
    %reduce_sum3A_1551 = vector.extract %reduce_sum3A_1550[0, 0, 0] : i32 from vector<1x1x1xi32>
    %add3A_1552 = arith.addi %reduce_sum3A_1543, %reduce_sum3A_1551 : i32
    %ge3A_1553 = arith.constant 64 : i32
    %ge3A_1554 = arith.cmpi sge, %add3A_1518, %ge3A_1553 : i32
    %ge3A_1555 = arith.constant 64 : i32
    %ge3A_1556 = arith.cmpi sge, %add3A_1535, %ge3A_1555 : i32
    %ge3A_1557 = arith.constant 64 : i32
    %ge3A_1558 = arith.cmpi sge, %add3A_1552, %ge3A_1557 : i32
    %select_n3A_1559 = arith.select %ge3A_1558, %or3A_1501, %select_n3A_1495 : i32
    %select_n3A_1560 = arith.select %ge3A_1556, %or3A_1499, %select_n3A_1559 : i32
    %select_n3A_1561 = arith.select %ge3A_1554, %or3A_1497, %select_n3A_1560 : i32
    %or3A_1562 = arith.constant 12582912 : i32
    %or3A_1563 = arith.ori %select_n3A_1561, %or3A_1562 : i32
    %or3A_1564 = arith.constant 8388608 : i32
    %or3A_1565 = arith.ori %select_n3A_1561, %or3A_1564 : i32
    %or3A_1566 = arith.constant 4194304 : i32
    %or3A_1567 = arith.ori %select_n3A_1561, %or3A_1566 : i32
    %ge3A_1568 = vector.broadcast %or3A_1563 : i32 to vector<512x128xi32>
    %ge3A_1569 = arith.cmpi uge, %select_n3A_1280, %ge3A_1568 : vector<512x128xi32>
    %convert_element_type3A_1570 = arith.extui %ge3A_1569 : vector<512x128xi1> to vector<512x128xi32>
    %reduce_sum3A_1571 = vector.shape_cast %convert_element_type3A_1570 : vector<512x128xi32> to vector<1x512x128xi32>
    %reduce_sum3A_1572 = arith.constant dense<0> : vector<1xi32>
    %reduce_sum3A_1573 = vector.multi_reduction <add>, %reduce_sum3A_1571, %reduce_sum3A_1572 [1, 2] : vector<1x512x128xi32> to vector<1xi32>
    %reduce_sum3A_1574 = vector.shape_cast %reduce_sum3A_1573 : vector<1xi32> to vector<1x1x1xi32>
    %reduce_sum3A_1575 = vector.extract %reduce_sum3A_1574[0, 0, 0] : i32 from vector<1x1x1xi32>
    %ge3A_1576 = vector.broadcast %or3A_1563 : i32 to vector<1024x128xi32>
    %ge3A_1577 = arith.cmpi uge, %select_n3A_1293, %ge3A_1576 : vector<1024x128xi32>
    %convert_element_type3A_1578 = arith.extui %ge3A_1577 : vector<1024x128xi1> to vector<1024x128xi32>
    %reduce_sum3A_1579 = vector.shape_cast %convert_element_type3A_1578 : vector<1024x128xi32> to vector<1x1024x128xi32>
    %reduce_sum3A_1580 = arith.constant dense<0> : vector<1xi32>
    %reduce_sum3A_1581 = vector.multi_reduction <add>, %reduce_sum3A_1579, %reduce_sum3A_1580 [1, 2] : vector<1x1024x128xi32> to vector<1xi32>
    %reduce_sum3A_1582 = vector.shape_cast %reduce_sum3A_1581 : vector<1xi32> to vector<1x1x1xi32>
    %reduce_sum3A_1583 = vector.extract %reduce_sum3A_1582[0, 0, 0] : i32 from vector<1x1x1xi32>
    %add3A_1584 = arith.addi %reduce_sum3A_1575, %reduce_sum3A_1583 : i32
    %ge3A_1585 = vector.broadcast %or3A_1565 : i32 to vector<512x128xi32>
    %ge3A_1586 = arith.cmpi uge, %select_n3A_1280, %ge3A_1585 : vector<512x128xi32>
    %convert_element_type3A_1587 = arith.extui %ge3A_1586 : vector<512x128xi1> to vector<512x128xi32>
    %reduce_sum3A_1588 = vector.shape_cast %convert_element_type3A_1587 : vector<512x128xi32> to vector<1x512x128xi32>
    %reduce_sum3A_1589 = arith.constant dense<0> : vector<1xi32>
    %reduce_sum3A_1590 = vector.multi_reduction <add>, %reduce_sum3A_1588, %reduce_sum3A_1589 [1, 2] : vector<1x512x128xi32> to vector<1xi32>
    %reduce_sum3A_1591 = vector.shape_cast %reduce_sum3A_1590 : vector<1xi32> to vector<1x1x1xi32>
    %reduce_sum3A_1592 = vector.extract %reduce_sum3A_1591[0, 0, 0] : i32 from vector<1x1x1xi32>
    %ge3A_1593 = vector.broadcast %or3A_1565 : i32 to vector<1024x128xi32>
    %ge3A_1594 = arith.cmpi uge, %select_n3A_1293, %ge3A_1593 : vector<1024x128xi32>
    %convert_element_type3A_1595 = arith.extui %ge3A_1594 : vector<1024x128xi1> to vector<1024x128xi32>
    %reduce_sum3A_1596 = vector.shape_cast %convert_element_type3A_1595 : vector<1024x128xi32> to vector<1x1024x128xi32>
    %reduce_sum3A_1597 = arith.constant dense<0> : vector<1xi32>
    %reduce_sum3A_1598 = vector.multi_reduction <add>, %reduce_sum3A_1596, %reduce_sum3A_1597 [1, 2] : vector<1x1024x128xi32> to vector<1xi32>
    %reduce_sum3A_1599 = vector.shape_cast %reduce_sum3A_1598 : vector<1xi32> to vector<1x1x1xi32>
    %reduce_sum3A_1600 = vector.extract %reduce_sum3A_1599[0, 0, 0] : i32 from vector<1x1x1xi32>
    %add3A_1601 = arith.addi %reduce_sum3A_1592, %reduce_sum3A_1600 : i32
    %ge3A_1602 = vector.broadcast %or3A_1567 : i32 to vector<512x128xi32>
    %ge3A_1603 = arith.cmpi uge, %select_n3A_1280, %ge3A_1602 : vector<512x128xi32>
    %convert_element_type3A_1604 = arith.extui %ge3A_1603 : vector<512x128xi1> to vector<512x128xi32>
    %reduce_sum3A_1605 = vector.shape_cast %convert_element_type3A_1604 : vector<512x128xi32> to vector<1x512x128xi32>
    %reduce_sum3A_1606 = arith.constant dense<0> : vector<1xi32>
    %reduce_sum3A_1607 = vector.multi_reduction <add>, %reduce_sum3A_1605, %reduce_sum3A_1606 [1, 2] : vector<1x512x128xi32> to vector<1xi32>
    %reduce_sum3A_1608 = vector.shape_cast %reduce_sum3A_1607 : vector<1xi32> to vector<1x1x1xi32>
    %reduce_sum3A_1609 = vector.extract %reduce_sum3A_1608[0, 0, 0] : i32 from vector<1x1x1xi32>
    %ge3A_1610 = vector.broadcast %or3A_1567 : i32 to vector<1024x128xi32>
    %ge3A_1611 = arith.cmpi uge, %select_n3A_1293, %ge3A_1610 : vector<1024x128xi32>
    %convert_element_type3A_1612 = arith.extui %ge3A_1611 : vector<1024x128xi1> to vector<1024x128xi32>
    %reduce_sum3A_1613 = vector.shape_cast %convert_element_type3A_1612 : vector<1024x128xi32> to vector<1x1024x128xi32>
    %reduce_sum3A_1614 = arith.constant dense<0> : vector<1xi32>
    %reduce_sum3A_1615 = vector.multi_reduction <add>, %reduce_sum3A_1613, %reduce_sum3A_1614 [1, 2] : vector<1x1024x128xi32> to vector<1xi32>
    %reduce_sum3A_1616 = vector.shape_cast %reduce_sum3A_1615 : vector<1xi32> to vector<1x1x1xi32>
    %reduce_sum3A_1617 = vector.extract %reduce_sum3A_1616[0, 0, 0] : i32 from vector<1x1x1xi32>
    %add3A_1618 = arith.addi %reduce_sum3A_1609, %reduce_sum3A_1617 : i32
    %ge3A_1619 = arith.constant 64 : i32
    %ge3A_1620 = arith.cmpi sge, %add3A_1584, %ge3A_1619 : i32
    %ge3A_1621 = arith.constant 64 : i32
    %ge3A_1622 = arith.cmpi sge, %add3A_1601, %ge3A_1621 : i32
    %ge3A_1623 = arith.constant 64 : i32
    %ge3A_1624 = arith.cmpi sge, %add3A_1618, %ge3A_1623 : i32
    %select_n3A_1625 = arith.select %ge3A_1624, %or3A_1567, %select_n3A_1561 : i32
    %select_n3A_1626 = arith.select %ge3A_1622, %or3A_1565, %select_n3A_1625 : i32
    %select_n3A_1627 = arith.select %ge3A_1620, %or3A_1563, %select_n3A_1626 : i32
    %or3A_1628 = arith.constant 3145728 : i32
    %or3A_1629 = arith.ori %select_n3A_1627, %or3A_1628 : i32
    %or3A_1630 = arith.constant 2097152 : i32
    %or3A_1631 = arith.ori %select_n3A_1627, %or3A_1630 : i32
    %or3A_1632 = arith.constant 1048576 : i32
    %or3A_1633 = arith.ori %select_n3A_1627, %or3A_1632 : i32
    %ge3A_1634 = vector.broadcast %or3A_1629 : i32 to vector<512x128xi32>
    %ge3A_1635 = arith.cmpi uge, %select_n3A_1280, %ge3A_1634 : vector<512x128xi32>
    %convert_element_type3A_1636 = arith.extui %ge3A_1635 : vector<512x128xi1> to vector<512x128xi32>
    %reduce_sum3A_1637 = vector.shape_cast %convert_element_type3A_1636 : vector<512x128xi32> to vector<1x512x128xi32>
    %reduce_sum3A_1638 = arith.constant dense<0> : vector<1xi32>
    %reduce_sum3A_1639 = vector.multi_reduction <add>, %reduce_sum3A_1637, %reduce_sum3A_1638 [1, 2] : vector<1x512x128xi32> to vector<1xi32>
    %reduce_sum3A_1640 = vector.shape_cast %reduce_sum3A_1639 : vector<1xi32> to vector<1x1x1xi32>
    %reduce_sum3A_1641 = vector.extract %reduce_sum3A_1640[0, 0, 0] : i32 from vector<1x1x1xi32>
    %ge3A_1642 = vector.broadcast %or3A_1629 : i32 to vector<1024x128xi32>
    %ge3A_1643 = arith.cmpi uge, %select_n3A_1293, %ge3A_1642 : vector<1024x128xi32>
    %convert_element_type3A_1644 = arith.extui %ge3A_1643 : vector<1024x128xi1> to vector<1024x128xi32>
    %reduce_sum3A_1645 = vector.shape_cast %convert_element_type3A_1644 : vector<1024x128xi32> to vector<1x1024x128xi32>
    %reduce_sum3A_1646 = arith.constant dense<0> : vector<1xi32>
    %reduce_sum3A_1647 = vector.multi_reduction <add>, %reduce_sum3A_1645, %reduce_sum3A_1646 [1, 2] : vector<1x1024x128xi32> to vector<1xi32>
    %reduce_sum3A_1648 = vector.shape_cast %reduce_sum3A_1647 : vector<1xi32> to vector<1x1x1xi32>
    %reduce_sum3A_1649 = vector.extract %reduce_sum3A_1648[0, 0, 0] : i32 from vector<1x1x1xi32>
    %add3A_1650 = arith.addi %reduce_sum3A_1641, %reduce_sum3A_1649 : i32
    %ge3A_1651 = vector.broadcast %or3A_1631 : i32 to vector<512x128xi32>
    %ge3A_1652 = arith.cmpi uge, %select_n3A_1280, %ge3A_1651 : vector<512x128xi32>
    %convert_element_type3A_1653 = arith.extui %ge3A_1652 : vector<512x128xi1> to vector<512x128xi32>
    %reduce_sum3A_1654 = vector.shape_cast %convert_element_type3A_1653 : vector<512x128xi32> to vector<1x512x128xi32>
    %reduce_sum3A_1655 = arith.constant dense<0> : vector<1xi32>
    %reduce_sum3A_1656 = vector.multi_reduction <add>, %reduce_sum3A_1654, %reduce_sum3A_1655 [1, 2] : vector<1x512x128xi32> to vector<1xi32>
    %reduce_sum3A_1657 = vector.shape_cast %reduce_sum3A_1656 : vector<1xi32> to vector<1x1x1xi32>
    %reduce_sum3A_1658 = vector.extract %reduce_sum3A_1657[0, 0, 0] : i32 from vector<1x1x1xi32>
    %ge3A_1659 = vector.broadcast %or3A_1631 : i32 to vector<1024x128xi32>
    %ge3A_1660 = arith.cmpi uge, %select_n3A_1293, %ge3A_1659 : vector<1024x128xi32>
    %convert_element_type3A_1661 = arith.extui %ge3A_1660 : vector<1024x128xi1> to vector<1024x128xi32>
    %reduce_sum3A_1662 = vector.shape_cast %convert_element_type3A_1661 : vector<1024x128xi32> to vector<1x1024x128xi32>
    %reduce_sum3A_1663 = arith.constant dense<0> : vector<1xi32>
    %reduce_sum3A_1664 = vector.multi_reduction <add>, %reduce_sum3A_1662, %reduce_sum3A_1663 [1, 2] : vector<1x1024x128xi32> to vector<1xi32>
    %reduce_sum3A_1665 = vector.shape_cast %reduce_sum3A_1664 : vector<1xi32> to vector<1x1x1xi32>
    %reduce_sum3A_1666 = vector.extract %reduce_sum3A_1665[0, 0, 0] : i32 from vector<1x1x1xi32>
    %add3A_1667 = arith.addi %reduce_sum3A_1658, %reduce_sum3A_1666 : i32
    %ge3A_1668 = vector.broadcast %or3A_1633 : i32 to vector<512x128xi32>
    %ge3A_1669 = arith.cmpi uge, %select_n3A_1280, %ge3A_1668 : vector<512x128xi32>
    %convert_element_type3A_1670 = arith.extui %ge3A_1669 : vector<512x128xi1> to vector<512x128xi32>
    %reduce_sum3A_1671 = vector.shape_cast %convert_element_type3A_1670 : vector<512x128xi32> to vector<1x512x128xi32>
    %reduce_sum3A_1672 = arith.constant dense<0> : vector<1xi32>
    %reduce_sum3A_1673 = vector.multi_reduction <add>, %reduce_sum3A_1671, %reduce_sum3A_1672 [1, 2] : vector<1x512x128xi32> to vector<1xi32>
    %reduce_sum3A_1674 = vector.shape_cast %reduce_sum3A_1673 : vector<1xi32> to vector<1x1x1xi32>
    %reduce_sum3A_1675 = vector.extract %reduce_sum3A_1674[0, 0, 0] : i32 from vector<1x1x1xi32>
    %ge3A_1676 = vector.broadcast %or3A_1633 : i32 to vector<1024x128xi32>
    %ge3A_1677 = arith.cmpi uge, %select_n3A_1293, %ge3A_1676 : vector<1024x128xi32>
    %convert_element_type3A_1678 = arith.extui %ge3A_1677 : vector<1024x128xi1> to vector<1024x128xi32>
    %reduce_sum3A_1679 = vector.shape_cast %convert_element_type3A_1678 : vector<1024x128xi32> to vector<1x1024x128xi32>
    %reduce_sum3A_1680 = arith.constant dense<0> : vector<1xi32>
    %reduce_sum3A_1681 = vector.multi_reduction <add>, %reduce_sum3A_1679, %reduce_sum3A_1680 [1, 2] : vector<1x1024x128xi32> to vector<1xi32>
    %reduce_sum3A_1682 = vector.shape_cast %reduce_sum3A_1681 : vector<1xi32> to vector<1x1x1xi32>
    %reduce_sum3A_1683 = vector.extract %reduce_sum3A_1682[0, 0, 0] : i32 from vector<1x1x1xi32>
    %add3A_1684 = arith.addi %reduce_sum3A_1675, %reduce_sum3A_1683 : i32
    %ge3A_1685 = arith.constant 64 : i32
    %ge3A_1686 = arith.cmpi sge, %add3A_1650, %ge3A_1685 : i32
    %ge3A_1687 = arith.constant 64 : i32
    %ge3A_1688 = arith.cmpi sge, %add3A_1667, %ge3A_1687 : i32
    %ge3A_1689 = arith.constant 64 : i32
    %ge3A_1690 = arith.cmpi sge, %add3A_1684, %ge3A_1689 : i32
    %select_n3A_1691 = arith.select %ge3A_1690, %or3A_1633, %select_n3A_1627 : i32
    %select_n3A_1692 = arith.select %ge3A_1688, %or3A_1631, %select_n3A_1691 : i32
    %select_n3A_1693 = arith.select %ge3A_1686, %or3A_1629, %select_n3A_1692 : i32
    %or3A_1694 = arith.constant 786432 : i32
    %or3A_1695 = arith.ori %select_n3A_1693, %or3A_1694 : i32
    %or3A_1696 = arith.constant 524288 : i32
    %or3A_1697 = arith.ori %select_n3A_1693, %or3A_1696 : i32
    %or3A_1698 = arith.constant 262144 : i32
    %or3A_1699 = arith.ori %select_n3A_1693, %or3A_1698 : i32
    %ge3A_1700 = vector.broadcast %or3A_1695 : i32 to vector<512x128xi32>
    %ge3A_1701 = arith.cmpi uge, %select_n3A_1280, %ge3A_1700 : vector<512x128xi32>
    %convert_element_type3A_1702 = arith.extui %ge3A_1701 : vector<512x128xi1> to vector<512x128xi32>
    %reduce_sum3A_1703 = vector.shape_cast %convert_element_type3A_1702 : vector<512x128xi32> to vector<1x512x128xi32>
    %reduce_sum3A_1704 = arith.constant dense<0> : vector<1xi32>
    %reduce_sum3A_1705 = vector.multi_reduction <add>, %reduce_sum3A_1703, %reduce_sum3A_1704 [1, 2] : vector<1x512x128xi32> to vector<1xi32>
    %reduce_sum3A_1706 = vector.shape_cast %reduce_sum3A_1705 : vector<1xi32> to vector<1x1x1xi32>
    %reduce_sum3A_1707 = vector.extract %reduce_sum3A_1706[0, 0, 0] : i32 from vector<1x1x1xi32>
    %ge3A_1708 = vector.broadcast %or3A_1695 : i32 to vector<1024x128xi32>
    %ge3A_1709 = arith.cmpi uge, %select_n3A_1293, %ge3A_1708 : vector<1024x128xi32>
    %convert_element_type3A_1710 = arith.extui %ge3A_1709 : vector<1024x128xi1> to vector<1024x128xi32>
    %reduce_sum3A_1711 = vector.shape_cast %convert_element_type3A_1710 : vector<1024x128xi32> to vector<1x1024x128xi32>
    %reduce_sum3A_1712 = arith.constant dense<0> : vector<1xi32>
    %reduce_sum3A_1713 = vector.multi_reduction <add>, %reduce_sum3A_1711, %reduce_sum3A_1712 [1, 2] : vector<1x1024x128xi32> to vector<1xi32>
    %reduce_sum3A_1714 = vector.shape_cast %reduce_sum3A_1713 : vector<1xi32> to vector<1x1x1xi32>
    %reduce_sum3A_1715 = vector.extract %reduce_sum3A_1714[0, 0, 0] : i32 from vector<1x1x1xi32>
    %add3A_1716 = arith.addi %reduce_sum3A_1707, %reduce_sum3A_1715 : i32
    %ge3A_1717 = vector.broadcast %or3A_1697 : i32 to vector<512x128xi32>
    %ge3A_1718 = arith.cmpi uge, %select_n3A_1280, %ge3A_1717 : vector<512x128xi32>
    %convert_element_type3A_1719 = arith.extui %ge3A_1718 : vector<512x128xi1> to vector<512x128xi32>
    %reduce_sum3A_1720 = vector.shape_cast %convert_element_type3A_1719 : vector<512x128xi32> to vector<1x512x128xi32>
    %reduce_sum3A_1721 = arith.constant dense<0> : vector<1xi32>
    %reduce_sum3A_1722 = vector.multi_reduction <add>, %reduce_sum3A_1720, %reduce_sum3A_1721 [1, 2] : vector<1x512x128xi32> to vector<1xi32>
    %reduce_sum3A_1723 = vector.shape_cast %reduce_sum3A_1722 : vector<1xi32> to vector<1x1x1xi32>
    %reduce_sum3A_1724 = vector.extract %reduce_sum3A_1723[0, 0, 0] : i32 from vector<1x1x1xi32>
    %ge3A_1725 = vector.broadcast %or3A_1697 : i32 to vector<1024x128xi32>
    %ge3A_1726 = arith.cmpi uge, %select_n3A_1293, %ge3A_1725 : vector<1024x128xi32>
    %convert_element_type3A_1727 = arith.extui %ge3A_1726 : vector<1024x128xi1> to vector<1024x128xi32>
    %reduce_sum3A_1728 = vector.shape_cast %convert_element_type3A_1727 : vector<1024x128xi32> to vector<1x1024x128xi32>
    %reduce_sum3A_1729 = arith.constant dense<0> : vector<1xi32>
    %reduce_sum3A_1730 = vector.multi_reduction <add>, %reduce_sum3A_1728, %reduce_sum3A_1729 [1, 2] : vector<1x1024x128xi32> to vector<1xi32>
    %reduce_sum3A_1731 = vector.shape_cast %reduce_sum3A_1730 : vector<1xi32> to vector<1x1x1xi32>
    %reduce_sum3A_1732 = vector.extract %reduce_sum3A_1731[0, 0, 0] : i32 from vector<1x1x1xi32>
    %add3A_1733 = arith.addi %reduce_sum3A_1724, %reduce_sum3A_1732 : i32
    %ge3A_1734 = vector.broadcast %or3A_1699 : i32 to vector<512x128xi32>
    %ge3A_1735 = arith.cmpi uge, %select_n3A_1280, %ge3A_1734 : vector<512x128xi32>
    %convert_element_type3A_1736 = arith.extui %ge3A_1735 : vector<512x128xi1> to vector<512x128xi32>
    %reduce_sum3A_1737 = vector.shape_cast %convert_element_type3A_1736 : vector<512x128xi32> to vector<1x512x128xi32>
    %reduce_sum3A_1738 = arith.constant dense<0> : vector<1xi32>
    %reduce_sum3A_1739 = vector.multi_reduction <add>, %reduce_sum3A_1737, %reduce_sum3A_1738 [1, 2] : vector<1x512x128xi32> to vector<1xi32>
    %reduce_sum3A_1740 = vector.shape_cast %reduce_sum3A_1739 : vector<1xi32> to vector<1x1x1xi32>
    %reduce_sum3A_1741 = vector.extract %reduce_sum3A_1740[0, 0, 0] : i32 from vector<1x1x1xi32>
    %ge3A_1742 = vector.broadcast %or3A_1699 : i32 to vector<1024x128xi32>
    %ge3A_1743 = arith.cmpi uge, %select_n3A_1293, %ge3A_1742 : vector<1024x128xi32>
    %convert_element_type3A_1744 = arith.extui %ge3A_1743 : vector<1024x128xi1> to vector<1024x128xi32>
    %reduce_sum3A_1745 = vector.shape_cast %convert_element_type3A_1744 : vector<1024x128xi32> to vector<1x1024x128xi32>
    %reduce_sum3A_1746 = arith.constant dense<0> : vector<1xi32>
    %reduce_sum3A_1747 = vector.multi_reduction <add>, %reduce_sum3A_1745, %reduce_sum3A_1746 [1, 2] : vector<1x1024x128xi32> to vector<1xi32>
    %reduce_sum3A_1748 = vector.shape_cast %reduce_sum3A_1747 : vector<1xi32> to vector<1x1x1xi32>
    %reduce_sum3A_1749 = vector.extract %reduce_sum3A_1748[0, 0, 0] : i32 from vector<1x1x1xi32>
    %add3A_1750 = arith.addi %reduce_sum3A_1741, %reduce_sum3A_1749 : i32
    %ge3A_1751 = arith.constant 64 : i32
    %ge3A_1752 = arith.cmpi sge, %add3A_1716, %ge3A_1751 : i32
    %ge3A_1753 = arith.constant 64 : i32
    %ge3A_1754 = arith.cmpi sge, %add3A_1733, %ge3A_1753 : i32
    %ge3A_1755 = arith.constant 64 : i32
    %ge3A_1756 = arith.cmpi sge, %add3A_1750, %ge3A_1755 : i32
    %select_n3A_1757 = arith.select %ge3A_1756, %or3A_1699, %select_n3A_1693 : i32
    %select_n3A_1758 = arith.select %ge3A_1754, %or3A_1697, %select_n3A_1757 : i32
    %select_n3A_1759 = arith.select %ge3A_1752, %or3A_1695, %select_n3A_1758 : i32
    %or3A_1760 = arith.constant 196608 : i32
    %or3A_1761 = arith.ori %select_n3A_1759, %or3A_1760 : i32
    %or3A_1762 = arith.constant 131072 : i32
    %or3A_1763 = arith.ori %select_n3A_1759, %or3A_1762 : i32
    %or3A_1764 = arith.constant 65536 : i32
    %or3A_1765 = arith.ori %select_n3A_1759, %or3A_1764 : i32
    %ge3A_1766 = vector.broadcast %or3A_1761 : i32 to vector<512x128xi32>
    %ge3A_1767 = arith.cmpi uge, %select_n3A_1280, %ge3A_1766 : vector<512x128xi32>
    %convert_element_type3A_1768 = arith.extui %ge3A_1767 : vector<512x128xi1> to vector<512x128xi32>
    %reduce_sum3A_1769 = vector.shape_cast %convert_element_type3A_1768 : vector<512x128xi32> to vector<1x512x128xi32>
    %reduce_sum3A_1770 = arith.constant dense<0> : vector<1xi32>
    %reduce_sum3A_1771 = vector.multi_reduction <add>, %reduce_sum3A_1769, %reduce_sum3A_1770 [1, 2] : vector<1x512x128xi32> to vector<1xi32>
    %reduce_sum3A_1772 = vector.shape_cast %reduce_sum3A_1771 : vector<1xi32> to vector<1x1x1xi32>
    %reduce_sum3A_1773 = vector.extract %reduce_sum3A_1772[0, 0, 0] : i32 from vector<1x1x1xi32>
    %ge3A_1774 = vector.broadcast %or3A_1761 : i32 to vector<1024x128xi32>
    %ge3A_1775 = arith.cmpi uge, %select_n3A_1293, %ge3A_1774 : vector<1024x128xi32>
    %convert_element_type3A_1776 = arith.extui %ge3A_1775 : vector<1024x128xi1> to vector<1024x128xi32>
    %reduce_sum3A_1777 = vector.shape_cast %convert_element_type3A_1776 : vector<1024x128xi32> to vector<1x1024x128xi32>
    %reduce_sum3A_1778 = arith.constant dense<0> : vector<1xi32>
    %reduce_sum3A_1779 = vector.multi_reduction <add>, %reduce_sum3A_1777, %reduce_sum3A_1778 [1, 2] : vector<1x1024x128xi32> to vector<1xi32>
    %reduce_sum3A_1780 = vector.shape_cast %reduce_sum3A_1779 : vector<1xi32> to vector<1x1x1xi32>
    %reduce_sum3A_1781 = vector.extract %reduce_sum3A_1780[0, 0, 0] : i32 from vector<1x1x1xi32>
    %add3A_1782 = arith.addi %reduce_sum3A_1773, %reduce_sum3A_1781 : i32
    %ge3A_1783 = vector.broadcast %or3A_1763 : i32 to vector<512x128xi32>
    %ge3A_1784 = arith.cmpi uge, %select_n3A_1280, %ge3A_1783 : vector<512x128xi32>
    %convert_element_type3A_1785 = arith.extui %ge3A_1784 : vector<512x128xi1> to vector<512x128xi32>
    %reduce_sum3A_1786 = vector.shape_cast %convert_element_type3A_1785 : vector<512x128xi32> to vector<1x512x128xi32>
    %reduce_sum3A_1787 = arith.constant dense<0> : vector<1xi32>
    %reduce_sum3A_1788 = vector.multi_reduction <add>, %reduce_sum3A_1786, %reduce_sum3A_1787 [1, 2] : vector<1x512x128xi32> to vector<1xi32>
    %reduce_sum3A_1789 = vector.shape_cast %reduce_sum3A_1788 : vector<1xi32> to vector<1x1x1xi32>
    %reduce_sum3A_1790 = vector.extract %reduce_sum3A_1789[0, 0, 0] : i32 from vector<1x1x1xi32>
    %ge3A_1791 = vector.broadcast %or3A_1763 : i32 to vector<1024x128xi32>
    %ge3A_1792 = arith.cmpi uge, %select_n3A_1293, %ge3A_1791 : vector<1024x128xi32>
    %convert_element_type3A_1793 = arith.extui %ge3A_1792 : vector<1024x128xi1> to vector<1024x128xi32>
    %reduce_sum3A_1794 = vector.shape_cast %convert_element_type3A_1793 : vector<1024x128xi32> to vector<1x1024x128xi32>
    %reduce_sum3A_1795 = arith.constant dense<0> : vector<1xi32>
    %reduce_sum3A_1796 = vector.multi_reduction <add>, %reduce_sum3A_1794, %reduce_sum3A_1795 [1, 2] : vector<1x1024x128xi32> to vector<1xi32>
    %reduce_sum3A_1797 = vector.shape_cast %reduce_sum3A_1796 : vector<1xi32> to vector<1x1x1xi32>
    %reduce_sum3A_1798 = vector.extract %reduce_sum3A_1797[0, 0, 0] : i32 from vector<1x1x1xi32>
    %add3A_1799 = arith.addi %reduce_sum3A_1790, %reduce_sum3A_1798 : i32
    %ge3A_1800 = vector.broadcast %or3A_1765 : i32 to vector<512x128xi32>
    %ge3A_1801 = arith.cmpi uge, %select_n3A_1280, %ge3A_1800 : vector<512x128xi32>
    %convert_element_type3A_1802 = arith.extui %ge3A_1801 : vector<512x128xi1> to vector<512x128xi32>
    %reduce_sum3A_1803 = vector.shape_cast %convert_element_type3A_1802 : vector<512x128xi32> to vector<1x512x128xi32>
    %reduce_sum3A_1804 = arith.constant dense<0> : vector<1xi32>
    %reduce_sum3A_1805 = vector.multi_reduction <add>, %reduce_sum3A_1803, %reduce_sum3A_1804 [1, 2] : vector<1x512x128xi32> to vector<1xi32>
    %reduce_sum3A_1806 = vector.shape_cast %reduce_sum3A_1805 : vector<1xi32> to vector<1x1x1xi32>
    %reduce_sum3A_1807 = vector.extract %reduce_sum3A_1806[0, 0, 0] : i32 from vector<1x1x1xi32>
    %ge3A_1808 = vector.broadcast %or3A_1765 : i32 to vector<1024x128xi32>
    %ge3A_1809 = arith.cmpi uge, %select_n3A_1293, %ge3A_1808 : vector<1024x128xi32>
    %convert_element_type3A_1810 = arith.extui %ge3A_1809 : vector<1024x128xi1> to vector<1024x128xi32>
    %reduce_sum3A_1811 = vector.shape_cast %convert_element_type3A_1810 : vector<1024x128xi32> to vector<1x1024x128xi32>
    %reduce_sum3A_1812 = arith.constant dense<0> : vector<1xi32>
    %reduce_sum3A_1813 = vector.multi_reduction <add>, %reduce_sum3A_1811, %reduce_sum3A_1812 [1, 2] : vector<1x1024x128xi32> to vector<1xi32>
    %reduce_sum3A_1814 = vector.shape_cast %reduce_sum3A_1813 : vector<1xi32> to vector<1x1x1xi32>
    %reduce_sum3A_1815 = vector.extract %reduce_sum3A_1814[0, 0, 0] : i32 from vector<1x1x1xi32>
    %add3A_1816 = arith.addi %reduce_sum3A_1807, %reduce_sum3A_1815 : i32
    %ge3A_1817 = arith.constant 64 : i32
    %ge3A_1818 = arith.cmpi sge, %add3A_1782, %ge3A_1817 : i32
    %ge3A_1819 = arith.constant 64 : i32
    %ge3A_1820 = arith.cmpi sge, %add3A_1799, %ge3A_1819 : i32
    %ge3A_1821 = arith.constant 64 : i32
    %ge3A_1822 = arith.cmpi sge, %add3A_1816, %ge3A_1821 : i32
    %select_n3A_1823 = arith.select %ge3A_1822, %or3A_1765, %select_n3A_1759 : i32
    %select_n3A_1824 = arith.select %ge3A_1820, %or3A_1763, %select_n3A_1823 : i32
    %select_n3A_1825 = arith.select %ge3A_1818, %or3A_1761, %select_n3A_1824 : i32
    %or3A_1826 = arith.constant 49152 : i32
    %or3A_1827 = arith.ori %select_n3A_1825, %or3A_1826 : i32
    %or3A_1828 = arith.constant 32768 : i32
    %or3A_1829 = arith.ori %select_n3A_1825, %or3A_1828 : i32
    %or3A_1830 = arith.constant 16384 : i32
    %or3A_1831 = arith.ori %select_n3A_1825, %or3A_1830 : i32
    %ge3A_1832 = vector.broadcast %or3A_1827 : i32 to vector<512x128xi32>
    %ge3A_1833 = arith.cmpi uge, %select_n3A_1280, %ge3A_1832 : vector<512x128xi32>
    %convert_element_type3A_1834 = arith.extui %ge3A_1833 : vector<512x128xi1> to vector<512x128xi32>
    %reduce_sum3A_1835 = vector.shape_cast %convert_element_type3A_1834 : vector<512x128xi32> to vector<1x512x128xi32>
    %reduce_sum3A_1836 = arith.constant dense<0> : vector<1xi32>
    %reduce_sum3A_1837 = vector.multi_reduction <add>, %reduce_sum3A_1835, %reduce_sum3A_1836 [1, 2] : vector<1x512x128xi32> to vector<1xi32>
    %reduce_sum3A_1838 = vector.shape_cast %reduce_sum3A_1837 : vector<1xi32> to vector<1x1x1xi32>
    %reduce_sum3A_1839 = vector.extract %reduce_sum3A_1838[0, 0, 0] : i32 from vector<1x1x1xi32>
    %ge3A_1840 = vector.broadcast %or3A_1827 : i32 to vector<1024x128xi32>
    %ge3A_1841 = arith.cmpi uge, %select_n3A_1293, %ge3A_1840 : vector<1024x128xi32>
    %convert_element_type3A_1842 = arith.extui %ge3A_1841 : vector<1024x128xi1> to vector<1024x128xi32>
    %reduce_sum3A_1843 = vector.shape_cast %convert_element_type3A_1842 : vector<1024x128xi32> to vector<1x1024x128xi32>
    %reduce_sum3A_1844 = arith.constant dense<0> : vector<1xi32>
    %reduce_sum3A_1845 = vector.multi_reduction <add>, %reduce_sum3A_1843, %reduce_sum3A_1844 [1, 2] : vector<1x1024x128xi32> to vector<1xi32>
    %reduce_sum3A_1846 = vector.shape_cast %reduce_sum3A_1845 : vector<1xi32> to vector<1x1x1xi32>
    %reduce_sum3A_1847 = vector.extract %reduce_sum3A_1846[0, 0, 0] : i32 from vector<1x1x1xi32>
    %add3A_1848 = arith.addi %reduce_sum3A_1839, %reduce_sum3A_1847 : i32
    %ge3A_1849 = vector.broadcast %or3A_1829 : i32 to vector<512x128xi32>
    %ge3A_1850 = arith.cmpi uge, %select_n3A_1280, %ge3A_1849 : vector<512x128xi32>
    %convert_element_type3A_1851 = arith.extui %ge3A_1850 : vector<512x128xi1> to vector<512x128xi32>
    %reduce_sum3A_1852 = vector.shape_cast %convert_element_type3A_1851 : vector<512x128xi32> to vector<1x512x128xi32>
    %reduce_sum3A_1853 = arith.constant dense<0> : vector<1xi32>
    %reduce_sum3A_1854 = vector.multi_reduction <add>, %reduce_sum3A_1852, %reduce_sum3A_1853 [1, 2] : vector<1x512x128xi32> to vector<1xi32>
    %reduce_sum3A_1855 = vector.shape_cast %reduce_sum3A_1854 : vector<1xi32> to vector<1x1x1xi32>
    %reduce_sum3A_1856 = vector.extract %reduce_sum3A_1855[0, 0, 0] : i32 from vector<1x1x1xi32>
    %ge3A_1857 = vector.broadcast %or3A_1829 : i32 to vector<1024x128xi32>
    %ge3A_1858 = arith.cmpi uge, %select_n3A_1293, %ge3A_1857 : vector<1024x128xi32>
    %convert_element_type3A_1859 = arith.extui %ge3A_1858 : vector<1024x128xi1> to vector<1024x128xi32>
    %reduce_sum3A_1860 = vector.shape_cast %convert_element_type3A_1859 : vector<1024x128xi32> to vector<1x1024x128xi32>
    %reduce_sum3A_1861 = arith.constant dense<0> : vector<1xi32>
    %reduce_sum3A_1862 = vector.multi_reduction <add>, %reduce_sum3A_1860, %reduce_sum3A_1861 [1, 2] : vector<1x1024x128xi32> to vector<1xi32>
    %reduce_sum3A_1863 = vector.shape_cast %reduce_sum3A_1862 : vector<1xi32> to vector<1x1x1xi32>
    %reduce_sum3A_1864 = vector.extract %reduce_sum3A_1863[0, 0, 0] : i32 from vector<1x1x1xi32>
    %add3A_1865 = arith.addi %reduce_sum3A_1856, %reduce_sum3A_1864 : i32
    %ge3A_1866 = vector.broadcast %or3A_1831 : i32 to vector<512x128xi32>
    %ge3A_1867 = arith.cmpi uge, %select_n3A_1280, %ge3A_1866 : vector<512x128xi32>
    %convert_element_type3A_1868 = arith.extui %ge3A_1867 : vector<512x128xi1> to vector<512x128xi32>
    %reduce_sum3A_1869 = vector.shape_cast %convert_element_type3A_1868 : vector<512x128xi32> to vector<1x512x128xi32>
    %reduce_sum3A_1870 = arith.constant dense<0> : vector<1xi32>
    %reduce_sum3A_1871 = vector.multi_reduction <add>, %reduce_sum3A_1869, %reduce_sum3A_1870 [1, 2] : vector<1x512x128xi32> to vector<1xi32>
    %reduce_sum3A_1872 = vector.shape_cast %reduce_sum3A_1871 : vector<1xi32> to vector<1x1x1xi32>
    %reduce_sum3A_1873 = vector.extract %reduce_sum3A_1872[0, 0, 0] : i32 from vector<1x1x1xi32>
    %ge3A_1874 = vector.broadcast %or3A_1831 : i32 to vector<1024x128xi32>
    %ge3A_1875 = arith.cmpi uge, %select_n3A_1293, %ge3A_1874 : vector<1024x128xi32>
    %convert_element_type3A_1876 = arith.extui %ge3A_1875 : vector<1024x128xi1> to vector<1024x128xi32>
    %reduce_sum3A_1877 = vector.shape_cast %convert_element_type3A_1876 : vector<1024x128xi32> to vector<1x1024x128xi32>
    %reduce_sum3A_1878 = arith.constant dense<0> : vector<1xi32>
    %reduce_sum3A_1879 = vector.multi_reduction <add>, %reduce_sum3A_1877, %reduce_sum3A_1878 [1, 2] : vector<1x1024x128xi32> to vector<1xi32>
    %reduce_sum3A_1880 = vector.shape_cast %reduce_sum3A_1879 : vector<1xi32> to vector<1x1x1xi32>
    %reduce_sum3A_1881 = vector.extract %reduce_sum3A_1880[0, 0, 0] : i32 from vector<1x1x1xi32>
    %add3A_1882 = arith.addi %reduce_sum3A_1873, %reduce_sum3A_1881 : i32
    %ge3A_1883 = arith.constant 64 : i32
    %ge3A_1884 = arith.cmpi sge, %add3A_1848, %ge3A_1883 : i32
    %ge3A_1885 = arith.constant 64 : i32
    %ge3A_1886 = arith.cmpi sge, %add3A_1865, %ge3A_1885 : i32
    %ge3A_1887 = arith.constant 64 : i32
    %ge3A_1888 = arith.cmpi sge, %add3A_1882, %ge3A_1887 : i32
    %select_n3A_1889 = arith.select %ge3A_1888, %or3A_1831, %select_n3A_1825 : i32
    %select_n3A_1890 = arith.select %ge3A_1886, %or3A_1829, %select_n3A_1889 : i32
    %select_n3A_1891 = arith.select %ge3A_1884, %or3A_1827, %select_n3A_1890 : i32
    %or3A_1892 = arith.constant 12288 : i32
    %or3A_1893 = arith.ori %select_n3A_1891, %or3A_1892 : i32
    %or3A_1894 = arith.constant 8192 : i32
    %or3A_1895 = arith.ori %select_n3A_1891, %or3A_1894 : i32
    %or3A_1896 = arith.constant 4096 : i32
    %or3A_1897 = arith.ori %select_n3A_1891, %or3A_1896 : i32
    %ge3A_1898 = vector.broadcast %or3A_1893 : i32 to vector<512x128xi32>
    %ge3A_1899 = arith.cmpi uge, %select_n3A_1280, %ge3A_1898 : vector<512x128xi32>
    %convert_element_type3A_1900 = arith.extui %ge3A_1899 : vector<512x128xi1> to vector<512x128xi32>
    %reduce_sum3A_1901 = vector.shape_cast %convert_element_type3A_1900 : vector<512x128xi32> to vector<1x512x128xi32>
    %reduce_sum3A_1902 = arith.constant dense<0> : vector<1xi32>
    %reduce_sum3A_1903 = vector.multi_reduction <add>, %reduce_sum3A_1901, %reduce_sum3A_1902 [1, 2] : vector<1x512x128xi32> to vector<1xi32>
    %reduce_sum3A_1904 = vector.shape_cast %reduce_sum3A_1903 : vector<1xi32> to vector<1x1x1xi32>
    %reduce_sum3A_1905 = vector.extract %reduce_sum3A_1904[0, 0, 0] : i32 from vector<1x1x1xi32>
    %ge3A_1906 = vector.broadcast %or3A_1893 : i32 to vector<1024x128xi32>
    %ge3A_1907 = arith.cmpi uge, %select_n3A_1293, %ge3A_1906 : vector<1024x128xi32>
    %convert_element_type3A_1908 = arith.extui %ge3A_1907 : vector<1024x128xi1> to vector<1024x128xi32>
    %reduce_sum3A_1909 = vector.shape_cast %convert_element_type3A_1908 : vector<1024x128xi32> to vector<1x1024x128xi32>
    %reduce_sum3A_1910 = arith.constant dense<0> : vector<1xi32>
    %reduce_sum3A_1911 = vector.multi_reduction <add>, %reduce_sum3A_1909, %reduce_sum3A_1910 [1, 2] : vector<1x1024x128xi32> to vector<1xi32>
    %reduce_sum3A_1912 = vector.shape_cast %reduce_sum3A_1911 : vector<1xi32> to vector<1x1x1xi32>
    %reduce_sum3A_1913 = vector.extract %reduce_sum3A_1912[0, 0, 0] : i32 from vector<1x1x1xi32>
    %add3A_1914 = arith.addi %reduce_sum3A_1905, %reduce_sum3A_1913 : i32
    %ge3A_1915 = vector.broadcast %or3A_1895 : i32 to vector<512x128xi32>
    %ge3A_1916 = arith.cmpi uge, %select_n3A_1280, %ge3A_1915 : vector<512x128xi32>
    %convert_element_type3A_1917 = arith.extui %ge3A_1916 : vector<512x128xi1> to vector<512x128xi32>
    %reduce_sum3A_1918 = vector.shape_cast %convert_element_type3A_1917 : vector<512x128xi32> to vector<1x512x128xi32>
    %reduce_sum3A_1919 = arith.constant dense<0> : vector<1xi32>
    %reduce_sum3A_1920 = vector.multi_reduction <add>, %reduce_sum3A_1918, %reduce_sum3A_1919 [1, 2] : vector<1x512x128xi32> to vector<1xi32>
    %reduce_sum3A_1921 = vector.shape_cast %reduce_sum3A_1920 : vector<1xi32> to vector<1x1x1xi32>
    %reduce_sum3A_1922 = vector.extract %reduce_sum3A_1921[0, 0, 0] : i32 from vector<1x1x1xi32>
    %ge3A_1923 = vector.broadcast %or3A_1895 : i32 to vector<1024x128xi32>
    %ge3A_1924 = arith.cmpi uge, %select_n3A_1293, %ge3A_1923 : vector<1024x128xi32>
    %convert_element_type3A_1925 = arith.extui %ge3A_1924 : vector<1024x128xi1> to vector<1024x128xi32>
    %reduce_sum3A_1926 = vector.shape_cast %convert_element_type3A_1925 : vector<1024x128xi32> to vector<1x1024x128xi32>
    %reduce_sum3A_1927 = arith.constant dense<0> : vector<1xi32>
    %reduce_sum3A_1928 = vector.multi_reduction <add>, %reduce_sum3A_1926, %reduce_sum3A_1927 [1, 2] : vector<1x1024x128xi32> to vector<1xi32>
    %reduce_sum3A_1929 = vector.shape_cast %reduce_sum3A_1928 : vector<1xi32> to vector<1x1x1xi32>
    %reduce_sum3A_1930 = vector.extract %reduce_sum3A_1929[0, 0, 0] : i32 from vector<1x1x1xi32>
    %add3A_1931 = arith.addi %reduce_sum3A_1922, %reduce_sum3A_1930 : i32
    %ge3A_1932 = vector.broadcast %or3A_1897 : i32 to vector<512x128xi32>
    %ge3A_1933 = arith.cmpi uge, %select_n3A_1280, %ge3A_1932 : vector<512x128xi32>
    %convert_element_type3A_1934 = arith.extui %ge3A_1933 : vector<512x128xi1> to vector<512x128xi32>
    %reduce_sum3A_1935 = vector.shape_cast %convert_element_type3A_1934 : vector<512x128xi32> to vector<1x512x128xi32>
    %reduce_sum3A_1936 = arith.constant dense<0> : vector<1xi32>
    %reduce_sum3A_1937 = vector.multi_reduction <add>, %reduce_sum3A_1935, %reduce_sum3A_1936 [1, 2] : vector<1x512x128xi32> to vector<1xi32>
    %reduce_sum3A_1938 = vector.shape_cast %reduce_sum3A_1937 : vector<1xi32> to vector<1x1x1xi32>
    %reduce_sum3A_1939 = vector.extract %reduce_sum3A_1938[0, 0, 0] : i32 from vector<1x1x1xi32>
    %ge3A_1940 = vector.broadcast %or3A_1897 : i32 to vector<1024x128xi32>
    %ge3A_1941 = arith.cmpi uge, %select_n3A_1293, %ge3A_1940 : vector<1024x128xi32>
    %convert_element_type3A_1942 = arith.extui %ge3A_1941 : vector<1024x128xi1> to vector<1024x128xi32>
    %reduce_sum3A_1943 = vector.shape_cast %convert_element_type3A_1942 : vector<1024x128xi32> to vector<1x1024x128xi32>
    %reduce_sum3A_1944 = arith.constant dense<0> : vector<1xi32>
    %reduce_sum3A_1945 = vector.multi_reduction <add>, %reduce_sum3A_1943, %reduce_sum3A_1944 [1, 2] : vector<1x1024x128xi32> to vector<1xi32>
    %reduce_sum3A_1946 = vector.shape_cast %reduce_sum3A_1945 : vector<1xi32> to vector<1x1x1xi32>
    %reduce_sum3A_1947 = vector.extract %reduce_sum3A_1946[0, 0, 0] : i32 from vector<1x1x1xi32>
    %add3A_1948 = arith.addi %reduce_sum3A_1939, %reduce_sum3A_1947 : i32
    %ge3A_1949 = arith.constant 64 : i32
    %ge3A_1950 = arith.cmpi sge, %add3A_1914, %ge3A_1949 : i32
    %ge3A_1951 = arith.constant 64 : i32
    %ge3A_1952 = arith.cmpi sge, %add3A_1931, %ge3A_1951 : i32
    %ge3A_1953 = arith.constant 64 : i32
    %ge3A_1954 = arith.cmpi sge, %add3A_1948, %ge3A_1953 : i32
    %select_n3A_1955 = arith.select %ge3A_1954, %or3A_1897, %select_n3A_1891 : i32
    %select_n3A_1956 = arith.select %ge3A_1952, %or3A_1895, %select_n3A_1955 : i32
    %select_n3A_1957 = arith.select %ge3A_1950, %or3A_1893, %select_n3A_1956 : i32
    %or3A_1958 = arith.constant 3072 : i32
    %or3A_1959 = arith.ori %select_n3A_1957, %or3A_1958 : i32
    %or3A_1960 = arith.constant 2048 : i32
    %or3A_1961 = arith.ori %select_n3A_1957, %or3A_1960 : i32
    %or3A_1962 = arith.constant 1024 : i32
    %or3A_1963 = arith.ori %select_n3A_1957, %or3A_1962 : i32
    %ge3A_1964 = vector.broadcast %or3A_1959 : i32 to vector<512x128xi32>
    %ge3A_1965 = arith.cmpi uge, %select_n3A_1280, %ge3A_1964 : vector<512x128xi32>
    %convert_element_type3A_1966 = arith.extui %ge3A_1965 : vector<512x128xi1> to vector<512x128xi32>
    %reduce_sum3A_1967 = vector.shape_cast %convert_element_type3A_1966 : vector<512x128xi32> to vector<1x512x128xi32>
    %reduce_sum3A_1968 = arith.constant dense<0> : vector<1xi32>
    %reduce_sum3A_1969 = vector.multi_reduction <add>, %reduce_sum3A_1967, %reduce_sum3A_1968 [1, 2] : vector<1x512x128xi32> to vector<1xi32>
    %reduce_sum3A_1970 = vector.shape_cast %reduce_sum3A_1969 : vector<1xi32> to vector<1x1x1xi32>
    %reduce_sum3A_1971 = vector.extract %reduce_sum3A_1970[0, 0, 0] : i32 from vector<1x1x1xi32>
    %ge3A_1972 = vector.broadcast %or3A_1959 : i32 to vector<1024x128xi32>
    %ge3A_1973 = arith.cmpi uge, %select_n3A_1293, %ge3A_1972 : vector<1024x128xi32>
    %convert_element_type3A_1974 = arith.extui %ge3A_1973 : vector<1024x128xi1> to vector<1024x128xi32>
    %reduce_sum3A_1975 = vector.shape_cast %convert_element_type3A_1974 : vector<1024x128xi32> to vector<1x1024x128xi32>
    %reduce_sum3A_1976 = arith.constant dense<0> : vector<1xi32>
    %reduce_sum3A_1977 = vector.multi_reduction <add>, %reduce_sum3A_1975, %reduce_sum3A_1976 [1, 2] : vector<1x1024x128xi32> to vector<1xi32>
    %reduce_sum3A_1978 = vector.shape_cast %reduce_sum3A_1977 : vector<1xi32> to vector<1x1x1xi32>
    %reduce_sum3A_1979 = vector.extract %reduce_sum3A_1978[0, 0, 0] : i32 from vector<1x1x1xi32>
    %add3A_1980 = arith.addi %reduce_sum3A_1971, %reduce_sum3A_1979 : i32
    %ge3A_1981 = vector.broadcast %or3A_1961 : i32 to vector<512x128xi32>
    %ge3A_1982 = arith.cmpi uge, %select_n3A_1280, %ge3A_1981 : vector<512x128xi32>
    %convert_element_type3A_1983 = arith.extui %ge3A_1982 : vector<512x128xi1> to vector<512x128xi32>
    %reduce_sum3A_1984 = vector.shape_cast %convert_element_type3A_1983 : vector<512x128xi32> to vector<1x512x128xi32>
    %reduce_sum3A_1985 = arith.constant dense<0> : vector<1xi32>
    %reduce_sum3A_1986 = vector.multi_reduction <add>, %reduce_sum3A_1984, %reduce_sum3A_1985 [1, 2] : vector<1x512x128xi32> to vector<1xi32>
    %reduce_sum3A_1987 = vector.shape_cast %reduce_sum3A_1986 : vector<1xi32> to vector<1x1x1xi32>
    %reduce_sum3A_1988 = vector.extract %reduce_sum3A_1987[0, 0, 0] : i32 from vector<1x1x1xi32>
    %ge3A_1989 = vector.broadcast %or3A_1961 : i32 to vector<1024x128xi32>
    %ge3A_1990 = arith.cmpi uge, %select_n3A_1293, %ge3A_1989 : vector<1024x128xi32>
    %convert_element_type3A_1991 = arith.extui %ge3A_1990 : vector<1024x128xi1> to vector<1024x128xi32>
    %reduce_sum3A_1992 = vector.shape_cast %convert_element_type3A_1991 : vector<1024x128xi32> to vector<1x1024x128xi32>
    %reduce_sum3A_1993 = arith.constant dense<0> : vector<1xi32>
    %reduce_sum3A_1994 = vector.multi_reduction <add>, %reduce_sum3A_1992, %reduce_sum3A_1993 [1, 2] : vector<1x1024x128xi32> to vector<1xi32>
    %reduce_sum3A_1995 = vector.shape_cast %reduce_sum3A_1994 : vector<1xi32> to vector<1x1x1xi32>
    %reduce_sum3A_1996 = vector.extract %reduce_sum3A_1995[0, 0, 0] : i32 from vector<1x1x1xi32>
    %add3A_1997 = arith.addi %reduce_sum3A_1988, %reduce_sum3A_1996 : i32
    %ge3A_1998 = vector.broadcast %or3A_1963 : i32 to vector<512x128xi32>
    %ge3A_1999 = arith.cmpi uge, %select_n3A_1280, %ge3A_1998 : vector<512x128xi32>
    %convert_element_type3A_2000 = arith.extui %ge3A_1999 : vector<512x128xi1> to vector<512x128xi32>
    %reduce_sum3A_2001 = vector.shape_cast %convert_element_type3A_2000 : vector<512x128xi32> to vector<1x512x128xi32>
    %reduce_sum3A_2002 = arith.constant dense<0> : vector<1xi32>
    %reduce_sum3A_2003 = vector.multi_reduction <add>, %reduce_sum3A_2001, %reduce_sum3A_2002 [1, 2] : vector<1x512x128xi32> to vector<1xi32>
    %reduce_sum3A_2004 = vector.shape_cast %reduce_sum3A_2003 : vector<1xi32> to vector<1x1x1xi32>
    %reduce_sum3A_2005 = vector.extract %reduce_sum3A_2004[0, 0, 0] : i32 from vector<1x1x1xi32>
    %ge3A_2006 = vector.broadcast %or3A_1963 : i32 to vector<1024x128xi32>
    %ge3A_2007 = arith.cmpi uge, %select_n3A_1293, %ge3A_2006 : vector<1024x128xi32>
    %convert_element_type3A_2008 = arith.extui %ge3A_2007 : vector<1024x128xi1> to vector<1024x128xi32>
    %reduce_sum3A_2009 = vector.shape_cast %convert_element_type3A_2008 : vector<1024x128xi32> to vector<1x1024x128xi32>
    %reduce_sum3A_2010 = arith.constant dense<0> : vector<1xi32>
    %reduce_sum3A_2011 = vector.multi_reduction <add>, %reduce_sum3A_2009, %reduce_sum3A_2010 [1, 2] : vector<1x1024x128xi32> to vector<1xi32>
    %reduce_sum3A_2012 = vector.shape_cast %reduce_sum3A_2011 : vector<1xi32> to vector<1x1x1xi32>
    %reduce_sum3A_2013 = vector.extract %reduce_sum3A_2012[0, 0, 0] : i32 from vector<1x1x1xi32>
    %add3A_2014 = arith.addi %reduce_sum3A_2005, %reduce_sum3A_2013 : i32
    %ge3A_2015 = arith.constant 64 : i32
    %ge3A_2016 = arith.cmpi sge, %add3A_1980, %ge3A_2015 : i32
    %ge3A_2017 = arith.constant 64 : i32
    %ge3A_2018 = arith.cmpi sge, %add3A_1997, %ge3A_2017 : i32
    %ge3A_2019 = arith.constant 64 : i32
    %ge3A_2020 = arith.cmpi sge, %add3A_2014, %ge3A_2019 : i32
    %select_n3A_2021 = arith.select %ge3A_2020, %or3A_1963, %select_n3A_1957 : i32
    %select_n3A_2022 = arith.select %ge3A_2018, %or3A_1961, %select_n3A_2021 : i32
    %select_n3A_2023 = arith.select %ge3A_2016, %or3A_1959, %select_n3A_2022 : i32
    %or3A_2024 = arith.constant 768 : i32
    %or3A_2025 = arith.ori %select_n3A_2023, %or3A_2024 : i32
    %or3A_2026 = arith.constant 512 : i32
    %or3A_2027 = arith.ori %select_n3A_2023, %or3A_2026 : i32
    %or3A_2028 = arith.constant 256 : i32
    %or3A_2029 = arith.ori %select_n3A_2023, %or3A_2028 : i32
    %ge3A_2030 = vector.broadcast %or3A_2025 : i32 to vector<512x128xi32>
    %ge3A_2031 = arith.cmpi uge, %select_n3A_1280, %ge3A_2030 : vector<512x128xi32>
    %convert_element_type3A_2032 = arith.extui %ge3A_2031 : vector<512x128xi1> to vector<512x128xi32>
    %reduce_sum3A_2033 = vector.shape_cast %convert_element_type3A_2032 : vector<512x128xi32> to vector<1x512x128xi32>
    %reduce_sum3A_2034 = arith.constant dense<0> : vector<1xi32>
    %reduce_sum3A_2035 = vector.multi_reduction <add>, %reduce_sum3A_2033, %reduce_sum3A_2034 [1, 2] : vector<1x512x128xi32> to vector<1xi32>
    %reduce_sum3A_2036 = vector.shape_cast %reduce_sum3A_2035 : vector<1xi32> to vector<1x1x1xi32>
    %reduce_sum3A_2037 = vector.extract %reduce_sum3A_2036[0, 0, 0] : i32 from vector<1x1x1xi32>
    %ge3A_2038 = vector.broadcast %or3A_2025 : i32 to vector<1024x128xi32>
    %ge3A_2039 = arith.cmpi uge, %select_n3A_1293, %ge3A_2038 : vector<1024x128xi32>
    %convert_element_type3A_2040 = arith.extui %ge3A_2039 : vector<1024x128xi1> to vector<1024x128xi32>
    %reduce_sum3A_2041 = vector.shape_cast %convert_element_type3A_2040 : vector<1024x128xi32> to vector<1x1024x128xi32>
    %reduce_sum3A_2042 = arith.constant dense<0> : vector<1xi32>
    %reduce_sum3A_2043 = vector.multi_reduction <add>, %reduce_sum3A_2041, %reduce_sum3A_2042 [1, 2] : vector<1x1024x128xi32> to vector<1xi32>
    %reduce_sum3A_2044 = vector.shape_cast %reduce_sum3A_2043 : vector<1xi32> to vector<1x1x1xi32>
    %reduce_sum3A_2045 = vector.extract %reduce_sum3A_2044[0, 0, 0] : i32 from vector<1x1x1xi32>
    %add3A_2046 = arith.addi %reduce_sum3A_2037, %reduce_sum3A_2045 : i32
    %ge3A_2047 = vector.broadcast %or3A_2027 : i32 to vector<512x128xi32>
    %ge3A_2048 = arith.cmpi uge, %select_n3A_1280, %ge3A_2047 : vector<512x128xi32>
    %convert_element_type3A_2049 = arith.extui %ge3A_2048 : vector<512x128xi1> to vector<512x128xi32>
    %reduce_sum3A_2050 = vector.shape_cast %convert_element_type3A_2049 : vector<512x128xi32> to vector<1x512x128xi32>
    %reduce_sum3A_2051 = arith.constant dense<0> : vector<1xi32>
    %reduce_sum3A_2052 = vector.multi_reduction <add>, %reduce_sum3A_2050, %reduce_sum3A_2051 [1, 2] : vector<1x512x128xi32> to vector<1xi32>
    %reduce_sum3A_2053 = vector.shape_cast %reduce_sum3A_2052 : vector<1xi32> to vector<1x1x1xi32>
    %reduce_sum3A_2054 = vector.extract %reduce_sum3A_2053[0, 0, 0] : i32 from vector<1x1x1xi32>
    %ge3A_2055 = vector.broadcast %or3A_2027 : i32 to vector<1024x128xi32>
    %ge3A_2056 = arith.cmpi uge, %select_n3A_1293, %ge3A_2055 : vector<1024x128xi32>
    %convert_element_type3A_2057 = arith.extui %ge3A_2056 : vector<1024x128xi1> to vector<1024x128xi32>
    %reduce_sum3A_2058 = vector.shape_cast %convert_element_type3A_2057 : vector<1024x128xi32> to vector<1x1024x128xi32>
    %reduce_sum3A_2059 = arith.constant dense<0> : vector<1xi32>
    %reduce_sum3A_2060 = vector.multi_reduction <add>, %reduce_sum3A_2058, %reduce_sum3A_2059 [1, 2] : vector<1x1024x128xi32> to vector<1xi32>
    %reduce_sum3A_2061 = vector.shape_cast %reduce_sum3A_2060 : vector<1xi32> to vector<1x1x1xi32>
    %reduce_sum3A_2062 = vector.extract %reduce_sum3A_2061[0, 0, 0] : i32 from vector<1x1x1xi32>
    %add3A_2063 = arith.addi %reduce_sum3A_2054, %reduce_sum3A_2062 : i32
    %ge3A_2064 = vector.broadcast %or3A_2029 : i32 to vector<512x128xi32>
    %ge3A_2065 = arith.cmpi uge, %select_n3A_1280, %ge3A_2064 : vector<512x128xi32>
    %convert_element_type3A_2066 = arith.extui %ge3A_2065 : vector<512x128xi1> to vector<512x128xi32>
    %reduce_sum3A_2067 = vector.shape_cast %convert_element_type3A_2066 : vector<512x128xi32> to vector<1x512x128xi32>
    %reduce_sum3A_2068 = arith.constant dense<0> : vector<1xi32>
    %reduce_sum3A_2069 = vector.multi_reduction <add>, %reduce_sum3A_2067, %reduce_sum3A_2068 [1, 2] : vector<1x512x128xi32> to vector<1xi32>
    %reduce_sum3A_2070 = vector.shape_cast %reduce_sum3A_2069 : vector<1xi32> to vector<1x1x1xi32>
    %reduce_sum3A_2071 = vector.extract %reduce_sum3A_2070[0, 0, 0] : i32 from vector<1x1x1xi32>
    %ge3A_2072 = vector.broadcast %or3A_2029 : i32 to vector<1024x128xi32>
    %ge3A_2073 = arith.cmpi uge, %select_n3A_1293, %ge3A_2072 : vector<1024x128xi32>
    %convert_element_type3A_2074 = arith.extui %ge3A_2073 : vector<1024x128xi1> to vector<1024x128xi32>
    %reduce_sum3A_2075 = vector.shape_cast %convert_element_type3A_2074 : vector<1024x128xi32> to vector<1x1024x128xi32>
    %reduce_sum3A_2076 = arith.constant dense<0> : vector<1xi32>
    %reduce_sum3A_2077 = vector.multi_reduction <add>, %reduce_sum3A_2075, %reduce_sum3A_2076 [1, 2] : vector<1x1024x128xi32> to vector<1xi32>
    %reduce_sum3A_2078 = vector.shape_cast %reduce_sum3A_2077 : vector<1xi32> to vector<1x1x1xi32>
    %reduce_sum3A_2079 = vector.extract %reduce_sum3A_2078[0, 0, 0] : i32 from vector<1x1x1xi32>
    %add3A_2080 = arith.addi %reduce_sum3A_2071, %reduce_sum3A_2079 : i32
    %ge3A_2081 = arith.constant 64 : i32
    %ge3A_2082 = arith.cmpi sge, %add3A_2046, %ge3A_2081 : i32
    %ge3A_2083 = arith.constant 64 : i32
    %ge3A_2084 = arith.cmpi sge, %add3A_2063, %ge3A_2083 : i32
    %ge3A_2085 = arith.constant 64 : i32
    %ge3A_2086 = arith.cmpi sge, %add3A_2080, %ge3A_2085 : i32
    %select_n3A_2087 = arith.select %ge3A_2086, %or3A_2029, %select_n3A_2023 : i32
    %select_n3A_2088 = arith.select %ge3A_2084, %or3A_2027, %select_n3A_2087 : i32
    %select_n3A_2089 = arith.select %ge3A_2082, %or3A_2025, %select_n3A_2088 : i32
    %or3A_2090 = arith.constant 192 : i32
    %or3A_2091 = arith.ori %select_n3A_2089, %or3A_2090 : i32
    %or3A_2092 = arith.constant 128 : i32
    %or3A_2093 = arith.ori %select_n3A_2089, %or3A_2092 : i32
    %or3A_2094 = arith.constant 64 : i32
    %or3A_2095 = arith.ori %select_n3A_2089, %or3A_2094 : i32
    %ge3A_2096 = vector.broadcast %or3A_2091 : i32 to vector<512x128xi32>
    %ge3A_2097 = arith.cmpi uge, %select_n3A_1280, %ge3A_2096 : vector<512x128xi32>
    %convert_element_type3A_2098 = arith.extui %ge3A_2097 : vector<512x128xi1> to vector<512x128xi32>
    %reduce_sum3A_2099 = vector.shape_cast %convert_element_type3A_2098 : vector<512x128xi32> to vector<1x512x128xi32>
    %reduce_sum3A_2100 = arith.constant dense<0> : vector<1xi32>
    %reduce_sum3A_2101 = vector.multi_reduction <add>, %reduce_sum3A_2099, %reduce_sum3A_2100 [1, 2] : vector<1x512x128xi32> to vector<1xi32>
    %reduce_sum3A_2102 = vector.shape_cast %reduce_sum3A_2101 : vector<1xi32> to vector<1x1x1xi32>
    %reduce_sum3A_2103 = vector.extract %reduce_sum3A_2102[0, 0, 0] : i32 from vector<1x1x1xi32>
    %ge3A_2104 = vector.broadcast %or3A_2091 : i32 to vector<1024x128xi32>
    %ge3A_2105 = arith.cmpi uge, %select_n3A_1293, %ge3A_2104 : vector<1024x128xi32>
    %convert_element_type3A_2106 = arith.extui %ge3A_2105 : vector<1024x128xi1> to vector<1024x128xi32>
    %reduce_sum3A_2107 = vector.shape_cast %convert_element_type3A_2106 : vector<1024x128xi32> to vector<1x1024x128xi32>
    %reduce_sum3A_2108 = arith.constant dense<0> : vector<1xi32>
    %reduce_sum3A_2109 = vector.multi_reduction <add>, %reduce_sum3A_2107, %reduce_sum3A_2108 [1, 2] : vector<1x1024x128xi32> to vector<1xi32>
    %reduce_sum3A_2110 = vector.shape_cast %reduce_sum3A_2109 : vector<1xi32> to vector<1x1x1xi32>
    %reduce_sum3A_2111 = vector.extract %reduce_sum3A_2110[0, 0, 0] : i32 from vector<1x1x1xi32>
    %add3A_2112 = arith.addi %reduce_sum3A_2103, %reduce_sum3A_2111 : i32
    %ge3A_2113 = vector.broadcast %or3A_2093 : i32 to vector<512x128xi32>
    %ge3A_2114 = arith.cmpi uge, %select_n3A_1280, %ge3A_2113 : vector<512x128xi32>
    %convert_element_type3A_2115 = arith.extui %ge3A_2114 : vector<512x128xi1> to vector<512x128xi32>
    %reduce_sum3A_2116 = vector.shape_cast %convert_element_type3A_2115 : vector<512x128xi32> to vector<1x512x128xi32>
    %reduce_sum3A_2117 = arith.constant dense<0> : vector<1xi32>
    %reduce_sum3A_2118 = vector.multi_reduction <add>, %reduce_sum3A_2116, %reduce_sum3A_2117 [1, 2] : vector<1x512x128xi32> to vector<1xi32>
    %reduce_sum3A_2119 = vector.shape_cast %reduce_sum3A_2118 : vector<1xi32> to vector<1x1x1xi32>
    %reduce_sum3A_2120 = vector.extract %reduce_sum3A_2119[0, 0, 0] : i32 from vector<1x1x1xi32>
    %ge3A_2121 = vector.broadcast %or3A_2093 : i32 to vector<1024x128xi32>
    %ge3A_2122 = arith.cmpi uge, %select_n3A_1293, %ge3A_2121 : vector<1024x128xi32>
    %convert_element_type3A_2123 = arith.extui %ge3A_2122 : vector<1024x128xi1> to vector<1024x128xi32>
    %reduce_sum3A_2124 = vector.shape_cast %convert_element_type3A_2123 : vector<1024x128xi32> to vector<1x1024x128xi32>
    %reduce_sum3A_2125 = arith.constant dense<0> : vector<1xi32>
    %reduce_sum3A_2126 = vector.multi_reduction <add>, %reduce_sum3A_2124, %reduce_sum3A_2125 [1, 2] : vector<1x1024x128xi32> to vector<1xi32>
    %reduce_sum3A_2127 = vector.shape_cast %reduce_sum3A_2126 : vector<1xi32> to vector<1x1x1xi32>
    %reduce_sum3A_2128 = vector.extract %reduce_sum3A_2127[0, 0, 0] : i32 from vector<1x1x1xi32>
    %add3A_2129 = arith.addi %reduce_sum3A_2120, %reduce_sum3A_2128 : i32
    %ge3A_2130 = vector.broadcast %or3A_2095 : i32 to vector<512x128xi32>
    %ge3A_2131 = arith.cmpi uge, %select_n3A_1280, %ge3A_2130 : vector<512x128xi32>
    %convert_element_type3A_2132 = arith.extui %ge3A_2131 : vector<512x128xi1> to vector<512x128xi32>
    %reduce_sum3A_2133 = vector.shape_cast %convert_element_type3A_2132 : vector<512x128xi32> to vector<1x512x128xi32>
    %reduce_sum3A_2134 = arith.constant dense<0> : vector<1xi32>
    %reduce_sum3A_2135 = vector.multi_reduction <add>, %reduce_sum3A_2133, %reduce_sum3A_2134 [1, 2] : vector<1x512x128xi32> to vector<1xi32>
    %reduce_sum3A_2136 = vector.shape_cast %reduce_sum3A_2135 : vector<1xi32> to vector<1x1x1xi32>
    %reduce_sum3A_2137 = vector.extract %reduce_sum3A_2136[0, 0, 0] : i32 from vector<1x1x1xi32>
    %ge3A_2138 = vector.broadcast %or3A_2095 : i32 to vector<1024x128xi32>
    %ge3A_2139 = arith.cmpi uge, %select_n3A_1293, %ge3A_2138 : vector<1024x128xi32>
    %convert_element_type3A_2140 = arith.extui %ge3A_2139 : vector<1024x128xi1> to vector<1024x128xi32>
    %reduce_sum3A_2141 = vector.shape_cast %convert_element_type3A_2140 : vector<1024x128xi32> to vector<1x1024x128xi32>
    %reduce_sum3A_2142 = arith.constant dense<0> : vector<1xi32>
    %reduce_sum3A_2143 = vector.multi_reduction <add>, %reduce_sum3A_2141, %reduce_sum3A_2142 [1, 2] : vector<1x1024x128xi32> to vector<1xi32>
    %reduce_sum3A_2144 = vector.shape_cast %reduce_sum3A_2143 : vector<1xi32> to vector<1x1x1xi32>
    %reduce_sum3A_2145 = vector.extract %reduce_sum3A_2144[0, 0, 0] : i32 from vector<1x1x1xi32>
    %add3A_2146 = arith.addi %reduce_sum3A_2137, %reduce_sum3A_2145 : i32
    %ge3A_2147 = arith.constant 64 : i32
    %ge3A_2148 = arith.cmpi sge, %add3A_2112, %ge3A_2147 : i32
    %ge3A_2149 = arith.constant 64 : i32
    %ge3A_2150 = arith.cmpi sge, %add3A_2129, %ge3A_2149 : i32
    %ge3A_2151 = arith.constant 64 : i32
    %ge3A_2152 = arith.cmpi sge, %add3A_2146, %ge3A_2151 : i32
    %select_n3A_2153 = arith.select %ge3A_2152, %or3A_2095, %select_n3A_2089 : i32
    %select_n3A_2154 = arith.select %ge3A_2150, %or3A_2093, %select_n3A_2153 : i32
    %select_n3A_2155 = arith.select %ge3A_2148, %or3A_2091, %select_n3A_2154 : i32
    %or3A_2156 = arith.constant 48 : i32
    %or3A_2157 = arith.ori %select_n3A_2155, %or3A_2156 : i32
    %or3A_2158 = arith.constant 32 : i32
    %or3A_2159 = arith.ori %select_n3A_2155, %or3A_2158 : i32
    %or3A_2160 = arith.constant 16 : i32
    %or3A_2161 = arith.ori %select_n3A_2155, %or3A_2160 : i32
    %ge3A_2162 = vector.broadcast %or3A_2157 : i32 to vector<512x128xi32>
    %ge3A_2163 = arith.cmpi uge, %select_n3A_1280, %ge3A_2162 : vector<512x128xi32>
    %convert_element_type3A_2164 = arith.extui %ge3A_2163 : vector<512x128xi1> to vector<512x128xi32>
    %reduce_sum3A_2165 = vector.shape_cast %convert_element_type3A_2164 : vector<512x128xi32> to vector<1x512x128xi32>
    %reduce_sum3A_2166 = arith.constant dense<0> : vector<1xi32>
    %reduce_sum3A_2167 = vector.multi_reduction <add>, %reduce_sum3A_2165, %reduce_sum3A_2166 [1, 2] : vector<1x512x128xi32> to vector<1xi32>
    %reduce_sum3A_2168 = vector.shape_cast %reduce_sum3A_2167 : vector<1xi32> to vector<1x1x1xi32>
    %reduce_sum3A_2169 = vector.extract %reduce_sum3A_2168[0, 0, 0] : i32 from vector<1x1x1xi32>
    %ge3A_2170 = vector.broadcast %or3A_2157 : i32 to vector<1024x128xi32>
    %ge3A_2171 = arith.cmpi uge, %select_n3A_1293, %ge3A_2170 : vector<1024x128xi32>
    %convert_element_type3A_2172 = arith.extui %ge3A_2171 : vector<1024x128xi1> to vector<1024x128xi32>
    %reduce_sum3A_2173 = vector.shape_cast %convert_element_type3A_2172 : vector<1024x128xi32> to vector<1x1024x128xi32>
    %reduce_sum3A_2174 = arith.constant dense<0> : vector<1xi32>
    %reduce_sum3A_2175 = vector.multi_reduction <add>, %reduce_sum3A_2173, %reduce_sum3A_2174 [1, 2] : vector<1x1024x128xi32> to vector<1xi32>
    %reduce_sum3A_2176 = vector.shape_cast %reduce_sum3A_2175 : vector<1xi32> to vector<1x1x1xi32>
    %reduce_sum3A_2177 = vector.extract %reduce_sum3A_2176[0, 0, 0] : i32 from vector<1x1x1xi32>
    %add3A_2178 = arith.addi %reduce_sum3A_2169, %reduce_sum3A_2177 : i32
    %ge3A_2179 = vector.broadcast %or3A_2159 : i32 to vector<512x128xi32>
    %ge3A_2180 = arith.cmpi uge, %select_n3A_1280, %ge3A_2179 : vector<512x128xi32>
    %convert_element_type3A_2181 = arith.extui %ge3A_2180 : vector<512x128xi1> to vector<512x128xi32>
    %reduce_sum3A_2182 = vector.shape_cast %convert_element_type3A_2181 : vector<512x128xi32> to vector<1x512x128xi32>
    %reduce_sum3A_2183 = arith.constant dense<0> : vector<1xi32>
    %reduce_sum3A_2184 = vector.multi_reduction <add>, %reduce_sum3A_2182, %reduce_sum3A_2183 [1, 2] : vector<1x512x128xi32> to vector<1xi32>
    %reduce_sum3A_2185 = vector.shape_cast %reduce_sum3A_2184 : vector<1xi32> to vector<1x1x1xi32>
    %reduce_sum3A_2186 = vector.extract %reduce_sum3A_2185[0, 0, 0] : i32 from vector<1x1x1xi32>
    %ge3A_2187 = vector.broadcast %or3A_2159 : i32 to vector<1024x128xi32>
    %ge3A_2188 = arith.cmpi uge, %select_n3A_1293, %ge3A_2187 : vector<1024x128xi32>
    %convert_element_type3A_2189 = arith.extui %ge3A_2188 : vector<1024x128xi1> to vector<1024x128xi32>
    %reduce_sum3A_2190 = vector.shape_cast %convert_element_type3A_2189 : vector<1024x128xi32> to vector<1x1024x128xi32>
    %reduce_sum3A_2191 = arith.constant dense<0> : vector<1xi32>
    %reduce_sum3A_2192 = vector.multi_reduction <add>, %reduce_sum3A_2190, %reduce_sum3A_2191 [1, 2] : vector<1x1024x128xi32> to vector<1xi32>
    %reduce_sum3A_2193 = vector.shape_cast %reduce_sum3A_2192 : vector<1xi32> to vector<1x1x1xi32>
    %reduce_sum3A_2194 = vector.extract %reduce_sum3A_2193[0, 0, 0] : i32 from vector<1x1x1xi32>
    %add3A_2195 = arith.addi %reduce_sum3A_2186, %reduce_sum3A_2194 : i32
    %ge3A_2196 = vector.broadcast %or3A_2161 : i32 to vector<512x128xi32>
    %ge3A_2197 = arith.cmpi uge, %select_n3A_1280, %ge3A_2196 : vector<512x128xi32>
    %convert_element_type3A_2198 = arith.extui %ge3A_2197 : vector<512x128xi1> to vector<512x128xi32>
    %reduce_sum3A_2199 = vector.shape_cast %convert_element_type3A_2198 : vector<512x128xi32> to vector<1x512x128xi32>
    %reduce_sum3A_2200 = arith.constant dense<0> : vector<1xi32>
    %reduce_sum3A_2201 = vector.multi_reduction <add>, %reduce_sum3A_2199, %reduce_sum3A_2200 [1, 2] : vector<1x512x128xi32> to vector<1xi32>
    %reduce_sum3A_2202 = vector.shape_cast %reduce_sum3A_2201 : vector<1xi32> to vector<1x1x1xi32>
    %reduce_sum3A_2203 = vector.extract %reduce_sum3A_2202[0, 0, 0] : i32 from vector<1x1x1xi32>
    %ge3A_2204 = vector.broadcast %or3A_2161 : i32 to vector<1024x128xi32>
    %ge3A_2205 = arith.cmpi uge, %select_n3A_1293, %ge3A_2204 : vector<1024x128xi32>
    %convert_element_type3A_2206 = arith.extui %ge3A_2205 : vector<1024x128xi1> to vector<1024x128xi32>
    %reduce_sum3A_2207 = vector.shape_cast %convert_element_type3A_2206 : vector<1024x128xi32> to vector<1x1024x128xi32>
    %reduce_sum3A_2208 = arith.constant dense<0> : vector<1xi32>
    %reduce_sum3A_2209 = vector.multi_reduction <add>, %reduce_sum3A_2207, %reduce_sum3A_2208 [1, 2] : vector<1x1024x128xi32> to vector<1xi32>
    %reduce_sum3A_2210 = vector.shape_cast %reduce_sum3A_2209 : vector<1xi32> to vector<1x1x1xi32>
    %reduce_sum3A_2211 = vector.extract %reduce_sum3A_2210[0, 0, 0] : i32 from vector<1x1x1xi32>
    %add3A_2212 = arith.addi %reduce_sum3A_2203, %reduce_sum3A_2211 : i32
    %ge3A_2213 = arith.constant 64 : i32
    %ge3A_2214 = arith.cmpi sge, %add3A_2178, %ge3A_2213 : i32
    %ge3A_2215 = arith.constant 64 : i32
    %ge3A_2216 = arith.cmpi sge, %add3A_2195, %ge3A_2215 : i32
    %ge3A_2217 = arith.constant 64 : i32
    %ge3A_2218 = arith.cmpi sge, %add3A_2212, %ge3A_2217 : i32
    %select_n3A_2219 = arith.select %ge3A_2218, %or3A_2161, %select_n3A_2155 : i32
    %select_n3A_2220 = arith.select %ge3A_2216, %or3A_2159, %select_n3A_2219 : i32
    %select_n3A_2221 = arith.select %ge3A_2214, %or3A_2157, %select_n3A_2220 : i32
    %or3A_2222 = arith.constant 12 : i32
    %or3A_2223 = arith.ori %select_n3A_2221, %or3A_2222 : i32
    %or3A_2224 = arith.constant 8 : i32
    %or3A_2225 = arith.ori %select_n3A_2221, %or3A_2224 : i32
    %or3A_2226 = arith.constant 4 : i32
    %or3A_2227 = arith.ori %select_n3A_2221, %or3A_2226 : i32
    %ge3A_2228 = vector.broadcast %or3A_2223 : i32 to vector<512x128xi32>
    %ge3A_2229 = arith.cmpi uge, %select_n3A_1280, %ge3A_2228 : vector<512x128xi32>
    %convert_element_type3A_2230 = arith.extui %ge3A_2229 : vector<512x128xi1> to vector<512x128xi32>
    %reduce_sum3A_2231 = vector.shape_cast %convert_element_type3A_2230 : vector<512x128xi32> to vector<1x512x128xi32>
    %reduce_sum3A_2232 = arith.constant dense<0> : vector<1xi32>
    %reduce_sum3A_2233 = vector.multi_reduction <add>, %reduce_sum3A_2231, %reduce_sum3A_2232 [1, 2] : vector<1x512x128xi32> to vector<1xi32>
    %reduce_sum3A_2234 = vector.shape_cast %reduce_sum3A_2233 : vector<1xi32> to vector<1x1x1xi32>
    %reduce_sum3A_2235 = vector.extract %reduce_sum3A_2234[0, 0, 0] : i32 from vector<1x1x1xi32>
    %ge3A_2236 = vector.broadcast %or3A_2223 : i32 to vector<1024x128xi32>
    %ge3A_2237 = arith.cmpi uge, %select_n3A_1293, %ge3A_2236 : vector<1024x128xi32>
    %convert_element_type3A_2238 = arith.extui %ge3A_2237 : vector<1024x128xi1> to vector<1024x128xi32>
    %reduce_sum3A_2239 = vector.shape_cast %convert_element_type3A_2238 : vector<1024x128xi32> to vector<1x1024x128xi32>
    %reduce_sum3A_2240 = arith.constant dense<0> : vector<1xi32>
    %reduce_sum3A_2241 = vector.multi_reduction <add>, %reduce_sum3A_2239, %reduce_sum3A_2240 [1, 2] : vector<1x1024x128xi32> to vector<1xi32>
    %reduce_sum3A_2242 = vector.shape_cast %reduce_sum3A_2241 : vector<1xi32> to vector<1x1x1xi32>
    %reduce_sum3A_2243 = vector.extract %reduce_sum3A_2242[0, 0, 0] : i32 from vector<1x1x1xi32>
    %add3A_2244 = arith.addi %reduce_sum3A_2235, %reduce_sum3A_2243 : i32
    %ge3A_2245 = vector.broadcast %or3A_2225 : i32 to vector<512x128xi32>
    %ge3A_2246 = arith.cmpi uge, %select_n3A_1280, %ge3A_2245 : vector<512x128xi32>
    %convert_element_type3A_2247 = arith.extui %ge3A_2246 : vector<512x128xi1> to vector<512x128xi32>
    %reduce_sum3A_2248 = vector.shape_cast %convert_element_type3A_2247 : vector<512x128xi32> to vector<1x512x128xi32>
    %reduce_sum3A_2249 = arith.constant dense<0> : vector<1xi32>
    %reduce_sum3A_2250 = vector.multi_reduction <add>, %reduce_sum3A_2248, %reduce_sum3A_2249 [1, 2] : vector<1x512x128xi32> to vector<1xi32>
    %reduce_sum3A_2251 = vector.shape_cast %reduce_sum3A_2250 : vector<1xi32> to vector<1x1x1xi32>
    %reduce_sum3A_2252 = vector.extract %reduce_sum3A_2251[0, 0, 0] : i32 from vector<1x1x1xi32>
    %ge3A_2253 = vector.broadcast %or3A_2225 : i32 to vector<1024x128xi32>
    %ge3A_2254 = arith.cmpi uge, %select_n3A_1293, %ge3A_2253 : vector<1024x128xi32>
    %convert_element_type3A_2255 = arith.extui %ge3A_2254 : vector<1024x128xi1> to vector<1024x128xi32>
    %reduce_sum3A_2256 = vector.shape_cast %convert_element_type3A_2255 : vector<1024x128xi32> to vector<1x1024x128xi32>
    %reduce_sum3A_2257 = arith.constant dense<0> : vector<1xi32>
    %reduce_sum3A_2258 = vector.multi_reduction <add>, %reduce_sum3A_2256, %reduce_sum3A_2257 [1, 2] : vector<1x1024x128xi32> to vector<1xi32>
    %reduce_sum3A_2259 = vector.shape_cast %reduce_sum3A_2258 : vector<1xi32> to vector<1x1x1xi32>
    %reduce_sum3A_2260 = vector.extract %reduce_sum3A_2259[0, 0, 0] : i32 from vector<1x1x1xi32>
    %add3A_2261 = arith.addi %reduce_sum3A_2252, %reduce_sum3A_2260 : i32
    %ge3A_2262 = vector.broadcast %or3A_2227 : i32 to vector<512x128xi32>
    %ge3A_2263 = arith.cmpi uge, %select_n3A_1280, %ge3A_2262 : vector<512x128xi32>
    %convert_element_type3A_2264 = arith.extui %ge3A_2263 : vector<512x128xi1> to vector<512x128xi32>
    %reduce_sum3A_2265 = vector.shape_cast %convert_element_type3A_2264 : vector<512x128xi32> to vector<1x512x128xi32>
    %reduce_sum3A_2266 = arith.constant dense<0> : vector<1xi32>
    %reduce_sum3A_2267 = vector.multi_reduction <add>, %reduce_sum3A_2265, %reduce_sum3A_2266 [1, 2] : vector<1x512x128xi32> to vector<1xi32>
    %reduce_sum3A_2268 = vector.shape_cast %reduce_sum3A_2267 : vector<1xi32> to vector<1x1x1xi32>
    %reduce_sum3A_2269 = vector.extract %reduce_sum3A_2268[0, 0, 0] : i32 from vector<1x1x1xi32>
    %ge3A_2270 = vector.broadcast %or3A_2227 : i32 to vector<1024x128xi32>
    %ge3A_2271 = arith.cmpi uge, %select_n3A_1293, %ge3A_2270 : vector<1024x128xi32>
    %convert_element_type3A_2272 = arith.extui %ge3A_2271 : vector<1024x128xi1> to vector<1024x128xi32>
    %reduce_sum3A_2273 = vector.shape_cast %convert_element_type3A_2272 : vector<1024x128xi32> to vector<1x1024x128xi32>
    %reduce_sum3A_2274 = arith.constant dense<0> : vector<1xi32>
    %reduce_sum3A_2275 = vector.multi_reduction <add>, %reduce_sum3A_2273, %reduce_sum3A_2274 [1, 2] : vector<1x1024x128xi32> to vector<1xi32>
    %reduce_sum3A_2276 = vector.shape_cast %reduce_sum3A_2275 : vector<1xi32> to vector<1x1x1xi32>
    %reduce_sum3A_2277 = vector.extract %reduce_sum3A_2276[0, 0, 0] : i32 from vector<1x1x1xi32>
    %add3A_2278 = arith.addi %reduce_sum3A_2269, %reduce_sum3A_2277 : i32
    %ge3A_2279 = arith.constant 64 : i32
    %ge3A_2280 = arith.cmpi sge, %add3A_2244, %ge3A_2279 : i32
    %ge3A_2281 = arith.constant 64 : i32
    %ge3A_2282 = arith.cmpi sge, %add3A_2261, %ge3A_2281 : i32
    %ge3A_2283 = arith.constant 64 : i32
    %ge3A_2284 = arith.cmpi sge, %add3A_2278, %ge3A_2283 : i32
    %select_n3A_2285 = arith.select %ge3A_2284, %or3A_2227, %select_n3A_2221 : i32
    %select_n3A_2286 = arith.select %ge3A_2282, %or3A_2225, %select_n3A_2285 : i32
    %select_n3A_2287 = arith.select %ge3A_2280, %or3A_2223, %select_n3A_2286 : i32
    %or3A_2288 = arith.constant 3 : i32
    %or3A_2289 = arith.ori %select_n3A_2287, %or3A_2288 : i32
    %or3A_2290 = arith.constant 2 : i32
    %or3A_2291 = arith.ori %select_n3A_2287, %or3A_2290 : i32
    %or3A_2292 = arith.constant 1 : i32
    %or3A_2293 = arith.ori %select_n3A_2287, %or3A_2292 : i32
    %ge3A_2294 = vector.broadcast %or3A_2289 : i32 to vector<512x128xi32>
    %ge3A_2295 = arith.cmpi uge, %select_n3A_1280, %ge3A_2294 : vector<512x128xi32>
    %convert_element_type3A_2296 = arith.extui %ge3A_2295 : vector<512x128xi1> to vector<512x128xi32>
    %reduce_sum3A_2297 = vector.shape_cast %convert_element_type3A_2296 : vector<512x128xi32> to vector<1x512x128xi32>
    %reduce_sum3A_2298 = arith.constant dense<0> : vector<1xi32>
    %reduce_sum3A_2299 = vector.multi_reduction <add>, %reduce_sum3A_2297, %reduce_sum3A_2298 [1, 2] : vector<1x512x128xi32> to vector<1xi32>
    %reduce_sum3A_2300 = vector.shape_cast %reduce_sum3A_2299 : vector<1xi32> to vector<1x1x1xi32>
    %reduce_sum3A_2301 = vector.extract %reduce_sum3A_2300[0, 0, 0] : i32 from vector<1x1x1xi32>
    %ge3A_2302 = vector.broadcast %or3A_2289 : i32 to vector<1024x128xi32>
    %ge3A_2303 = arith.cmpi uge, %select_n3A_1293, %ge3A_2302 : vector<1024x128xi32>
    %convert_element_type3A_2304 = arith.extui %ge3A_2303 : vector<1024x128xi1> to vector<1024x128xi32>
    %reduce_sum3A_2305 = vector.shape_cast %convert_element_type3A_2304 : vector<1024x128xi32> to vector<1x1024x128xi32>
    %reduce_sum3A_2306 = arith.constant dense<0> : vector<1xi32>
    %reduce_sum3A_2307 = vector.multi_reduction <add>, %reduce_sum3A_2305, %reduce_sum3A_2306 [1, 2] : vector<1x1024x128xi32> to vector<1xi32>
    %reduce_sum3A_2308 = vector.shape_cast %reduce_sum3A_2307 : vector<1xi32> to vector<1x1x1xi32>
    %reduce_sum3A_2309 = vector.extract %reduce_sum3A_2308[0, 0, 0] : i32 from vector<1x1x1xi32>
    %add3A_2310 = arith.addi %reduce_sum3A_2301, %reduce_sum3A_2309 : i32
    %ge3A_2311 = vector.broadcast %or3A_2291 : i32 to vector<512x128xi32>
    %ge3A_2312 = arith.cmpi uge, %select_n3A_1280, %ge3A_2311 : vector<512x128xi32>
    %convert_element_type3A_2313 = arith.extui %ge3A_2312 : vector<512x128xi1> to vector<512x128xi32>
    %reduce_sum3A_2314 = vector.shape_cast %convert_element_type3A_2313 : vector<512x128xi32> to vector<1x512x128xi32>
    %reduce_sum3A_2315 = arith.constant dense<0> : vector<1xi32>
    %reduce_sum3A_2316 = vector.multi_reduction <add>, %reduce_sum3A_2314, %reduce_sum3A_2315 [1, 2] : vector<1x512x128xi32> to vector<1xi32>
    %reduce_sum3A_2317 = vector.shape_cast %reduce_sum3A_2316 : vector<1xi32> to vector<1x1x1xi32>
    %reduce_sum3A_2318 = vector.extract %reduce_sum3A_2317[0, 0, 0] : i32 from vector<1x1x1xi32>
    %ge3A_2319 = vector.broadcast %or3A_2291 : i32 to vector<1024x128xi32>
    %ge3A_2320 = arith.cmpi uge, %select_n3A_1293, %ge3A_2319 : vector<1024x128xi32>
    %convert_element_type3A_2321 = arith.extui %ge3A_2320 : vector<1024x128xi1> to vector<1024x128xi32>
    %reduce_sum3A_2322 = vector.shape_cast %convert_element_type3A_2321 : vector<1024x128xi32> to vector<1x1024x128xi32>
    %reduce_sum3A_2323 = arith.constant dense<0> : vector<1xi32>
    %reduce_sum3A_2324 = vector.multi_reduction <add>, %reduce_sum3A_2322, %reduce_sum3A_2323 [1, 2] : vector<1x1024x128xi32> to vector<1xi32>
    %reduce_sum3A_2325 = vector.shape_cast %reduce_sum3A_2324 : vector<1xi32> to vector<1x1x1xi32>
    %reduce_sum3A_2326 = vector.extract %reduce_sum3A_2325[0, 0, 0] : i32 from vector<1x1x1xi32>
    %add3A_2327 = arith.addi %reduce_sum3A_2318, %reduce_sum3A_2326 : i32
    %ge3A_2328 = vector.broadcast %or3A_2293 : i32 to vector<512x128xi32>
    %ge3A_2329 = arith.cmpi uge, %select_n3A_1280, %ge3A_2328 : vector<512x128xi32>
    %convert_element_type3A_2330 = arith.extui %ge3A_2329 : vector<512x128xi1> to vector<512x128xi32>
    %reduce_sum3A_2331 = vector.shape_cast %convert_element_type3A_2330 : vector<512x128xi32> to vector<1x512x128xi32>
    %reduce_sum3A_2332 = arith.constant dense<0> : vector<1xi32>
    %reduce_sum3A_2333 = vector.multi_reduction <add>, %reduce_sum3A_2331, %reduce_sum3A_2332 [1, 2] : vector<1x512x128xi32> to vector<1xi32>
    %reduce_sum3A_2334 = vector.shape_cast %reduce_sum3A_2333 : vector<1xi32> to vector<1x1x1xi32>
    %reduce_sum3A_2335 = vector.extract %reduce_sum3A_2334[0, 0, 0] : i32 from vector<1x1x1xi32>
    %ge3A_2336 = vector.broadcast %or3A_2293 : i32 to vector<1024x128xi32>
    %ge3A_2337 = arith.cmpi uge, %select_n3A_1293, %ge3A_2336 : vector<1024x128xi32>
    %convert_element_type3A_2338 = arith.extui %ge3A_2337 : vector<1024x128xi1> to vector<1024x128xi32>
    %reduce_sum3A_2339 = vector.shape_cast %convert_element_type3A_2338 : vector<1024x128xi32> to vector<1x1024x128xi32>
    %reduce_sum3A_2340 = arith.constant dense<0> : vector<1xi32>
    %reduce_sum3A_2341 = vector.multi_reduction <add>, %reduce_sum3A_2339, %reduce_sum3A_2340 [1, 2] : vector<1x1024x128xi32> to vector<1xi32>
    %reduce_sum3A_2342 = vector.shape_cast %reduce_sum3A_2341 : vector<1xi32> to vector<1x1x1xi32>
    %reduce_sum3A_2343 = vector.extract %reduce_sum3A_2342[0, 0, 0] : i32 from vector<1x1x1xi32>
    %add3A_2344 = arith.addi %reduce_sum3A_2335, %reduce_sum3A_2343 : i32
    %ge3A_2345 = arith.constant 64 : i32
    %ge3A_2346 = arith.cmpi sge, %add3A_2310, %ge3A_2345 : i32
    %ge3A_2347 = arith.constant 64 : i32
    %ge3A_2348 = arith.cmpi sge, %add3A_2327, %ge3A_2347 : i32
    %ge3A_2349 = arith.constant 64 : i32
    %ge3A_2350 = arith.cmpi sge, %add3A_2344, %ge3A_2349 : i32
    %select_n3A_2351 = arith.select %ge3A_2350, %or3A_2293, %select_n3A_2287 : i32
    %select_n3A_2352 = arith.select %ge3A_2348, %or3A_2291, %select_n3A_2351 : i32
    %select_n3A_2353 = arith.select %ge3A_2346, %or3A_2289, %select_n3A_2352 : i32
    %lt3A_2354 = arith.constant -2147483648 : i32
    %lt3A_2355 = arith.cmpi ult, %select_n3A_2353, %lt3A_2354 : i32
    %not3A_2356 = arith.constant -1 : i32
    %not3A_2357 = arith.xori %select_n3A_2353, %not3A_2356 : i32
    %xor3A_2358 = arith.constant -2147483648 : i32
    %xor3A_2359 = arith.xori %select_n3A_2353, %xor3A_2358 : i32
    %select_n3A_2360 = arith.select %lt3A_2355, %not3A_2357, %xor3A_2359 : i32
    %bitcast_convert_type3A_2361 = arith.bitcast %select_n3A_2360 : i32 to f32
    %add3A_2362 = arith.constant 3.000000e-01 : f32
    %add3A_2363 = arith.addf %div3A_1267, %add3A_2362 : f32
    %sub3A_2364 = arith.constant 1.000000e+00 : f32
    %sub3A_2365 = vector.broadcast %sub3A_2364 : f32 to vector<512x128xf32>
    %sub3A_2366 = arith.subf %sub3A_2365, %get3A_1 : vector<512x128xf32>
    %sub3A_2367 = vector.broadcast %add3A_2363 : f32 to vector<512x128xf32>
    %sub3A_2368 = arith.subf %sub3A_2367, %sub3A_2366 : vector<512x128xf32>
    %max3A_2369 = arith.constant 0.000000e+00 : f32
    %max3A_2370 = vector.broadcast %max3A_2369 : f32 to vector<512x128xf32>
    %max3A_2371 = arith.maximumf %sub3A_2368, %max3A_2370 : vector<512x128xf32>
    %sub3A_2372 = arith.constant 1.000000e+00 : f32
    %sub3A_2373 = vector.broadcast %sub3A_2372 : f32 to vector<1024x128xf32>
    %sub3A_2374 = arith.subf %sub3A_2373, %div3A_79 : vector<1024x128xf32>
    %sub3A_2375 = vector.broadcast %add3A_2363 : f32 to vector<1024x128xf32>
    %sub3A_2376 = arith.subf %sub3A_2375, %sub3A_2374 : vector<1024x128xf32>
    %max3A_2377 = arith.constant 0.000000e+00 : f32
    %max3A_2378 = vector.broadcast %max3A_2377 : f32 to vector<1024x128xf32>
    %max3A_2379 = arith.maximumf %sub3A_2376, %max3A_2378 : vector<1024x128xf32>
    %gt3A_2380 = vector.broadcast %bitcast_convert_type3A_2361 : f32 to vector<512x128xf32>
    %gt3A_2381 = arith.cmpf ogt, %get3A_1, %gt3A_2380 : vector<512x128xf32>
    %and3A_2382 = arith.andi %lt3A_154, %gt3A_2381 : vector<512x128xi1>
    %gt3A_2383 = vector.broadcast %bitcast_convert_type3A_2361 : f32 to vector<1024x128xf32>
    %gt3A_2384 = arith.cmpf ogt, %div3A_79, %gt3A_2383 : vector<1024x128xf32>
    %and3A_2385 = arith.andi %and3A_142, %gt3A_2384 : vector<1024x128xi1>
    %convert_element_type3A_2386 = arith.extui %and3A_2382 : vector<512x128xi1> to vector<512x128xi32>
    %reduce_sum3A_2387 = vector.shape_cast %convert_element_type3A_2386 : vector<512x128xi32> to vector<1x512x128xi32>
    %reduce_sum3A_2388 = arith.constant dense<0> : vector<1xi32>
    %reduce_sum3A_2389 = vector.multi_reduction <add>, %reduce_sum3A_2387, %reduce_sum3A_2388 [1, 2] : vector<1x512x128xi32> to vector<1xi32>
    %reduce_sum3A_2390 = vector.shape_cast %reduce_sum3A_2389 : vector<1xi32> to vector<1x1x1xi32>
    %reduce_sum3A_2391 = vector.extract %reduce_sum3A_2390[0, 0, 0] : i32 from vector<1x1x1xi32>
    %convert_element_type3A_2392 = arith.extui %and3A_2385 : vector<1024x128xi1> to vector<1024x128xi32>
    %reduce_sum3A_2393 = vector.shape_cast %convert_element_type3A_2392 : vector<1024x128xi32> to vector<1x1024x128xi32>
    %reduce_sum3A_2394 = arith.constant dense<0> : vector<1xi32>
    %reduce_sum3A_2395 = vector.multi_reduction <add>, %reduce_sum3A_2393, %reduce_sum3A_2394 [1, 2] : vector<1x1024x128xi32> to vector<1xi32>
    %reduce_sum3A_2396 = vector.shape_cast %reduce_sum3A_2395 : vector<1xi32> to vector<1x1x1xi32>
    %reduce_sum3A_2397 = vector.extract %reduce_sum3A_2396[0, 0, 0] : i32 from vector<1x1x1xi32>
    %add3A_2398 = arith.addi %reduce_sum3A_2391, %reduce_sum3A_2397 : i32
    %jit3A_2399 = arith.constant 0.000000e+00 : f32
    %broadcast_in_dim3A_2400 = vector.broadcast %jit3A_2399 : f32 to vector<512x128xf32>
    %select_n3A_2401 = arith.select %and3A_2382, %max3A_2371, %broadcast_in_dim3A_2400 : vector<512x128xi1>, vector<512x128xf32>
    %reduce_sum3A_2402 = vector.shape_cast %select_n3A_2401 : vector<512x128xf32> to vector<1x512x128xf32>
    %reduce_sum3A_2403 = arith.constant dense<0.000000e+00> : vector<1xf32>
    %reduce_sum3A_2404 = vector.multi_reduction <add>, %reduce_sum3A_2402, %reduce_sum3A_2403 [1, 2] : vector<1x512x128xf32> to vector<1xf32>
    %reduce_sum3A_2405 = vector.shape_cast %reduce_sum3A_2404 : vector<1xf32> to vector<1x1x1xf32>
    %reduce_sum3A_2406 = vector.extract %reduce_sum3A_2405[0, 0, 0] : f32 from vector<1x1x1xf32>
    %jit3A_2407 = arith.constant 0.000000e+00 : f32
    %broadcast_in_dim3A_2408 = vector.broadcast %jit3A_2407 : f32 to vector<1024x128xf32>
    %select_n3A_2409 = arith.select %and3A_2385, %max3A_2379, %broadcast_in_dim3A_2408 : vector<1024x128xi1>, vector<1024x128xf32>
    %reduce_sum3A_2410 = vector.shape_cast %select_n3A_2409 : vector<1024x128xf32> to vector<1x1024x128xf32>
    %reduce_sum3A_2411 = arith.constant dense<0.000000e+00> : vector<1xf32>
    %reduce_sum3A_2412 = vector.multi_reduction <add>, %reduce_sum3A_2410, %reduce_sum3A_2411 [1, 2] : vector<1x1024x128xf32> to vector<1xf32>
    %reduce_sum3A_2413 = vector.shape_cast %reduce_sum3A_2412 : vector<1xf32> to vector<1x1x1xf32>
    %reduce_sum3A_2414 = vector.extract %reduce_sum3A_2413[0, 0, 0] : f32 from vector<1x1x1xf32>
    %add3A_2415 = arith.addf %reduce_sum3A_2406, %reduce_sum3A_2414 : f32
    %sub3A_2416 = arith.constant 1.000000e+00 : f32
    %sub3A_2417 = arith.subf %sub3A_2416, %bitcast_convert_type3A_2361 : f32
    %sub3A_2418 = arith.subf %add3A_2363, %sub3A_2417 : f32
    %max3A_2419 = arith.constant 0.000000e+00 : f32
    %max3A_2420 = arith.maximumf %sub3A_2418, %max3A_2419 : f32
    %sub3A_2421 = arith.constant 64 : i32
    %sub3A_2422 = arith.subi %sub3A_2421, %add3A_2398 : i32
    %convert_element_type3A_2423 = arith.sitofp %sub3A_2422 : i32 to f32
    %mul3A_2424 = arith.mulf %convert_element_type3A_2423, %max3A_2420 : f32
    %add3A_2425 = arith.addf %add3A_2415, %mul3A_2424 : f32
    %div3A_2426 = arith.constant 6.400000e+01 : f32
    %div3A_2427 = arith.divf %add3A_2425, %div3A_2426 : f32
    %reshape3A = vector.broadcast %div3A_2427 : f32 to vector<1x1xf32>
    %swap3A = arith.constant 0 : index
    %swap3A_2428 = arith.constant 0 : index
    %swap3A_2429 = vector.load %arg5[%swap3A, %swap3A_2428] : memref<1x1xf32, #tpu.memory_space<vmem>>, vector<1x1xf32>
    tpu.vector_store %arg5[%swap3A, %swap3A_2428], %reshape3A {strides = array<i32>} : memref<1x1xf32, #tpu.memory_space<vmem>>, vector<1x1xf32>,
    return
  }
  func.func @transform_0(%arg0: i32) -> (i32, i32) {
    %c0_i32 = arith.constant 0 : i32
    %c0_i32_0 = arith.constant 0 : i32
    %c0_i32_1 = arith.constant 0 : i32
    return %c0_i32, %c0_i32_0 : i32, i32
  }
  func.func @transform_1(%arg0: i32) -> (i32, i32) {
    %c0_i32 = arith.constant 0 : i32
    %c0_i32_0 = arith.constant 0 : i32
    %c0_i32_1 = arith.constant 0 : i32
    return %c0_i32, %c0_i32_0 : i32, i32
  }
  func.func @transform_2(%arg0: i32) -> (i32, i32) {
    %c0_i32 = arith.constant 0 : i32
    %c0_i32_0 = arith.constant 0 : i32
    %c0_i32_1 = arith.constant 0 : i32
    return %c0_i32, %c0_i32_0 : i32, i32
  }
  func.func @transform_3(%arg0: i32) -> (i32, i32) {
    %c0_i32 = arith.constant 0 : i32
    %c0_i32_0 = arith.constant 0 : i32
    %c0_i32_1 = arith.constant 0 : i32
    return %c0_i32, %c0_i32_0 : i32, i32
  }
  func.func @transform_4(%arg0: i32) -> (i32, i32) {
    %c0_i32 = arith.constant 0 : i32
    %c0_i32_0 = arith.constant 0 : i32
    %c0_i32_1 = arith.constant 0 : i32
    return %c0_i32, %c0_i32_0 : i32, i32
  }
}

</mosaic_0001>

<sc_bundles>
// kernel: kernel.5.cloned.1.call-start
scs
__scs_entry_jumppad:
0x0: {  	(pc) =	sbr.rel $0x88, $3  }
0x1: {  	(tag) =	ssettag $0x0;
	lr =	simm.s32 $0x1  }
0x2: {  	[smem:$0x3FA0] =	sst lr;
	_ =	strace $0xD0000000  }
0x3: {  	_ = 	snop  }
0x4: {  	_ = 	snop  }
0x5: {  	_ = 	snop  }
0x6: {  	_ = 	snop  }
0x7: {  	_ = 	snop  }
__scs_overlays_trampoline_lowered:
0x8: {  	[smem:$0x3FAF] =	sst s0  }
0x9: {  	[smem:$0x3FB0] =	sst s1  }
0xa: {  	[smem:$0x3FB1] =	sst s2  }
0xb: {  	[smem:$0x3FB2] =	sst s3  }
0xc: {  	[smem:$0x3FB3] =	sst s4  }
0xd: {  	[smem:$0x3FB4] =	sst s5  }
0xe: {  	[smem:$0x3FB5] =	sst s6  }
0xf: {  	[smem:$0x3FB6] =	sst s7  }
0x10: {  	[smem:$0x3FB7] =	sst s8  }
0x11: {  	[smem:$0x3FB8] =	sst s9;
	s0 =	simm.s32 @!p0 $0x0  }
0x12: {  	s1 =	sld [smem:$0x3F9E];
	s0 =	simm.s32 @p0 $0x1  }
0x13: {  	[smem:$0x3FB9] =	sst s0;
	s0 =	simm.s32 @!p1 $0x0  }
0x14: {  	s2 =	sld [smem:$0x3F9D];
	s0 =	simm.s32 @p1 $0x1  }
0x15: {  	[smem:$0x3FBA] =	sst s0;
	s0 =	simm.s32 @!p2 $0x0  }
0x16: {  	s3 =	sld [smem:$0x3FDB];
	s0 =	simm.s32 @p2 $0x1  }
0x17: {  	s4 =	simm.s32 $0x1BF5;
	[smem:$0x3FBC] =	sst s0  }
0x18: {  	s0 =	sld [smem:$0x3F9F];
	_ =	swait.ge [sflag:s4], $0x0  }
0x19: {  	s7 =	sld [smem:$0x3FA0]  }
0x1a: {  	s8 =	sadd.s32 $0xFFFFE003, lr  }
0x1b: {  	s9 =	sadd.s32 $0xFFFFFEF7, lr;
	s5 =	simm.s32 $0xFFFFFFFF;
	p2 =	slt.u32 s8, $0xFFFFF086  }
0x1c: {  	p1 =	slt.u32 s9, $0xF7A;
	s5 =	simm.s32 @!p2 $0x0  }
0x1d: {  	s5 =	simm.s32 @p1 $0x1;
	p0 =	seq.s32 s7, s2  }
0x1e: {  	s7 =	smul.u32 @!p0 $0xF7A, s2;
	p2 =	seq.s32 @!p0 s5, $0x0  }
0x1f: {  	s9 =	smul.u32 $0xF7A, s1;
	s8 =	simm.s32 @!p0 $0x1BF5;
	p2 =	por !p2, p0  }
0x20: {  	[sflag:s8] =	ssyncset.s32 @!p0 $0xFFFFF086;
	s6 =	sadd.s32 @!p0 s3, s7;
	s7 =	simm.s32 @!p0 $0x108  }
0x21: {  	s3 =	sadd.s32 s3, s9;
	s6 =	sadd.s32 @!p0 $0x88, s6;
	s7 =	simm.s32 @p2 $0x1082  }
0x22: {  	[simem:s7], [sflag:s8] =	dma.local @!p0 [hbm:s6], $0xF7A  }
0x23: {  	s9 =	sor.u32 $0xD0000000, s2;
	s6 =	simm.s32 $0x108;
	_ =	swait.ge @!p0 [sflag:s8], $0x0  }
0x24: {  	s3 =	sadd.s32 $0x88, s3;
	s6 =	simm.s32 @!p1 $0x1082;
	[sflag:s4] =	ssyncset.s32 $0xFFFFF086  }
0x25: {  	[simem:s6], [sflag:s4] =	dma.local [hbm:s3], $0xF7A  }
0x26: {  	[smem:$0x3FA0] =	sst s1;
	(tag) =	ssettag s2;
	_ =	strace s9  }
0x27: {  	s1 =	sld [smem:$0x3FB0]  }
0x28: {  	s2 =	sld [smem:$0x3FB1]  }
0x29: {  	s4 =	sld [smem:$0x3FB3]  }
0x2a: {  	p0 =	seq.s32 s5, $0x0;
	s5 =	sld [smem:$0x3FB4]  }
0x2b: {  	s6 =	sld [smem:$0x3FB5]  }
0x2c: {  	s7 =	sld [smem:$0x3FB6]  }
0x2d: {  	s3 =	simm.s32 $0x108;
	s8 =	sld [smem:$0x3FB7]  }
0x2e: {  	s3 =	simm.s32 @!p0 $0x1082;
	s9 =	sld [smem:$0x3FB8]  }
0x2f: {  	lr =	sadd.s32 s0, s3;
	s0 =	sld [smem:$0x3FAF]  }
0x30: {  	s3 =	sld [smem:$0x3FB2]  }
0x31: {  	[smem:$0x3FBB] =	sst s10  }
0x32: {  	s10 =	sld [smem:$0x3FB9];
	_ =	sdelay $0x3  }
0x33: {  	p0 =	seq.s32 s10, $0x1;
	s10 =	sld [smem:$0x3FBB];
	_ =	sdelay $0x3  }
0x34: {  	[smem:$0x3FBB] =	sst s10  }
0x35: {  	s10 =	sld [smem:$0x3FBA];
	_ =	sdelay $0x3  }
0x36: {  	p1 =	seq.s32 s10, $0x1;
	s10 =	sld [smem:$0x3FBB];
	_ =	sdelay $0x3  }
0x37: {  	[smem:$0x3FBB] =	sst s10  }
0x38: {  	s10 =	sld [smem:$0x3FBC]  }
0x39: {  	_ = 	snop;
	(pc) =	sbr.ind lr, $3  }
0x3a: {  	_ = 	snop  }
0x3b: {  	_ = 	snop  }
0x3c: {  	p2 =	seq.s32 s10, $0x1;
	s10 =	sld [smem:$0x3FBB]  }
0x3d: {  	_ =	shalt  }
0x3e: {  	_ =	shalt  }
0x3f: {  	_ =	shalt  }
0x40: {  	_ =	shalt  }
0x41: {  	_ =	shalt  }
0x42: {  	_ =	shalt  }
0x43: {  	_ =	shalt  }
0x44: {  	_ =	shalt  }
0x45: {  	_ =	shalt  }
0x46: {  	_ =	shalt  }
0x47: {  	_ =	shalt  }
0x48: {  	_ =	shalt  }
0x49: {  	_ =	shalt  }
0x4a: {  	_ =	shalt  }
0x4b: {  	_ =	shalt  }
0x4c: {  	_ =	shalt  }
0x4d: {  	_ =	shalt  }
0x4e: {  	_ =	shalt  }
0x4f: {  	_ =	shalt  }
0x50: {  	_ =	shalt  }
0x51: {  	_ =	shalt  }
0x52: {  	_ =	shalt  }
0x53: {  	_ =	shalt  }
0x54: {  	_ =	shalt  }
0x55: {  	_ =	shalt  }
0x56: {  	_ =	shalt  }
0x57: {  	_ =	shalt  }
0x58: {  	_ =	shalt  }
0x59: {  	_ =	shalt  }
0x5a: {  	_ =	shalt  }
0x5b: {  	_ =	shalt  }
0x5c: {  	_ =	shalt  }
0x5d: {  	_ =	shalt  }
0x5e: {  	_ =	shalt  }
0x5f: {  	_ =	shalt  }
0x60: {  	_ =	shalt  }
0x61: {  	_ =	shalt  }
0x62: {  	_ =	shalt  }
0x63: {  	_ =	shalt  }
0x64: {  	_ =	shalt  }
0x65: {  	_ =	shalt  }
0x66: {  	_ =	shalt  }
0x67: {  	_ =	shalt  }
0x68: {  	_ =	shalt  }
0x69: {  	_ =	shalt  }
0x6a: {  	_ =	shalt  }
0x6b: {  	_ =	shalt  }
0x6c: {  	_ =	shalt  }
0x6d: {  	_ =	shalt  }
0x6e: {  	_ =	shalt  }
0x6f: {  	_ =	shalt  }
0x70: {  	_ =	shalt  }
0x71: {  	_ =	shalt  }
0x72: {  	_ =	shalt  }
0x73: {  	_ =	shalt  }
0x74: {  	_ =	shalt  }
0x75: {  	_ =	shalt  }
0x76: {  	_ =	shalt  }
0x77: {  	_ =	shalt  }
0x78: {  	_ =	shalt  }
0x79: {  	_ =	shalt  }
0x7a: {  	_ =	shalt  }
0x7b: {  	_ =	shalt  }
0x7c: {  	_ =	shalt  }
0x7d: {  	_ =	shalt  }
0x7e: {  	_ =	shalt  }
0x7f: {  	_ =	shalt  }
0x80: {  	_ =	shalt  }
0x81: {  	_ =	shalt  }
0x82: {  	_ =	shalt  }
0x83: {  	_ =	shalt  }
0x84: {  	_ =	shalt  }
0x85: {  	_ =	shalt  }
0x86: {  	_ =	shalt  }
0x87: {  	_ =	shalt  }
.Lfunc_end0:
.L_simem_size_0:
called_computation_lowered:
.L_overlay_start_0:
0x88: {  	s2 =	sld [smem:$0x3FD9]  }
0x89: {  	s3 =	sld [smem:$0x3FFE];
	_ =	sdelay $0x1  }
0x8a: {  	s1 =	srdreg.scid  }
0x8b: {  	s0 =	sand.u32 $0x1, s1  }
0x8c: {  	s17 =	sshll.u32 s0, $0xA;
	s2 =	sadd.s32 s3, s2  }
0x8d: {  	s2 =	sadd.s32 s2, s17  }
0x8e: {  	[smem:$0x3FC7] =	sst s2  }
0x8f: {  	_ = 	snop  }
0x90: {  	s2 =	sld [smem:$0x3FC9];
	(tm) =	ssettm $0x1  }
0x91: {  	s18 =	sld [smem:$0x3FFB];
	_ =	sdelay $0x3  }
0x92: {  	_ =	strace s18  }
0x93: {  	s3 =	sld [smem:$0x3FFC];
	_ =	sdelay $0x3  }
0x94: {  	_ =	strace s3  }
0x95: {  	s3 =	sld [smem:$0x3FFD];
	_ =	sdelay $0x3  }
0x96: {  	_ =	strace s3  }
0x97: {  	_ =	strace $0x8FFFFFFF  }
0x98: {  	s19 =	sld [smem:$0x3FDB];
	_ =	sdelay $0x1  }
0x99: {  	s4 =	simm.s32 $_scs_section_size  }
0x9a: {  	s5 =	simm.s32 $_size__tile_overlayer_lowered;
	s6 =	simm.s32 $_tile_overlayer_lowered  }
0x9b: {  	s22 =	simm.s32 $0x1BFF;
	s21 =	sshll.u32 s6, $0x1;
	s3 =	sadd.s32 s4, s19  }
0x9c: {  	s7 =	simm.s32 $0x0;
	s20 =	sshll.u32 s5, $0x1;
	s5 =	sadd.s32 s21, s3  }
0x9d: {  	[timem:s7], [sflag:s22] =	dma.local [hbm:s5], s20  }
0x9e: {  	_ =	swait.ge [sflag:s22], s20  }
0x9f: {  	s4 =	ssub.s32 $0x0, s20;
	[sflag:s22] =	ssyncset.done $0x0  }
0xa0: {  	[sflag:s22] =	ssyncadd.s32 s4;
	_ =	sdelay $0x1  }
0xa1: {  	s23 =	simm.s32 $0x1B8B  }
0xa2: {  	_ =	swait.ge [sflag:s23], $0x1  }
0xa3: {  	[sflag:s23] =	ssyncset.done $0x0  }
0xa4: {  	s25 =	simm.s32 $0x1B8E;
	s24 =	sld [smem:$0x3FFE];
	[sflag:s23] =	ssyncadd.s32 $0xFFFFFFFF  }
0xa5: {  	s26 =	simm.s32 $execute0_lowered;
	[smem:$0x3FD2] =	sst s25  }
0xa6: {  	s5 =	sshll.u32 s26, $0x1;
	_ =	strace $0x80000046;
	[dreg:$0x1] =	wrdreg $0xFFFFFFFF  }
0xa7: {  	s28 =	simm.s32 $_size_execute0_lowered;
	s3 =	sadd.s32 s3, s5;
	[dreg:$0x0] =	wrdreg $0x0  }
0xa8: {  	s5 =	sshll.u32 s28, $0x1;
	[dreg:$0x2] =	wrdreg s3  }
0xa9: {  	[dreg:$0x3] =	wrdreg s5  }
0xaa: {  	[dreg:$0x4] =	wrdreg $0xC0  }
0xab: {  	_ =	task [dreg:s7], $0x5FFFF  }
0xac: {  	[dreg:$0x1] =	wrdreg $0xFFFFFFFF  }
0xad: {  	[dreg:$0x0] =	wrdreg $0x60  }
0xae: {  	[dreg:$0x2] =	wrdreg s2  }
0xaf: {  	[dreg:$0x3] =	wrdreg s24  }
0xb0: {  	[dreg:$0x4] =	wrdreg $0x9  }
0xb1: {  	_ =	task.clear_ibuf [dreg:s7], $0x5FFFF;
	_ =	strace $0x90000046  }
0xb2: {  	s29 =	simm.s32 $0x9;
	_ =	strace $0x80000048  }
0xb3: {  	_ =	swait.ge [sflag:s29], $0x1  }
0xb4: {  	[sflag:s29] =	ssyncadd.s32 $0xFFFFFFFF  }
0xb5: {  	_ =	strace $0x90000048  }
0xb6: {  	_ =	sfence  }
0xb7: {  	s30 =	sld [smem:$0x0];
	_ =	sdelay $0x2  }
0xb8: {  	s31 =	sshll.u32 s1, $0xD;
	s1 =	sshrl.u32 s1, $0x2  }
0xb9: {  	s3 =	sand.u32 $0x4000, s31;
	s1 =	sadd.s32 s1, s30  }
0xba: {  	s0 =	sor.u32 s3, s0;
	s1 =	sshll.u32 s1, $0x11  }
0xbb: {  	s0 =	sor.u32 s1, s0  }
0xbc: {  	s0 =	sadd.s32 $0x8F2B, s0  }
0xbd: {  	[sflag:s0] =	ssyncadd.remote.s32 $0x1  }
0xbe: {  	_ =	sfence.sel $0xFFFF  }
0xbf: {  	[dreg:$0x0] =	wrdreg $0xFFFFFFFF;
	(pc) =	sbr.abs _section_cstart, $3  }
0xc0: {  	[dreg:$0x1] =	wrdreg $0xFFFFFFFF  }
0xc1: {  	_ =	task.clear_ibuf [dreg:s7], $0x2FFFF;
	_ =	strace $0x9FFFFFFF  }
0xc2: {  	(tm) =	ssettm $0x7FFFFFFF  }
0xc3: {  	_ =	shalt  }
tec
execute0_lowered:
.L_overlay_start_1:
0x0: {  	(tag) =	ssettag $0x1  }
0x1: {  	s2 =	rddreg [dreg:$0x0]  }
0x2: {  	s5 =	rddreg [dreg:$0x1]  }
0x3: {  	s0 =	rddreg [dreg:$0x2];
	s4 =	srdreg.scid  }
0x4: {  	s1 =	stileid.u32;
	s3 =	simm.s32 $0x0;
	s11 =	simm.s32 $0x80  }
0x5: {  	s12 =	simm.s32 $0x400;
	s13 =	simm.s32 $0x3;
	s14 =	simm.s32 $0x100  }
0x6: {  	s15 =	simm.s32 $0x4100;
	s16 =	simm.s32 $0x1;
	s17 =	simm.s32 $0x2  }
0x7: {  	s18 =	simm.s32 $0x8100;
	s19 =	simm.s32 $0x9100;
	s20 =	simm.s32 $0x0  }
0x8: {  	s4 =	sand.u32 $0x1, s4;
	s6 =	sshll.u32 s1, $0x1;
	[smem:$0x7FF] =	sst s3  }
0x9: {  	s6 =	sor.u32 s4, s6;
	_ =	strace $0x80000047;
	s7 =	ssub.s32 $0x2, s4  }
0xa: {  	s31 =	sshll.u32 s6, $0xD;
	s6 =	sshll.u32 s6, $0x9;
	s8 =	sshrl.u32 s7, $0x1  }
0xb: {  	s4 =	sadd.s32 s2, s31;
	s9 =	sadd.s32 s6, s5;
	s10 =	ssub.s32 s7, s8  }
0xc: {  	s5 =	sadd.s32 $0x800, s4;
	s6 =	sadd.s32 $0x1000, s4;
	s7 =	sadd.s32 $0x1800, s4  }
0xd: {  	s8 =	sadd.s32 $0xC00, s9;
	s9 =	sadd.s32 $0x4C00, s9;
	s10 =	smax.u32 s10, $0x1  }
.LBB2_1:
0xe: {  	[tilespmem:s3], [sflag:$0x3] =	stream.strided.gather [hbm4b:s2+s11], $0x100, s12, s11, $0x38;
	[tilespmem:$0xA100] =	vst v63  }
0xf: {  	_ =	swait.ge [sflag:s13], $0x100  }
0x10: {  	[sflag:s13] =	ssyncset.done $0x0  }
0x11: {  	[sflag:s13] =	ssyncadd.s32 $0xFFFFFF00  }
0x12: {  	[tilespmem:s14], [sflag:$0x1] =	stream.linear.gather [hbm4b:s4+s3], $0x4000, $0x38;
	[tilespmem:$0xA100] =	vst v63  }
0x13: {  	_ = 	snop  }
0x14: {  	[tilespmem:s15], [sflag:$0x2] =	stream.linear.gather [hbm4b:s5+s3], $0x4000, $0x38;
	[tilespmem:$0xA100] =	vst v63  }
0x15: {  	_ =	swait.ge [sflag:s16], $0x4000  }
0x16: {  	[sflag:s16] =	ssyncset.done $0x0  }
0x17: {  	s21 =	sand.u32 $0x3800, s3;
	s22 =	sand.u32 $0x380, s3;
	[sflag:s16] =	ssyncadd.s32 $0xFFFFC000  }
0x18: {  	s21 =	sor.u32 s22, s21;
	v0 =	vld [tilespmem:$0xE0]  }
0x19: {  	v1 =	vld [tilespmem:s21+$0x560]  }
0x1a: {  	v2 =	vld [tilespmem:$0xC0]  }
0x1b: {  	v3 =	vld [tilespmem:s21+$0x540]  }
0x1c: {  	v4 =	vld [tilespmem:$0xA0]  }
0x1d: {  	v5 =	vld [tilespmem:s21+$0x520]  }
0x1e: {  	v6 =	vld [tilespmem:$0x80]  }
0x1f: {  	v7 =	vld [tilespmem:s21+$0x500]  }
0x20: {  	v8 =	vld [tilespmem:$0x60]  }
0x21: {  	v9 =	vld [tilespmem:s21+$0x160]  }
0x22: {  	v10 =	vld [tilespmem:$0x40]  }
0x23: {  	v11 =	vld [tilespmem:s21+$0x140]  }
0x24: {  	v12 =	vld [tilespmem:$0x20]  }
0x25: {  	v13 =	vld [tilespmem:s21+$0x120]  }
0x26: {  	v14 =	vld [tilespmem:$0x0]  }
0x27: {  	v16 =	vld [tilespmem:s21+$0x100];
	v15 =	vmul.f32 v1, v1  }
0x28: {  	v19 =	vld [tilespmem:$0x10];
	v17 =	vmul.f32 v3, v3;
	v18 =	vmul.f32 v5, v5  }
0x29: {  	v22 =	vld [tilespmem:s21+$0x110];
	v20 =	vmul.f32 v7, v7;
	v21 =	vmul.f32 v9, v9  }
0x2a: {  	v24 =	vld [tilespmem:$0x30];
	v23 =	vmul.f32 v11, v11;
	v25 =	vmul.f32 v13, v13  }
0x2b: {  	v26 =	vld [tilespmem:s21+$0x130];
	v2 =	vmul.f32 v2, v3;
	v0 =	vmul.f32 v0, v1  }
0x2c: {  	v1 =	vmul.f32 v16, v16;
	v3 =	vld [tilespmem:$0x50];
	v4 =	vmul.f32 v4, v5  }
0x2d: {  	v5 =	vld [tilespmem:s21+$0x150];
	v8 =	vmul.f32 v8, v9;
	v6 =	vmul.f32 v6, v7  }
0x2e: {  	v7 =	vmul.f32 v14, v16;
	v9 =	vmul.f32 v19, v22;
	v14 =	vld [tilespmem:$0x70]  }
0x2f: {  	v16 =	vmul.f32 v22, v22;
	v12 =	vmul.f32 v12, v13;
	v13 =	vld [tilespmem:s21+$0x170]  }
0x30: {  	v19 =	vmul.f32 v24, v26;
	v22 =	vld [tilespmem:$0x90];
	v7 =	vadd.f32 $0.0e+00, v7;
	v9 =	vadd.f32 $0.0e+00, v9  }
0x31: {  	v63 =	vmul.f32 v26, v26;
	v10 =	vmul.f32 v10, v11;
	v11 =	vld [tilespmem:s21+$0x510]  }
0x32: {  	v7 =	vadd.f32 v12, v7;
	v9 =	vadd.f32 v19, v9;
	v12 =	vld [tilespmem:$0xB0];
	v3 =	vmul.f32 v3, v5  }
0x33: {  	v1 =	vadd.f32 v25, v1;
	v16 =	vadd.f32 v63, v16;
	v19 =	vld [tilespmem:s21+$0x530];
	v5 =	vmul.f32 v5, v5  }
0x34: {  	v7 =	vadd.f32 v10, v7;
	v10 =	vld [tilespmem:$0xD0];
	v3 =	vadd.f32 v3, v9;
	v9 =	vmul.f32 v14, v13  }
0x35: {  	v1 =	vadd.f32 v23, v1;
	v5 =	vadd.f32 v5, v16;
	v13 =	vmul.f32 v13, v13;
	v14 =	vld [tilespmem:s21+$0x550]  }
0x36: {  	v7 =	vadd.f32 v8, v7;
	v8 =	vmul.f32 v22, v11;
	v3 =	vadd.f32 v9, v3;
	v9 =	vld [tilespmem:$0xF0]  }
0x37: {  	v1 =	vadd.f32 v21, v1;
	v11 =	vmul.f32 v11, v11;
	v5 =	vadd.f32 v13, v5;
	v13 =	vld [tilespmem:s21+$0x570]  }
0x38: {  	v6 =	vadd.f32 v6, v7;
	v7 =	vmul.f32 v12, v19;
	v3 =	vadd.f32 v8, v3  }
0x39: {  	v1 =	vadd.f32 v20, v1;
	v5 =	vadd.f32 v11, v5;
	v8 =	vmul.f32 v19, v19  }
0x3a: {  	v4 =	vadd.f32 v4, v6;
	v6 =	vmul.f32 v10, v14;
	v3 =	vadd.f32 v7, v3  }
0x3b: {  	v1 =	vadd.f32 v18, v1;
	v5 =	vadd.f32 v8, v5;
	v7 =	vmul.f32 v14, v14  }
0x3c: {  	v2 =	vadd.f32 v2, v4;
	v4 =	vmul.f32 v9, v13;
	v3 =	vadd.f32 v6, v3  }
0x3d: {  	v1 =	vadd.f32 v17, v1;
	v5 =	vadd.f32 v7, v5;
	v6 =	vmul.f32 v13, v13  }
0x3e: {  	v0 =	vadd.f32 v0, v2;
	v2 =	vadd.f32 v4, v3  }
0x3f: {  	v1 =	vadd.f32 v15, v1;
	v3 =	vadd.f32 v6, v5  }
0x40: {  	v0 =	vadd.f32 v2, v0  }
0x41: {  	v1 =	vadd.f32 v3, v1  }
0x42: {  	s30 =	simm.s32 $0x100;
	s24 =	simm.s32 $0x80;
	[tilespmem:s18+$0x0] =	vst v0  }
0x43: {  	s31 =	sand.u32 $0x380, s24;
	s21 =	sand.u32 $0x3800, s30;
	[tilespmem:s19+$0x0] =	vst v1  }
0x44: {  	s23 =	sor.u32 s31, s21;
	v8 =	vld [tilespmem:$0xE0]  }
0x45: {  	v9 =	vld [tilespmem:s23+$0x560]  }
0x46: {  	v12 =	vld [tilespmem:$0xC0]  }
0x47: {  	v15 =	vld [tilespmem:s23+$0x540]  }
0x48: {  	v11 =	vld [tilespmem:$0xA0]  }
0x49: {  	v13 =	vld [tilespmem:s23+$0x520]  }
0x4a: {  	v10 =	vld [tilespmem:$0x80]  }
0x4b: {  	v14 =	vld [tilespmem:s23+$0x500]  }
0x4c: {  	v16 =	vld [tilespmem:$0x60]  }
0x4d: {  	v19 =	vld [tilespmem:s23+$0x160]  }
0x4e: {  	v6 =	vld [tilespmem:$0x40]  }
0x4f: {  	v7 =	vld [tilespmem:s23+$0x140]  }
0x50: {  	v17 =	vld [tilespmem:$0x20]  }
0x51: {  	v18 =	vld [tilespmem:s23+$0x120]  }
0x52: {  	v20 =	vld [tilespmem:$0x0];
	v0 =	vmul.f32 v9, v9;
	v1 =	vmul.f32 v15, v15  }
0x53: {  	v21 =	vld [tilespmem:s23+$0x100];
	v2 =	vmul.f32 v13, v13;
	v3 =	vmul.f32 v14, v14  }
0x54: {  	s25 =	simm.s32 $0x200;
	s22 =	simm.s32 $0x8100;
	s21 =	simm.s32 $0x9100;
	v22 =	vld [tilespmem:$0x10];
	v4 =	vmul.f32 v19, v19;
	v5 =	vmul.f32 v7, v7  }
.LBB2_2:
0x55: {  	p0 =	sne.s32 s25, $0x3F00;
	v23 =	vld [tilespmem:s23+$0x110]  }
0x56: {  	v24 =	vld [tilespmem:$0x30];
	v25 =	vmul.f32 v18, v18  }
0x57: {  	v12 =	vmul.f32 v12, v15;
	v8 =	vmul.f32 v8, v9;
	v26 =	vld [tilespmem:s23+$0x130]  }
0x58: {  	v11 =	vmul.f32 v11, v13;
	v9 =	vmul.f32 v21, v21;
	v15 =	vld [tilespmem:$0x50]  }
0x59: {  	v16 =	vmul.f32 v16, v19;
	v10 =	vmul.f32 v10, v14;
	v13 =	vld [tilespmem:s23+$0x150]  }
0x5a: {  	v14 =	vmul.f32 v20, v21;
	v19 =	vmul.f32 v22, v23;
	v20 =	vld [tilespmem:$0x70]  }
0x5b: {  	v17 =	vmul.f32 v17, v18;
	v21 =	vmul.f32 v23, v23;
	v18 =	vld [tilespmem:s23+$0x170]  }
0x5c: {  	v14 =	vadd.f32 $0.0e+00, v14;
	v19 =	vadd.f32 $0.0e+00, v19;
	v22 =	vmul.f32 v24, v26;
	v23 =	vld [tilespmem:$0x90]  }
0x5d: {  	v6 =	vmul.f32 v6, v7;
	v24 =	vmul.f32 v26, v26;
	v7 =	vld [tilespmem:s23+$0x510]  }
0x5e: {  	v14 =	vadd.f32 v17, v14;
	v17 =	vadd.f32 v22, v19;
	v15 =	vmul.f32 v15, v13;
	v19 =	vld [tilespmem:$0xB0]  }
0x5f: {  	v9 =	vadd.f32 v25, v9;
	v21 =	vadd.f32 v24, v21;
	v13 =	vmul.f32 v13, v13;
	v22 =	vld [tilespmem:s23+$0x530]  }
0x60: {  	v6 =	vadd.f32 v6, v14;
	v14 =	vadd.f32 v15, v17;
	v15 =	vmul.f32 v20, v18;
	v17 =	vld [tilespmem:$0xD0]  }
0x61: {  	v5 =	vadd.f32 v5, v9;
	v9 =	vadd.f32 v13, v21;
	v13 =	vmul.f32 v18, v18;
	v18 =	vld [tilespmem:s23+$0x550]  }
0x62: {  	v6 =	vadd.f32 v16, v6;
	v14 =	vadd.f32 v15, v14;
	v15 =	vmul.f32 v23, v7;
	v16 =	vld [tilespmem:$0xF0]  }
0x63: {  	v4 =	vadd.f32 v4, v5;
	v5 =	vadd.f32 v13, v9;
	v7 =	vmul.f32 v7, v7;
	v9 =	vld [tilespmem:s23+$0x570]  }
0x64: {  	v6 =	vadd.f32 v10, v6;
	v10 =	vadd.f32 v15, v14;
	v13 =	vmul.f32 v19, v22  }
0x65: {  	v3 =	vadd.f32 v3, v4;
	v4 =	vadd.f32 v7, v5;
	v5 =	vmul.f32 v22, v22  }
0x66: {  	v6 =	vadd.f32 v11, v6;
	v7 =	vadd.f32 v13, v10;
	v10 =	vmul.f32 v17, v18  }
0x67: {  	v2 =	vadd.f32 v2, v3;
	v3 =	vadd.f32 v5, v4;
	v4 =	vmul.f32 v18, v18  }
0x68: {  	v5 =	vadd.f32 v12, v6;
	v6 =	vadd.f32 v10, v7;
	v7 =	vmul.f32 v16, v9  }
0x69: {  	v1 =	vadd.f32 v1, v2;
	v2 =	vadd.f32 v4, v3;
	v3 =	vmul.f32 v9, v9  }
0x6a: {  	v4 =	vadd.f32 v8, v5;
	v5 =	vadd.f32 v7, v6  }
0x6b: {  	v0 =	vadd.f32 v0, v1;
	v1 =	vadd.f32 v3, v2  }
0x6c: {  	v2 =	vadd.f32 v5, v4  }
0x6d: {  	s22 =	sadd.s32 $0x10, s22;
	v0 =	vadd.f32 v1, v0  }
0x6e: {  	s24 =	sadd.s32 $0x80, s24;
	s21 =	sadd.s32 $0x10, s21;
	[tilespmem:s22+$0x0] =	vst v2  }
0x6f: {  	s26 =	sand.u32 $0x380, s24;
	s23 =	sand.u32 $0x3800, s25;
	[tilespmem:s21+$0x0] =	vst v0  }
0x70: {  	s23 =	sor.u32 s26, s23;
	v8 =	vld [tilespmem:$0xE0]  }
0x71: {  	v9 =	vld [tilespmem:s23+$0x560]  }
0x72: {  	v12 =	vld [tilespmem:$0xC0]  }
0x73: {  	v15 =	vld [tilespmem:s23+$0x540]  }
0x74: {  	v11 =	vld [tilespmem:$0xA0]  }
0x75: {  	v13 =	vld [tilespmem:s23+$0x520]  }
0x76: {  	v10 =	vld [tilespmem:$0x80];
	v0 =	vmul.f32 v9, v9  }
0x77: {  	v14 =	vld [tilespmem:s23+$0x500]  }
0x78: {  	v16 =	vld [tilespmem:$0x60];
	v1 =	vmul.f32 v15, v15  }
0x79: {  	v19 =	vld [tilespmem:s23+$0x160]  }
0x7a: {  	v6 =	vld [tilespmem:$0x40];
	v2 =	vmul.f32 v13, v13  }
0x7b: {  	v7 =	vld [tilespmem:s23+$0x140]  }
.Ltmp0:
0x7c: {  	v17 =	vld [tilespmem:$0x20];
	v3 =	vmul.f32 v14, v14;
	(pc) =	sbr.rel @p0 .LBB2_2-.Ltmp0, $4  }
0x7d: {  	v18 =	vld [tilespmem:s23+$0x120]  }
0x7e: {  	v20 =	vld [tilespmem:$0x0];
	v4 =	vmul.f32 v19, v19  }
0x7f: {  	v21 =	vld [tilespmem:s23+$0x100]  }
0x80: {  	s25 =	sadd.s32 $0x100, s25;
	v22 =	vld [tilespmem:$0x10];
	v5 =	vmul.f32 v7, v7  }
0x81: {  	v23 =	vld [tilespmem:s23+$0x110]  }
0x82: {  	v24 =	vld [tilespmem:$0x30];
	v12 =	vmul.f32 v12, v15  }
0x83: {  	v26 =	vld [tilespmem:s23+$0x130];
	v8 =	vmul.f32 v8, v9;
	v11 =	vmul.f32 v11, v13  }
0x84: {  	v15 =	vld [tilespmem:$0x50];
	v16 =	vmul.f32 v16, v19;
	v10 =	vmul.f32 v10, v14  }
0x85: {  	v13 =	vld [tilespmem:s23+$0x150];
	v25 =	vmul.f32 v18, v18;
	v17 =	vmul.f32 v17, v18  }
0x86: {  	v18 =	vld [tilespmem:s23+$0x170];
	v14 =	vmul.f32 v20, v21;
	v19 =	vmul.f32 v22, v23  }
0x87: {  	v6 =	vmul.f32 v6, v7;
	v9 =	vmul.f32 v21, v21;
	v20 =	vld [tilespmem:$0x70]  }
0x88: {  	v7 =	vld [tilespmem:s23+$0x510];
	v14 =	vadd.f32 $0.0e+00, v14;
	v22 =	vmul.f32 v24, v26;
	v19 =	vadd.f32 $0.0e+00, v19  }
0x89: {  	v21 =	vmul.f32 v23, v23;
	v23 =	vld [tilespmem:$0x90];
	v59 =	vmul.f32 v26, v26  }
0x8a: {  	v15 =	vmul.f32 v15, v13;
	v14 =	vadd.f32 v17, v14;
	v17 =	vadd.f32 v22, v19;
	v19 =	vld [tilespmem:$0xB0]  }
0x8b: {  	v9 =	vadd.f32 v25, v9;
	v13 =	vmul.f32 v13, v13;
	v21 =	vadd.f32 v59, v21;
	v22 =	vld [tilespmem:s23+$0x530]  }
0x8c: {  	v6 =	vadd.f32 v6, v14;
	v14 =	vadd.f32 v15, v17;
	v15 =	vmul.f32 v20, v18;
	v17 =	vld [tilespmem:$0xD0]  }
0x8d: {  	v5 =	vadd.f32 v5, v9;
	v9 =	vadd.f32 v13, v21;
	v13 =	vmul.f32 v18, v18;
	v18 =	vld [tilespmem:s23+$0x550]  }
0x8e: {  	v6 =	vadd.f32 v16, v6;
	v16 =	vld [tilespmem:$0xF0];
	v14 =	vadd.f32 v15, v14;
	v15 =	vmul.f32 v23, v7  }
0x8f: {  	v4 =	vadd.f32 v4, v5;
	v5 =	vadd.f32 v13, v9;
	v9 =	vld [tilespmem:s23+$0x570];
	v7 =	vmul.f32 v7, v7  }
0x90: {  	v6 =	vadd.f32 v10, v6;
	v13 =	vmul.f32 v19, v22;
	v10 =	vadd.f32 v15, v14  }
0x91: {  	v3 =	vadd.f32 v3, v4;
	v4 =	vadd.f32 v7, v5;
	v5 =	vmul.f32 v22, v22  }
0x92: {  	v6 =	vadd.f32 v11, v6;
	v7 =	vadd.f32 v13, v10;
	v10 =	vmul.f32 v17, v18  }
0x93: {  	v2 =	vadd.f32 v2, v3;
	v3 =	vadd.f32 v5, v4;
	v4 =	vmul.f32 v18, v18  }
0x94: {  	v5 =	vadd.f32 v12, v6;
	v6 =	vadd.f32 v10, v7;
	v7 =	vmul.f32 v16, v9  }
0x95: {  	v1 =	vadd.f32 v1, v2;
	v2 =	vadd.f32 v4, v3;
	v3 =	vmul.f32 v9, v9  }
0x96: {  	v4 =	vadd.f32 v8, v5;
	v5 =	vadd.f32 v7, v6  }
0x97: {  	v0 =	vadd.f32 v0, v1;
	v1 =	vadd.f32 v3, v2  }
0x98: {  	v2 =	vadd.f32 v5, v4  }
0x99: {  	s22 =	sadd.s32 $0x10, s22;
	v0 =	vadd.f32 v1, v0  }
0x9a: {  	s21 =	sadd.s32 $0x10, s21;
	[tilespmem:s22+$0x0] =	vst v2  }
0x9b: {  	s29 =	simm.s32 $0x0;
	[tilespmem:s21+$0x0] =	vst v0  }
0x9c: {  	[tilespmem:s14], [sflag:$0x1] =	stream.linear.gather [hbm4b:s6+s29], $0x4000, $0x38;
	[tilespmem:$0xA100] =	vst v63  }
0x9d: {  	_ =	swait.ge [sflag:s17], $0x4000  }
0x9e: {  	[sflag:s17] =	ssyncset.done $0x0  }
0x9f: {  	s30 =	sand.u32 $0x3800, s29;
	s21 =	sand.u32 $0x380, s29;
	[sflag:s17] =	ssyncadd.s32 $0xFFFFC000  }
0xa0: {  	s21 =	sor.u32 s21, s30;
	v0 =	vld [tilespmem:$0xE0]  }
0xa1: {  	v1 =	vld [tilespmem:s21+$0x4560]  }
0xa2: {  	v2 =	vld [tilespmem:$0xC0]  }
0xa3: {  	v3 =	vld [tilespmem:s21+$0x4540]  }
0xa4: {  	v4 =	vld [tilespmem:$0xA0]  }
0xa5: {  	v5 =	vld [tilespmem:s21+$0x4520]  }
0xa6: {  	v6 =	vld [tilespmem:$0x80]  }
0xa7: {  	v7 =	vld [tilespmem:s21+$0x4500]  }
0xa8: {  	v8 =	vld [tilespmem:$0x60]  }
0xa9: {  	v9 =	vld [tilespmem:s21+$0x4160]  }
0xaa: {  	v10 =	vld [tilespmem:$0x40]  }
0xab: {  	v11 =	vld [tilespmem:s21+$0x4140]  }
0xac: {  	v12 =	vld [tilespmem:$0x20]  }
0xad: {  	v13 =	vld [tilespmem:s21+$0x4120]  }
0xae: {  	v14 =	vld [tilespmem:$0x0]  }
0xaf: {  	v16 =	vld [tilespmem:s21+$0x4100];
	v15 =	vmul.f32 v1, v1  }
0xb0: {  	v19 =	vld [tilespmem:$0x10];
	v17 =	vmul.f32 v3, v3;
	v18 =	vmul.f32 v5, v5  }
0xb1: {  	v22 =	vld [tilespmem:s21+$0x4110];
	v20 =	vmul.f32 v7, v7;
	v21 =	vmul.f32 v9, v9  }
0xb2: {  	v60 =	vld [tilespmem:$0x30];
	v23 =	vmul.f32 v11, v11;
	v61 =	vmul.f32 v13, v13  }
0xb3: {  	v62 =	vld [tilespmem:s21+$0x4130];
	v2 =	vmul.f32 v2, v3;
	v0 =	vmul.f32 v0, v1  }
0xb4: {  	v1 =	vmul.f32 v16, v16;
	v3 =	vld [tilespmem:$0x50];
	v4 =	vmul.f32 v4, v5  }
0xb5: {  	v5 =	vld [tilespmem:s21+$0x4150];
	v8 =	vmul.f32 v8, v9;
	v6 =	vmul.f32 v6, v7  }
0xb6: {  	v7 =	vmul.f32 v14, v16;
	v9 =	vmul.f32 v19, v22;
	v14 =	vld [tilespmem:$0x70]  }
0xb7: {  	v16 =	vmul.f32 v22, v22;
	v12 =	vmul.f32 v12, v13;
	v13 =	vld [tilespmem:s21+$0x4170]  }
0xb8: {  	v19 =	vmul.f32 v60, v62;
	v22 =	vld [tilespmem:$0x90];
	v7 =	vadd.f32 $0.0e+00, v7;
	v9 =	vadd.f32 $0.0e+00, v9  }
0xb9: {  	v63 =	vmul.f32 v62, v62;
	v10 =	vmul.f32 v10, v11;
	v11 =	vld [tilespmem:s21+$0x4510]  }
0xba: {  	v7 =	vadd.f32 v12, v7;
	v9 =	vadd.f32 v19, v9;
	v12 =	vld [tilespmem:$0xB0];
	v3 =	vmul.f32 v3, v5  }
0xbb: {  	v1 =	vadd.f32 v61, v1;
	v16 =	vadd.f32 v63, v16;
	v19 =	vld [tilespmem:s21+$0x4530];
	v5 =	vmul.f32 v5, v5  }
0xbc: {  	v7 =	vadd.f32 v10, v7;
	v10 =	vld [tilespmem:$0xD0];
	v3 =	vadd.f32 v3, v9;
	v9 =	vmul.f32 v14, v13  }
0xbd: {  	v1 =	vadd.f32 v23, v1;
	v5 =	vadd.f32 v5, v16;
	v13 =	vmul.f32 v13, v13;
	v14 =	vld [tilespmem:s21+$0x4550]  }
0xbe: {  	v7 =	vadd.f32 v8, v7;
	v8 =	vmul.f32 v22, v11;
	v3 =	vadd.f32 v9, v3;
	v9 =	vld [tilespmem:$0xF0]  }
0xbf: {  	v1 =	vadd.f32 v21, v1;
	v11 =	vmul.f32 v11, v11;
	v5 =	vadd.f32 v13, v5;
	v13 =	vld [tilespmem:s21+$0x4570]  }
0xc0: {  	v6 =	vadd.f32 v6, v7;
	v7 =	vmul.f32 v12, v19;
	v3 =	vadd.f32 v8, v3  }
0xc1: {  	v1 =	vadd.f32 v20, v1;
	v5 =	vadd.f32 v11, v5;
	v8 =	vmul.f32 v19, v19  }
0xc2: {  	v4 =	vadd.f32 v4, v6;
	v6 =	vmul.f32 v10, v14;
	v3 =	vadd.f32 v7, v3  }
0xc3: {  	v1 =	vadd.f32 v18, v1;
	v5 =	vadd.f32 v8, v5;
	v7 =	vmul.f32 v14, v14  }
0xc4: {  	v2 =	vadd.f32 v2, v4;
	v4 =	vmul.f32 v9, v13;
	v3 =	vadd.f32 v6, v3  }
0xc5: {  	v1 =	vadd.f32 v17, v1;
	v5 =	vadd.f32 v7, v5;
	v6 =	vmul.f32 v13, v13  }
0xc6: {  	v0 =	vadd.f32 v0, v2;
	v2 =	vadd.f32 v4, v3  }
0xc7: {  	v1 =	vadd.f32 v15, v1;
	v3 =	vadd.f32 v6, v5  }
0xc8: {  	v0 =	vadd.f32 v2, v0  }
0xc9: {  	s21 =	simm.s32 $0x8500;
	v1 =	vadd.f32 v3, v1  }
0xca: {  	s31 =	simm.s32 $0x100;
	s24 =	simm.s32 $0x80;
	s22 =	simm.s32 $0x9500;
	[tilespmem:s21+$0x0] =	vst v0  }
0xcb: {  	s25 =	sand.u32 $0x380, s24;
	s23 =	sand.u32 $0x3800, s31;
	[tilespmem:s22+$0x0] =	vst v1  }
0xcc: {  	s23 =	sor.u32 s25, s23;
	v8 =	vld [tilespmem:$0xE0]  }
0xcd: {  	v9 =	vld [tilespmem:s23+$0x4560]  }
0xce: {  	v12 =	vld [tilespmem:$0xC0]  }
0xcf: {  	v15 =	vld [tilespmem:s23+$0x4540]  }
0xd0: {  	v11 =	vld [tilespmem:$0xA0]  }
0xd1: {  	v13 =	vld [tilespmem:s23+$0x4520]  }
0xd2: {  	v10 =	vld [tilespmem:$0x80]  }
0xd3: {  	v14 =	vld [tilespmem:s23+$0x4500]  }
0xd4: {  	v16 =	vld [tilespmem:$0x60]  }
0xd5: {  	v19 =	vld [tilespmem:s23+$0x4160]  }
0xd6: {  	v6 =	vld [tilespmem:$0x40]  }
0xd7: {  	v7 =	vld [tilespmem:s23+$0x4140]  }
0xd8: {  	v17 =	vld [tilespmem:$0x20]  }
0xd9: {  	v18 =	vld [tilespmem:s23+$0x4120]  }
0xda: {  	v20 =	vld [tilespmem:$0x0];
	v0 =	vmul.f32 v9, v9;
	v1 =	vmul.f32 v15, v15  }
0xdb: {  	v21 =	vld [tilespmem:s23+$0x4100];
	v2 =	vmul.f32 v13, v13;
	v3 =	vmul.f32 v14, v14  }
0xdc: {  	s25 =	simm.s32 $0x200;
	v22 =	vld [tilespmem:$0x10];
	v4 =	vmul.f32 v19, v19;
	v5 =	vmul.f32 v7, v7  }
.LBB2_4:
0xdd: {  	p0 =	sne.s32 s25, $0x3F00;
	v23 =	vld [tilespmem:s23+$0x4110]  }
0xde: {  	v24 =	vld [tilespmem:$0x30];
	v25 =	vmul.f32 v18, v18  }
0xdf: {  	v12 =	vmul.f32 v12, v15;
	v8 =	vmul.f32 v8, v9;
	v26 =	vld [tilespmem:s23+$0x4130]  }
0xe0: {  	v11 =	vmul.f32 v11, v13;
	v9 =	vmul.f32 v21, v21;
	v15 =	vld [tilespmem:$0x50]  }
0xe1: {  	v16 =	vmul.f32 v16, v19;
	v10 =	vmul.f32 v10, v14;
	v13 =	vld [tilespmem:s23+$0x4150]  }
0xe2: {  	v14 =	vmul.f32 v20, v21;
	v19 =	vmul.f32 v22, v23;
	v20 =	vld [tilespmem:$0x70]  }
0xe3: {  	v17 =	vmul.f32 v17, v18;
	v21 =	vmul.f32 v23, v23;
	v18 =	vld [tilespmem:s23+$0x4170]  }
0xe4: {  	v14 =	vadd.f32 $0.0e+00, v14;
	v19 =	vadd.f32 $0.0e+00, v19;
	v22 =	vmul.f32 v24, v26;
	v23 =	vld [tilespmem:$0x90]  }
0xe5: {  	v6 =	vmul.f32 v6, v7;
	v24 =	vmul.f32 v26, v26;
	v7 =	vld [tilespmem:s23+$0x4510]  }
0xe6: {  	v14 =	vadd.f32 v17, v14;
	v17 =	vadd.f32 v22, v19;
	v15 =	vmul.f32 v15, v13;
	v19 =	vld [tilespmem:$0xB0]  }
0xe7: {  	v9 =	vadd.f32 v25, v9;
	v21 =	vadd.f32 v24, v21;
	v13 =	vmul.f32 v13, v13;
	v22 =	vld [tilespmem:s23+$0x4530]  }
0xe8: {  	v6 =	vadd.f32 v6, v14;
	v14 =	vadd.f32 v15, v17;
	v15 =	vmul.f32 v20, v18;
	v17 =	vld [tilespmem:$0xD0]  }
0xe9: {  	v5 =	vadd.f32 v5, v9;
	v9 =	vadd.f32 v13, v21;
	v13 =	vmul.f32 v18, v18;
	v18 =	vld [tilespmem:s23+$0x4550]  }
0xea: {  	v6 =	vadd.f32 v16, v6;
	v14 =	vadd.f32 v15, v14;
	v15 =	vmul.f32 v23, v7;
	v16 =	vld [tilespmem:$0xF0]  }
0xeb: {  	v4 =	vadd.f32 v4, v5;
	v5 =	vadd.f32 v13, v9;
	v7 =	vmul.f32 v7, v7;
	v9 =	vld [tilespmem:s23+$0x4570]  }
0xec: {  	v6 =	vadd.f32 v10, v6;
	v10 =	vadd.f32 v15, v14;
	v13 =	vmul.f32 v19, v22  }
0xed: {  	v3 =	vadd.f32 v3, v4;
	v4 =	vadd.f32 v7, v5;
	v5 =	vmul.f32 v22, v22  }
0xee: {  	v6 =	vadd.f32 v11, v6;
	v7 =	vadd.f32 v13, v10;
	v10 =	vmul.f32 v17, v18  }
0xef: {  	v2 =	vadd.f32 v2, v3;
	v3 =	vadd.f32 v5, v4;
	v4 =	vmul.f32 v18, v18  }
0xf0: {  	v5 =	vadd.f32 v12, v6;
	v6 =	vadd.f32 v10, v7;
	v7 =	vmul.f32 v16, v9  }
0xf1: {  	v1 =	vadd.f32 v1, v2;
	v2 =	vadd.f32 v4, v3;
	v3 =	vmul.f32 v9, v9  }
0xf2: {  	v4 =	vadd.f32 v8, v5;
	v5 =	vadd.f32 v7, v6  }
0xf3: {  	v0 =	vadd.f32 v0, v1;
	v1 =	vadd.f32 v3, v2  }
0xf4: {  	v2 =	vadd.f32 v5, v4  }
0xf5: {  	s21 =	sadd.s32 $0x10, s21;
	v0 =	vadd.f32 v1, v0  }
0xf6: {  	s24 =	sadd.s32 $0x80, s24;
	s22 =	sadd.s32 $0x10, s22;
	[tilespmem:s21+$0x0] =	vst v2  }
0xf7: {  	s26 =	sand.u32 $0x380, s24;
	s23 =	sand.u32 $0x3800, s25;
	[tilespmem:s22+$0x0] =	vst v0  }
0xf8: {  	s23 =	sor.u32 s26, s23;
	v8 =	vld [tilespmem:$0xE0]  }
0xf9: {  	v9 =	vld [tilespmem:s23+$0x4560]  }
0xfa: {  	v12 =	vld [tilespmem:$0xC0]  }
0xfb: {  	v15 =	vld [tilespmem:s23+$0x4540]  }
0xfc: {  	v11 =	vld [tilespmem:$0xA0]  }
0xfd: {  	v13 =	vld [tilespmem:s23+$0x4520]  }
0xfe: {  	v10 =	vld [tilespmem:$0x80];
	v0 =	vmul.f32 v9, v9  }
0xff: {  	v14 =	vld [tilespmem:s23+$0x4500]  }
0x100: {  	v16 =	vld [tilespmem:$0x60];
	v1 =	vmul.f32 v15, v15  }
0x101: {  	v19 =	vld [tilespmem:s23+$0x4160]  }
0x102: {  	v6 =	vld [tilespmem:$0x40];
	v2 =	vmul.f32 v13, v13  }
0x103: {  	v7 =	vld [tilespmem:s23+$0x4140]  }
.Ltmp1:
0x104: {  	v17 =	vld [tilespmem:$0x20];
	v3 =	vmul.f32 v14, v14;
	(pc) =	sbr.rel @p0 .LBB2_4-.Ltmp1, $4  }
0x105: {  	v18 =	vld [tilespmem:s23+$0x4120]  }
0x106: {  	v20 =	vld [tilespmem:$0x0];
	v4 =	vmul.f32 v19, v19  }
0x107: {  	v21 =	vld [tilespmem:s23+$0x4100]  }
0x108: {  	s25 =	sadd.s32 $0x100, s25;
	v22 =	vld [tilespmem:$0x10];
	v5 =	vmul.f32 v7, v7  }
0x109: {  	v23 =	vld [tilespmem:s23+$0x4110]  }
0x10a: {  	v24 =	vld [tilespmem:$0x30];
	v12 =	vmul.f32 v12, v15  }
0x10b: {  	v26 =	vld [tilespmem:s23+$0x4130];
	v8 =	vmul.f32 v8, v9;
	v11 =	vmul.f32 v11, v13  }
0x10c: {  	v15 =	vld [tilespmem:$0x50];
	v16 =	vmul.f32 v16, v19;
	v10 =	vmul.f32 v10, v14  }
0x10d: {  	v13 =	vld [tilespmem:s23+$0x4150];
	v25 =	vmul.f32 v18, v18;
	v17 =	vmul.f32 v17, v18  }
0x10e: {  	v18 =	vld [tilespmem:s23+$0x4170];
	v14 =	vmul.f32 v20, v21;
	v19 =	vmul.f32 v22, v23  }
0x10f: {  	v6 =	vmul.f32 v6, v7;
	v9 =	vmul.f32 v21, v21;
	v20 =	vld [tilespmem:$0x70]  }
0x110: {  	v7 =	vld [tilespmem:s23+$0x4510];
	v14 =	vadd.f32 $0.0e+00, v14;
	v22 =	vmul.f32 v24, v26;
	v19 =	vadd.f32 $0.0e+00, v19  }
0x111: {  	v21 =	vmul.f32 v23, v23;
	v23 =	vld [tilespmem:$0x90];
	v59 =	vmul.f32 v26, v26  }
0x112: {  	v15 =	vmul.f32 v15, v13;
	v14 =	vadd.f32 v17, v14;
	v17 =	vadd.f32 v22, v19;
	v19 =	vld [tilespmem:$0xB0]  }
0x113: {  	v9 =	vadd.f32 v25, v9;
	v13 =	vmul.f32 v13, v13;
	v21 =	vadd.f32 v59, v21;
	v22 =	vld [tilespmem:s23+$0x4530]  }
0x114: {  	v6 =	vadd.f32 v6, v14;
	v14 =	vadd.f32 v15, v17;
	v15 =	vmul.f32 v20, v18;
	v17 =	vld [tilespmem:$0xD0]  }
0x115: {  	v5 =	vadd.f32 v5, v9;
	v9 =	vadd.f32 v13, v21;
	v13 =	vmul.f32 v18, v18;
	v18 =	vld [tilespmem:s23+$0x4550]  }
0x116: {  	v6 =	vadd.f32 v16, v6;
	v16 =	vld [tilespmem:$0xF0];
	v14 =	vadd.f32 v15, v14;
	v15 =	vmul.f32 v23, v7  }
0x117: {  	v4 =	vadd.f32 v4, v5;
	v5 =	vadd.f32 v13, v9;
	v9 =	vld [tilespmem:s23+$0x4570];
	v7 =	vmul.f32 v7, v7  }
0x118: {  	v6 =	vadd.f32 v10, v6;
	v13 =	vmul.f32 v19, v22;
	v10 =	vadd.f32 v15, v14  }
0x119: {  	v3 =	vadd.f32 v3, v4;
	v4 =	vadd.f32 v7, v5;
	v5 =	vmul.f32 v22, v22  }
0x11a: {  	v6 =	vadd.f32 v11, v6;
	v7 =	vadd.f32 v13, v10;
	v10 =	vmul.f32 v17, v18  }
0x11b: {  	v2 =	vadd.f32 v2, v3;
	v3 =	vadd.f32 v5, v4;
	v4 =	vmul.f32 v18, v18  }
0x11c: {  	v5 =	vadd.f32 v12, v6;
	v6 =	vadd.f32 v10, v7;
	v7 =	vmul.f32 v16, v9  }
0x11d: {  	v1 =	vadd.f32 v1, v2;
	v2 =	vadd.f32 v4, v3;
	v3 =	vmul.f32 v9, v9  }
0x11e: {  	v4 =	vadd.f32 v8, v5;
	v5 =	vadd.f32 v7, v6  }
0x11f: {  	v0 =	vadd.f32 v0, v1;
	v1 =	vadd.f32 v3, v2  }
0x120: {  	v2 =	vadd.f32 v5, v4  }
0x121: {  	s21 =	sadd.s32 $0x10, s21;
	v0 =	vadd.f32 v1, v0  }
0x122: {  	s28 =	sadd.s32 $0x10, s22;
	[tilespmem:s21+$0x0] =	vst v2  }
0x123: {  	s29 =	simm.s32 $0x0;
	[tilespmem:s28+$0x0] =	vst v0  }
0x124: {  	[tilespmem:s15], [sflag:$0x2] =	stream.linear.gather [hbm4b:s7+s29], $0x4000, $0x38;
	[tilespmem:$0xA100] =	vst v63  }
0x125: {  	_ =	swait.ge [sflag:s16], $0x4000  }
0x126: {  	[sflag:s16] =	ssyncset.done $0x0  }
0x127: {  	s30 =	sand.u32 $0x3800, s29;
	s21 =	sand.u32 $0x380, s29;
	[sflag:s16] =	ssyncadd.s32 $0xFFFFC000  }
0x128: {  	s21 =	sor.u32 s21, s30;
	v0 =	vld [tilespmem:$0xE0]  }
0x129: {  	v1 =	vld [tilespmem:s21+$0x560]  }
0x12a: {  	v2 =	vld [tilespmem:$0xC0]  }
0x12b: {  	v3 =	vld [tilespmem:s21+$0x540]  }
0x12c: {  	v4 =	vld [tilespmem:$0xA0]  }
0x12d: {  	v5 =	vld [tilespmem:s21+$0x520]  }
0x12e: {  	v6 =	vld [tilespmem:$0x80]  }
0x12f: {  	v7 =	vld [tilespmem:s21+$0x500]  }
0x130: {  	v8 =	vld [tilespmem:$0x60]  }
0x131: {  	v9 =	vld [tilespmem:s21+$0x160]  }
0x132: {  	v10 =	vld [tilespmem:$0x40]  }
0x133: {  	v11 =	vld [tilespmem:s21+$0x140]  }
0x134: {  	v12 =	vld [tilespmem:$0x20]  }
0x135: {  	v13 =	vld [tilespmem:s21+$0x120]  }
0x136: {  	v14 =	vld [tilespmem:$0x0]  }
0x137: {  	v16 =	vld [tilespmem:s21+$0x100];
	v15 =	vmul.f32 v1, v1  }
0x138: {  	v19 =	vld [tilespmem:$0x10];
	v17 =	vmul.f32 v3, v3;
	v18 =	vmul.f32 v5, v5  }
0x139: {  	v22 =	vld [tilespmem:s21+$0x110];
	v20 =	vmul.f32 v7, v7;
	v21 =	vmul.f32 v9, v9  }
0x13a: {  	v60 =	vld [tilespmem:$0x30];
	v23 =	vmul.f32 v11, v11;
	v61 =	vmul.f32 v13, v13  }
0x13b: {  	v62 =	vld [tilespmem:s21+$0x130];
	v2 =	vmul.f32 v2, v3;
	v0 =	vmul.f32 v0, v1  }
0x13c: {  	v1 =	vmul.f32 v16, v16;
	v3 =	vld [tilespmem:$0x50];
	v4 =	vmul.f32 v4, v5  }
0x13d: {  	v5 =	vld [tilespmem:s21+$0x150];
	v8 =	vmul.f32 v8, v9;
	v6 =	vmul.f32 v6, v7  }
0x13e: {  	v7 =	vmul.f32 v14, v16;
	v9 =	vmul.f32 v19, v22;
	v14 =	vld [tilespmem:$0x70]  }
0x13f: {  	v16 =	vmul.f32 v22, v22;
	v12 =	vmul.f32 v12, v13;
	v13 =	vld [tilespmem:s21+$0x170]  }
0x140: {  	v19 =	vmul.f32 v60, v62;
	v22 =	vld [tilespmem:$0x90];
	v7 =	vadd.f32 $0.0e+00, v7;
	v9 =	vadd.f32 $0.0e+00, v9  }
0x141: {  	v63 =	vmul.f32 v62, v62;
	v10 =	vmul.f32 v10, v11;
	v11 =	vld [tilespmem:s21+$0x510]  }
0x142: {  	v7 =	vadd.f32 v12, v7;
	v9 =	vadd.f32 v19, v9;
	v12 =	vld [tilespmem:$0xB0];
	v3 =	vmul.f32 v3, v5  }
0x143: {  	v1 =	vadd.f32 v61, v1;
	v16 =	vadd.f32 v63, v16;
	v19 =	vld [tilespmem:s21+$0x530];
	v5 =	vmul.f32 v5, v5  }
0x144: {  	v7 =	vadd.f32 v10, v7;
	v10 =	vld [tilespmem:$0xD0];
	v3 =	vadd.f32 v3, v9;
	v9 =	vmul.f32 v14, v13  }
0x145: {  	v1 =	vadd.f32 v23, v1;
	v5 =	vadd.f32 v5, v16;
	v13 =	vmul.f32 v13, v13;
	v14 =	vld [tilespmem:s21+$0x550]  }
0x146: {  	v7 =	vadd.f32 v8, v7;
	v8 =	vmul.f32 v22, v11;
	v3 =	vadd.f32 v9, v3;
	v9 =	vld [tilespmem:$0xF0]  }
0x147: {  	v1 =	vadd.f32 v21, v1;
	v11 =	vmul.f32 v11, v11;
	v5 =	vadd.f32 v13, v5;
	v13 =	vld [tilespmem:s21+$0x570]  }
0x148: {  	v6 =	vadd.f32 v6, v7;
	v7 =	vmul.f32 v12, v19;
	v3 =	vadd.f32 v8, v3  }
0x149: {  	v1 =	vadd.f32 v20, v1;
	v5 =	vadd.f32 v11, v5;
	v8 =	vmul.f32 v19, v19  }
0x14a: {  	v4 =	vadd.f32 v4, v6;
	v6 =	vmul.f32 v10, v14;
	v3 =	vadd.f32 v7, v3  }
0x14b: {  	v1 =	vadd.f32 v18, v1;
	v5 =	vadd.f32 v8, v5;
	v7 =	vmul.f32 v14, v14  }
0x14c: {  	v2 =	vadd.f32 v2, v4;
	v4 =	vmul.f32 v9, v13;
	v3 =	vadd.f32 v6, v3  }
0x14d: {  	v1 =	vadd.f32 v17, v1;
	v5 =	vadd.f32 v7, v5;
	v6 =	vmul.f32 v13, v13  }
0x14e: {  	v0 =	vadd.f32 v0, v2;
	v2 =	vadd.f32 v4, v3  }
0x14f: {  	v1 =	vadd.f32 v15, v1;
	v3 =	vadd.f32 v6, v5  }
0x150: {  	v0 =	vadd.f32 v2, v0  }
0x151: {  	s21 =	simm.s32 $0x8900;
	v1 =	vadd.f32 v3, v1  }
0x152: {  	s22 =	simm.s32 $0x9900;
	s31 =	simm.s32 $0x100;
	s24 =	simm.s32 $0x80;
	[tilespmem:s21+$0x0] =	vst v0  }
0x153: {  	s25 =	sand.u32 $0x380, s24;
	s23 =	sand.u32 $0x3800, s31;
	[tilespmem:s22+$0x0] =	vst v1  }
0x154: {  	s23 =	sor.u32 s25, s23;
	v8 =	vld [tilespmem:$0xE0]  }
0x155: {  	v9 =	vld [tilespmem:s23+$0x560]  }
0x156: {  	v12 =	vld [tilespmem:$0xC0]  }
0x157: {  	v15 =	vld [tilespmem:s23+$0x540]  }
0x158: {  	v11 =	vld [tilespmem:$0xA0]  }
0x159: {  	v13 =	vld [tilespmem:s23+$0x520]  }
0x15a: {  	v10 =	vld [tilespmem:$0x80]  }
0x15b: {  	v14 =	vld [tilespmem:s23+$0x500]  }
0x15c: {  	v16 =	vld [tilespmem:$0x60]  }
0x15d: {  	v19 =	vld [tilespmem:s23+$0x160]  }
0x15e: {  	v6 =	vld [tilespmem:$0x40]  }
0x15f: {  	v7 =	vld [tilespmem:s23+$0x140]  }
0x160: {  	v17 =	vld [tilespmem:$0x20]  }
0x161: {  	v18 =	vld [tilespmem:s23+$0x120]  }
0x162: {  	v20 =	vld [tilespmem:$0x0];
	v0 =	vmul.f32 v9, v9;
	v1 =	vmul.f32 v15, v15  }
0x163: {  	v21 =	vld [tilespmem:s23+$0x100];
	v2 =	vmul.f32 v13, v13;
	v3 =	vmul.f32 v14, v14  }
0x164: {  	s25 =	simm.s32 $0x200;
	v22 =	vld [tilespmem:$0x10];
	v4 =	vmul.f32 v19, v19;
	v5 =	vmul.f32 v7, v7  }
.LBB2_6:
0x165: {  	p0 =	sne.s32 s25, $0x3F00;
	v23 =	vld [tilespmem:s23+$0x110]  }
0x166: {  	v24 =	vld [tilespmem:$0x30];
	v25 =	vmul.f32 v18, v18  }
0x167: {  	v12 =	vmul.f32 v12, v15;
	v8 =	vmul.f32 v8, v9;
	v26 =	vld [tilespmem:s23+$0x130]  }
0x168: {  	v11 =	vmul.f32 v11, v13;
	v9 =	vmul.f32 v21, v21;
	v15 =	vld [tilespmem:$0x50]  }
0x169: {  	v16 =	vmul.f32 v16, v19;
	v10 =	vmul.f32 v10, v14;
	v13 =	vld [tilespmem:s23+$0x150]  }
0x16a: {  	v14 =	vmul.f32 v20, v21;
	v19 =	vmul.f32 v22, v23;
	v20 =	vld [tilespmem:$0x70]  }
0x16b: {  	v17 =	vmul.f32 v17, v18;
	v21 =	vmul.f32 v23, v23;
	v18 =	vld [tilespmem:s23+$0x170]  }
0x16c: {  	v14 =	vadd.f32 $0.0e+00, v14;
	v19 =	vadd.f32 $0.0e+00, v19;
	v22 =	vmul.f32 v24, v26;
	v23 =	vld [tilespmem:$0x90]  }
0x16d: {  	v6 =	vmul.f32 v6, v7;
	v24 =	vmul.f32 v26, v26;
	v7 =	vld [tilespmem:s23+$0x510]  }
0x16e: {  	v14 =	vadd.f32 v17, v14;
	v17 =	vadd.f32 v22, v19;
	v15 =	vmul.f32 v15, v13;
	v19 =	vld [tilespmem:$0xB0]  }
0x16f: {  	v9 =	vadd.f32 v25, v9;
	v21 =	vadd.f32 v24, v21;
	v13 =	vmul.f32 v13, v13;
	v22 =	vld [tilespmem:s23+$0x530]  }
0x170: {  	v6 =	vadd.f32 v6, v14;
	v14 =	vadd.f32 v15, v17;
	v15 =	vmul.f32 v20, v18;
	v17 =	vld [tilespmem:$0xD0]  }
0x171: {  	v5 =	vadd.f32 v5, v9;
	v9 =	vadd.f32 v13, v21;
	v13 =	vmul.f32 v18, v18;
	v18 =	vld [tilespmem:s23+$0x550]  }
0x172: {  	v6 =	vadd.f32 v16, v6;
	v14 =	vadd.f32 v15, v14;
	v15 =	vmul.f32 v23, v7;
	v16 =	vld [tilespmem:$0xF0]  }
0x173: {  	v4 =	vadd.f32 v4, v5;
	v5 =	vadd.f32 v13, v9;
	v7 =	vmul.f32 v7, v7;
	v9 =	vld [tilespmem:s23+$0x570]  }
0x174: {  	v6 =	vadd.f32 v10, v6;
	v10 =	vadd.f32 v15, v14;
	v13 =	vmul.f32 v19, v22  }
0x175: {  	v3 =	vadd.f32 v3, v4;
	v4 =	vadd.f32 v7, v5;
	v5 =	vmul.f32 v22, v22  }
0x176: {  	v6 =	vadd.f32 v11, v6;
	v7 =	vadd.f32 v13, v10;
	v10 =	vmul.f32 v17, v18  }
0x177: {  	v2 =	vadd.f32 v2, v3;
	v3 =	vadd.f32 v5, v4;
	v4 =	vmul.f32 v18, v18  }
0x178: {  	v5 =	vadd.f32 v12, v6;
	v6 =	vadd.f32 v10, v7;
	v7 =	vmul.f32 v16, v9  }
0x179: {  	v1 =	vadd.f32 v1, v2;
	v2 =	vadd.f32 v4, v3;
	v3 =	vmul.f32 v9, v9  }
0x17a: {  	v4 =	vadd.f32 v8, v5;
	v5 =	vadd.f32 v7, v6  }
0x17b: {  	v0 =	vadd.f32 v0, v1;
	v1 =	vadd.f32 v3, v2  }
0x17c: {  	v2 =	vadd.f32 v5, v4  }
0x17d: {  	s21 =	sadd.s32 $0x10, s21;
	v0 =	vadd.f32 v1, v0  }
0x17e: {  	s24 =	sadd.s32 $0x80, s24;
	s22 =	sadd.s32 $0x10, s22;
	[tilespmem:s21+$0x0] =	vst v2  }
0x17f: {  	s26 =	sand.u32 $0x380, s24;
	s23 =	sand.u32 $0x3800, s25;
	[tilespmem:s22+$0x0] =	vst v0  }
0x180: {  	s23 =	sor.u32 s26, s23;
	v8 =	vld [tilespmem:$0xE0]  }
0x181: {  	v9 =	vld [tilespmem:s23+$0x560]  }
0x182: {  	v12 =	vld [tilespmem:$0xC0]  }
0x183: {  	v15 =	vld [tilespmem:s23+$0x540]  }
0x184: {  	v11 =	vld [tilespmem:$0xA0]  }
0x185: {  	v13 =	vld [tilespmem:s23+$0x520]  }
0x186: {  	v10 =	vld [tilespmem:$0x80];
	v0 =	vmul.f32 v9, v9  }
0x187: {  	v14 =	vld [tilespmem:s23+$0x500]  }
0x188: {  	v16 =	vld [tilespmem:$0x60];
	v1 =	vmul.f32 v15, v15  }
0x189: {  	v19 =	vld [tilespmem:s23+$0x160]  }
0x18a: {  	v6 =	vld [tilespmem:$0x40];
	v2 =	vmul.f32 v13, v13  }
0x18b: {  	v7 =	vld [tilespmem:s23+$0x140]  }
.Ltmp2:
0x18c: {  	v17 =	vld [tilespmem:$0x20];
	v3 =	vmul.f32 v14, v14;
	(pc) =	sbr.rel @p0 .LBB2_6-.Ltmp2, $4  }
0x18d: {  	v18 =	vld [tilespmem:s23+$0x120]  }
0x18e: {  	v20 =	vld [tilespmem:$0x0];
	v4 =	vmul.f32 v19, v19  }
0x18f: {  	v21 =	vld [tilespmem:s23+$0x100]  }
0x190: {  	s25 =	sadd.s32 $0x100, s25;
	v22 =	vld [tilespmem:$0x10];
	v5 =	vmul.f32 v7, v7  }
0x191: {  	v23 =	vld [tilespmem:s23+$0x110]  }
0x192: {  	v24 =	vld [tilespmem:$0x30];
	v12 =	vmul.f32 v12, v15  }
0x193: {  	v26 =	vld [tilespmem:s23+$0x130];
	v8 =	vmul.f32 v8, v9;
	v11 =	vmul.f32 v11, v13  }
0x194: {  	v15 =	vld [tilespmem:$0x50];
	v16 =	vmul.f32 v16, v19;
	v10 =	vmul.f32 v10, v14  }
0x195: {  	v13 =	vld [tilespmem:s23+$0x150];
	v25 =	vmul.f32 v18, v18;
	v17 =	vmul.f32 v17, v18  }
0x196: {  	v18 =	vld [tilespmem:s23+$0x170];
	v14 =	vmul.f32 v20, v21;
	v19 =	vmul.f32 v22, v23  }
0x197: {  	v6 =	vmul.f32 v6, v7;
	v9 =	vmul.f32 v21, v21;
	v20 =	vld [tilespmem:$0x70]  }
0x198: {  	v7 =	vld [tilespmem:s23+$0x510];
	v14 =	vadd.f32 $0.0e+00, v14;
	v22 =	vmul.f32 v24, v26;
	v19 =	vadd.f32 $0.0e+00, v19  }
0x199: {  	v21 =	vmul.f32 v23, v23;
	v23 =	vld [tilespmem:$0x90];
	v59 =	vmul.f32 v26, v26  }
0x19a: {  	v15 =	vmul.f32 v15, v13;
	v14 =	vadd.f32 v17, v14;
	v17 =	vadd.f32 v22, v19;
	v19 =	vld [tilespmem:$0xB0]  }
0x19b: {  	v9 =	vadd.f32 v25, v9;
	v13 =	vmul.f32 v13, v13;
	v21 =	vadd.f32 v59, v21;
	v22 =	vld [tilespmem:s23+$0x530]  }
0x19c: {  	v6 =	vadd.f32 v6, v14;
	v14 =	vadd.f32 v15, v17;
	v15 =	vmul.f32 v20, v18;
	v17 =	vld [tilespmem:$0xD0]  }
0x19d: {  	v5 =	vadd.f32 v5, v9;
	v9 =	vadd.f32 v13, v21;
	v13 =	vmul.f32 v18, v18;
	v18 =	vld [tilespmem:s23+$0x550]  }
0x19e: {  	v6 =	vadd.f32 v16, v6;
	v16 =	vld [tilespmem:$0xF0];
	v14 =	vadd.f32 v15, v14;
	v15 =	vmul.f32 v23, v7  }
0x19f: {  	v4 =	vadd.f32 v4, v5;
	v5 =	vadd.f32 v13, v9;
	v9 =	vld [tilespmem:s23+$0x570];
	v7 =	vmul.f32 v7, v7  }
0x1a0: {  	v6 =	vadd.f32 v10, v6;
	v13 =	vmul.f32 v19, v22;
	v10 =	vadd.f32 v15, v14  }
0x1a1: {  	v3 =	vadd.f32 v3, v4;
	v4 =	vadd.f32 v7, v5;
	v5 =	vmul.f32 v22, v22  }
0x1a2: {  	v6 =	vadd.f32 v11, v6;
	v7 =	vadd.f32 v13, v10;
	v10 =	vmul.f32 v17, v18  }
0x1a3: {  	v2 =	vadd.f32 v2, v3;
	v3 =	vadd.f32 v5, v4;
	v4 =	vmul.f32 v18, v18  }
0x1a4: {  	v5 =	vadd.f32 v12, v6;
	v6 =	vadd.f32 v10, v7;
	v7 =	vmul.f32 v16, v9  }
0x1a5: {  	v1 =	vadd.f32 v1, v2;
	v2 =	vadd.f32 v4, v3;
	v3 =	vmul.f32 v9, v9  }
0x1a6: {  	v4 =	vadd.f32 v8, v5;
	v5 =	vadd.f32 v7, v6  }
0x1a7: {  	v0 =	vadd.f32 v0, v1;
	v1 =	vadd.f32 v3, v2  }
0x1a8: {  	v2 =	vadd.f32 v5, v4  }
0x1a9: {  	s21 =	sadd.s32 $0x10, s21;
	v0 =	vadd.f32 v1, v0  }
0x1aa: {  	s28 =	sadd.s32 $0x10, s22;
	[tilespmem:s21+$0x0] =	vst v2  }
0x1ab: {  	[tilespmem:s28+$0x0] =	vst v0  }
0x1ac: {  	_ =	swait.ge [sflag:s17], $0x4000  }
0x1ad: {  	s29 =	simm.s32 $0x0;
	[sflag:s17] =	ssyncset.done $0x0  }
0x1ae: {  	s30 =	sand.u32 $0x3800, s29;
	s21 =	sand.u32 $0x380, s29;
	[sflag:s17] =	ssyncadd.s32 $0xFFFFC000  }
0x1af: {  	s21 =	sor.u32 s21, s30;
	v0 =	vld [tilespmem:$0xE0]  }
0x1b0: {  	v1 =	vld [tilespmem:s21+$0x4560]  }
0x1b1: {  	v2 =	vld [tilespmem:$0xC0]  }
0x1b2: {  	v3 =	vld [tilespmem:s21+$0x4540]  }
0x1b3: {  	v4 =	vld [tilespmem:$0xA0]  }
0x1b4: {  	v5 =	vld [tilespmem:s21+$0x4520]  }
0x1b5: {  	v6 =	vld [tilespmem:$0x80]  }
0x1b6: {  	v7 =	vld [tilespmem:s21+$0x4500]  }
0x1b7: {  	v8 =	vld [tilespmem:$0x60]  }
0x1b8: {  	v9 =	vld [tilespmem:s21+$0x4160]  }
0x1b9: {  	v10 =	vld [tilespmem:$0x40]  }
0x1ba: {  	v11 =	vld [tilespmem:s21+$0x4140]  }
0x1bb: {  	v12 =	vld [tilespmem:$0x20]  }
0x1bc: {  	v13 =	vld [tilespmem:s21+$0x4120]  }
0x1bd: {  	v14 =	vld [tilespmem:$0x0]  }
0x1be: {  	v16 =	vld [tilespmem:s21+$0x4100];
	v15 =	vmul.f32 v1, v1  }
0x1bf: {  	v19 =	vld [tilespmem:$0x10];
	v17 =	vmul.f32 v3, v3;
	v18 =	vmul.f32 v5, v5  }
0x1c0: {  	v22 =	vld [tilespmem:s21+$0x4110];
	v20 =	vmul.f32 v7, v7;
	v21 =	vmul.f32 v9, v9  }
0x1c1: {  	v60 =	vld [tilespmem:$0x30];
	v23 =	vmul.f32 v11, v11;
	v61 =	vmul.f32 v13, v13  }
0x1c2: {  	v62 =	vld [tilespmem:s21+$0x4130];
	v2 =	vmul.f32 v2, v3;
	v0 =	vmul.f32 v0, v1  }
0x1c3: {  	v1 =	vmul.f32 v16, v16;
	v3 =	vld [tilespmem:$0x50];
	v4 =	vmul.f32 v4, v5  }
0x1c4: {  	v5 =	vld [tilespmem:s21+$0x4150];
	v8 =	vmul.f32 v8, v9;
	v6 =	vmul.f32 v6, v7  }
0x1c5: {  	v7 =	vmul.f32 v14, v16;
	v9 =	vmul.f32 v19, v22;
	v14 =	vld [tilespmem:$0x70]  }
0x1c6: {  	v16 =	vmul.f32 v22, v22;
	v12 =	vmul.f32 v12, v13;
	v13 =	vld [tilespmem:s21+$0x4170]  }
0x1c7: {  	v19 =	vmul.f32 v60, v62;
	v22 =	vld [tilespmem:$0x90];
	v7 =	vadd.f32 $0.0e+00, v7;
	v9 =	vadd.f32 $0.0e+00, v9  }
0x1c8: {  	v63 =	vmul.f32 v62, v62;
	v10 =	vmul.f32 v10, v11;
	v11 =	vld [tilespmem:s21+$0x4510]  }
0x1c9: {  	v7 =	vadd.f32 v12, v7;
	v9 =	vadd.f32 v19, v9;
	v12 =	vld [tilespmem:$0xB0];
	v3 =	vmul.f32 v3, v5  }
0x1ca: {  	v1 =	vadd.f32 v61, v1;
	v16 =	vadd.f32 v63, v16;
	v19 =	vld [tilespmem:s21+$0x4530];
	v5 =	vmul.f32 v5, v5  }
0x1cb: {  	v7 =	vadd.f32 v10, v7;
	v10 =	vld [tilespmem:$0xD0];
	v3 =	vadd.f32 v3, v9;
	v9 =	vmul.f32 v14, v13  }
0x1cc: {  	v1 =	vadd.f32 v23, v1;
	v5 =	vadd.f32 v5, v16;
	v13 =	vmul.f32 v13, v13;
	v14 =	vld [tilespmem:s21+$0x4550]  }
0x1cd: {  	v7 =	vadd.f32 v8, v7;
	v8 =	vmul.f32 v22, v11;
	v3 =	vadd.f32 v9, v3;
	v9 =	vld [tilespmem:$0xF0]  }
0x1ce: {  	v1 =	vadd.f32 v21, v1;
	v11 =	vmul.f32 v11, v11;
	v5 =	vadd.f32 v13, v5;
	v13 =	vld [tilespmem:s21+$0x4570]  }
0x1cf: {  	v6 =	vadd.f32 v6, v7;
	v7 =	vmul.f32 v12, v19;
	v3 =	vadd.f32 v8, v3  }
0x1d0: {  	v1 =	vadd.f32 v20, v1;
	v5 =	vadd.f32 v11, v5;
	v8 =	vmul.f32 v19, v19  }
0x1d1: {  	v4 =	vadd.f32 v4, v6;
	v6 =	vmul.f32 v10, v14;
	v3 =	vadd.f32 v7, v3  }
0x1d2: {  	v1 =	vadd.f32 v18, v1;
	v5 =	vadd.f32 v8, v5;
	v7 =	vmul.f32 v14, v14  }
0x1d3: {  	v2 =	vadd.f32 v2, v4;
	v4 =	vmul.f32 v9, v13;
	v3 =	vadd.f32 v6, v3  }
0x1d4: {  	v1 =	vadd.f32 v17, v1;
	v5 =	vadd.f32 v7, v5;
	v6 =	vmul.f32 v13, v13  }
0x1d5: {  	v0 =	vadd.f32 v0, v2;
	v2 =	vadd.f32 v4, v3  }
0x1d6: {  	v1 =	vadd.f32 v15, v1;
	v3 =	vadd.f32 v6, v5  }
0x1d7: {  	v0 =	vadd.f32 v2, v0  }
0x1d8: {  	s21 =	simm.s32 $0x8D00;
	v1 =	vadd.f32 v3, v1  }
0x1d9: {  	s22 =	simm.s32 $0x9D00;
	s31 =	simm.s32 $0x100;
	s24 =	simm.s32 $0x80;
	[tilespmem:s21+$0x0] =	vst v0  }
0x1da: {  	s25 =	sand.u32 $0x380, s24;
	s23 =	sand.u32 $0x3800, s31;
	[tilespmem:s22+$0x0] =	vst v1  }
0x1db: {  	s23 =	sor.u32 s25, s23;
	v8 =	vld [tilespmem:$0xE0]  }
0x1dc: {  	v9 =	vld [tilespmem:s23+$0x4560]  }
0x1dd: {  	v12 =	vld [tilespmem:$0xC0]  }
0x1de: {  	v15 =	vld [tilespmem:s23+$0x4540]  }
0x1df: {  	v11 =	vld [tilespmem:$0xA0]  }
0x1e0: {  	v13 =	vld [tilespmem:s23+$0x4520]  }
0x1e1: {  	v10 =	vld [tilespmem:$0x80]  }
0x1e2: {  	v14 =	vld [tilespmem:s23+$0x4500]  }
0x1e3: {  	v16 =	vld [tilespmem:$0x60]  }
0x1e4: {  	v19 =	vld [tilespmem:s23+$0x4160]  }
0x1e5: {  	v6 =	vld [tilespmem:$0x40]  }
0x1e6: {  	v7 =	vld [tilespmem:s23+$0x4140]  }
0x1e7: {  	v17 =	vld [tilespmem:$0x20]  }
0x1e8: {  	v18 =	vld [tilespmem:s23+$0x4120]  }
0x1e9: {  	v20 =	vld [tilespmem:$0x0];
	v0 =	vmul.f32 v9, v9;
	v1 =	vmul.f32 v15, v15  }
0x1ea: {  	v21 =	vld [tilespmem:s23+$0x4100];
	v2 =	vmul.f32 v13, v13;
	v3 =	vmul.f32 v14, v14  }
0x1eb: {  	s25 =	simm.s32 $0x200;
	v22 =	vld [tilespmem:$0x10];
	v4 =	vmul.f32 v19, v19;
	v5 =	vmul.f32 v7, v7  }
.LBB2_8:
0x1ec: {  	p0 =	sne.s32 s25, $0x3F00;
	v23 =	vld [tilespmem:s23+$0x4110]  }
0x1ed: {  	v24 =	vld [tilespmem:$0x30];
	v25 =	vmul.f32 v18, v18  }
0x1ee: {  	v12 =	vmul.f32 v12, v15;
	v8 =	vmul.f32 v8, v9;
	v26 =	vld [tilespmem:s23+$0x4130]  }
0x1ef: {  	v11 =	vmul.f32 v11, v13;
	v9 =	vmul.f32 v21, v21;
	v15 =	vld [tilespmem:$0x50]  }
0x1f0: {  	v16 =	vmul.f32 v16, v19;
	v10 =	vmul.f32 v10, v14;
	v13 =	vld [tilespmem:s23+$0x4150]  }
0x1f1: {  	v14 =	vmul.f32 v20, v21;
	v19 =	vmul.f32 v22, v23;
	v20 =	vld [tilespmem:$0x70]  }
0x1f2: {  	v17 =	vmul.f32 v17, v18;
	v21 =	vmul.f32 v23, v23;
	v18 =	vld [tilespmem:s23+$0x4170]  }
0x1f3: {  	v14 =	vadd.f32 $0.0e+00, v14;
	v19 =	vadd.f32 $0.0e+00, v19;
	v22 =	vmul.f32 v24, v26;
	v23 =	vld [tilespmem:$0x90]  }
0x1f4: {  	v6 =	vmul.f32 v6, v7;
	v24 =	vmul.f32 v26, v26;
	v7 =	vld [tilespmem:s23+$0x4510]  }
0x1f5: {  	v14 =	vadd.f32 v17, v14;
	v17 =	vadd.f32 v22, v19;
	v15 =	vmul.f32 v15, v13;
	v19 =	vld [tilespmem:$0xB0]  }
0x1f6: {  	v9 =	vadd.f32 v25, v9;
	v21 =	vadd.f32 v24, v21;
	v13 =	vmul.f32 v13, v13;
	v22 =	vld [tilespmem:s23+$0x4530]  }
0x1f7: {  	v6 =	vadd.f32 v6, v14;
	v14 =	vadd.f32 v15, v17;
	v15 =	vmul.f32 v20, v18;
	v17 =	vld [tilespmem:$0xD0]  }
0x1f8: {  	v5 =	vadd.f32 v5, v9;
	v9 =	vadd.f32 v13, v21;
	v13 =	vmul.f32 v18, v18;
	v18 =	vld [tilespmem:s23+$0x4550]  }
0x1f9: {  	v6 =	vadd.f32 v16, v6;
	v14 =	vadd.f32 v15, v14;
	v15 =	vmul.f32 v23, v7;
	v16 =	vld [tilespmem:$0xF0]  }
0x1fa: {  	v4 =	vadd.f32 v4, v5;
	v5 =	vadd.f32 v13, v9;
	v7 =	vmul.f32 v7, v7;
	v9 =	vld [tilespmem:s23+$0x4570]  }
0x1fb: {  	v6 =	vadd.f32 v10, v6;
	v10 =	vadd.f32 v15, v14;
	v13 =	vmul.f32 v19, v22  }
0x1fc: {  	v3 =	vadd.f32 v3, v4;
	v4 =	vadd.f32 v7, v5;
	v5 =	vmul.f32 v22, v22  }
0x1fd: {  	v6 =	vadd.f32 v11, v6;
	v7 =	vadd.f32 v13, v10;
	v10 =	vmul.f32 v17, v18  }
0x1fe: {  	v2 =	vadd.f32 v2, v3;
	v3 =	vadd.f32 v5, v4;
	v4 =	vmul.f32 v18, v18  }
0x1ff: {  	v5 =	vadd.f32 v12, v6;
	v6 =	vadd.f32 v10, v7;
	v7 =	vmul.f32 v16, v9  }
0x200: {  	v1 =	vadd.f32 v1, v2;
	v2 =	vadd.f32 v4, v3;
	v3 =	vmul.f32 v9, v9  }
0x201: {  	v4 =	vadd.f32 v8, v5;
	v5 =	vadd.f32 v7, v6  }
0x202: {  	v0 =	vadd.f32 v0, v1;
	v1 =	vadd.f32 v3, v2  }
0x203: {  	v2 =	vadd.f32 v5, v4  }
0x204: {  	s21 =	sadd.s32 $0x10, s21;
	v0 =	vadd.f32 v1, v0  }
0x205: {  	s24 =	sadd.s32 $0x80, s24;
	s22 =	sadd.s32 $0x10, s22;
	[tilespmem:s21+$0x0] =	vst v2  }
0x206: {  	s26 =	sand.u32 $0x380, s24;
	s23 =	sand.u32 $0x3800, s25;
	[tilespmem:s22+$0x0] =	vst v0  }
0x207: {  	s23 =	sor.u32 s26, s23;
	v8 =	vld [tilespmem:$0xE0]  }
0x208: {  	v9 =	vld [tilespmem:s23+$0x4560]  }
0x209: {  	v12 =	vld [tilespmem:$0xC0]  }
0x20a: {  	v15 =	vld [tilespmem:s23+$0x4540]  }
0x20b: {  	v11 =	vld [tilespmem:$0xA0]  }
0x20c: {  	v13 =	vld [tilespmem:s23+$0x4520]  }
0x20d: {  	v10 =	vld [tilespmem:$0x80];
	v0 =	vmul.f32 v9, v9  }
0x20e: {  	v14 =	vld [tilespmem:s23+$0x4500]  }
0x20f: {  	v16 =	vld [tilespmem:$0x60];
	v1 =	vmul.f32 v15, v15  }
0x210: {  	v19 =	vld [tilespmem:s23+$0x4160]  }
0x211: {  	v6 =	vld [tilespmem:$0x40];
	v2 =	vmul.f32 v13, v13  }
0x212: {  	v7 =	vld [tilespmem:s23+$0x4140]  }
.Ltmp3:
0x213: {  	v17 =	vld [tilespmem:$0x20];
	v3 =	vmul.f32 v14, v14;
	(pc) =	sbr.rel @p0 .LBB2_8-.Ltmp3, $4  }
0x214: {  	v18 =	vld [tilespmem:s23+$0x4120]  }
0x215: {  	v20 =	vld [tilespmem:$0x0];
	v4 =	vmul.f32 v19, v19  }
0x216: {  	v21 =	vld [tilespmem:s23+$0x4100]  }
0x217: {  	s25 =	sadd.s32 $0x100, s25;
	v22 =	vld [tilespmem:$0x10];
	v5 =	vmul.f32 v7, v7  }
0x218: {  	v23 =	vld [tilespmem:s23+$0x4110]  }
0x219: {  	v24 =	vld [tilespmem:$0x30];
	v12 =	vmul.f32 v12, v15  }
0x21a: {  	v26 =	vld [tilespmem:s23+$0x4130];
	v8 =	vmul.f32 v8, v9;
	v11 =	vmul.f32 v11, v13  }
0x21b: {  	v59 =	vld [tilespmem:$0x50];
	v16 =	vmul.f32 v16, v19;
	v10 =	vmul.f32 v10, v14  }
0x21c: {  	v60 =	vld [tilespmem:s23+$0x4150];
	v6 =	vmul.f32 v6, v7;
	v25 =	vmul.f32 v18, v18  }
0x21d: {  	v63 =	vld [tilespmem:$0x70];
	v61 =	vmul.f32 v20, v21;
	v62 =	vmul.f32 v22, v23  }
0x21e: {  	v29 =	vld [tilespmem:s23+$0x4170];
	v17 =	vmul.f32 v17, v18;
	v58 =	vmul.f32 v21, v21  }
0x21f: {  	v31 =	vld [tilespmem:$0x90];
	v14 =	vadd.f32 $0.0e+00, v61;
	v30 =	vmul.f32 v24, v26;
	v19 =	vadd.f32 $0.0e+00, v62  }
0x220: {  	v33 =	vld [tilespmem:s23+$0x4510];
	v28 =	vmul.f32 v23, v23;
	v32 =	vmul.f32 v26, v26  }
0x221: {  	v35 =	vld [tilespmem:$0xB0];
	v15 =	vmul.f32 v59, v60;
	v14 =	vadd.f32 v17, v14;
	v34 =	vadd.f32 v30, v19  }
0x222: {  	v36 =	vld [tilespmem:s23+$0x4530];
	v9 =	vadd.f32 v25, v58;
	v13 =	vmul.f32 v60, v60;
	v21 =	vadd.f32 v32, v28  }
0x223: {  	v39 =	vld [tilespmem:$0xD0];
	v38 =	vmul.f32 v63, v29;
	v6 =	vadd.f32 v6, v14;
	v37 =	vadd.f32 v15, v34  }
0x224: {  	v42 =	vld [tilespmem:s23+$0x4550];
	v41 =	vmul.f32 v29, v29;
	v5 =	vadd.f32 v5, v9;
	v40 =	vadd.f32 v13, v21  }
0x225: {  	v44 =	vld [tilespmem:$0xF0];
	v43 =	vmul.f32 v31, v33;
	v6 =	vadd.f32 v16, v6;
	v14 =	vadd.f32 v38, v37  }
0x226: {  	v46 =	vld [tilespmem:s23+$0x4570];
	v7 =	vmul.f32 v33, v33;
	v4 =	vadd.f32 v4, v5;
	v45 =	vadd.f32 v41, v40  }
0x227: {  	v48 =	vmul.f32 v35, v36;
	v6 =	vadd.f32 v10, v6;
	v47 =	vadd.f32 v43, v14  }
0x228: {  	v50 =	vmul.f32 v36, v36;
	v3 =	vadd.f32 v3, v4;
	v49 =	vadd.f32 v7, v45  }
0x229: {  	v52 =	vmul.f32 v39, v42;
	v6 =	vadd.f32 v11, v6;
	v51 =	vadd.f32 v48, v47  }
0x22a: {  	v54 =	vmul.f32 v42, v42;
	v2 =	vadd.f32 v2, v3;
	v53 =	vadd.f32 v50, v49  }
0x22b: {  	v57 =	vmul.f32 v44, v46;
	v55 =	vadd.f32 v12, v6;
	v56 =	vadd.f32 v52, v51  }
0x22c: {  	v59 =	vmul.f32 v46, v46;
	v1 =	vadd.f32 v1, v2;
	v58 =	vadd.f32 v54, v53  }
0x22d: {  	v60 =	vadd.f32 v8, v55;
	v61 =	vadd.f32 v57, v56  }
0x22e: {  	v0 =	vadd.f32 v0, v1;
	v62 =	vadd.f32 v59, v58  }
0x22f: {  	v63 =	vadd.f32 v61, v60  }
0x230: {  	s21 =	sadd.s32 $0x10, s21;
	v0 =	vadd.f32 v62, v0  }
0x231: {  	s31 =	sadd.s32 $0x10, s22;
	[tilespmem:s21+$0x0] =	vst v63  }
0x232: {  	[tilespmem:s31+$0x0] =	vst v0  }
0x233: {  	[hbm4b:s8+s3] =	stream.linear.scatter [tilespmem:s18], [sflag:$0x3], $0x1000, $0x38;
	[tilespmem:$0xA100] =	vst v63  }
0x234: {  	s20 =	sadd.s32 $0x1, s20;
	_ =	swait.ge [sflag:s13], $0x1000  }
0x235: {  	p0 =	sne.s32 s20, s10;
	[sflag:s13] =	ssyncset.done $0x0  }
.Ltmp4:
0x236: {  	[sflag:s13] =	ssyncadd.s32 $0xFFFFF000;
	(pc) =	sbr.rel @p0 .LBB2_1-.Ltmp4, $4  }
0x237: {  	[hbm4b:s9+s3] =	stream.linear.scatter [tilespmem:s19], [sflag:$0x3], $0x1000, $0x38;
	[tilespmem:$0xA100] =	vst v63  }
0x238: {  	_ =	swait.ge [sflag:s13], $0x1000  }
0x239: {  	[sflag:s13] =	ssyncset.done $0x0  }
0x23a: {  	[sflag:s13] =	ssyncadd.s32 $0xFFFFF000  }
0x23b: {  	_ =	sfence.sel $0x180000  }
0x23c: {  	[bflag:$0x0] =	sbarrier.arrive $0xFFFF  }
0x23d: {  	p0 =	sne.s32 s1, $0x0;
	_ =	strace $0x90000047  }
0x23e: {  	s0 =	sadd.s32 @!p0 $0x100000, s0;
	[bflag:$0x2] =	sbarrier.arrive $0xFFFF  }
0x23f: {  	[sflag:s0] =	ssyncadd.tile.s32 @!p0 $0x1;
	_ =	shalt  }
.Lfunc_end2:
_tile_overlayer_lowered:
.L_overlay_start_2:
0x240: {  	(tag) =	ssettag $0x2  }
0x241: {  	s0 =	rddreg [dreg:$0x0];
	s2 =	stileid.u32  }
0x242: {  	s1 =	rddreg [dreg:$0x1];
	p0 =	sne.s32 s2, $0x0  }
0x243: {  	s3 =	rddreg [dreg:$0x2];
	[bflag:$0x3] =	sbarrier.arrive $0xFFFF;
	s2 =	simm.s32 @!p0 $0x1C03  }
0x244: {  	[timem:s3], [sflag:s2] =	dma.local @!p0 [hbm:s0], s1  }
0x245: {  	s0 =	simm.s32 @!p0 $0x3  }
0x246: {  	_ =	swait.ge @!p0 [sflag:s0], s1  }
0x247: {  	s1 =	ssub.s32 @!p0 $0x0, s1;
	[sflag:s0] =	ssyncset.done @!p0 $0x0  }
0x248: {  	[sflag:s0] =	ssyncadd.s32 @!p0 s1  }
0x249: {  	[bflag:$0x3] =	sbarrier.arrive $0xFFFF  }
0x24a: {  	_ =	shalt  }

</sc_bundles>
